<compile_context>
chip_gen: v7x
topology: tpu7x:2x2x1
jax: 0.10.2.dev20260603
libtpu: 0.0.44.dev20260713+nightly
codegen_flags: <defaults>
</compile_context>

<pallas_src>
import functools

import jax
import jax.numpy as jnp
from jax import lax
from jax.experimental import pallas as pl
from jax.experimental.pallas import tpu as pltpu
from jax.experimental.pallas import tpu_sc as plsc

N = 10000
E = 320000
D = 128
H = 4
DH = D // H
FF = 2 * D
N_PAD = 10240
DEN0 = 10000
N_ACC = 10320


NC = 2
NS = 16
NW = NC * NS
TILE_E = E // NW
EB = 80
NB = TILE_E // EB
ZCH = 80
NCH = N_ACC // ZCH


def _edge_kernel_body(q_hbm, kv_hbm, src_hbm, dst_hbm, num_hbm,
                      acc, qbuf, kvbuf, vden, sidx, didx, didx2, sem1, sem2):
  c = lax.axis_index("c")
  s = lax.axis_index("s")
  w = c * NS + s

  lanes = lax.iota(jnp.int32, 16)
  zeros16 = jnp.zeros((16,), jnp.float32)

  def zero_qbuf(r, _):
    for j in range(D // 16):
      qbuf[r, pl.ds(j * 16, 16)] = zeros16
    return 0
  lax.fori_loop(0, EB, zero_qbuf, 0)
  for k in range((NCH + NS - 1) // NS):
    ch = s + NS * k
    @pl.when(ch < NCH)
    def _():
      pltpu.sync_copy(qbuf, acc.at[pl.ds(ch * ZCH, ZCH), :])
  plsc.subcore_barrier()

  def batch_body(i, _):
    base = w * TILE_E + i * EB
    base = pl.multiple_of(base, 8)
    pltpu.sync_copy(src_hbm.at[pl.ds(base, EB)], sidx)
    pltpu.sync_copy(dst_hbm.at[pl.ds(base, EB)], didx)
    cp1 = pltpu.async_copy(q_hbm.at[didx], qbuf, sem1)
    cp2 = pltpu.async_copy(kv_hbm.at[sidx], kvbuf, sem2)
    for g in range(EB // 16):
      dv = didx[pl.ds(g * 16, 16)]
      didx2[pl.ds(g * 16, 16)] = DEN0 + lax.shift_right_logical(dv, 5)
    def zero_vden(r, _):
      for j in range(D // 16):
        vden[r, pl.ds(j * 16, 16)] = zeros16
      return 0
    lax.fori_loop(0, EB, zero_vden, 0)
    cp1.wait()
    cp2.wait()

    def group_body(g, _):
      dsts = didx[pl.ds(g * 16, 16)]
      for j in range(16):
        e = g * 16 + j
        dst = dsts[j]
        p4 = (dst & 31) * 4
        j0 = lax.shift_right_logical(p4, 4)
        qv = jnp.full((16,), p4 & 15, jnp.int32)
        dvec = zeros16
        for h in range(H):
          q0 = qbuf[e, pl.ds(h * 32, 16)]
          q1 = qbuf[e, pl.ds(h * 32 + 16, 16)]
          k0 = kvbuf[e, pl.ds(h * 32, 16)]
          k1 = kvbuf[e, pl.ds(h * 32 + 16, 16)]
          p = q0 * k0 + q1 * k1
          sh = jnp.sum(p)
          ex = jnp.exp(jnp.full((16,), sh, jnp.float32))
          v0 = kvbuf[e, pl.ds(D + h * 32, 16)]
          v1 = kvbuf[e, pl.ds(D + h * 32 + 16, 16)]
          qbuf[e, pl.ds(h * 32, 16)] = v0 * ex
          qbuf[e, pl.ds(h * 32 + 16, 16)] = v1 * ex
          dvec = jnp.where(lanes == qv + h, ex, dvec)
        vden[e, pl.ds(j0 * 16, 16)] = dvec
      return 0
    lax.fori_loop(0, EB // 16, group_body, 0)

    pltpu.sync_copy(qbuf, acc.at[didx], add=True)
    pltpu.sync_copy(vden, acc.at[didx2], add=True)
    return 0
  lax.fori_loop(0, NB, batch_body, 0)
  plsc.subcore_barrier()

  for k in range((NCH + NS - 1) // NS):
    ch = s + NS * k
    @pl.when(ch < NCH)
    def _():
      pltpu.sync_copy(acc.at[pl.ds(ch * ZCH, ZCH), :], qbuf)
      pltpu.sync_copy(qbuf, num_hbm.at[pl.ds(c * N_ACC + ch * ZCH, ZCH), :])


def _edge_attention(q, kv, src, dst):
  mesh = plsc.VectorSubcoreMesh(core_axis_name="c", subcore_axis_name="s")
  f = pl.kernel(
      _edge_kernel_body,
      out_type=jax.ShapeDtypeStruct((NC * N_ACC, D), jnp.float32),
      mesh=mesh,
      compiler_params=pltpu.CompilerParams(needs_layout_passes=False),
      scratch_types=[
          pltpu.VMEM_SHARED((N_ACC, D), jnp.float32),
          pltpu.VMEM((EB, D), jnp.float32),
          pltpu.VMEM((EB, 2 * D), jnp.float32),
          pltpu.VMEM((EB, D), jnp.float32),
          pltpu.VMEM((EB,), jnp.int32),
          pltpu.VMEM((EB,), jnp.int32),
          pltpu.VMEM((EB,), jnp.int32),
          pltpu.SemaphoreType.DMA,
          pltpu.SemaphoreType.DMA,
      ],
  )
  return f(q, kv, src, dst)



RB = 400
GRID = N // RB
RBF = 512
GRIDF = N_PAD // RBF


def _qkv_body(x_ref, w_ref, b_ref, q_ref, kv_ref):
  qkv = jnp.dot(x_ref[...], w_ref[...], preferred_element_type=jnp.float32)
  qkv = qkv + b_ref[...]
  q_ref[...] = qkv[:, :D] * (1.0 / (DH ** 0.5))
  kv_ref[...] = qkv[:, D:]


def _qkv_project(x, W_qkv, b_qkv):
  return pl.pallas_call(
      _qkv_body,
      grid=(GRID,),
      in_specs=[
          pl.BlockSpec((RB, D), lambda i: (i, 0)),
          pl.BlockSpec((D, 3 * D), lambda i: (0, 0)),
          pl.BlockSpec((1, 3 * D), lambda i: (0, 0)),
      ],
      out_specs=[
          pl.BlockSpec((RB, D), lambda i: (i, 0)),
          pl.BlockSpec((RB, 2 * D), lambda i: (i, 0)),
      ],
      out_shape=[
          jax.ShapeDtypeStruct((N, D), jnp.float32),
          jax.ShapeDtypeStruct((N, 2 * D), jnp.float32),
      ],
  )(x, W_qkv, b_qkv.reshape(1, 3 * D))


def _ln(x, g, b):
  mu = jnp.mean(x, axis=-1, keepdims=True)
  var = jnp.mean((x - mu) ** 2, axis=-1, keepdims=True)
  return (x - mu) * lax.rsqrt(var + 1e-5) * g + b


def _final_body(a0_ref, a1_ref, d0_ref, d1_ref, x_ref, wo_ref, bo_ref,
                g1_ref, b1n_ref, g2_ref, b2n_ref, w1_ref, bf1_ref, w2_ref,
                bf2_ref, o_ref):
  num = a0_ref[...].reshape(RBF, D) + a1_ref[...].reshape(RBF, D)
  den_p = d0_ref[...].reshape(RBF // 32, D) + d1_ref[...].reshape(RBF // 32, D)
  rr = lax.broadcasted_iota(jnp.int32, (RBF, RBF // 32), 0) // 32
  ra = lax.broadcasted_iota(jnp.int32, (RBF, RBF // 32), 1)
  rmat = jnp.where(rr == ra, 1.0, 0.0).astype(jnp.float32)
  den_big = jnp.dot(rmat, den_p, preferred_element_type=jnp.float32)
  idxc = ((lax.broadcasted_iota(jnp.int32, (RBF, D), 0) % 32) * 4
          + lax.broadcasted_iota(jnp.int32, (RBF, D), 1) // DH)
  den = jnp.take_along_axis(den_big, idxc, axis=1)
  att = num * jnp.where(den > 0.0, 1.0 / den, 0.0)
  x = x_ref[...]
  o = jnp.dot(att, wo_ref[...], preferred_element_type=jnp.float32) + bo_ref[...]
  x1 = _ln(x + o, g1_ref[...], b1n_ref[...])
  h1 = jnp.maximum(
      jnp.dot(x1, w1_ref[...], preferred_element_type=jnp.float32) + bf1_ref[...], 0.0)
  h2 = jnp.dot(h1, w2_ref[...], preferred_element_type=jnp.float32) + bf2_ref[...]
  o_ref[...] = _ln(x1 + h2, g2_ref[...], b2n_ref[...])


def _finalize(acc, x, W_o, b_o, ln1_g, ln1_b, ln2_g, ln2_b, W1, b1, W2, b2):
  row = lambda v, w: v.reshape(1, w)
  dr0 = DEN0 // (RBF // 32)
  return pl.pallas_call(
      _final_body,
      grid=(GRIDF,),
      in_specs=[
          pl.BlockSpec((1, RBF, D), lambda i: (0, i, 0)),
          pl.BlockSpec((1, RBF, D), lambda i: (1, i, 0)),
          pl.BlockSpec((1, RBF // 32, D), lambda i: (0, dr0 + i, 0)),
          pl.BlockSpec((1, RBF // 32, D), lambda i: (1, dr0 + i, 0)),
          pl.BlockSpec((RBF, D), lambda i: (i, 0)),
          pl.BlockSpec((D, D), lambda i: (0, 0)),
          pl.BlockSpec((1, D), lambda i: (0, 0)),
          pl.BlockSpec((1, D), lambda i: (0, 0)),
          pl.BlockSpec((1, D), lambda i: (0, 0)),
          pl.BlockSpec((1, D), lambda i: (0, 0)),
          pl.BlockSpec((1, D), lambda i: (0, 0)),
          pl.BlockSpec((D, FF), lambda i: (0, 0)),
          pl.BlockSpec((1, FF), lambda i: (0, 0)),
          pl.BlockSpec((FF, D), lambda i: (0, 0)),
          pl.BlockSpec((1, D), lambda i: (0, 0)),
      ],
      out_specs=pl.BlockSpec((RBF, D), lambda i: (i, 0)),
      out_shape=jax.ShapeDtypeStruct((N_PAD, D), jnp.float32),
  )(acc, acc, acc, acc, x, W_o, row(b_o, D), row(ln1_g, D), row(ln1_b, D),
    row(ln2_g, D), row(ln2_b, D), W1, row(b1, FF), W2, row(b2, D))


def kernel(x, edge_index, W_qkv, b_qkv, W_o, b_o, ln1_g, ln1_b, ln2_g, ln2_b,
           W1, b1, W2, b2):
  q, kv = _qkv_project(x, W_qkv, b_qkv)
  acc = _edge_attention(q, kv, edge_index[0], edge_index[1])
  acc = acc.reshape(NC, N_ACC, D)
  x_pad = jnp.pad(x, ((0, N_PAD - N), (0, 0)))
  y = _finalize(acc, x_pad, W_o, b_o, ln1_g, ln1_b, ln2_g, ln2_b,
                W1, b1, W2, b2)
  return y[:N]

# --- scband reference (transcript-rebuilt; emitter-appended) ---
"""Pipeline reference for scband-sparse-transformer-layer-721554505789 (READ-ONLY COPY).

The authoritative reference and input builder live on the scoring server;
editing this copy changes nothing except your own understanding.
"""

import jax, jax.numpy as jnp
import numpy as np

N = 10000
E = 320000
D = 128
H = 4
DH = D // H
FF = D * 2


def setup_inputs(seed: int = 0) -> dict:
    key = jax.random.key(seed)
    ks = jax.random.split(key, 16)
    s = 0.05
    return {
        "x": jax.random.normal(ks[0], (N, D), dtype=jnp.float32),
        "edge_index": jax.random.randint(ks[1], (2, E), 0, N, dtype=jnp.int32),
        "W_qkv": jax.random.normal(ks[2], (D, 3 * D), dtype=jnp.float32) * s,
        "b_qkv": jnp.zeros((3 * D,), dtype=jnp.float32),
        "W_o": jax.random.normal(ks[3], (D, D), dtype=jnp.float32) * s,
        "b_o": jnp.zeros((D,), dtype=jnp.float32),
        "ln1_g": jnp.ones((D,), dtype=jnp.float32),
        "ln1_b": jnp.zeros((D,), dtype=jnp.float32),
        "ln2_g": jnp.ones((D,), dtype=jnp.float32),
        "ln2_b": jnp.zeros((D,), dtype=jnp.float32),
        "W1": jax.random.normal(ks[4], (D, FF), dtype=jnp.float32) * s,
        "b1": jnp.zeros((FF,), dtype=jnp.float32),
        "W2": jax.random.normal(ks[5], (FF, D), dtype=jnp.float32) * s,
        "b2": jnp.zeros((D,), dtype=jnp.float32),
    }


def _layer_norm(x, g, b, eps=1e-5):
    mu = jnp.mean(x, axis=-1, keepdims=True)
    var = jnp.mean((x - mu) ** 2, axis=-1, keepdims=True)
    return (x - mu) / jnp.sqrt(var + eps) * g + b


def _sparse_attn(x, edge_index, W_qkv, b_qkv, W_o, b_o):
    n = x.shape[0]
    qkv = x @ W_qkv + b_qkv  # fused QKV projection
    q, k, v = jnp.split(qkv, 3, axis=-1)
    q = q.reshape(n, H, DH)
    k = k.reshape(n, H, DH)
    v = v.reshape(n, H, DH)
    src = edge_index[0]
    dst = edge_index[1]
    # per-edge attention logits: q[dst] . k[src] per head
    scores = jnp.sum(q[dst] * k[src], axis=-1) / jnp.sqrt(jnp.float32(DH))  # [E, H]
    # segment softmax over incoming edges of each dst node
    m = jax.ops.segment_max(scores, dst, num_segments=n)  # [N, H]
    ex = jnp.exp(scores - m[dst])
    den = jax.ops.segment_sum(ex, dst, num_segments=n)  # [N, H]
    alpha = ex / den[dst]  # [E, H]
    out = jax.ops.segment_sum(alpha[:, :, None] * v[src], dst, num_segments=n)  # [N, H, DH]
    out = out.reshape(n, D) @ W_o + b_o
    return out


def reference(x, edge_index, W_qkv, b_qkv, W_o, b_o, ln1_g, ln1_b, ln2_g, ln2_b, W1, b1, W2, b2):
    a = _sparse_attn(x, edge_index, W_qkv, b_qkv, W_o, b_o)
    x = _layer_norm(x + a, ln1_g, ln1_b)
    h = jnp.maximum(x @ W1 + b1, 0.0) @ W2 + b2
    x = _layer_norm(x + h, ln2_g, ln2_b)
    return x

if __name__ == "__main__":
    import jax
    _d = setup_inputs()
    print(jax.jit(kernel)(*tuple(_d.values())))

</pallas_src>

<mosaic_0001>
#map = affine_map<(d0, d1) -> (0, 0)>
#map1 = affine_map<(d0, d1) -> (0)>
module attributes {stable_mosaic.version = 14 : i64} {
  func.func @_edge_kernel_body(%arg0: i32, %arg1: i32, %arg2: memref<10000x128xf32, #tpu.memory_space<hbm>>, %arg3: memref<10000x256xf32, #tpu.memory_space<hbm>>, %arg4: memref<320000xi32, #tpu.memory_space<hbm>>, %arg5: memref<320000xi32, #tpu.memory_space<hbm>>, %arg6: memref<20640x128xf32, #tpu.memory_space<hbm>>, %arg7: memref<10320x128xf32, #tpu.memory_space<vmem_shared>>, %arg8: memref<80x128xf32, #tpu.memory_space<vmem>>, %arg9: memref<80x256xf32, #tpu.memory_space<vmem>>, %arg10: memref<80x128xf32, #tpu.memory_space<vmem>>, %arg11: memref<80xi32, #tpu.memory_space<vmem>>, %arg12: memref<80xi32, #tpu.memory_space<vmem>>, %arg13: memref<80xi32, #tpu.memory_space<vmem>>, %arg14: memref<!tpu.dma_semaphore, #tpu.memory_space<semaphore_mem>>, %arg15: memref<!tpu.dma_semaphore, #tpu.memory_space<semaphore_mem>>) attributes {dimension_semantics = [#tpu.dimension_semantics<core_parallel>, #tpu.dimension_semantics<subcore_parallel>], iteration_bounds = array<i64: 2, 16>, scalar_prefetch = 0 : i64, scratch_operands = 9 : i64, tpu.core_type = #tpu.core_type<sc_vector_subcore>, window_params = [{transform_indices = #map}, {transform_indices = #map}, {transform_indices = #map1}, {transform_indices = #map1}, {transform_indices = #map}]} {
    %mul3A = arith.constant 16 : i32
    %mul3A_0 = arith.muli %arg0, %mul3A : i32
    %add3A = arith.addi %mul3A_0, %arg1 : i32
    %iota3A = tpu.iota {dimensions = array<i32: 0>} : vector<16xi32>
    %broadcast_in_dim3A = arith.constant 0.000000e+00 : f32
    %broadcast_in_dim3A_1 = vector.broadcast %broadcast_in_dim3A : f32 to vector<16xf32>
    %scan3A = arith.constant 0 : i32
    %scan3A_2 = arith.constant 0 : i32
    %scan3A_3 = arith.constant 80 : i32
    %scan3A_4 = arith.addi %scan3A_2, %scan3A_3 : i32
    %scan3A_5 = arith.constant 1 : i32
    %scan3A_6 = scf.for %scan3A_139 = %scan3A_2 to %scan3A_4 step %scan3A_5 iter_args(%scan3A_140 = %scan3A) -> (i32)  : i32 {
      %swap3A = arith.index_cast %scan3A_139 : i32 to index
      %swap3A_141 = arith.constant 0 : index
      %swap3A_142 = tpu.vector_load %arg8[%swap3A, %swap3A_141] {strides = array<i32>} : memref<80x128xf32, #tpu.memory_space<vmem>>, vector<16xf32>,
      tpu.vector_store %arg8[%swap3A, %swap3A_141], %broadcast_in_dim3A_1 {strides = array<i32>} : memref<80x128xf32, #tpu.memory_space<vmem>>, vector<16xf32>,
      %swap3A_143 = arith.index_cast %scan3A_139 : i32 to index
      %swap3A_144 = arith.constant 16 : index
      %swap3A_145 = tpu.vector_load %arg8[%swap3A_143, %swap3A_144] {strides = array<i32>} : memref<80x128xf32, #tpu.memory_space<vmem>>, vector<16xf32>,
      tpu.vector_store %arg8[%swap3A_143, %swap3A_144], %broadcast_in_dim3A_1 {strides = array<i32>} : memref<80x128xf32, #tpu.memory_space<vmem>>, vector<16xf32>,
      %swap3A_146 = arith.index_cast %scan3A_139 : i32 to index
      %swap3A_147 = arith.constant 32 : index
      %swap3A_148 = tpu.vector_load %arg8[%swap3A_146, %swap3A_147] {strides = array<i32>} : memref<80x128xf32, #tpu.memory_space<vmem>>, vector<16xf32>,
      tpu.vector_store %arg8[%swap3A_146, %swap3A_147], %broadcast_in_dim3A_1 {strides = array<i32>} : memref<80x128xf32, #tpu.memory_space<vmem>>, vector<16xf32>,
      %swap3A_149 = arith.index_cast %scan3A_139 : i32 to index
      %swap3A_150 = arith.constant 48 : index
      %swap3A_151 = tpu.vector_load %arg8[%swap3A_149, %swap3A_150] {strides = array<i32>} : memref<80x128xf32, #tpu.memory_space<vmem>>, vector<16xf32>,
      tpu.vector_store %arg8[%swap3A_149, %swap3A_150], %broadcast_in_dim3A_1 {strides = array<i32>} : memref<80x128xf32, #tpu.memory_space<vmem>>, vector<16xf32>,
      %swap3A_152 = arith.index_cast %scan3A_139 : i32 to index
      %swap3A_153 = arith.constant 64 : index
      %swap3A_154 = tpu.vector_load %arg8[%swap3A_152, %swap3A_153] {strides = array<i32>} : memref<80x128xf32, #tpu.memory_space<vmem>>, vector<16xf32>,
      tpu.vector_store %arg8[%swap3A_152, %swap3A_153], %broadcast_in_dim3A_1 {strides = array<i32>} : memref<80x128xf32, #tpu.memory_space<vmem>>, vector<16xf32>,
      %swap3A_155 = arith.index_cast %scan3A_139 : i32 to index
      %swap3A_156 = arith.constant 80 : index
      %swap3A_157 = tpu.vector_load %arg8[%swap3A_155, %swap3A_156] {strides = array<i32>} : memref<80x128xf32, #tpu.memory_space<vmem>>, vector<16xf32>,
      tpu.vector_store %arg8[%swap3A_155, %swap3A_156], %broadcast_in_dim3A_1 {strides = array<i32>} : memref<80x128xf32, #tpu.memory_space<vmem>>, vector<16xf32>,
      %swap3A_158 = arith.index_cast %scan3A_139 : i32 to index
      %swap3A_159 = arith.constant 96 : index
      %swap3A_160 = tpu.vector_load %arg8[%swap3A_158, %swap3A_159] {strides = array<i32>} : memref<80x128xf32, #tpu.memory_space<vmem>>, vector<16xf32>,
      tpu.vector_store %arg8[%swap3A_158, %swap3A_159], %broadcast_in_dim3A_1 {strides = array<i32>} : memref<80x128xf32, #tpu.memory_space<vmem>>, vector<16xf32>,
      %swap3A_161 = arith.index_cast %scan3A_139 : i32 to index
      %swap3A_162 = arith.constant 112 : index
      %swap3A_163 = tpu.vector_load %arg8[%swap3A_161, %swap3A_162] {strides = array<i32>} : memref<80x128xf32, #tpu.memory_space<vmem>>, vector<16xf32>,
      tpu.vector_store %arg8[%swap3A_161, %swap3A_162], %broadcast_in_dim3A_1 {strides = array<i32>} : memref<80x128xf32, #tpu.memory_space<vmem>>, vector<16xf32>,
      %scan3A_164 = arith.constant 0 : i32
      scf.yield %scan3A_164 : i32
    }
    %scan3A_7 = arith.constant 80 : i32
    %add3A_8 = arith.constant 0 : i32
    %add3A_9 = arith.addi %arg1, %add3A_8 : i32
    %lt3A = arith.constant 129 : i32
    %lt3A_10 = arith.cmpi slt, %add3A_9, %lt3A : i32
    %convert_element_type3A = arith.extui %lt3A_10 : i1 to i32
    %cond3A = arith.constant 0 : i32
    %cond3A_11 = arith.cmpi ne, %convert_element_type3A, %cond3A : i32
    scf.if %cond3A_11 {
      %mul3A_139 = arith.constant 80 : i32
      %mul3A_140 = arith.muli %add3A_9, %mul3A_139 : i32
      "tpu.region"() ({
        %run_scoped3A = tpu.sem_alloc : memref<!tpu.dma_semaphore, #tpu.memory_space<semaphore_mem>>
        %dma_start3A = arith.constant 0 : i32
        %dma_start3A_141 = tpu.memref_slice %arg7[%mul3A_140, %dma_start3A] : memref<10320x128xf32, #tpu.memory_space<vmem_shared>> -> memref<80x128xf32, #tpu.memory_space<vmem_shared>>
        %dma_start3A_142 = arith.constant 0 : i32
        %dma_start3A_143 = tpu.memref_slice %arg7[%mul3A_140, %dma_start3A_142] : memref<10320x128xf32, #tpu.memory_space<vmem_shared>> -> memref<80x128xf32, #tpu.memory_space<vmem_shared>>
        tpu.enqueue_dma source(%arg8 : memref<80x128xf32, #tpu.memory_space<vmem>>) target(%dma_start3A_143 : memref<80x128xf32, #tpu.memory_space<vmem_shared>>) target_semaphore(%run_scoped3A : memref<!tpu.dma_semaphore, #tpu.memory_space<semaphore_mem>>)
        %dma_wait3A = arith.constant 0 : i32
        %dma_wait3A_144 = tpu.memref_slice %arg7[%mul3A_140, %dma_wait3A] : memref<10320x128xf32, #tpu.memory_space<vmem_shared>> -> memref<80x128xf32, #tpu.memory_space<vmem_shared>>
        %dma_wait3A_145 = arith.constant 0 : i32
        %dma_wait3A_146 = tpu.memref_slice %arg7[%mul3A_140, %dma_wait3A_145] : memref<10320x128xf32, #tpu.memory_space<vmem_shared>> -> memref<80x128xf32, #tpu.memory_space<vmem_shared>>
        tpu.wait_dma2 semaphore(%run_scoped3A : memref<!tpu.dma_semaphore, #tpu.memory_space<semaphore_mem>>) src(%arg8 : memref<80x128xf32, #tpu.memory_space<vmem>>) dst(%dma_wait3A_146 : memref<80x128xf32, #tpu.memory_space<vmem_shared>>)
        tpu.yield
      }) : () -> ()
    } else {
    }
    %add3A_12 = arith.constant 16 : i32
    %add3A_13 = arith.addi %arg1, %add3A_12 : i32
    %lt3A_14 = arith.constant 129 : i32
    %lt3A_15 = arith.cmpi slt, %add3A_13, %lt3A_14 : i32
    %convert_element_type3A_16 = arith.extui %lt3A_15 : i1 to i32
    %cond3A_17 = arith.constant 0 : i32
    %cond3A_18 = arith.cmpi ne, %convert_element_type3A_16, %cond3A_17 : i32
    scf.if %cond3A_18 {
      %mul3A_139 = arith.constant 80 : i32
      %mul3A_140 = arith.muli %add3A_13, %mul3A_139 : i32
      "tpu.region"() ({
        %run_scoped3A = tpu.sem_alloc : memref<!tpu.dma_semaphore, #tpu.memory_space<semaphore_mem>>
        %dma_start3A = arith.constant 0 : i32
        %dma_start3A_141 = tpu.memref_slice %arg7[%mul3A_140, %dma_start3A] : memref<10320x128xf32, #tpu.memory_space<vmem_shared>> -> memref<80x128xf32, #tpu.memory_space<vmem_shared>>
        %dma_start3A_142 = arith.constant 0 : i32
        %dma_start3A_143 = tpu.memref_slice %arg7[%mul3A_140, %dma_start3A_142] : memref<10320x128xf32, #tpu.memory_space<vmem_shared>> -> memref<80x128xf32, #tpu.memory_space<vmem_shared>>
        tpu.enqueue_dma source(%arg8 : memref<80x128xf32, #tpu.memory_space<vmem>>) target(%dma_start3A_143 : memref<80x128xf32, #tpu.memory_space<vmem_shared>>) target_semaphore(%run_scoped3A : memref<!tpu.dma_semaphore, #tpu.memory_space<semaphore_mem>>)
        %dma_wait3A = arith.constant 0 : i32
        %dma_wait3A_144 = tpu.memref_slice %arg7[%mul3A_140, %dma_wait3A] : memref<10320x128xf32, #tpu.memory_space<vmem_shared>> -> memref<80x128xf32, #tpu.memory_space<vmem_shared>>
        %dma_wait3A_145 = arith.constant 0 : i32
        %dma_wait3A_146 = tpu.memref_slice %arg7[%mul3A_140, %dma_wait3A_145] : memref<10320x128xf32, #tpu.memory_space<vmem_shared>> -> memref<80x128xf32, #tpu.memory_space<vmem_shared>>
        tpu.wait_dma2 semaphore(%run_scoped3A : memref<!tpu.dma_semaphore, #tpu.memory_space<semaphore_mem>>) src(%arg8 : memref<80x128xf32, #tpu.memory_space<vmem>>) dst(%dma_wait3A_146 : memref<80x128xf32, #tpu.memory_space<vmem_shared>>)
        tpu.yield
      }) : () -> ()
    } else {
    }
    %add3A_19 = arith.constant 32 : i32
    %add3A_20 = arith.addi %arg1, %add3A_19 : i32
    %lt3A_21 = arith.constant 129 : i32
    %lt3A_22 = arith.cmpi slt, %add3A_20, %lt3A_21 : i32
    %convert_element_type3A_23 = arith.extui %lt3A_22 : i1 to i32
    %cond3A_24 = arith.constant 0 : i32
    %cond3A_25 = arith.cmpi ne, %convert_element_type3A_23, %cond3A_24 : i32
    scf.if %cond3A_25 {
      %mul3A_139 = arith.constant 80 : i32
      %mul3A_140 = arith.muli %add3A_20, %mul3A_139 : i32
      "tpu.region"() ({
        %run_scoped3A = tpu.sem_alloc : memref<!tpu.dma_semaphore, #tpu.memory_space<semaphore_mem>>
        %dma_start3A = arith.constant 0 : i32
        %dma_start3A_141 = tpu.memref_slice %arg7[%mul3A_140, %dma_start3A] : memref<10320x128xf32, #tpu.memory_space<vmem_shared>> -> memref<80x128xf32, #tpu.memory_space<vmem_shared>>
        %dma_start3A_142 = arith.constant 0 : i32
        %dma_start3A_143 = tpu.memref_slice %arg7[%mul3A_140, %dma_start3A_142] : memref<10320x128xf32, #tpu.memory_space<vmem_shared>> -> memref<80x128xf32, #tpu.memory_space<vmem_shared>>
        tpu.enqueue_dma source(%arg8 : memref<80x128xf32, #tpu.memory_space<vmem>>) target(%dma_start3A_143 : memref<80x128xf32, #tpu.memory_space<vmem_shared>>) target_semaphore(%run_scoped3A : memref<!tpu.dma_semaphore, #tpu.memory_space<semaphore_mem>>)
        %dma_wait3A = arith.constant 0 : i32
        %dma_wait3A_144 = tpu.memref_slice %arg7[%mul3A_140, %dma_wait3A] : memref<10320x128xf32, #tpu.memory_space<vmem_shared>> -> memref<80x128xf32, #tpu.memory_space<vmem_shared>>
        %dma_wait3A_145 = arith.constant 0 : i32
        %dma_wait3A_146 = tpu.memref_slice %arg7[%mul3A_140, %dma_wait3A_145] : memref<10320x128xf32, #tpu.memory_space<vmem_shared>> -> memref<80x128xf32, #tpu.memory_space<vmem_shared>>
        tpu.wait_dma2 semaphore(%run_scoped3A : memref<!tpu.dma_semaphore, #tpu.memory_space<semaphore_mem>>) src(%arg8 : memref<80x128xf32, #tpu.memory_space<vmem>>) dst(%dma_wait3A_146 : memref<80x128xf32, #tpu.memory_space<vmem_shared>>)
        tpu.yield
      }) : () -> ()
    } else {
    }
    %add3A_26 = arith.constant 48 : i32
    %add3A_27 = arith.addi %arg1, %add3A_26 : i32
    %lt3A_28 = arith.constant 129 : i32
    %lt3A_29 = arith.cmpi slt, %add3A_27, %lt3A_28 : i32
    %convert_element_type3A_30 = arith.extui %lt3A_29 : i1 to i32
    %cond3A_31 = arith.constant 0 : i32
    %cond3A_32 = arith.cmpi ne, %convert_element_type3A_30, %cond3A_31 : i32
    scf.if %cond3A_32 {
      %mul3A_139 = arith.constant 80 : i32
      %mul3A_140 = arith.muli %add3A_27, %mul3A_139 : i32
      "tpu.region"() ({
        %run_scoped3A = tpu.sem_alloc : memref<!tpu.dma_semaphore, #tpu.memory_space<semaphore_mem>>
        %dma_start3A = arith.constant 0 : i32
        %dma_start3A_141 = tpu.memref_slice %arg7[%mul3A_140, %dma_start3A] : memref<10320x128xf32, #tpu.memory_space<vmem_shared>> -> memref<80x128xf32, #tpu.memory_space<vmem_shared>>
        %dma_start3A_142 = arith.constant 0 : i32
        %dma_start3A_143 = tpu.memref_slice %arg7[%mul3A_140, %dma_start3A_142] : memref<10320x128xf32, #tpu.memory_space<vmem_shared>> -> memref<80x128xf32, #tpu.memory_space<vmem_shared>>
        tpu.enqueue_dma source(%arg8 : memref<80x128xf32, #tpu.memory_space<vmem>>) target(%dma_start3A_143 : memref<80x128xf32, #tpu.memory_space<vmem_shared>>) target_semaphore(%run_scoped3A : memref<!tpu.dma_semaphore, #tpu.memory_space<semaphore_mem>>)
        %dma_wait3A = arith.constant 0 : i32
        %dma_wait3A_144 = tpu.memref_slice %arg7[%mul3A_140, %dma_wait3A] : memref<10320x128xf32, #tpu.memory_space<vmem_shared>> -> memref<80x128xf32, #tpu.memory_space<vmem_shared>>
        %dma_wait3A_145 = arith.constant 0 : i32
        %dma_wait3A_146 = tpu.memref_slice %arg7[%mul3A_140, %dma_wait3A_145] : memref<10320x128xf32, #tpu.memory_space<vmem_shared>> -> memref<80x128xf32, #tpu.memory_space<vmem_shared>>
        tpu.wait_dma2 semaphore(%run_scoped3A : memref<!tpu.dma_semaphore, #tpu.memory_space<semaphore_mem>>) src(%arg8 : memref<80x128xf32, #tpu.memory_space<vmem>>) dst(%dma_wait3A_146 : memref<80x128xf32, #tpu.memory_space<vmem_shared>>)
        tpu.yield
      }) : () -> ()
    } else {
    }
    %add3A_33 = arith.constant 64 : i32
    %add3A_34 = arith.addi %arg1, %add3A_33 : i32
    %lt3A_35 = arith.constant 129 : i32
    %lt3A_36 = arith.cmpi slt, %add3A_34, %lt3A_35 : i32
    %convert_element_type3A_37 = arith.extui %lt3A_36 : i1 to i32
    %cond3A_38 = arith.constant 0 : i32
    %cond3A_39 = arith.cmpi ne, %convert_element_type3A_37, %cond3A_38 : i32
    scf.if %cond3A_39 {
      %mul3A_139 = arith.constant 80 : i32
      %mul3A_140 = arith.muli %add3A_34, %mul3A_139 : i32
      "tpu.region"() ({
        %run_scoped3A = tpu.sem_alloc : memref<!tpu.dma_semaphore, #tpu.memory_space<semaphore_mem>>
        %dma_start3A = arith.constant 0 : i32
        %dma_start3A_141 = tpu.memref_slice %arg7[%mul3A_140, %dma_start3A] : memref<10320x128xf32, #tpu.memory_space<vmem_shared>> -> memref<80x128xf32, #tpu.memory_space<vmem_shared>>
        %dma_start3A_142 = arith.constant 0 : i32
        %dma_start3A_143 = tpu.memref_slice %arg7[%mul3A_140, %dma_start3A_142] : memref<10320x128xf32, #tpu.memory_space<vmem_shared>> -> memref<80x128xf32, #tpu.memory_space<vmem_shared>>
        tpu.enqueue_dma source(%arg8 : memref<80x128xf32, #tpu.memory_space<vmem>>) target(%dma_start3A_143 : memref<80x128xf32, #tpu.memory_space<vmem_shared>>) target_semaphore(%run_scoped3A : memref<!tpu.dma_semaphore, #tpu.memory_space<semaphore_mem>>)
        %dma_wait3A = arith.constant 0 : i32
        %dma_wait3A_144 = tpu.memref_slice %arg7[%mul3A_140, %dma_wait3A] : memref<10320x128xf32, #tpu.memory_space<vmem_shared>> -> memref<80x128xf32, #tpu.memory_space<vmem_shared>>
        %dma_wait3A_145 = arith.constant 0 : i32
        %dma_wait3A_146 = tpu.memref_slice %arg7[%mul3A_140, %dma_wait3A_145] : memref<10320x128xf32, #tpu.memory_space<vmem_shared>> -> memref<80x128xf32, #tpu.memory_space<vmem_shared>>
        tpu.wait_dma2 semaphore(%run_scoped3A : memref<!tpu.dma_semaphore, #tpu.memory_space<semaphore_mem>>) src(%arg8 : memref<80x128xf32, #tpu.memory_space<vmem>>) dst(%dma_wait3A_146 : memref<80x128xf32, #tpu.memory_space<vmem_shared>>)
        tpu.yield
      }) : () -> ()
    } else {
    }
    %add3A_40 = arith.constant 80 : i32
    %add3A_41 = arith.addi %arg1, %add3A_40 : i32
    %lt3A_42 = arith.constant 129 : i32
    %lt3A_43 = arith.cmpi slt, %add3A_41, %lt3A_42 : i32
    %convert_element_type3A_44 = arith.extui %lt3A_43 : i1 to i32
    %cond3A_45 = arith.constant 0 : i32
    %cond3A_46 = arith.cmpi ne, %convert_element_type3A_44, %cond3A_45 : i32
    scf.if %cond3A_46 {
      %mul3A_139 = arith.constant 80 : i32
      %mul3A_140 = arith.muli %add3A_41, %mul3A_139 : i32
      "tpu.region"() ({
        %run_scoped3A = tpu.sem_alloc : memref<!tpu.dma_semaphore, #tpu.memory_space<semaphore_mem>>
        %dma_start3A = arith.constant 0 : i32
        %dma_start3A_141 = tpu.memref_slice %arg7[%mul3A_140, %dma_start3A] : memref<10320x128xf32, #tpu.memory_space<vmem_shared>> -> memref<80x128xf32, #tpu.memory_space<vmem_shared>>
        %dma_start3A_142 = arith.constant 0 : i32
        %dma_start3A_143 = tpu.memref_slice %arg7[%mul3A_140, %dma_start3A_142] : memref<10320x128xf32, #tpu.memory_space<vmem_shared>> -> memref<80x128xf32, #tpu.memory_space<vmem_shared>>
        tpu.enqueue_dma source(%arg8 : memref<80x128xf32, #tpu.memory_space<vmem>>) target(%dma_start3A_143 : memref<80x128xf32, #tpu.memory_space<vmem_shared>>) target_semaphore(%run_scoped3A : memref<!tpu.dma_semaphore, #tpu.memory_space<semaphore_mem>>)
        %dma_wait3A = arith.constant 0 : i32
        %dma_wait3A_144 = tpu.memref_slice %arg7[%mul3A_140, %dma_wait3A] : memref<10320x128xf32, #tpu.memory_space<vmem_shared>> -> memref<80x128xf32, #tpu.memory_space<vmem_shared>>
        %dma_wait3A_145 = arith.constant 0 : i32
        %dma_wait3A_146 = tpu.memref_slice %arg7[%mul3A_140, %dma_wait3A_145] : memref<10320x128xf32, #tpu.memory_space<vmem_shared>> -> memref<80x128xf32, #tpu.memory_space<vmem_shared>>
        tpu.wait_dma2 semaphore(%run_scoped3A : memref<!tpu.dma_semaphore, #tpu.memory_space<semaphore_mem>>) src(%arg8 : memref<80x128xf32, #tpu.memory_space<vmem>>) dst(%dma_wait3A_146 : memref<80x128xf32, #tpu.memory_space<vmem_shared>>)
        tpu.yield
      }) : () -> ()
    } else {
    }
    %add3A_47 = arith.constant 96 : i32
    %add3A_48 = arith.addi %arg1, %add3A_47 : i32
    %lt3A_49 = arith.constant 129 : i32
    %lt3A_50 = arith.cmpi slt, %add3A_48, %lt3A_49 : i32
    %convert_element_type3A_51 = arith.extui %lt3A_50 : i1 to i32
    %cond3A_52 = arith.constant 0 : i32
    %cond3A_53 = arith.cmpi ne, %convert_element_type3A_51, %cond3A_52 : i32
    scf.if %cond3A_53 {
      %mul3A_139 = arith.constant 80 : i32
      %mul3A_140 = arith.muli %add3A_48, %mul3A_139 : i32
      "tpu.region"() ({
        %run_scoped3A = tpu.sem_alloc : memref<!tpu.dma_semaphore, #tpu.memory_space<semaphore_mem>>
        %dma_start3A = arith.constant 0 : i32
        %dma_start3A_141 = tpu.memref_slice %arg7[%mul3A_140, %dma_start3A] : memref<10320x128xf32, #tpu.memory_space<vmem_shared>> -> memref<80x128xf32, #tpu.memory_space<vmem_shared>>
        %dma_start3A_142 = arith.constant 0 : i32
        %dma_start3A_143 = tpu.memref_slice %arg7[%mul3A_140, %dma_start3A_142] : memref<10320x128xf32, #tpu.memory_space<vmem_shared>> -> memref<80x128xf32, #tpu.memory_space<vmem_shared>>
        tpu.enqueue_dma source(%arg8 : memref<80x128xf32, #tpu.memory_space<vmem>>) target(%dma_start3A_143 : memref<80x128xf32, #tpu.memory_space<vmem_shared>>) target_semaphore(%run_scoped3A : memref<!tpu.dma_semaphore, #tpu.memory_space<semaphore_mem>>)
        %dma_wait3A = arith.constant 0 : i32
        %dma_wait3A_144 = tpu.memref_slice %arg7[%mul3A_140, %dma_wait3A] : memref<10320x128xf32, #tpu.memory_space<vmem_shared>> -> memref<80x128xf32, #tpu.memory_space<vmem_shared>>
        %dma_wait3A_145 = arith.constant 0 : i32
        %dma_wait3A_146 = tpu.memref_slice %arg7[%mul3A_140, %dma_wait3A_145] : memref<10320x128xf32, #tpu.memory_space<vmem_shared>> -> memref<80x128xf32, #tpu.memory_space<vmem_shared>>
        tpu.wait_dma2 semaphore(%run_scoped3A : memref<!tpu.dma_semaphore, #tpu.memory_space<semaphore_mem>>) src(%arg8 : memref<80x128xf32, #tpu.memory_space<vmem>>) dst(%dma_wait3A_146 : memref<80x128xf32, #tpu.memory_space<vmem_shared>>)
        tpu.yield
      }) : () -> ()
    } else {
    }
    %add3A_54 = arith.constant 112 : i32
    %add3A_55 = arith.addi %arg1, %add3A_54 : i32
    %lt3A_56 = arith.constant 129 : i32
    %lt3A_57 = arith.cmpi slt, %add3A_55, %lt3A_56 : i32
    %convert_element_type3A_58 = arith.extui %lt3A_57 : i1 to i32
    %cond3A_59 = arith.constant 0 : i32
    %cond3A_60 = arith.cmpi ne, %convert_element_type3A_58, %cond3A_59 : i32
    scf.if %cond3A_60 {
      %mul3A_139 = arith.constant 80 : i32
      %mul3A_140 = arith.muli %add3A_55, %mul3A_139 : i32
      "tpu.region"() ({
        %run_scoped3A = tpu.sem_alloc : memref<!tpu.dma_semaphore, #tpu.memory_space<semaphore_mem>>
        %dma_start3A = arith.constant 0 : i32
        %dma_start3A_141 = tpu.memref_slice %arg7[%mul3A_140, %dma_start3A] : memref<10320x128xf32, #tpu.memory_space<vmem_shared>> -> memref<80x128xf32, #tpu.memory_space<vmem_shared>>
        %dma_start3A_142 = arith.constant 0 : i32
        %dma_start3A_143 = tpu.memref_slice %arg7[%mul3A_140, %dma_start3A_142] : memref<10320x128xf32, #tpu.memory_space<vmem_shared>> -> memref<80x128xf32, #tpu.memory_space<vmem_shared>>
        tpu.enqueue_dma source(%arg8 : memref<80x128xf32, #tpu.memory_space<vmem>>) target(%dma_start3A_143 : memref<80x128xf32, #tpu.memory_space<vmem_shared>>) target_semaphore(%run_scoped3A : memref<!tpu.dma_semaphore, #tpu.memory_space<semaphore_mem>>)
        %dma_wait3A = arith.constant 0 : i32
        %dma_wait3A_144 = tpu.memref_slice %arg7[%mul3A_140, %dma_wait3A] : memref<10320x128xf32, #tpu.memory_space<vmem_shared>> -> memref<80x128xf32, #tpu.memory_space<vmem_shared>>
        %dma_wait3A_145 = arith.constant 0 : i32
        %dma_wait3A_146 = tpu.memref_slice %arg7[%mul3A_140, %dma_wait3A_145] : memref<10320x128xf32, #tpu.memory_space<vmem_shared>> -> memref<80x128xf32, #tpu.memory_space<vmem_shared>>
        tpu.wait_dma2 semaphore(%run_scoped3A : memref<!tpu.dma_semaphore, #tpu.memory_space<semaphore_mem>>) src(%arg8 : memref<80x128xf32, #tpu.memory_space<vmem>>) dst(%dma_wait3A_146 : memref<80x128xf32, #tpu.memory_space<vmem_shared>>)
        tpu.yield
      }) : () -> ()
    } else {
    }
    %add3A_61 = arith.constant 128 : i32
    %add3A_62 = arith.addi %arg1, %add3A_61 : i32
    %lt3A_63 = arith.constant 129 : i32
    %lt3A_64 = arith.cmpi slt, %add3A_62, %lt3A_63 : i32
    %convert_element_type3A_65 = arith.extui %lt3A_64 : i1 to i32
    %cond3A_66 = arith.constant 0 : i32
    %cond3A_67 = arith.cmpi ne, %convert_element_type3A_65, %cond3A_66 : i32
    scf.if %cond3A_67 {
      %mul3A_139 = arith.constant 80 : i32
      %mul3A_140 = arith.muli %add3A_62, %mul3A_139 : i32
      "tpu.region"() ({
        %run_scoped3A = tpu.sem_alloc : memref<!tpu.dma_semaphore, #tpu.memory_space<semaphore_mem>>
        %dma_start3A = arith.constant 0 : i32
        %dma_start3A_141 = tpu.memref_slice %arg7[%mul3A_140, %dma_start3A] : memref<10320x128xf32, #tpu.memory_space<vmem_shared>> -> memref<80x128xf32, #tpu.memory_space<vmem_shared>>
        %dma_start3A_142 = arith.constant 0 : i32
        %dma_start3A_143 = tpu.memref_slice %arg7[%mul3A_140, %dma_start3A_142] : memref<10320x128xf32, #tpu.memory_space<vmem_shared>> -> memref<80x128xf32, #tpu.memory_space<vmem_shared>>
        tpu.enqueue_dma source(%arg8 : memref<80x128xf32, #tpu.memory_space<vmem>>) target(%dma_start3A_143 : memref<80x128xf32, #tpu.memory_space<vmem_shared>>) target_semaphore(%run_scoped3A : memref<!tpu.dma_semaphore, #tpu.memory_space<semaphore_mem>>)
        %dma_wait3A = arith.constant 0 : i32
        %dma_wait3A_144 = tpu.memref_slice %arg7[%mul3A_140, %dma_wait3A] : memref<10320x128xf32, #tpu.memory_space<vmem_shared>> -> memref<80x128xf32, #tpu.memory_space<vmem_shared>>
        %dma_wait3A_145 = arith.constant 0 : i32
        %dma_wait3A_146 = tpu.memref_slice %arg7[%mul3A_140, %dma_wait3A_145] : memref<10320x128xf32, #tpu.memory_space<vmem_shared>> -> memref<80x128xf32, #tpu.memory_space<vmem_shared>>
        tpu.wait_dma2 semaphore(%run_scoped3A : memref<!tpu.dma_semaphore, #tpu.memory_space<semaphore_mem>>) src(%arg8 : memref<80x128xf32, #tpu.memory_space<vmem>>) dst(%dma_wait3A_146 : memref<80x128xf32, #tpu.memory_space<vmem_shared>>)
        tpu.yield
      }) : () -> ()
    } else {
    }
    %barrier3A = arith.constant 0 : index
    tpu.barrier barrier_id(%barrier3A)
    %scan3A_68 = arith.constant 0 : i32
    %scan3A_69 = arith.constant 0 : i32
    %scan3A_70 = arith.constant 125 : i32
    %scan3A_71 = arith.addi %scan3A_69, %scan3A_70 : i32
    %scan3A_72 = arith.constant 1 : i32
    %scan3A_73 = scf.for %scan3A_139 = %scan3A_69 to %scan3A_71 step %scan3A_72 iter_args(%scan3A_140 = %scan3A_68) -> (i32)  : i32 {
      %mul3A_141 = arith.constant 10000 : i32
      %mul3A_142 = arith.muli %add3A, %mul3A_141 : i32
      %mul3A_143 = arith.constant 80 : i32
      %mul3A_144 = arith.muli %scan3A_139, %mul3A_143 : i32
      %add3A_145 = arith.addi %mul3A_142, %mul3A_144 : i32
      %multiple_of3A = tpu.assume_multiple %add3A_145, 8 : i32
      "tpu.region"() ({
        %run_scoped3A = tpu.sem_alloc : memref<!tpu.dma_semaphore, #tpu.memory_space<semaphore_mem>>
        %dma_start3A_218 = tpu.memref_slice %arg4[%multiple_of3A] : memref<320000xi32, #tpu.memory_space<hbm>> -> memref<80xi32, #tpu.memory_space<hbm>>
        %dma_start3A_219 = tpu.memref_slice %arg4[%multiple_of3A] : memref<320000xi32, #tpu.memory_space<hbm>> -> memref<80xi32, #tpu.memory_space<hbm>>
        tpu.enqueue_dma source(%dma_start3A_219 : memref<80xi32, #tpu.memory_space<hbm>>) target(%arg11 : memref<80xi32, #tpu.memory_space<vmem>>) target_semaphore(%run_scoped3A : memref<!tpu.dma_semaphore, #tpu.memory_space<semaphore_mem>>)
        %dma_wait3A_220 = tpu.memref_slice %arg4[%multiple_of3A] : memref<320000xi32, #tpu.memory_space<hbm>> -> memref<80xi32, #tpu.memory_space<hbm>>
        %dma_wait3A_221 = tpu.memref_slice %arg4[%multiple_of3A] : memref<320000xi32, #tpu.memory_space<hbm>> -> memref<80xi32, #tpu.memory_space<hbm>>
        tpu.wait_dma2 semaphore(%run_scoped3A : memref<!tpu.dma_semaphore, #tpu.memory_space<semaphore_mem>>) src(%dma_wait3A_221 : memref<80xi32, #tpu.memory_space<hbm>>) dst(%arg11 : memref<80xi32, #tpu.memory_space<vmem>>)
        tpu.yield
      }) : () -> ()
      "tpu.region"() ({
        %run_scoped3A = tpu.sem_alloc : memref<!tpu.dma_semaphore, #tpu.memory_space<semaphore_mem>>
        %dma_start3A_218 = tpu.memref_slice %arg5[%multiple_of3A] : memref<320000xi32, #tpu.memory_space<hbm>> -> memref<80xi32, #tpu.memory_space<hbm>>
        %dma_start3A_219 = tpu.memref_slice %arg5[%multiple_of3A] : memref<320000xi32, #tpu.memory_space<hbm>> -> memref<80xi32, #tpu.memory_space<hbm>>
        tpu.enqueue_dma source(%dma_start3A_219 : memref<80xi32, #tpu.memory_space<hbm>>) target(%arg12 : memref<80xi32, #tpu.memory_space<vmem>>) target_semaphore(%run_scoped3A : memref<!tpu.dma_semaphore, #tpu.memory_space<semaphore_mem>>)
        %dma_wait3A_220 = tpu.memref_slice %arg5[%multiple_of3A] : memref<320000xi32, #tpu.memory_space<hbm>> -> memref<80xi32, #tpu.memory_space<hbm>>
        %dma_wait3A_221 = tpu.memref_slice %arg5[%multiple_of3A] : memref<320000xi32, #tpu.memory_space<hbm>> -> memref<80xi32, #tpu.memory_space<hbm>>
        tpu.wait_dma2 semaphore(%run_scoped3A : memref<!tpu.dma_semaphore, #tpu.memory_space<semaphore_mem>>) src(%dma_wait3A_221 : memref<80xi32, #tpu.memory_space<hbm>>) dst(%arg12 : memref<80xi32, #tpu.memory_space<vmem>>)
        tpu.yield
      }) : () -> ()
      %dma_start3A = arith.constant 0 : i32
      %dma_start3A_146 = arith.constant 0 : i32
      %dma_start3A_147 = tpu.memref_slice %arg2[%dma_start3A, %dma_start3A_146] : memref<10000x128xf32, #tpu.memory_space<hbm>> -> memref<10000x128xf32, #tpu.memory_space<hbm>>
      tpu.enqueue_indirect_dma source(%dma_start3A_147 : memref<10000x128xf32, #tpu.memory_space<hbm>>) target(%arg8 : memref<80x128xf32, #tpu.memory_space<vmem>>) offsets(%arg12 : memref<80xi32, #tpu.memory_space<vmem>>) semaphore(%arg14 : memref<!tpu.dma_semaphore, #tpu.memory_space<semaphore_mem>>)
      %dma_start3A_148 = arith.constant 0 : i32
      %dma_start3A_149 = arith.constant 0 : i32
      %dma_start3A_150 = tpu.memref_slice %arg3[%dma_start3A_148, %dma_start3A_149] : memref<10000x256xf32, #tpu.memory_space<hbm>> -> memref<10000x256xf32, #tpu.memory_space<hbm>>
      tpu.enqueue_indirect_dma source(%dma_start3A_150 : memref<10000x256xf32, #tpu.memory_space<hbm>>) target(%arg9 : memref<80x256xf32, #tpu.memory_space<vmem>>) offsets(%arg11 : memref<80xi32, #tpu.memory_space<vmem>>) semaphore(%arg15 : memref<!tpu.dma_semaphore, #tpu.memory_space<semaphore_mem>>)
      %get3A = arith.constant 0 : index
      %get3A_151 = tpu.vector_load %arg12[%get3A] {strides = array<i32>} : memref<80xi32, #tpu.memory_space<vmem>>, vector<16xi32>,
      %shift_right_logical3A = arith.constant 5 : i32
      %shift_right_logical3A_152 = vector.broadcast %shift_right_logical3A : i32 to vector<16xi32>
      %shift_right_logical3A_153 = arith.shrui %get3A_151, %shift_right_logical3A_152 : vector<16xi32>
      %add3A_154 = arith.constant 10000 : i32
      %add3A_155 = vector.broadcast %add3A_154 : i32 to vector<16xi32>
      %add3A_156 = arith.addi %add3A_155, %shift_right_logical3A_153 : vector<16xi32>
      %swap3A = arith.constant 0 : index
      %swap3A_157 = tpu.vector_load %arg13[%swap3A] {strides = array<i32>} : memref<80xi32, #tpu.memory_space<vmem>>, vector<16xi32>,
      tpu.vector_store %arg13[%swap3A], %add3A_156 {strides = array<i32>} : memref<80xi32, #tpu.memory_space<vmem>>, vector<16xi32>,
      %get3A_158 = arith.constant 16 : index
      %get3A_159 = tpu.vector_load %arg12[%get3A_158] {strides = array<i32>} : memref<80xi32, #tpu.memory_space<vmem>>, vector<16xi32>,
      %shift_right_logical3A_160 = arith.constant 5 : i32
      %shift_right_logical3A_161 = vector.broadcast %shift_right_logical3A_160 : i32 to vector<16xi32>
      %shift_right_logical3A_162 = arith.shrui %get3A_159, %shift_right_logical3A_161 : vector<16xi32>
      %add3A_163 = arith.constant 10000 : i32
      %add3A_164 = vector.broadcast %add3A_163 : i32 to vector<16xi32>
      %add3A_165 = arith.addi %add3A_164, %shift_right_logical3A_162 : vector<16xi32>
      %swap3A_166 = arith.constant 16 : index
      %swap3A_167 = tpu.vector_load %arg13[%swap3A_166] {strides = array<i32>} : memref<80xi32, #tpu.memory_space<vmem>>, vector<16xi32>,
      tpu.vector_store %arg13[%swap3A_166], %add3A_165 {strides = array<i32>} : memref<80xi32, #tpu.memory_space<vmem>>, vector<16xi32>,
      %get3A_168 = arith.constant 32 : index
      %get3A_169 = tpu.vector_load %arg12[%get3A_168] {strides = array<i32>} : memref<80xi32, #tpu.memory_space<vmem>>, vector<16xi32>,
      %shift_right_logical3A_170 = arith.constant 5 : i32
      %shift_right_logical3A_171 = vector.broadcast %shift_right_logical3A_170 : i32 to vector<16xi32>
      %shift_right_logical3A_172 = arith.shrui %get3A_169, %shift_right_logical3A_171 : vector<16xi32>
      %add3A_173 = arith.constant 10000 : i32
      %add3A_174 = vector.broadcast %add3A_173 : i32 to vector<16xi32>
      %add3A_175 = arith.addi %add3A_174, %shift_right_logical3A_172 : vector<16xi32>
      %swap3A_176 = arith.constant 32 : index
      %swap3A_177 = tpu.vector_load %arg13[%swap3A_176] {strides = array<i32>} : memref<80xi32, #tpu.memory_space<vmem>>, vector<16xi32>,
      tpu.vector_store %arg13[%swap3A_176], %add3A_175 {strides = array<i32>} : memref<80xi32, #tpu.memory_space<vmem>>, vector<16xi32>,
      %get3A_178 = arith.constant 48 : index
      %get3A_179 = tpu.vector_load %arg12[%get3A_178] {strides = array<i32>} : memref<80xi32, #tpu.memory_space<vmem>>, vector<16xi32>,
      %shift_right_logical3A_180 = arith.constant 5 : i32
      %shift_right_logical3A_181 = vector.broadcast %shift_right_logical3A_180 : i32 to vector<16xi32>
      %shift_right_logical3A_182 = arith.shrui %get3A_179, %shift_right_logical3A_181 : vector<16xi32>
      %add3A_183 = arith.constant 10000 : i32
      %add3A_184 = vector.broadcast %add3A_183 : i32 to vector<16xi32>
      %add3A_185 = arith.addi %add3A_184, %shift_right_logical3A_182 : vector<16xi32>
      %swap3A_186 = arith.constant 48 : index
      %swap3A_187 = tpu.vector_load %arg13[%swap3A_186] {strides = array<i32>} : memref<80xi32, #tpu.memory_space<vmem>>, vector<16xi32>,
      tpu.vector_store %arg13[%swap3A_186], %add3A_185 {strides = array<i32>} : memref<80xi32, #tpu.memory_space<vmem>>, vector<16xi32>,
      %get3A_188 = arith.constant 64 : index
      %get3A_189 = tpu.vector_load %arg12[%get3A_188] {strides = array<i32>} : memref<80xi32, #tpu.memory_space<vmem>>, vector<16xi32>,
      %shift_right_logical3A_190 = arith.constant 5 : i32
      %shift_right_logical3A_191 = vector.broadcast %shift_right_logical3A_190 : i32 to vector<16xi32>
      %shift_right_logical3A_192 = arith.shrui %get3A_189, %shift_right_logical3A_191 : vector<16xi32>
      %add3A_193 = arith.constant 10000 : i32
      %add3A_194 = vector.broadcast %add3A_193 : i32 to vector<16xi32>
      %add3A_195 = arith.addi %add3A_194, %shift_right_logical3A_192 : vector<16xi32>
      %swap3A_196 = arith.constant 64 : index
      %swap3A_197 = tpu.vector_load %arg13[%swap3A_196] {strides = array<i32>} : memref<80xi32, #tpu.memory_space<vmem>>, vector<16xi32>,
      tpu.vector_store %arg13[%swap3A_196], %add3A_195 {strides = array<i32>} : memref<80xi32, #tpu.memory_space<vmem>>, vector<16xi32>,
      %scan3A_198 = arith.constant 0 : i32
      %scan3A_199 = arith.constant 0 : i32
      %scan3A_200 = arith.constant 80 : i32
      %scan3A_201 = arith.addi %scan3A_199, %scan3A_200 : i32
      %scan3A_202 = arith.constant 1 : i32
      %scan3A_203 = scf.for %scan3A_218 = %scan3A_199 to %scan3A_201 step %scan3A_202 iter_args(%scan3A_219 = %scan3A_198) -> (i32)  : i32 {
        %swap3A_220 = arith.index_cast %scan3A_218 : i32 to index
        %swap3A_221 = arith.constant 0 : index
        %swap3A_222 = tpu.vector_load %arg10[%swap3A_220, %swap3A_221] {strides = array<i32>} : memref<80x128xf32, #tpu.memory_space<vmem>>, vector<16xf32>,
        tpu.vector_store %arg10[%swap3A_220, %swap3A_221], %broadcast_in_dim3A_1 {strides = array<i32>} : memref<80x128xf32, #tpu.memory_space<vmem>>, vector<16xf32>,
        %swap3A_223 = arith.index_cast %scan3A_218 : i32 to index
        %swap3A_224 = arith.constant 16 : index
        %swap3A_225 = tpu.vector_load %arg10[%swap3A_223, %swap3A_224] {strides = array<i32>} : memref<80x128xf32, #tpu.memory_space<vmem>>, vector<16xf32>,
        tpu.vector_store %arg10[%swap3A_223, %swap3A_224], %broadcast_in_dim3A_1 {strides = array<i32>} : memref<80x128xf32, #tpu.memory_space<vmem>>, vector<16xf32>,
        %swap3A_226 = arith.index_cast %scan3A_218 : i32 to index
        %swap3A_227 = arith.constant 32 : index
        %swap3A_228 = tpu.vector_load %arg10[%swap3A_226, %swap3A_227] {strides = array<i32>} : memref<80x128xf32, #tpu.memory_space<vmem>>, vector<16xf32>,
        tpu.vector_store %arg10[%swap3A_226, %swap3A_227], %broadcast_in_dim3A_1 {strides = array<i32>} : memref<80x128xf32, #tpu.memory_space<vmem>>, vector<16xf32>,
        %swap3A_229 = arith.index_cast %scan3A_218 : i32 to index
        %swap3A_230 = arith.constant 48 : index
        %swap3A_231 = tpu.vector_load %arg10[%swap3A_229, %swap3A_230] {strides = array<i32>} : memref<80x128xf32, #tpu.memory_space<vmem>>, vector<16xf32>,
        tpu.vector_store %arg10[%swap3A_229, %swap3A_230], %broadcast_in_dim3A_1 {strides = array<i32>} : memref<80x128xf32, #tpu.memory_space<vmem>>, vector<16xf32>,
        %swap3A_232 = arith.index_cast %scan3A_218 : i32 to index
        %swap3A_233 = arith.constant 64 : index
        %swap3A_234 = tpu.vector_load %arg10[%swap3A_232, %swap3A_233] {strides = array<i32>} : memref<80x128xf32, #tpu.memory_space<vmem>>, vector<16xf32>,
        tpu.vector_store %arg10[%swap3A_232, %swap3A_233], %broadcast_in_dim3A_1 {strides = array<i32>} : memref<80x128xf32, #tpu.memory_space<vmem>>, vector<16xf32>,
        %swap3A_235 = arith.index_cast %scan3A_218 : i32 to index
        %swap3A_236 = arith.constant 80 : index
        %swap3A_237 = tpu.vector_load %arg10[%swap3A_235, %swap3A_236] {strides = array<i32>} : memref<80x128xf32, #tpu.memory_space<vmem>>, vector<16xf32>,
        tpu.vector_store %arg10[%swap3A_235, %swap3A_236], %broadcast_in_dim3A_1 {strides = array<i32>} : memref<80x128xf32, #tpu.memory_space<vmem>>, vector<16xf32>,
        %swap3A_238 = arith.index_cast %scan3A_218 : i32 to index
        %swap3A_239 = arith.constant 96 : index
        %swap3A_240 = tpu.vector_load %arg10[%swap3A_238, %swap3A_239] {strides = array<i32>} : memref<80x128xf32, #tpu.memory_space<vmem>>, vector<16xf32>,
        tpu.vector_store %arg10[%swap3A_238, %swap3A_239], %broadcast_in_dim3A_1 {strides = array<i32>} : memref<80x128xf32, #tpu.memory_space<vmem>>, vector<16xf32>,
        %swap3A_241 = arith.index_cast %scan3A_218 : i32 to index
        %swap3A_242 = arith.constant 112 : index
        %swap3A_243 = tpu.vector_load %arg10[%swap3A_241, %swap3A_242] {strides = array<i32>} : memref<80x128xf32, #tpu.memory_space<vmem>>, vector<16xf32>,
        tpu.vector_store %arg10[%swap3A_241, %swap3A_242], %broadcast_in_dim3A_1 {strides = array<i32>} : memref<80x128xf32, #tpu.memory_space<vmem>>, vector<16xf32>,
        %scan3A_244 = arith.constant 0 : i32
        scf.yield %scan3A_244 : i32
      }
      %scan3A_204 = arith.constant 80 : i32
      %dma_wait3A = arith.constant 0 : i32
      %dma_wait3A_205 = arith.constant 0 : i32
      %dma_wait3A_206 = tpu.memref_slice %arg2[%dma_wait3A, %dma_wait3A_205] : memref<10000x128xf32, #tpu.memory_space<hbm>> -> memref<10000x128xf32, #tpu.memory_space<hbm>>
      tpu.wait_indirect_dma semaphore(%arg14 : memref<!tpu.dma_semaphore, #tpu.memory_space<semaphore_mem>>) src(%dma_wait3A_206 : memref<10000x128xf32, #tpu.memory_space<hbm>>) dst(%arg8 : memref<80x128xf32, #tpu.memory_space<vmem>>)
      %dma_wait3A_207 = arith.constant 0 : i32
      %dma_wait3A_208 = arith.constant 0 : i32
      %dma_wait3A_209 = tpu.memref_slice %arg3[%dma_wait3A_207, %dma_wait3A_208] : memref<10000x256xf32, #tpu.memory_space<hbm>> -> memref<10000x256xf32, #tpu.memory_space<hbm>>
      tpu.wait_indirect_dma semaphore(%arg15 : memref<!tpu.dma_semaphore, #tpu.memory_space<semaphore_mem>>) src(%dma_wait3A_209 : memref<10000x256xf32, #tpu.memory_space<hbm>>) dst(%arg9 : memref<80x256xf32, #tpu.memory_space<vmem>>)
      %scan3A_210 = arith.constant 0 : i32
      %scan3A_211 = arith.constant 0 : i32
      %scan3A_212 = arith.constant 5 : i32
      %scan3A_213 = arith.addi %scan3A_211, %scan3A_212 : i32
      %scan3A_214 = arith.constant 1 : i32
      %scan3A_215 = scf.for %scan3A_218 = %scan3A_211 to %scan3A_213 step %scan3A_214 iter_args(%scan3A_219 = %scan3A_210) -> (i32)  : i32 {
        %mul3A_220 = arith.constant 16 : i32
        %mul3A_221 = arith.muli %scan3A_218, %mul3A_220 : i32
        %get3A_222 = arith.index_cast %mul3A_221 : i32 to index
        %get3A_223 = tpu.vector_load %arg12[%get3A_222] {strides = array<i32>} : memref<80xi32, #tpu.memory_space<vmem>>, vector<16xi32>,
        %mul3A_224 = arith.constant 16 : i32
        %mul3A_225 = arith.muli %scan3A_218, %mul3A_224 : i32
        %add3A_226 = arith.constant 0 : i32
        %add3A_227 = arith.addi %mul3A_225, %add3A_226 : i32
        %slice3A = vector.extract_strided_slice %get3A_223 {offsets = [0], sizes = [1], strides = [1]} : vector<16xi32> to vector<1xi32>
        %squeeze3A = vector.extract %slice3A[0] : i32 from vector<1xi32>
        %and3A = arith.constant 31 : i32
        %and3A_228 = arith.andi %squeeze3A, %and3A : i32
        %mul3A_229 = arith.constant 4 : i32
        %mul3A_230 = arith.muli %and3A_228, %mul3A_229 : i32
        %shift_right_logical3A_231 = arith.constant 4 : i32
        %shift_right_logical3A_232 = arith.shrui %mul3A_230, %shift_right_logical3A_231 : i32
        %and3A_233 = arith.constant 15 : i32
        %and3A_234 = arith.andi %mul3A_230, %and3A_233 : i32
        %broadcast_in_dim3A_235 = vector.broadcast %and3A_234 : i32 to vector<16xi32>
        %get3A_236 = arith.index_cast %add3A_227 : i32 to index
        %get3A_237 = arith.constant 0 : index
        %get3A_238 = tpu.vector_load %arg8[%get3A_236, %get3A_237] {strides = array<i32>} : memref<80x128xf32, #tpu.memory_space<vmem>>, vector<16xf32>,
        %get3A_239 = arith.index_cast %add3A_227 : i32 to index
        %get3A_240 = arith.constant 16 : index
        %get3A_241 = tpu.vector_load %arg8[%get3A_239, %get3A_240] {strides = array<i32>} : memref<80x128xf32, #tpu.memory_space<vmem>>, vector<16xf32>,
        %get3A_242 = arith.index_cast %add3A_227 : i32 to index
        %get3A_243 = arith.constant 0 : index
        %get3A_244 = tpu.vector_load %arg9[%get3A_242, %get3A_243] {strides = array<i32>} : memref<80x256xf32, #tpu.memory_space<vmem>>, vector<16xf32>,
        %get3A_245 = arith.index_cast %add3A_227 : i32 to index
        %get3A_246 = arith.constant 16 : index
        %get3A_247 = tpu.vector_load %arg9[%get3A_245, %get3A_246] {strides = array<i32>} : memref<80x256xf32, #tpu.memory_space<vmem>>, vector<16xf32>,
        %mul3A_248 = arith.mulf %get3A_238, %get3A_244 : vector<16xf32>
        %mul3A_249 = arith.mulf %get3A_241, %get3A_247 : vector<16xf32>
        %add3A_250 = arith.addf %mul3A_248, %mul3A_249 : vector<16xf32>
        %reduce_sum3A = arith.constant true
        %reduce_sum3A_251 = vector.broadcast %reduce_sum3A : i1 to vector<16xi1>
        %reduce_sum3A_252 = tpu.scan <sum>, %add3A_250 masked %reduce_sum3A_251 : vector<16xf32>, vector<16xi1> -> vector<16xf32>
        %reduce_sum3A_253 = vector.extract %reduce_sum3A_252[15] : f32 from vector<16xf32>
        %broadcast_in_dim3A_254 = vector.broadcast %reduce_sum3A_253 : f32 to vector<16xf32>
        %exp3A = math.exp %broadcast_in_dim3A_254 : vector<16xf32>
        %get3A_255 = arith.index_cast %add3A_227 : i32 to index
        %get3A_256 = arith.constant 128 : index
        %get3A_257 = tpu.vector_load %arg9[%get3A_255, %get3A_256] {strides = array<i32>} : memref<80x256xf32, #tpu.memory_space<vmem>>, vector<16xf32>,
        %get3A_258 = arith.index_cast %add3A_227 : i32 to index
        %get3A_259 = arith.constant 144 : index
        %get3A_260 = tpu.vector_load %arg9[%get3A_258, %get3A_259] {strides = array<i32>} : memref<80x256xf32, #tpu.memory_space<vmem>>, vector<16xf32>,
        %mul3A_261 = arith.mulf %get3A_257, %exp3A : vector<16xf32>
        %swap3A_262 = arith.index_cast %add3A_227 : i32 to index
        %swap3A_263 = arith.constant 0 : index
        %swap3A_264 = tpu.vector_load %arg8[%swap3A_262, %swap3A_263] {strides = array<i32>} : memref<80x128xf32, #tpu.memory_space<vmem>>, vector<16xf32>,
        tpu.vector_store %arg8[%swap3A_262, %swap3A_263], %mul3A_261 {strides = array<i32>} : memref<80x128xf32, #tpu.memory_space<vmem>>, vector<16xf32>,
        %mul3A_265 = arith.mulf %get3A_260, %exp3A : vector<16xf32>
        %swap3A_266 = arith.index_cast %add3A_227 : i32 to index
        %swap3A_267 = arith.constant 16 : index
        %swap3A_268 = tpu.vector_load %arg8[%swap3A_266, %swap3A_267] {strides = array<i32>} : memref<80x128xf32, #tpu.memory_space<vmem>>, vector<16xf32>,
        tpu.vector_store %arg8[%swap3A_266, %swap3A_267], %mul3A_265 {strides = array<i32>} : memref<80x128xf32, #tpu.memory_space<vmem>>, vector<16xf32>,
        %add3A_269 = arith.constant 0 : i32
        %add3A_270 = vector.broadcast %add3A_269 : i32 to vector<16xi32>
        %add3A_271 = arith.addi %broadcast_in_dim3A_235, %add3A_270 : vector<16xi32>
        %eq3A = arith.cmpi eq, %iota3A, %add3A_271 : vector<16xi32>
        %select_n3A = arith.select %eq3A, %exp3A, %broadcast_in_dim3A_1 : vector<16xi1>, vector<16xf32>
        %get3A_272 = arith.index_cast %add3A_227 : i32 to index
        %get3A_273 = arith.constant 32 : index
        %get3A_274 = tpu.vector_load %arg8[%get3A_272, %get3A_273] {strides = array<i32>} : memref<80x128xf32, #tpu.memory_space<vmem>>, vector<16xf32>,
        %get3A_275 = arith.index_cast %add3A_227 : i32 to index
        %get3A_276 = arith.constant 48 : index
        %get3A_277 = tpu.vector_load %arg8[%get3A_275, %get3A_276] {strides = array<i32>} : memref<80x128xf32, #tpu.memory_space<vmem>>, vector<16xf32>,
        %get3A_278 = arith.index_cast %add3A_227 : i32 to index
        %get3A_279 = arith.constant 32 : index
        %get3A_280 = tpu.vector_load %arg9[%get3A_278, %get3A_279] {strides = array<i32>} : memref<80x256xf32, #tpu.memory_space<vmem>>, vector<16xf32>,
        %get3A_281 = arith.index_cast %add3A_227 : i32 to index
        %get3A_282 = arith.constant 48 : index
        %get3A_283 = tpu.vector_load %arg9[%get3A_281, %get3A_282] {strides = array<i32>} : memref<80x256xf32, #tpu.memory_space<vmem>>, vector<16xf32>,
        %mul3A_284 = arith.mulf %get3A_274, %get3A_280 : vector<16xf32>
        %mul3A_285 = arith.mulf %get3A_277, %get3A_283 : vector<16xf32>
        %add3A_286 = arith.addf %mul3A_284, %mul3A_285 : vector<16xf32>
        %reduce_sum3A_287 = arith.constant true
        %reduce_sum3A_288 = vector.broadcast %reduce_sum3A_287 : i1 to vector<16xi1>
        %reduce_sum3A_289 = tpu.scan <sum>, %add3A_286 masked %reduce_sum3A_288 : vector<16xf32>, vector<16xi1> -> vector<16xf32>
        %reduce_sum3A_290 = vector.extract %reduce_sum3A_289[15] : f32 from vector<16xf32>
        %broadcast_in_dim3A_291 = vector.broadcast %reduce_sum3A_290 : f32 to vector<16xf32>
        %exp3A_292 = math.exp %broadcast_in_dim3A_291 : vector<16xf32>
        %get3A_293 = arith.index_cast %add3A_227 : i32 to index
        %get3A_294 = arith.constant 160 : index
        %get3A_295 = tpu.vector_load %arg9[%get3A_293, %get3A_294] {strides = array<i32>} : memref<80x256xf32, #tpu.memory_space<vmem>>, vector<16xf32>,
        %get3A_296 = arith.index_cast %add3A_227 : i32 to index
        %get3A_297 = arith.constant 176 : index
        %get3A_298 = tpu.vector_load %arg9[%get3A_296, %get3A_297] {strides = array<i32>} : memref<80x256xf32, #tpu.memory_space<vmem>>, vector<16xf32>,
        %mul3A_299 = arith.mulf %get3A_295, %exp3A_292 : vector<16xf32>
        %swap3A_300 = arith.index_cast %add3A_227 : i32 to index
        %swap3A_301 = arith.constant 32 : index
        %swap3A_302 = tpu.vector_load %arg8[%swap3A_300, %swap3A_301] {strides = array<i32>} : memref<80x128xf32, #tpu.memory_space<vmem>>, vector<16xf32>,
        tpu.vector_store %arg8[%swap3A_300, %swap3A_301], %mul3A_299 {strides = array<i32>} : memref<80x128xf32, #tpu.memory_space<vmem>>, vector<16xf32>,
        %mul3A_303 = arith.mulf %get3A_298, %exp3A_292 : vector<16xf32>
        %swap3A_304 = arith.index_cast %add3A_227 : i32 to index
        %swap3A_305 = arith.constant 48 : index
        %swap3A_306 = tpu.vector_load %arg8[%swap3A_304, %swap3A_305] {strides = array<i32>} : memref<80x128xf32, #tpu.memory_space<vmem>>, vector<16xf32>,
        tpu.vector_store %arg8[%swap3A_304, %swap3A_305], %mul3A_303 {strides = array<i32>} : memref<80x128xf32, #tpu.memory_space<vmem>>, vector<16xf32>,
        %add3A_307 = arith.constant 1 : i32
        %add3A_308 = vector.broadcast %add3A_307 : i32 to vector<16xi32>
        %add3A_309 = arith.addi %broadcast_in_dim3A_235, %add3A_308 : vector<16xi32>
        %eq3A_310 = arith.cmpi eq, %iota3A, %add3A_309 : vector<16xi32>
        %select_n3A_311 = arith.select %eq3A_310, %exp3A_292, %select_n3A : vector<16xi1>, vector<16xf32>
        %get3A_312 = arith.index_cast %add3A_227 : i32 to index
        %get3A_313 = arith.constant 64 : index
        %get3A_314 = tpu.vector_load %arg8[%get3A_312, %get3A_313] {strides = array<i32>} : memref<80x128xf32, #tpu.memory_space<vmem>>, vector<16xf32>,
        %get3A_315 = arith.index_cast %add3A_227 : i32 to index
        %get3A_316 = arith.constant 80 : index
        %get3A_317 = tpu.vector_load %arg8[%get3A_315, %get3A_316] {strides = array<i32>} : memref<80x128xf32, #tpu.memory_space<vmem>>, vector<16xf32>,
        %get3A_318 = arith.index_cast %add3A_227 : i32 to index
        %get3A_319 = arith.constant 64 : index
        %get3A_320 = tpu.vector_load %arg9[%get3A_318, %get3A_319] {strides = array<i32>} : memref<80x256xf32, #tpu.memory_space<vmem>>, vector<16xf32>,
        %get3A_321 = arith.index_cast %add3A_227 : i32 to index
        %get3A_322 = arith.constant 80 : index
        %get3A_323 = tpu.vector_load %arg9[%get3A_321, %get3A_322] {strides = array<i32>} : memref<80x256xf32, #tpu.memory_space<vmem>>, vector<16xf32>,
        %mul3A_324 = arith.mulf %get3A_314, %get3A_320 : vector<16xf32>
        %mul3A_325 = arith.mulf %get3A_317, %get3A_323 : vector<16xf32>
        %add3A_326 = arith.addf %mul3A_324, %mul3A_325 : vector<16xf32>
        %reduce_sum3A_327 = arith.constant true
        %reduce_sum3A_328 = vector.broadcast %reduce_sum3A_327 : i1 to vector<16xi1>
        %reduce_sum3A_329 = tpu.scan <sum>, %add3A_326 masked %reduce_sum3A_328 : vector<16xf32>, vector<16xi1> -> vector<16xf32>
        %reduce_sum3A_330 = vector.extract %reduce_sum3A_329[15] : f32 from vector<16xf32>
        %broadcast_in_dim3A_331 = vector.broadcast %reduce_sum3A_330 : f32 to vector<16xf32>
        %exp3A_332 = math.exp %broadcast_in_dim3A_331 : vector<16xf32>
        %get3A_333 = arith.index_cast %add3A_227 : i32 to index
        %get3A_334 = arith.constant 192 : index
        %get3A_335 = tpu.vector_load %arg9[%get3A_333, %get3A_334] {strides = array<i32>} : memref<80x256xf32, #tpu.memory_space<vmem>>, vector<16xf32>,
        %get3A_336 = arith.index_cast %add3A_227 : i32 to index
        %get3A_337 = arith.constant 208 : index
        %get3A_338 = tpu.vector_load %arg9[%get3A_336, %get3A_337] {strides = array<i32>} : memref<80x256xf32, #tpu.memory_space<vmem>>, vector<16xf32>,
        %mul3A_339 = arith.mulf %get3A_335, %exp3A_332 : vector<16xf32>
        %swap3A_340 = arith.index_cast %add3A_227 : i32 to index
        %swap3A_341 = arith.constant 64 : index
        %swap3A_342 = tpu.vector_load %arg8[%swap3A_340, %swap3A_341] {strides = array<i32>} : memref<80x128xf32, #tpu.memory_space<vmem>>, vector<16xf32>,
        tpu.vector_store %arg8[%swap3A_340, %swap3A_341], %mul3A_339 {strides = array<i32>} : memref<80x128xf32, #tpu.memory_space<vmem>>, vector<16xf32>,
        %mul3A_343 = arith.mulf %get3A_338, %exp3A_332 : vector<16xf32>
        %swap3A_344 = arith.index_cast %add3A_227 : i32 to index
        %swap3A_345 = arith.constant 80 : index
        %swap3A_346 = tpu.vector_load %arg8[%swap3A_344, %swap3A_345] {strides = array<i32>} : memref<80x128xf32, #tpu.memory_space<vmem>>, vector<16xf32>,
        tpu.vector_store %arg8[%swap3A_344, %swap3A_345], %mul3A_343 {strides = array<i32>} : memref<80x128xf32, #tpu.memory_space<vmem>>, vector<16xf32>,
        %add3A_347 = arith.constant 2 : i32
        %add3A_348 = vector.broadcast %add3A_347 : i32 to vector<16xi32>
        %add3A_349 = arith.addi %broadcast_in_dim3A_235, %add3A_348 : vector<16xi32>
        %eq3A_350 = arith.cmpi eq, %iota3A, %add3A_349 : vector<16xi32>
        %select_n3A_351 = arith.select %eq3A_350, %exp3A_332, %select_n3A_311 : vector<16xi1>, vector<16xf32>
        %get3A_352 = arith.index_cast %add3A_227 : i32 to index
        %get3A_353 = arith.constant 96 : index
        %get3A_354 = tpu.vector_load %arg8[%get3A_352, %get3A_353] {strides = array<i32>} : memref<80x128xf32, #tpu.memory_space<vmem>>, vector<16xf32>,
        %get3A_355 = arith.index_cast %add3A_227 : i32 to index
        %get3A_356 = arith.constant 112 : index
        %get3A_357 = tpu.vector_load %arg8[%get3A_355, %get3A_356] {strides = array<i32>} : memref<80x128xf32, #tpu.memory_space<vmem>>, vector<16xf32>,
        %get3A_358 = arith.index_cast %add3A_227 : i32 to index
        %get3A_359 = arith.constant 96 : index
        %get3A_360 = tpu.vector_load %arg9[%get3A_358, %get3A_359] {strides = array<i32>} : memref<80x256xf32, #tpu.memory_space<vmem>>, vector<16xf32>,
        %get3A_361 = arith.index_cast %add3A_227 : i32 to index
        %get3A_362 = arith.constant 112 : index
        %get3A_363 = tpu.vector_load %arg9[%get3A_361, %get3A_362] {strides = array<i32>} : memref<80x256xf32, #tpu.memory_space<vmem>>, vector<16xf32>,
        %mul3A_364 = arith.mulf %get3A_354, %get3A_360 : vector<16xf32>
        %mul3A_365 = arith.mulf %get3A_357, %get3A_363 : vector<16xf32>
        %add3A_366 = arith.addf %mul3A_364, %mul3A_365 : vector<16xf32>
        %reduce_sum3A_367 = arith.constant true
        %reduce_sum3A_368 = vector.broadcast %reduce_sum3A_367 : i1 to vector<16xi1>
        %reduce_sum3A_369 = tpu.scan <sum>, %add3A_366 masked %reduce_sum3A_368 : vector<16xf32>, vector<16xi1> -> vector<16xf32>
        %reduce_sum3A_370 = vector.extract %reduce_sum3A_369[15] : f32 from vector<16xf32>
        %broadcast_in_dim3A_371 = vector.broadcast %reduce_sum3A_370 : f32 to vector<16xf32>
        %exp3A_372 = math.exp %broadcast_in_dim3A_371 : vector<16xf32>
        %get3A_373 = arith.index_cast %add3A_227 : i32 to index
        %get3A_374 = arith.constant 224 : index
        %get3A_375 = tpu.vector_load %arg9[%get3A_373, %get3A_374] {strides = array<i32>} : memref<80x256xf32, #tpu.memory_space<vmem>>, vector<16xf32>,
        %get3A_376 = arith.index_cast %add3A_227 : i32 to index
        %get3A_377 = arith.constant 240 : index
        %get3A_378 = tpu.vector_load %arg9[%get3A_376, %get3A_377] {strides = array<i32>} : memref<80x256xf32, #tpu.memory_space<vmem>>, vector<16xf32>,
        %mul3A_379 = arith.mulf %get3A_375, %exp3A_372 : vector<16xf32>
        %swap3A_380 = arith.index_cast %add3A_227 : i32 to index
        %swap3A_381 = arith.constant 96 : index
        %swap3A_382 = tpu.vector_load %arg8[%swap3A_380, %swap3A_381] {strides = array<i32>} : memref<80x128xf32, #tpu.memory_space<vmem>>, vector<16xf32>,
        tpu.vector_store %arg8[%swap3A_380, %swap3A_381], %mul3A_379 {strides = array<i32>} : memref<80x128xf32, #tpu.memory_space<vmem>>, vector<16xf32>,
        %mul3A_383 = arith.mulf %get3A_378, %exp3A_372 : vector<16xf32>
        %swap3A_384 = arith.index_cast %add3A_227 : i32 to index
        %swap3A_385 = arith.constant 112 : index
        %swap3A_386 = tpu.vector_load %arg8[%swap3A_384, %swap3A_385] {strides = array<i32>} : memref<80x128xf32, #tpu.memory_space<vmem>>, vector<16xf32>,
        tpu.vector_store %arg8[%swap3A_384, %swap3A_385], %mul3A_383 {strides = array<i32>} : memref<80x128xf32, #tpu.memory_space<vmem>>, vector<16xf32>,
        %add3A_387 = arith.constant 3 : i32
        %add3A_388 = vector.broadcast %add3A_387 : i32 to vector<16xi32>
        %add3A_389 = arith.addi %broadcast_in_dim3A_235, %add3A_388 : vector<16xi32>
        %eq3A_390 = arith.cmpi eq, %iota3A, %add3A_389 : vector<16xi32>
        %select_n3A_391 = arith.select %eq3A_390, %exp3A_372, %select_n3A_351 : vector<16xi1>, vector<16xf32>
        %mul3A_392 = arith.constant 16 : i32
        %mul3A_393 = arith.muli %shift_right_logical3A_232, %mul3A_392 : i32
        %swap3A_394 = arith.index_cast %add3A_227 : i32 to index
        %swap3A_395 = arith.index_cast %mul3A_393 : i32 to index
        %swap3A_396 = tpu.vector_load %arg10[%swap3A_394, %swap3A_395] {strides = array<i32>} : memref<80x128xf32, #tpu.memory_space<vmem>>, vector<16xf32>,
        tpu.vector_store %arg10[%swap3A_394, %swap3A_395], %select_n3A_391 {strides = array<i32>} : memref<80x128xf32, #tpu.memory_space<vmem>>, vector<16xf32>,
        %mul3A_397 = arith.constant 16 : i32
        %mul3A_398 = arith.muli %scan3A_218, %mul3A_397 : i32
        %add3A_399 = arith.constant 1 : i32
        %add3A_400 = arith.addi %mul3A_398, %add3A_399 : i32
        %slice3A_401 = vector.extract_strided_slice %get3A_223 {offsets = [1], sizes = [1], strides = [1]} : vector<16xi32> to vector<1xi32>
        %squeeze3A_402 = vector.extract %slice3A_401[0] : i32 from vector<1xi32>
        %and3A_403 = arith.constant 31 : i32
        %and3A_404 = arith.andi %squeeze3A_402, %and3A_403 : i32
        %mul3A_405 = arith.constant 4 : i32
        %mul3A_406 = arith.muli %and3A_404, %mul3A_405 : i32
        %shift_right_logical3A_407 = arith.constant 4 : i32
        %shift_right_logical3A_408 = arith.shrui %mul3A_406, %shift_right_logical3A_407 : i32
        %and3A_409 = arith.constant 15 : i32
        %and3A_410 = arith.andi %mul3A_406, %and3A_409 : i32
        %broadcast_in_dim3A_411 = vector.broadcast %and3A_410 : i32 to vector<16xi32>
        %get3A_412 = arith.index_cast %add3A_400 : i32 to index
        %get3A_413 = arith.constant 0 : index
        %get3A_414 = tpu.vector_load %arg8[%get3A_412, %get3A_413] {strides = array<i32>} : memref<80x128xf32, #tpu.memory_space<vmem>>, vector<16xf32>,
        %get3A_415 = arith.index_cast %add3A_400 : i32 to index
        %get3A_416 = arith.constant 16 : index
        %get3A_417 = tpu.vector_load %arg8[%get3A_415, %get3A_416] {strides = array<i32>} : memref<80x128xf32, #tpu.memory_space<vmem>>, vector<16xf32>,
        %get3A_418 = arith.index_cast %add3A_400 : i32 to index
        %get3A_419 = arith.constant 0 : index
        %get3A_420 = tpu.vector_load %arg9[%get3A_418, %get3A_419] {strides = array<i32>} : memref<80x256xf32, #tpu.memory_space<vmem>>, vector<16xf32>,
        %get3A_421 = arith.index_cast %add3A_400 : i32 to index
        %get3A_422 = arith.constant 16 : index
        %get3A_423 = tpu.vector_load %arg9[%get3A_421, %get3A_422] {strides = array<i32>} : memref<80x256xf32, #tpu.memory_space<vmem>>, vector<16xf32>,
        %mul3A_424 = arith.mulf %get3A_414, %get3A_420 : vector<16xf32>
        %mul3A_425 = arith.mulf %get3A_417, %get3A_423 : vector<16xf32>
        %add3A_426 = arith.addf %mul3A_424, %mul3A_425 : vector<16xf32>
        %reduce_sum3A_427 = arith.constant true
        %reduce_sum3A_428 = vector.broadcast %reduce_sum3A_427 : i1 to vector<16xi1>
        %reduce_sum3A_429 = tpu.scan <sum>, %add3A_426 masked %reduce_sum3A_428 : vector<16xf32>, vector<16xi1> -> vector<16xf32>
        %reduce_sum3A_430 = vector.extract %reduce_sum3A_429[15] : f32 from vector<16xf32>
        %broadcast_in_dim3A_431 = vector.broadcast %reduce_sum3A_430 : f32 to vector<16xf32>
        %exp3A_432 = math.exp %broadcast_in_dim3A_431 : vector<16xf32>
        %get3A_433 = arith.index_cast %add3A_400 : i32 to index
        %get3A_434 = arith.constant 128 : index
        %get3A_435 = tpu.vector_load %arg9[%get3A_433, %get3A_434] {strides = array<i32>} : memref<80x256xf32, #tpu.memory_space<vmem>>, vector<16xf32>,
        %get3A_436 = arith.index_cast %add3A_400 : i32 to index
        %get3A_437 = arith.constant 144 : index
        %get3A_438 = tpu.vector_load %arg9[%get3A_436, %get3A_437] {strides = array<i32>} : memref<80x256xf32, #tpu.memory_space<vmem>>, vector<16xf32>,
        %mul3A_439 = arith.mulf %get3A_435, %exp3A_432 : vector<16xf32>
        %swap3A_440 = arith.index_cast %add3A_400 : i32 to index
        %swap3A_441 = arith.constant 0 : index
        %swap3A_442 = tpu.vector_load %arg8[%swap3A_440, %swap3A_441] {strides = array<i32>} : memref<80x128xf32, #tpu.memory_space<vmem>>, vector<16xf32>,
        tpu.vector_store %arg8[%swap3A_440, %swap3A_441], %mul3A_439 {strides = array<i32>} : memref<80x128xf32, #tpu.memory_space<vmem>>, vector<16xf32>,
        %mul3A_443 = arith.mulf %get3A_438, %exp3A_432 : vector<16xf32>
        %swap3A_444 = arith.index_cast %add3A_400 : i32 to index
        %swap3A_445 = arith.constant 16 : index
        %swap3A_446 = tpu.vector_load %arg8[%swap3A_444, %swap3A_445] {strides = array<i32>} : memref<80x128xf32, #tpu.memory_space<vmem>>, vector<16xf32>,
        tpu.vector_store %arg8[%swap3A_444, %swap3A_445], %mul3A_443 {strides = array<i32>} : memref<80x128xf32, #tpu.memory_space<vmem>>, vector<16xf32>,
        %add3A_447 = arith.constant 0 : i32
        %add3A_448 = vector.broadcast %add3A_447 : i32 to vector<16xi32>
        %add3A_449 = arith.addi %broadcast_in_dim3A_411, %add3A_448 : vector<16xi32>
        %eq3A_450 = arith.cmpi eq, %iota3A, %add3A_449 : vector<16xi32>
        %select_n3A_451 = arith.select %eq3A_450, %exp3A_432, %broadcast_in_dim3A_1 : vector<16xi1>, vector<16xf32>
        %get3A_452 = arith.index_cast %add3A_400 : i32 to index
        %get3A_453 = arith.constant 32 : index
        %get3A_454 = tpu.vector_load %arg8[%get3A_452, %get3A_453] {strides = array<i32>} : memref<80x128xf32, #tpu.memory_space<vmem>>, vector<16xf32>,
        %get3A_455 = arith.index_cast %add3A_400 : i32 to index
        %get3A_456 = arith.constant 48 : index
        %get3A_457 = tpu.vector_load %arg8[%get3A_455, %get3A_456] {strides = array<i32>} : memref<80x128xf32, #tpu.memory_space<vmem>>, vector<16xf32>,
        %get3A_458 = arith.index_cast %add3A_400 : i32 to index
        %get3A_459 = arith.constant 32 : index
        %get3A_460 = tpu.vector_load %arg9[%get3A_458, %get3A_459] {strides = array<i32>} : memref<80x256xf32, #tpu.memory_space<vmem>>, vector<16xf32>,
        %get3A_461 = arith.index_cast %add3A_400 : i32 to index
        %get3A_462 = arith.constant 48 : index
        %get3A_463 = tpu.vector_load %arg9[%get3A_461, %get3A_462] {strides = array<i32>} : memref<80x256xf32, #tpu.memory_space<vmem>>, vector<16xf32>,
        %mul3A_464 = arith.mulf %get3A_454, %get3A_460 : vector<16xf32>
        %mul3A_465 = arith.mulf %get3A_457, %get3A_463 : vector<16xf32>
        %add3A_466 = arith.addf %mul3A_464, %mul3A_465 : vector<16xf32>
        %reduce_sum3A_467 = arith.constant true
        %reduce_sum3A_468 = vector.broadcast %reduce_sum3A_467 : i1 to vector<16xi1>
        %reduce_sum3A_469 = tpu.scan <sum>, %add3A_466 masked %reduce_sum3A_468 : vector<16xf32>, vector<16xi1> -> vector<16xf32>
        %reduce_sum3A_470 = vector.extract %reduce_sum3A_469[15] : f32 from vector<16xf32>
        %broadcast_in_dim3A_471 = vector.broadcast %reduce_sum3A_470 : f32 to vector<16xf32>
        %exp3A_472 = math.exp %broadcast_in_dim3A_471 : vector<16xf32>
        %get3A_473 = arith.index_cast %add3A_400 : i32 to index
        %get3A_474 = arith.constant 160 : index
        %get3A_475 = tpu.vector_load %arg9[%get3A_473, %get3A_474] {strides = array<i32>} : memref<80x256xf32, #tpu.memory_space<vmem>>, vector<16xf32>,
        %get3A_476 = arith.index_cast %add3A_400 : i32 to index
        %get3A_477 = arith.constant 176 : index
        %get3A_478 = tpu.vector_load %arg9[%get3A_476, %get3A_477] {strides = array<i32>} : memref<80x256xf32, #tpu.memory_space<vmem>>, vector<16xf32>,
        %mul3A_479 = arith.mulf %get3A_475, %exp3A_472 : vector<16xf32>
        %swap3A_480 = arith.index_cast %add3A_400 : i32 to index
        %swap3A_481 = arith.constant 32 : index
        %swap3A_482 = tpu.vector_load %arg8[%swap3A_480, %swap3A_481] {strides = array<i32>} : memref<80x128xf32, #tpu.memory_space<vmem>>, vector<16xf32>,
        tpu.vector_store %arg8[%swap3A_480, %swap3A_481], %mul3A_479 {strides = array<i32>} : memref<80x128xf32, #tpu.memory_space<vmem>>, vector<16xf32>,
        %mul3A_483 = arith.mulf %get3A_478, %exp3A_472 : vector<16xf32>
        %swap3A_484 = arith.index_cast %add3A_400 : i32 to index
        %swap3A_485 = arith.constant 48 : index
        %swap3A_486 = tpu.vector_load %arg8[%swap3A_484, %swap3A_485] {strides = array<i32>} : memref<80x128xf32, #tpu.memory_space<vmem>>, vector<16xf32>,
        tpu.vector_store %arg8[%swap3A_484, %swap3A_485], %mul3A_483 {strides = array<i32>} : memref<80x128xf32, #tpu.memory_space<vmem>>, vector<16xf32>,
        %add3A_487 = arith.constant 1 : i32
        %add3A_488 = vector.broadcast %add3A_487 : i32 to vector<16xi32>
        %add3A_489 = arith.addi %broadcast_in_dim3A_411, %add3A_488 : vector<16xi32>
        %eq3A_490 = arith.cmpi eq, %iota3A, %add3A_489 : vector<16xi32>
        %select_n3A_491 = arith.select %eq3A_490, %exp3A_472, %select_n3A_451 : vector<16xi1>, vector<16xf32>
        %get3A_492 = arith.index_cast %add3A_400 : i32 to index
        %get3A_493 = arith.constant 64 : index
        %get3A_494 = tpu.vector_load %arg8[%get3A_492, %get3A_493] {strides = array<i32>} : memref<80x128xf32, #tpu.memory_space<vmem>>, vector<16xf32>,
        %get3A_495 = arith.index_cast %add3A_400 : i32 to index
        %get3A_496 = arith.constant 80 : index
        %get3A_497 = tpu.vector_load %arg8[%get3A_495, %get3A_496] {strides = array<i32>} : memref<80x128xf32, #tpu.memory_space<vmem>>, vector<16xf32>,
        %get3A_498 = arith.index_cast %add3A_400 : i32 to index
        %get3A_499 = arith.constant 64 : index
        %get3A_500 = tpu.vector_load %arg9[%get3A_498, %get3A_499] {strides = array<i32>} : memref<80x256xf32, #tpu.memory_space<vmem>>, vector<16xf32>,
        %get3A_501 = arith.index_cast %add3A_400 : i32 to index
        %get3A_502 = arith.constant 80 : index
        %get3A_503 = tpu.vector_load %arg9[%get3A_501, %get3A_502] {strides = array<i32>} : memref<80x256xf32, #tpu.memory_space<vmem>>, vector<16xf32>,
        %mul3A_504 = arith.mulf %get3A_494, %get3A_500 : vector<16xf32>
        %mul3A_505 = arith.mulf %get3A_497, %get3A_503 : vector<16xf32>
        %add3A_506 = arith.addf %mul3A_504, %mul3A_505 : vector<16xf32>
        %reduce_sum3A_507 = arith.constant true
        %reduce_sum3A_508 = vector.broadcast %reduce_sum3A_507 : i1 to vector<16xi1>
        %reduce_sum3A_509 = tpu.scan <sum>, %add3A_506 masked %reduce_sum3A_508 : vector<16xf32>, vector<16xi1> -> vector<16xf32>
        %reduce_sum3A_510 = vector.extract %reduce_sum3A_509[15] : f32 from vector<16xf32>
        %broadcast_in_dim3A_511 = vector.broadcast %reduce_sum3A_510 : f32 to vector<16xf32>
        %exp3A_512 = math.exp %broadcast_in_dim3A_511 : vector<16xf32>
        %get3A_513 = arith.index_cast %add3A_400 : i32 to index
        %get3A_514 = arith.constant 192 : index
        %get3A_515 = tpu.vector_load %arg9[%get3A_513, %get3A_514] {strides = array<i32>} : memref<80x256xf32, #tpu.memory_space<vmem>>, vector<16xf32>,
        %get3A_516 = arith.index_cast %add3A_400 : i32 to index
        %get3A_517 = arith.constant 208 : index
        %get3A_518 = tpu.vector_load %arg9[%get3A_516, %get3A_517] {strides = array<i32>} : memref<80x256xf32, #tpu.memory_space<vmem>>, vector<16xf32>,
        %mul3A_519 = arith.mulf %get3A_515, %exp3A_512 : vector<16xf32>
        %swap3A_520 = arith.index_cast %add3A_400 : i32 to index
        %swap3A_521 = arith.constant 64 : index
        %swap3A_522 = tpu.vector_load %arg8[%swap3A_520, %swap3A_521] {strides = array<i32>} : memref<80x128xf32, #tpu.memory_space<vmem>>, vector<16xf32>,
        tpu.vector_store %arg8[%swap3A_520, %swap3A_521], %mul3A_519 {strides = array<i32>} : memref<80x128xf32, #tpu.memory_space<vmem>>, vector<16xf32>,
        %mul3A_523 = arith.mulf %get3A_518, %exp3A_512 : vector<16xf32>
        %swap3A_524 = arith.index_cast %add3A_400 : i32 to index
        %swap3A_525 = arith.constant 80 : index
        %swap3A_526 = tpu.vector_load %arg8[%swap3A_524, %swap3A_525] {strides = array<i32>} : memref<80x128xf32, #tpu.memory_space<vmem>>, vector<16xf32>,
        tpu.vector_store %arg8[%swap3A_524, %swap3A_525], %mul3A_523 {strides = array<i32>} : memref<80x128xf32, #tpu.memory_space<vmem>>, vector<16xf32>,
        %add3A_527 = arith.constant 2 : i32
        %add3A_528 = vector.broadcast %add3A_527 : i32 to vector<16xi32>
        %add3A_529 = arith.addi %broadcast_in_dim3A_411, %add3A_528 : vector<16xi32>
        %eq3A_530 = arith.cmpi eq, %iota3A, %add3A_529 : vector<16xi32>
        %select_n3A_531 = arith.select %eq3A_530, %exp3A_512, %select_n3A_491 : vector<16xi1>, vector<16xf32>
        %get3A_532 = arith.index_cast %add3A_400 : i32 to index
        %get3A_533 = arith.constant 96 : index
        %get3A_534 = tpu.vector_load %arg8[%get3A_532, %get3A_533] {strides = array<i32>} : memref<80x128xf32, #tpu.memory_space<vmem>>, vector<16xf32>,
        %get3A_535 = arith.index_cast %add3A_400 : i32 to index
        %get3A_536 = arith.constant 112 : index
        %get3A_537 = tpu.vector_load %arg8[%get3A_535, %get3A_536] {strides = array<i32>} : memref<80x128xf32, #tpu.memory_space<vmem>>, vector<16xf32>,
        %get3A_538 = arith.index_cast %add3A_400 : i32 to index
        %get3A_539 = arith.constant 96 : index
        %get3A_540 = tpu.vector_load %arg9[%get3A_538, %get3A_539] {strides = array<i32>} : memref<80x256xf32, #tpu.memory_space<vmem>>, vector<16xf32>,
        %get3A_541 = arith.index_cast %add3A_400 : i32 to index
        %get3A_542 = arith.constant 112 : index
        %get3A_543 = tpu.vector_load %arg9[%get3A_541, %get3A_542] {strides = array<i32>} : memref<80x256xf32, #tpu.memory_space<vmem>>, vector<16xf32>,
        %mul3A_544 = arith.mulf %get3A_534, %get3A_540 : vector<16xf32>
        %mul3A_545 = arith.mulf %get3A_537, %get3A_543 : vector<16xf32>
        %add3A_546 = arith.addf %mul3A_544, %mul3A_545 : vector<16xf32>
        %reduce_sum3A_547 = arith.constant true
        %reduce_sum3A_548 = vector.broadcast %reduce_sum3A_547 : i1 to vector<16xi1>
        %reduce_sum3A_549 = tpu.scan <sum>, %add3A_546 masked %reduce_sum3A_548 : vector<16xf32>, vector<16xi1> -> vector<16xf32>
        %reduce_sum3A_550 = vector.extract %reduce_sum3A_549[15] : f32 from vector<16xf32>
        %broadcast_in_dim3A_551 = vector.broadcast %reduce_sum3A_550 : f32 to vector<16xf32>
        %exp3A_552 = math.exp %broadcast_in_dim3A_551 : vector<16xf32>
        %get3A_553 = arith.index_cast %add3A_400 : i32 to index
        %get3A_554 = arith.constant 224 : index
        %get3A_555 = tpu.vector_load %arg9[%get3A_553, %get3A_554] {strides = array<i32>} : memref<80x256xf32, #tpu.memory_space<vmem>>, vector<16xf32>,
        %get3A_556 = arith.index_cast %add3A_400 : i32 to index
        %get3A_557 = arith.constant 240 : index
        %get3A_558 = tpu.vector_load %arg9[%get3A_556, %get3A_557] {strides = array<i32>} : memref<80x256xf32, #tpu.memory_space<vmem>>, vector<16xf32>,
        %mul3A_559 = arith.mulf %get3A_555, %exp3A_552 : vector<16xf32>
        %swap3A_560 = arith.index_cast %add3A_400 : i32 to index
        %swap3A_561 = arith.constant 96 : index
        %swap3A_562 = tpu.vector_load %arg8[%swap3A_560, %swap3A_561] {strides = array<i32>} : memref<80x128xf32, #tpu.memory_space<vmem>>, vector<16xf32>,
        tpu.vector_store %arg8[%swap3A_560, %swap3A_561], %mul3A_559 {strides = array<i32>} : memref<80x128xf32, #tpu.memory_space<vmem>>, vector<16xf32>,
        %mul3A_563 = arith.mulf %get3A_558, %exp3A_552 : vector<16xf32>
        %swap3A_564 = arith.index_cast %add3A_400 : i32 to index
        %swap3A_565 = arith.constant 112 : index
        %swap3A_566 = tpu.vector_load %arg8[%swap3A_564, %swap3A_565] {strides = array<i32>} : memref<80x128xf32, #tpu.memory_space<vmem>>, vector<16xf32>,
        tpu.vector_store %arg8[%swap3A_564, %swap3A_565], %mul3A_563 {strides = array<i32>} : memref<80x128xf32, #tpu.memory_space<vmem>>, vector<16xf32>,
        %add3A_567 = arith.constant 3 : i32
        %add3A_568 = vector.broadcast %add3A_567 : i32 to vector<16xi32>
        %add3A_569 = arith.addi %broadcast_in_dim3A_411, %add3A_568 : vector<16xi32>
        %eq3A_570 = arith.cmpi eq, %iota3A, %add3A_569 : vector<16xi32>
        %select_n3A_571 = arith.select %eq3A_570, %exp3A_552, %select_n3A_531 : vector<16xi1>, vector<16xf32>
        %mul3A_572 = arith.constant 16 : i32
        %mul3A_573 = arith.muli %shift_right_logical3A_408, %mul3A_572 : i32
        %swap3A_574 = arith.index_cast %add3A_400 : i32 to index
        %swap3A_575 = arith.index_cast %mul3A_573 : i32 to index
        %swap3A_576 = tpu.vector_load %arg10[%swap3A_574, %swap3A_575] {strides = array<i32>} : memref<80x128xf32, #tpu.memory_space<vmem>>, vector<16xf32>,
        tpu.vector_store %arg10[%swap3A_574, %swap3A_575], %select_n3A_571 {strides = array<i32>} : memref<80x128xf32, #tpu.memory_space<vmem>>, vector<16xf32>,
        %mul3A_577 = arith.constant 16 : i32
        %mul3A_578 = arith.muli %scan3A_218, %mul3A_577 : i32
        %add3A_579 = arith.constant 2 : i32
        %add3A_580 = arith.addi %mul3A_578, %add3A_579 : i32
        %slice3A_581 = vector.extract_strided_slice %get3A_223 {offsets = [2], sizes = [1], strides = [1]} : vector<16xi32> to vector<1xi32>
        %squeeze3A_582 = vector.extract %slice3A_581[0] : i32 from vector<1xi32>
        %and3A_583 = arith.constant 31 : i32
        %and3A_584 = arith.andi %squeeze3A_582, %and3A_583 : i32
        %mul3A_585 = arith.constant 4 : i32
        %mul3A_586 = arith.muli %and3A_584, %mul3A_585 : i32
        %shift_right_logical3A_587 = arith.constant 4 : i32
        %shift_right_logical3A_588 = arith.shrui %mul3A_586, %shift_right_logical3A_587 : i32
        %and3A_589 = arith.constant 15 : i32
        %and3A_590 = arith.andi %mul3A_586, %and3A_589 : i32
        %broadcast_in_dim3A_591 = vector.broadcast %and3A_590 : i32 to vector<16xi32>
        %get3A_592 = arith.index_cast %add3A_580 : i32 to index
        %get3A_593 = arith.constant 0 : index
        %get3A_594 = tpu.vector_load %arg8[%get3A_592, %get3A_593] {strides = array<i32>} : memref<80x128xf32, #tpu.memory_space<vmem>>, vector<16xf32>,
        %get3A_595 = arith.index_cast %add3A_580 : i32 to index
        %get3A_596 = arith.constant 16 : index
        %get3A_597 = tpu.vector_load %arg8[%get3A_595, %get3A_596] {strides = array<i32>} : memref<80x128xf32, #tpu.memory_space<vmem>>, vector<16xf32>,
        %get3A_598 = arith.index_cast %add3A_580 : i32 to index
        %get3A_599 = arith.constant 0 : index
        %get3A_600 = tpu.vector_load %arg9[%get3A_598, %get3A_599] {strides = array<i32>} : memref<80x256xf32, #tpu.memory_space<vmem>>, vector<16xf32>,
        %get3A_601 = arith.index_cast %add3A_580 : i32 to index
        %get3A_602 = arith.constant 16 : index
        %get3A_603 = tpu.vector_load %arg9[%get3A_601, %get3A_602] {strides = array<i32>} : memref<80x256xf32, #tpu.memory_space<vmem>>, vector<16xf32>,
        %mul3A_604 = arith.mulf %get3A_594, %get3A_600 : vector<16xf32>
        %mul3A_605 = arith.mulf %get3A_597, %get3A_603 : vector<16xf32>
        %add3A_606 = arith.addf %mul3A_604, %mul3A_605 : vector<16xf32>
        %reduce_sum3A_607 = arith.constant true
        %reduce_sum3A_608 = vector.broadcast %reduce_sum3A_607 : i1 to vector<16xi1>
        %reduce_sum3A_609 = tpu.scan <sum>, %add3A_606 masked %reduce_sum3A_608 : vector<16xf32>, vector<16xi1> -> vector<16xf32>
        %reduce_sum3A_610 = vector.extract %reduce_sum3A_609[15] : f32 from vector<16xf32>
        %broadcast_in_dim3A_611 = vector.broadcast %reduce_sum3A_610 : f32 to vector<16xf32>
        %exp3A_612 = math.exp %broadcast_in_dim3A_611 : vector<16xf32>
        %get3A_613 = arith.index_cast %add3A_580 : i32 to index
        %get3A_614 = arith.constant 128 : index
        %get3A_615 = tpu.vector_load %arg9[%get3A_613, %get3A_614] {strides = array<i32>} : memref<80x256xf32, #tpu.memory_space<vmem>>, vector<16xf32>,
        %get3A_616 = arith.index_cast %add3A_580 : i32 to index
        %get3A_617 = arith.constant 144 : index
        %get3A_618 = tpu.vector_load %arg9[%get3A_616, %get3A_617] {strides = array<i32>} : memref<80x256xf32, #tpu.memory_space<vmem>>, vector<16xf32>,
        %mul3A_619 = arith.mulf %get3A_615, %exp3A_612 : vector<16xf32>
        %swap3A_620 = arith.index_cast %add3A_580 : i32 to index
        %swap3A_621 = arith.constant 0 : index
        %swap3A_622 = tpu.vector_load %arg8[%swap3A_620, %swap3A_621] {strides = array<i32>} : memref<80x128xf32, #tpu.memory_space<vmem>>, vector<16xf32>,
        tpu.vector_store %arg8[%swap3A_620, %swap3A_621], %mul3A_619 {strides = array<i32>} : memref<80x128xf32, #tpu.memory_space<vmem>>, vector<16xf32>,
        %mul3A_623 = arith.mulf %get3A_618, %exp3A_612 : vector<16xf32>
        %swap3A_624 = arith.index_cast %add3A_580 : i32 to index
        %swap3A_625 = arith.constant 16 : index
        %swap3A_626 = tpu.vector_load %arg8[%swap3A_624, %swap3A_625] {strides = array<i32>} : memref<80x128xf32, #tpu.memory_space<vmem>>, vector<16xf32>,
        tpu.vector_store %arg8[%swap3A_624, %swap3A_625], %mul3A_623 {strides = array<i32>} : memref<80x128xf32, #tpu.memory_space<vmem>>, vector<16xf32>,
        %add3A_627 = arith.constant 0 : i32
        %add3A_628 = vector.broadcast %add3A_627 : i32 to vector<16xi32>
        %add3A_629 = arith.addi %broadcast_in_dim3A_591, %add3A_628 : vector<16xi32>
        %eq3A_630 = arith.cmpi eq, %iota3A, %add3A_629 : vector<16xi32>
        %select_n3A_631 = arith.select %eq3A_630, %exp3A_612, %broadcast_in_dim3A_1 : vector<16xi1>, vector<16xf32>
        %get3A_632 = arith.index_cast %add3A_580 : i32 to index
        %get3A_633 = arith.constant 32 : index
        %get3A_634 = tpu.vector_load %arg8[%get3A_632, %get3A_633] {strides = array<i32>} : memref<80x128xf32, #tpu.memory_space<vmem>>, vector<16xf32>,
        %get3A_635 = arith.index_cast %add3A_580 : i32 to index
        %get3A_636 = arith.constant 48 : index
        %get3A_637 = tpu.vector_load %arg8[%get3A_635, %get3A_636] {strides = array<i32>} : memref<80x128xf32, #tpu.memory_space<vmem>>, vector<16xf32>,
        %get3A_638 = arith.index_cast %add3A_580 : i32 to index
        %get3A_639 = arith.constant 32 : index
        %get3A_640 = tpu.vector_load %arg9[%get3A_638, %get3A_639] {strides = array<i32>} : memref<80x256xf32, #tpu.memory_space<vmem>>, vector<16xf32>,
        %get3A_641 = arith.index_cast %add3A_580 : i32 to index
        %get3A_642 = arith.constant 48 : index
        %get3A_643 = tpu.vector_load %arg9[%get3A_641, %get3A_642] {strides = array<i32>} : memref<80x256xf32, #tpu.memory_space<vmem>>, vector<16xf32>,
        %mul3A_644 = arith.mulf %get3A_634, %get3A_640 : vector<16xf32>
        %mul3A_645 = arith.mulf %get3A_637, %get3A_643 : vector<16xf32>
        %add3A_646 = arith.addf %mul3A_644, %mul3A_645 : vector<16xf32>
        %reduce_sum3A_647 = arith.constant true
        %reduce_sum3A_648 = vector.broadcast %reduce_sum3A_647 : i1 to vector<16xi1>
        %reduce_sum3A_649 = tpu.scan <sum>, %add3A_646 masked %reduce_sum3A_648 : vector<16xf32>, vector<16xi1> -> vector<16xf32>
        %reduce_sum3A_650 = vector.extract %reduce_sum3A_649[15] : f32 from vector<16xf32>
        %broadcast_in_dim3A_651 = vector.broadcast %reduce_sum3A_650 : f32 to vector<16xf32>
        %exp3A_652 = math.exp %broadcast_in_dim3A_651 : vector<16xf32>
        %get3A_653 = arith.index_cast %add3A_580 : i32 to index
        %get3A_654 = arith.constant 160 : index
        %get3A_655 = tpu.vector_load %arg9[%get3A_653, %get3A_654] {strides = array<i32>} : memref<80x256xf32, #tpu.memory_space<vmem>>, vector<16xf32>,
        %get3A_656 = arith.index_cast %add3A_580 : i32 to index
        %get3A_657 = arith.constant 176 : index
        %get3A_658 = tpu.vector_load %arg9[%get3A_656, %get3A_657] {strides = array<i32>} : memref<80x256xf32, #tpu.memory_space<vmem>>, vector<16xf32>,
        %mul3A_659 = arith.mulf %get3A_655, %exp3A_652 : vector<16xf32>
        %swap3A_660 = arith.index_cast %add3A_580 : i32 to index
        %swap3A_661 = arith.constant 32 : index
        %swap3A_662 = tpu.vector_load %arg8[%swap3A_660, %swap3A_661] {strides = array<i32>} : memref<80x128xf32, #tpu.memory_space<vmem>>, vector<16xf32>,
        tpu.vector_store %arg8[%swap3A_660, %swap3A_661], %mul3A_659 {strides = array<i32>} : memref<80x128xf32, #tpu.memory_space<vmem>>, vector<16xf32>,
        %mul3A_663 = arith.mulf %get3A_658, %exp3A_652 : vector<16xf32>
        %swap3A_664 = arith.index_cast %add3A_580 : i32 to index
        %swap3A_665 = arith.constant 48 : index
        %swap3A_666 = tpu.vector_load %arg8[%swap3A_664, %swap3A_665] {strides = array<i32>} : memref<80x128xf32, #tpu.memory_space<vmem>>, vector<16xf32>,
        tpu.vector_store %arg8[%swap3A_664, %swap3A_665], %mul3A_663 {strides = array<i32>} : memref<80x128xf32, #tpu.memory_space<vmem>>, vector<16xf32>,
        %add3A_667 = arith.constant 1 : i32
        %add3A_668 = vector.broadcast %add3A_667 : i32 to vector<16xi32>
        %add3A_669 = arith.addi %broadcast_in_dim3A_591, %add3A_668 : vector<16xi32>
        %eq3A_670 = arith.cmpi eq, %iota3A, %add3A_669 : vector<16xi32>
        %select_n3A_671 = arith.select %eq3A_670, %exp3A_652, %select_n3A_631 : vector<16xi1>, vector<16xf32>
        %get3A_672 = arith.index_cast %add3A_580 : i32 to index
        %get3A_673 = arith.constant 64 : index
        %get3A_674 = tpu.vector_load %arg8[%get3A_672, %get3A_673] {strides = array<i32>} : memref<80x128xf32, #tpu.memory_space<vmem>>, vector<16xf32>,
        %get3A_675 = arith.index_cast %add3A_580 : i32 to index
        %get3A_676 = arith.constant 80 : index
        %get3A_677 = tpu.vector_load %arg8[%get3A_675, %get3A_676] {strides = array<i32>} : memref<80x128xf32, #tpu.memory_space<vmem>>, vector<16xf32>,
        %get3A_678 = arith.index_cast %add3A_580 : i32 to index
        %get3A_679 = arith.constant 64 : index
        %get3A_680 = tpu.vector_load %arg9[%get3A_678, %get3A_679] {strides = array<i32>} : memref<80x256xf32, #tpu.memory_space<vmem>>, vector<16xf32>,
        %get3A_681 = arith.index_cast %add3A_580 : i32 to index
        %get3A_682 = arith.constant 80 : index
        %get3A_683 = tpu.vector_load %arg9[%get3A_681, %get3A_682] {strides = array<i32>} : memref<80x256xf32, #tpu.memory_space<vmem>>, vector<16xf32>,
        %mul3A_684 = arith.mulf %get3A_674, %get3A_680 : vector<16xf32>
        %mul3A_685 = arith.mulf %get3A_677, %get3A_683 : vector<16xf32>
        %add3A_686 = arith.addf %mul3A_684, %mul3A_685 : vector<16xf32>
        %reduce_sum3A_687 = arith.constant true
        %reduce_sum3A_688 = vector.broadcast %reduce_sum3A_687 : i1 to vector<16xi1>
        %reduce_sum3A_689 = tpu.scan <sum>, %add3A_686 masked %reduce_sum3A_688 : vector<16xf32>, vector<16xi1> -> vector<16xf32>
        %reduce_sum3A_690 = vector.extract %reduce_sum3A_689[15] : f32 from vector<16xf32>
        %broadcast_in_dim3A_691 = vector.broadcast %reduce_sum3A_690 : f32 to vector<16xf32>
        %exp3A_692 = math.exp %broadcast_in_dim3A_691 : vector<16xf32>
        %get3A_693 = arith.index_cast %add3A_580 : i32 to index
        %get3A_694 = arith.constant 192 : index
        %get3A_695 = tpu.vector_load %arg9[%get3A_693, %get3A_694] {strides = array<i32>} : memref<80x256xf32, #tpu.memory_space<vmem>>, vector<16xf32>,
        %get3A_696 = arith.index_cast %add3A_580 : i32 to index
        %get3A_697 = arith.constant 208 : index
        %get3A_698 = tpu.vector_load %arg9[%get3A_696, %get3A_697] {strides = array<i32>} : memref<80x256xf32, #tpu.memory_space<vmem>>, vector<16xf32>,
        %mul3A_699 = arith.mulf %get3A_695, %exp3A_692 : vector<16xf32>
        %swap3A_700 = arith.index_cast %add3A_580 : i32 to index
        %swap3A_701 = arith.constant 64 : index
        %swap3A_702 = tpu.vector_load %arg8[%swap3A_700, %swap3A_701] {strides = array<i32>} : memref<80x128xf32, #tpu.memory_space<vmem>>, vector<16xf32>,
        tpu.vector_store %arg8[%swap3A_700, %swap3A_701], %mul3A_699 {strides = array<i32>} : memref<80x128xf32, #tpu.memory_space<vmem>>, vector<16xf32>,
        %mul3A_703 = arith.mulf %get3A_698, %exp3A_692 : vector<16xf32>
        %swap3A_704 = arith.index_cast %add3A_580 : i32 to index
        %swap3A_705 = arith.constant 80 : index
        %swap3A_706 = tpu.vector_load %arg8[%swap3A_704, %swap3A_705] {strides = array<i32>} : memref<80x128xf32, #tpu.memory_space<vmem>>, vector<16xf32>,
        tpu.vector_store %arg8[%swap3A_704, %swap3A_705], %mul3A_703 {strides = array<i32>} : memref<80x128xf32, #tpu.memory_space<vmem>>, vector<16xf32>,
        %add3A_707 = arith.constant 2 : i32
        %add3A_708 = vector.broadcast %add3A_707 : i32 to vector<16xi32>
        %add3A_709 = arith.addi %broadcast_in_dim3A_591, %add3A_708 : vector<16xi32>
        %eq3A_710 = arith.cmpi eq, %iota3A, %add3A_709 : vector<16xi32>
        %select_n3A_711 = arith.select %eq3A_710, %exp3A_692, %select_n3A_671 : vector<16xi1>, vector<16xf32>
        %get3A_712 = arith.index_cast %add3A_580 : i32 to index
        %get3A_713 = arith.constant 96 : index
        %get3A_714 = tpu.vector_load %arg8[%get3A_712, %get3A_713] {strides = array<i32>} : memref<80x128xf32, #tpu.memory_space<vmem>>, vector<16xf32>,
        %get3A_715 = arith.index_cast %add3A_580 : i32 to index
        %get3A_716 = arith.constant 112 : index
        %get3A_717 = tpu.vector_load %arg8[%get3A_715, %get3A_716] {strides = array<i32>} : memref<80x128xf32, #tpu.memory_space<vmem>>, vector<16xf32>,
        %get3A_718 = arith.index_cast %add3A_580 : i32 to index
        %get3A_719 = arith.constant 96 : index
        %get3A_720 = tpu.vector_load %arg9[%get3A_718, %get3A_719] {strides = array<i32>} : memref<80x256xf32, #tpu.memory_space<vmem>>, vector<16xf32>,
        %get3A_721 = arith.index_cast %add3A_580 : i32 to index
        %get3A_722 = arith.constant 112 : index
        %get3A_723 = tpu.vector_load %arg9[%get3A_721, %get3A_722] {strides = array<i32>} : memref<80x256xf32, #tpu.memory_space<vmem>>, vector<16xf32>,
        %mul3A_724 = arith.mulf %get3A_714, %get3A_720 : vector<16xf32>
        %mul3A_725 = arith.mulf %get3A_717, %get3A_723 : vector<16xf32>
        %add3A_726 = arith.addf %mul3A_724, %mul3A_725 : vector<16xf32>
        %reduce_sum3A_727 = arith.constant true
        %reduce_sum3A_728 = vector.broadcast %reduce_sum3A_727 : i1 to vector<16xi1>
        %reduce_sum3A_729 = tpu.scan <sum>, %add3A_726 masked %reduce_sum3A_728 : vector<16xf32>, vector<16xi1> -> vector<16xf32>
        %reduce_sum3A_730 = vector.extract %reduce_sum3A_729[15] : f32 from vector<16xf32>
        %broadcast_in_dim3A_731 = vector.broadcast %reduce_sum3A_730 : f32 to vector<16xf32>
        %exp3A_732 = math.exp %broadcast_in_dim3A_731 : vector<16xf32>
        %get3A_733 = arith.index_cast %add3A_580 : i32 to index
        %get3A_734 = arith.constant 224 : index
        %get3A_735 = tpu.vector_load %arg9[%get3A_733, %get3A_734] {strides = array<i32>} : memref<80x256xf32, #tpu.memory_space<vmem>>, vector<16xf32>,
        %get3A_736 = arith.index_cast %add3A_580 : i32 to index
        %get3A_737 = arith.constant 240 : index
        %get3A_738 = tpu.vector_load %arg9[%get3A_736, %get3A_737] {strides = array<i32>} : memref<80x256xf32, #tpu.memory_space<vmem>>, vector<16xf32>,
        %mul3A_739 = arith.mulf %get3A_735, %exp3A_732 : vector<16xf32>
        %swap3A_740 = arith.index_cast %add3A_580 : i32 to index
        %swap3A_741 = arith.constant 96 : index
        %swap3A_742 = tpu.vector_load %arg8[%swap3A_740, %swap3A_741] {strides = array<i32>} : memref<80x128xf32, #tpu.memory_space<vmem>>, vector<16xf32>,
        tpu.vector_store %arg8[%swap3A_740, %swap3A_741], %mul3A_739 {strides = array<i32>} : memref<80x128xf32, #tpu.memory_space<vmem>>, vector<16xf32>,
        %mul3A_743 = arith.mulf %get3A_738, %exp3A_732 : vector<16xf32>
        %swap3A_744 = arith.index_cast %add3A_580 : i32 to index
        %swap3A_745 = arith.constant 112 : index
        %swap3A_746 = tpu.vector_load %arg8[%swap3A_744, %swap3A_745] {strides = array<i32>} : memref<80x128xf32, #tpu.memory_space<vmem>>, vector<16xf32>,
        tpu.vector_store %arg8[%swap3A_744, %swap3A_745], %mul3A_743 {strides = array<i32>} : memref<80x128xf32, #tpu.memory_space<vmem>>, vector<16xf32>,
        %add3A_747 = arith.constant 3 : i32
        %add3A_748 = vector.broadcast %add3A_747 : i32 to vector<16xi32>
        %add3A_749 = arith.addi %broadcast_in_dim3A_591, %add3A_748 : vector<16xi32>
        %eq3A_750 = arith.cmpi eq, %iota3A, %add3A_749 : vector<16xi32>
        %select_n3A_751 = arith.select %eq3A_750, %exp3A_732, %select_n3A_711 : vector<16xi1>, vector<16xf32>
        %mul3A_752 = arith.constant 16 : i32
        %mul3A_753 = arith.muli %shift_right_logical3A_588, %mul3A_752 : i32
        %swap3A_754 = arith.index_cast %add3A_580 : i32 to index
        %swap3A_755 = arith.index_cast %mul3A_753 : i32 to index
        %swap3A_756 = tpu.vector_load %arg10[%swap3A_754, %swap3A_755] {strides = array<i32>} : memref<80x128xf32, #tpu.memory_space<vmem>>, vector<16xf32>,
        tpu.vector_store %arg10[%swap3A_754, %swap3A_755], %select_n3A_751 {strides = array<i32>} : memref<80x128xf32, #tpu.memory_space<vmem>>, vector<16xf32>,
        %mul3A_757 = arith.constant 16 : i32
        %mul3A_758 = arith.muli %scan3A_218, %mul3A_757 : i32
        %add3A_759 = arith.constant 3 : i32
        %add3A_760 = arith.addi %mul3A_758, %add3A_759 : i32
        %slice3A_761 = vector.extract_strided_slice %get3A_223 {offsets = [3], sizes = [1], strides = [1]} : vector<16xi32> to vector<1xi32>
        %squeeze3A_762 = vector.extract %slice3A_761[0] : i32 from vector<1xi32>
        %and3A_763 = arith.constant 31 : i32
        %and3A_764 = arith.andi %squeeze3A_762, %and3A_763 : i32
        %mul3A_765 = arith.constant 4 : i32
        %mul3A_766 = arith.muli %and3A_764, %mul3A_765 : i32
        %shift_right_logical3A_767 = arith.constant 4 : i32
        %shift_right_logical3A_768 = arith.shrui %mul3A_766, %shift_right_logical3A_767 : i32
        %and3A_769 = arith.constant 15 : i32
        %and3A_770 = arith.andi %mul3A_766, %and3A_769 : i32
        %broadcast_in_dim3A_771 = vector.broadcast %and3A_770 : i32 to vector<16xi32>
        %get3A_772 = arith.index_cast %add3A_760 : i32 to index
        %get3A_773 = arith.constant 0 : index
        %get3A_774 = tpu.vector_load %arg8[%get3A_772, %get3A_773] {strides = array<i32>} : memref<80x128xf32, #tpu.memory_space<vmem>>, vector<16xf32>,
        %get3A_775 = arith.index_cast %add3A_760 : i32 to index
        %get3A_776 = arith.constant 16 : index
        %get3A_777 = tpu.vector_load %arg8[%get3A_775, %get3A_776] {strides = array<i32>} : memref<80x128xf32, #tpu.memory_space<vmem>>, vector<16xf32>,
        %get3A_778 = arith.index_cast %add3A_760 : i32 to index
        %get3A_779 = arith.constant 0 : index
        %get3A_780 = tpu.vector_load %arg9[%get3A_778, %get3A_779] {strides = array<i32>} : memref<80x256xf32, #tpu.memory_space<vmem>>, vector<16xf32>,
        %get3A_781 = arith.index_cast %add3A_760 : i32 to index
        %get3A_782 = arith.constant 16 : index
        %get3A_783 = tpu.vector_load %arg9[%get3A_781, %get3A_782] {strides = array<i32>} : memref<80x256xf32, #tpu.memory_space<vmem>>, vector<16xf32>,
        %mul3A_784 = arith.mulf %get3A_774, %get3A_780 : vector<16xf32>
        %mul3A_785 = arith.mulf %get3A_777, %get3A_783 : vector<16xf32>
        %add3A_786 = arith.addf %mul3A_784, %mul3A_785 : vector<16xf32>
        %reduce_sum3A_787 = arith.constant true
        %reduce_sum3A_788 = vector.broadcast %reduce_sum3A_787 : i1 to vector<16xi1>
        %reduce_sum3A_789 = tpu.scan <sum>, %add3A_786 masked %reduce_sum3A_788 : vector<16xf32>, vector<16xi1> -> vector<16xf32>
        %reduce_sum3A_790 = vector.extract %reduce_sum3A_789[15] : f32 from vector<16xf32>
        %broadcast_in_dim3A_791 = vector.broadcast %reduce_sum3A_790 : f32 to vector<16xf32>
        %exp3A_792 = math.exp %broadcast_in_dim3A_791 : vector<16xf32>
        %get3A_793 = arith.index_cast %add3A_760 : i32 to index
        %get3A_794 = arith.constant 128 : index
        %get3A_795 = tpu.vector_load %arg9[%get3A_793, %get3A_794] {strides = array<i32>} : memref<80x256xf32, #tpu.memory_space<vmem>>, vector<16xf32>,
        %get3A_796 = arith.index_cast %add3A_760 : i32 to index
        %get3A_797 = arith.constant 144 : index
        %get3A_798 = tpu.vector_load %arg9[%get3A_796, %get3A_797] {strides = array<i32>} : memref<80x256xf32, #tpu.memory_space<vmem>>, vector<16xf32>,
        %mul3A_799 = arith.mulf %get3A_795, %exp3A_792 : vector<16xf32>
        %swap3A_800 = arith.index_cast %add3A_760 : i32 to index
        %swap3A_801 = arith.constant 0 : index
        %swap3A_802 = tpu.vector_load %arg8[%swap3A_800, %swap3A_801] {strides = array<i32>} : memref<80x128xf32, #tpu.memory_space<vmem>>, vector<16xf32>,
        tpu.vector_store %arg8[%swap3A_800, %swap3A_801], %mul3A_799 {strides = array<i32>} : memref<80x128xf32, #tpu.memory_space<vmem>>, vector<16xf32>,
        %mul3A_803 = arith.mulf %get3A_798, %exp3A_792 : vector<16xf32>
        %swap3A_804 = arith.index_cast %add3A_760 : i32 to index
        %swap3A_805 = arith.constant 16 : index
        %swap3A_806 = tpu.vector_load %arg8[%swap3A_804, %swap3A_805] {strides = array<i32>} : memref<80x128xf32, #tpu.memory_space<vmem>>, vector<16xf32>,
        tpu.vector_store %arg8[%swap3A_804, %swap3A_805], %mul3A_803 {strides = array<i32>} : memref<80x128xf32, #tpu.memory_space<vmem>>, vector<16xf32>,
        %add3A_807 = arith.constant 0 : i32
        %add3A_808 = vector.broadcast %add3A_807 : i32 to vector<16xi32>
        %add3A_809 = arith.addi %broadcast_in_dim3A_771, %add3A_808 : vector<16xi32>
        %eq3A_810 = arith.cmpi eq, %iota3A, %add3A_809 : vector<16xi32>
        %select_n3A_811 = arith.select %eq3A_810, %exp3A_792, %broadcast_in_dim3A_1 : vector<16xi1>, vector<16xf32>
        %get3A_812 = arith.index_cast %add3A_760 : i32 to index
        %get3A_813 = arith.constant 32 : index
        %get3A_814 = tpu.vector_load %arg8[%get3A_812, %get3A_813] {strides = array<i32>} : memref<80x128xf32, #tpu.memory_space<vmem>>, vector<16xf32>,
        %get3A_815 = arith.index_cast %add3A_760 : i32 to index
        %get3A_816 = arith.constant 48 : index
        %get3A_817 = tpu.vector_load %arg8[%get3A_815, %get3A_816] {strides = array<i32>} : memref<80x128xf32, #tpu.memory_space<vmem>>, vector<16xf32>,
        %get3A_818 = arith.index_cast %add3A_760 : i32 to index
        %get3A_819 = arith.constant 32 : index
        %get3A_820 = tpu.vector_load %arg9[%get3A_818, %get3A_819] {strides = array<i32>} : memref<80x256xf32, #tpu.memory_space<vmem>>, vector<16xf32>,
        %get3A_821 = arith.index_cast %add3A_760 : i32 to index
        %get3A_822 = arith.constant 48 : index
        %get3A_823 = tpu.vector_load %arg9[%get3A_821, %get3A_822] {strides = array<i32>} : memref<80x256xf32, #tpu.memory_space<vmem>>, vector<16xf32>,
        %mul3A_824 = arith.mulf %get3A_814, %get3A_820 : vector<16xf32>
        %mul3A_825 = arith.mulf %get3A_817, %get3A_823 : vector<16xf32>
        %add3A_826 = arith.addf %mul3A_824, %mul3A_825 : vector<16xf32>
        %reduce_sum3A_827 = arith.constant true
        %reduce_sum3A_828 = vector.broadcast %reduce_sum3A_827 : i1 to vector<16xi1>
        %reduce_sum3A_829 = tpu.scan <sum>, %add3A_826 masked %reduce_sum3A_828 : vector<16xf32>, vector<16xi1> -> vector<16xf32>
        %reduce_sum3A_830 = vector.extract %reduce_sum3A_829[15] : f32 from vector<16xf32>
        %broadcast_in_dim3A_831 = vector.broadcast %reduce_sum3A_830 : f32 to vector<16xf32>
        %exp3A_832 = math.exp %broadcast_in_dim3A_831 : vector<16xf32>
        %get3A_833 = arith.index_cast %add3A_760 : i32 to index
        %get3A_834 = arith.constant 160 : index
        %get3A_835 = tpu.vector_load %arg9[%get3A_833, %get3A_834] {strides = array<i32>} : memref<80x256xf32, #tpu.memory_space<vmem>>, vector<16xf32>,
        %get3A_836 = arith.index_cast %add3A_760 : i32 to index
        %get3A_837 = arith.constant 176 : index
        %get3A_838 = tpu.vector_load %arg9[%get3A_836, %get3A_837] {strides = array<i32>} : memref<80x256xf32, #tpu.memory_space<vmem>>, vector<16xf32>,
        %mul3A_839 = arith.mulf %get3A_835, %exp3A_832 : vector<16xf32>
        %swap3A_840 = arith.index_cast %add3A_760 : i32 to index
        %swap3A_841 = arith.constant 32 : index
        %swap3A_842 = tpu.vector_load %arg8[%swap3A_840, %swap3A_841] {strides = array<i32>} : memref<80x128xf32, #tpu.memory_space<vmem>>, vector<16xf32>,
        tpu.vector_store %arg8[%swap3A_840, %swap3A_841], %mul3A_839 {strides = array<i32>} : memref<80x128xf32, #tpu.memory_space<vmem>>, vector<16xf32>,
        %mul3A_843 = arith.mulf %get3A_838, %exp3A_832 : vector<16xf32>
        %swap3A_844 = arith.index_cast %add3A_760 : i32 to index
        %swap3A_845 = arith.constant 48 : index
        %swap3A_846 = tpu.vector_load %arg8[%swap3A_844, %swap3A_845] {strides = array<i32>} : memref<80x128xf32, #tpu.memory_space<vmem>>, vector<16xf32>,
        tpu.vector_store %arg8[%swap3A_844, %swap3A_845], %mul3A_843 {strides = array<i32>} : memref<80x128xf32, #tpu.memory_space<vmem>>, vector<16xf32>,
        %add3A_847 = arith.constant 1 : i32
        %add3A_848 = vector.broadcast %add3A_847 : i32 to vector<16xi32>
        %add3A_849 = arith.addi %broadcast_in_dim3A_771, %add3A_848 : vector<16xi32>
        %eq3A_850 = arith.cmpi eq, %iota3A, %add3A_849 : vector<16xi32>
        %select_n3A_851 = arith.select %eq3A_850, %exp3A_832, %select_n3A_811 : vector<16xi1>, vector<16xf32>
        %get3A_852 = arith.index_cast %add3A_760 : i32 to index
        %get3A_853 = arith.constant 64 : index
        %get3A_854 = tpu.vector_load %arg8[%get3A_852, %get3A_853] {strides = array<i32>} : memref<80x128xf32, #tpu.memory_space<vmem>>, vector<16xf32>,
        %get3A_855 = arith.index_cast %add3A_760 : i32 to index
        %get3A_856 = arith.constant 80 : index
        %get3A_857 = tpu.vector_load %arg8[%get3A_855, %get3A_856] {strides = array<i32>} : memref<80x128xf32, #tpu.memory_space<vmem>>, vector<16xf32>,
        %get3A_858 = arith.index_cast %add3A_760 : i32 to index
        %get3A_859 = arith.constant 64 : index
        %get3A_860 = tpu.vector_load %arg9[%get3A_858, %get3A_859] {strides = array<i32>} : memref<80x256xf32, #tpu.memory_space<vmem>>, vector<16xf32>,
        %get3A_861 = arith.index_cast %add3A_760 : i32 to index
        %get3A_862 = arith.constant 80 : index
        %get3A_863 = tpu.vector_load %arg9[%get3A_861, %get3A_862] {strides = array<i32>} : memref<80x256xf32, #tpu.memory_space<vmem>>, vector<16xf32>,
        %mul3A_864 = arith.mulf %get3A_854, %get3A_860 : vector<16xf32>
        %mul3A_865 = arith.mulf %get3A_857, %get3A_863 : vector<16xf32>
        %add3A_866 = arith.addf %mul3A_864, %mul3A_865 : vector<16xf32>
        %reduce_sum3A_867 = arith.constant true
        %reduce_sum3A_868 = vector.broadcast %reduce_sum3A_867 : i1 to vector<16xi1>
        %reduce_sum3A_869 = tpu.scan <sum>, %add3A_866 masked %reduce_sum3A_868 : vector<16xf32>, vector<16xi1> -> vector<16xf32>
        %reduce_sum3A_870 = vector.extract %reduce_sum3A_869[15] : f32 from vector<16xf32>
        %broadcast_in_dim3A_871 = vector.broadcast %reduce_sum3A_870 : f32 to vector<16xf32>
        %exp3A_872 = math.exp %broadcast_in_dim3A_871 : vector<16xf32>
        %get3A_873 = arith.index_cast %add3A_760 : i32 to index
        %get3A_874 = arith.constant 192 : index
        %get3A_875 = tpu.vector_load %arg9[%get3A_873, %get3A_874] {strides = array<i32>} : memref<80x256xf32, #tpu.memory_space<vmem>>, vector<16xf32>,
        %get3A_876 = arith.index_cast %add3A_760 : i32 to index
        %get3A_877 = arith.constant 208 : index
        %get3A_878 = tpu.vector_load %arg9[%get3A_876, %get3A_877] {strides = array<i32>} : memref<80x256xf32, #tpu.memory_space<vmem>>, vector<16xf32>,
        %mul3A_879 = arith.mulf %get3A_875, %exp3A_872 : vector<16xf32>
        %swap3A_880 = arith.index_cast %add3A_760 : i32 to index
        %swap3A_881 = arith.constant 64 : index
        %swap3A_882 = tpu.vector_load %arg8[%swap3A_880, %swap3A_881] {strides = array<i32>} : memref<80x128xf32, #tpu.memory_space<vmem>>, vector<16xf32>,
        tpu.vector_store %arg8[%swap3A_880, %swap3A_881], %mul3A_879 {strides = array<i32>} : memref<80x128xf32, #tpu.memory_space<vmem>>, vector<16xf32>,
        %mul3A_883 = arith.mulf %get3A_878, %exp3A_872 : vector<16xf32>
        %swap3A_884 = arith.index_cast %add3A_760 : i32 to index
        %swap3A_885 = arith.constant 80 : index
        %swap3A_886 = tpu.vector_load %arg8[%swap3A_884, %swap3A_885] {strides = array<i32>} : memref<80x128xf32, #tpu.memory_space<vmem>>, vector<16xf32>,
        tpu.vector_store %arg8[%swap3A_884, %swap3A_885], %mul3A_883 {strides = array<i32>} : memref<80x128xf32, #tpu.memory_space<vmem>>, vector<16xf32>,
        %add3A_887 = arith.constant 2 : i32
        %add3A_888 = vector.broadcast %add3A_887 : i32 to vector<16xi32>
        %add3A_889 = arith.addi %broadcast_in_dim3A_771, %add3A_888 : vector<16xi32>
        %eq3A_890 = arith.cmpi eq, %iota3A, %add3A_889 : vector<16xi32>
        %select_n3A_891 = arith.select %eq3A_890, %exp3A_872, %select_n3A_851 : vector<16xi1>, vector<16xf32>
        %get3A_892 = arith.index_cast %add3A_760 : i32 to index
        %get3A_893 = arith.constant 96 : index
        %get3A_894 = tpu.vector_load %arg8[%get3A_892, %get3A_893] {strides = array<i32>} : memref<80x128xf32, #tpu.memory_space<vmem>>, vector<16xf32>,
        %get3A_895 = arith.index_cast %add3A_760 : i32 to index
        %get3A_896 = arith.constant 112 : index
        %get3A_897 = tpu.vector_load %arg8[%get3A_895, %get3A_896] {strides = array<i32>} : memref<80x128xf32, #tpu.memory_space<vmem>>, vector<16xf32>,
        %get3A_898 = arith.index_cast %add3A_760 : i32 to index
        %get3A_899 = arith.constant 96 : index
        %get3A_900 = tpu.vector_load %arg9[%get3A_898, %get3A_899] {strides = array<i32>} : memref<80x256xf32, #tpu.memory_space<vmem>>, vector<16xf32>,
        %get3A_901 = arith.index_cast %add3A_760 : i32 to index
        %get3A_902 = arith.constant 112 : index
        %get3A_903 = tpu.vector_load %arg9[%get3A_901, %get3A_902] {strides = array<i32>} : memref<80x256xf32, #tpu.memory_space<vmem>>, vector<16xf32>,
        %mul3A_904 = arith.mulf %get3A_894, %get3A_900 : vector<16xf32>
        %mul3A_905 = arith.mulf %get3A_897, %get3A_903 : vector<16xf32>
        %add3A_906 = arith.addf %mul3A_904, %mul3A_905 : vector<16xf32>
        %reduce_sum3A_907 = arith.constant true
        %reduce_sum3A_908 = vector.broadcast %reduce_sum3A_907 : i1 to vector<16xi1>
        %reduce_sum3A_909 = tpu.scan <sum>, %add3A_906 masked %reduce_sum3A_908 : vector<16xf32>, vector<16xi1> -> vector<16xf32>
        %reduce_sum3A_910 = vector.extract %reduce_sum3A_909[15] : f32 from vector<16xf32>
        %broadcast_in_dim3A_911 = vector.broadcast %reduce_sum3A_910 : f32 to vector<16xf32>
        %exp3A_912 = math.exp %broadcast_in_dim3A_911 : vector<16xf32>
        %get3A_913 = arith.index_cast %add3A_760 : i32 to index
        %get3A_914 = arith.constant 224 : index
        %get3A_915 = tpu.vector_load %arg9[%get3A_913, %get3A_914] {strides = array<i32>} : memref<80x256xf32, #tpu.memory_space<vmem>>, vector<16xf32>,
        %get3A_916 = arith.index_cast %add3A_760 : i32 to index
        %get3A_917 = arith.constant 240 : index
        %get3A_918 = tpu.vector_load %arg9[%get3A_916, %get3A_917] {strides = array<i32>} : memref<80x256xf32, #tpu.memory_space<vmem>>, vector<16xf32>,
        %mul3A_919 = arith.mulf %get3A_915, %exp3A_912 : vector<16xf32>
        %swap3A_920 = arith.index_cast %add3A_760 : i32 to index
        %swap3A_921 = arith.constant 96 : index
        %swap3A_922 = tpu.vector_load %arg8[%swap3A_920, %swap3A_921] {strides = array<i32>} : memref<80x128xf32, #tpu.memory_space<vmem>>, vector<16xf32>,
        tpu.vector_store %arg8[%swap3A_920, %swap3A_921], %mul3A_919 {strides = array<i32>} : memref<80x128xf32, #tpu.memory_space<vmem>>, vector<16xf32>,
        %mul3A_923 = arith.mulf %get3A_918, %exp3A_912 : vector<16xf32>
        %swap3A_924 = arith.index_cast %add3A_760 : i32 to index
        %swap3A_925 = arith.constant 112 : index
        %swap3A_926 = tpu.vector_load %arg8[%swap3A_924, %swap3A_925] {strides = array<i32>} : memref<80x128xf32, #tpu.memory_space<vmem>>, vector<16xf32>,
        tpu.vector_store %arg8[%swap3A_924, %swap3A_925], %mul3A_923 {strides = array<i32>} : memref<80x128xf32, #tpu.memory_space<vmem>>, vector<16xf32>,
        %add3A_927 = arith.constant 3 : i32
        %add3A_928 = vector.broadcast %add3A_927 : i32 to vector<16xi32>
        %add3A_929 = arith.addi %broadcast_in_dim3A_771, %add3A_928 : vector<16xi32>
        %eq3A_930 = arith.cmpi eq, %iota3A, %add3A_929 : vector<16xi32>
        %select_n3A_931 = arith.select %eq3A_930, %exp3A_912, %select_n3A_891 : vector<16xi1>, vector<16xf32>
        %mul3A_932 = arith.constant 16 : i32
        %mul3A_933 = arith.muli %shift_right_logical3A_768, %mul3A_932 : i32
        %swap3A_934 = arith.index_cast %add3A_760 : i32 to index
        %swap3A_935 = arith.index_cast %mul3A_933 : i32 to index
        %swap3A_936 = tpu.vector_load %arg10[%swap3A_934, %swap3A_935] {strides = array<i32>} : memref<80x128xf32, #tpu.memory_space<vmem>>, vector<16xf32>,
        tpu.vector_store %arg10[%swap3A_934, %swap3A_935], %select_n3A_931 {strides = array<i32>} : memref<80x128xf32, #tpu.memory_space<vmem>>, vector<16xf32>,
        %mul3A_937 = arith.constant 16 : i32
        %mul3A_938 = arith.muli %scan3A_218, %mul3A_937 : i32
        %add3A_939 = arith.constant 4 : i32
        %add3A_940 = arith.addi %mul3A_938, %add3A_939 : i32
        %slice3A_941 = vector.extract_strided_slice %get3A_223 {offsets = [4], sizes = [1], strides = [1]} : vector<16xi32> to vector<1xi32>
        %squeeze3A_942 = vector.extract %slice3A_941[0] : i32 from vector<1xi32>
        %and3A_943 = arith.constant 31 : i32
        %and3A_944 = arith.andi %squeeze3A_942, %and3A_943 : i32
        %mul3A_945 = arith.constant 4 : i32
        %mul3A_946 = arith.muli %and3A_944, %mul3A_945 : i32
        %shift_right_logical3A_947 = arith.constant 4 : i32
        %shift_right_logical3A_948 = arith.shrui %mul3A_946, %shift_right_logical3A_947 : i32
        %and3A_949 = arith.constant 15 : i32
        %and3A_950 = arith.andi %mul3A_946, %and3A_949 : i32
        %broadcast_in_dim3A_951 = vector.broadcast %and3A_950 : i32 to vector<16xi32>
        %get3A_952 = arith.index_cast %add3A_940 : i32 to index
        %get3A_953 = arith.constant 0 : index
        %get3A_954 = tpu.vector_load %arg8[%get3A_952, %get3A_953] {strides = array<i32>} : memref<80x128xf32, #tpu.memory_space<vmem>>, vector<16xf32>,
        %get3A_955 = arith.index_cast %add3A_940 : i32 to index
        %get3A_956 = arith.constant 16 : index
        %get3A_957 = tpu.vector_load %arg8[%get3A_955, %get3A_956] {strides = array<i32>} : memref<80x128xf32, #tpu.memory_space<vmem>>, vector<16xf32>,
        %get3A_958 = arith.index_cast %add3A_940 : i32 to index
        %get3A_959 = arith.constant 0 : index
        %get3A_960 = tpu.vector_load %arg9[%get3A_958, %get3A_959] {strides = array<i32>} : memref<80x256xf32, #tpu.memory_space<vmem>>, vector<16xf32>,
        %get3A_961 = arith.index_cast %add3A_940 : i32 to index
        %get3A_962 = arith.constant 16 : index
        %get3A_963 = tpu.vector_load %arg9[%get3A_961, %get3A_962] {strides = array<i32>} : memref<80x256xf32, #tpu.memory_space<vmem>>, vector<16xf32>,
        %mul3A_964 = arith.mulf %get3A_954, %get3A_960 : vector<16xf32>
        %mul3A_965 = arith.mulf %get3A_957, %get3A_963 : vector<16xf32>
        %add3A_966 = arith.addf %mul3A_964, %mul3A_965 : vector<16xf32>
        %reduce_sum3A_967 = arith.constant true
        %reduce_sum3A_968 = vector.broadcast %reduce_sum3A_967 : i1 to vector<16xi1>
        %reduce_sum3A_969 = tpu.scan <sum>, %add3A_966 masked %reduce_sum3A_968 : vector<16xf32>, vector<16xi1> -> vector<16xf32>
        %reduce_sum3A_970 = vector.extract %reduce_sum3A_969[15] : f32 from vector<16xf32>
        %broadcast_in_dim3A_971 = vector.broadcast %reduce_sum3A_970 : f32 to vector<16xf32>
        %exp3A_972 = math.exp %broadcast_in_dim3A_971 : vector<16xf32>
        %get3A_973 = arith.index_cast %add3A_940 : i32 to index
        %get3A_974 = arith.constant 128 : index
        %get3A_975 = tpu.vector_load %arg9[%get3A_973, %get3A_974] {strides = array<i32>} : memref<80x256xf32, #tpu.memory_space<vmem>>, vector<16xf32>,
        %get3A_976 = arith.index_cast %add3A_940 : i32 to index
        %get3A_977 = arith.constant 144 : index
        %get3A_978 = tpu.vector_load %arg9[%get3A_976, %get3A_977] {strides = array<i32>} : memref<80x256xf32, #tpu.memory_space<vmem>>, vector<16xf32>,
        %mul3A_979 = arith.mulf %get3A_975, %exp3A_972 : vector<16xf32>
        %swap3A_980 = arith.index_cast %add3A_940 : i32 to index
        %swap3A_981 = arith.constant 0 : index
        %swap3A_982 = tpu.vector_load %arg8[%swap3A_980, %swap3A_981] {strides = array<i32>} : memref<80x128xf32, #tpu.memory_space<vmem>>, vector<16xf32>,
        tpu.vector_store %arg8[%swap3A_980, %swap3A_981], %mul3A_979 {strides = array<i32>} : memref<80x128xf32, #tpu.memory_space<vmem>>, vector<16xf32>,
        %mul3A_983 = arith.mulf %get3A_978, %exp3A_972 : vector<16xf32>
        %swap3A_984 = arith.index_cast %add3A_940 : i32 to index
        %swap3A_985 = arith.constant 16 : index
        %swap3A_986 = tpu.vector_load %arg8[%swap3A_984, %swap3A_985] {strides = array<i32>} : memref<80x128xf32, #tpu.memory_space<vmem>>, vector<16xf32>,
        tpu.vector_store %arg8[%swap3A_984, %swap3A_985], %mul3A_983 {strides = array<i32>} : memref<80x128xf32, #tpu.memory_space<vmem>>, vector<16xf32>,
        %add3A_987 = arith.constant 0 : i32
        %add3A_988 = vector.broadcast %add3A_987 : i32 to vector<16xi32>
        %add3A_989 = arith.addi %broadcast_in_dim3A_951, %add3A_988 : vector<16xi32>
        %eq3A_990 = arith.cmpi eq, %iota3A, %add3A_989 : vector<16xi32>
        %select_n3A_991 = arith.select %eq3A_990, %exp3A_972, %broadcast_in_dim3A_1 : vector<16xi1>, vector<16xf32>
        %get3A_992 = arith.index_cast %add3A_940 : i32 to index
        %get3A_993 = arith.constant 32 : index
        %get3A_994 = tpu.vector_load %arg8[%get3A_992, %get3A_993] {strides = array<i32>} : memref<80x128xf32, #tpu.memory_space<vmem>>, vector<16xf32>,
        %get3A_995 = arith.index_cast %add3A_940 : i32 to index
        %get3A_996 = arith.constant 48 : index
        %get3A_997 = tpu.vector_load %arg8[%get3A_995, %get3A_996] {strides = array<i32>} : memref<80x128xf32, #tpu.memory_space<vmem>>, vector<16xf32>,
        %get3A_998 = arith.index_cast %add3A_940 : i32 to index
        %get3A_999 = arith.constant 32 : index
        %get3A_1000 = tpu.vector_load %arg9[%get3A_998, %get3A_999] {strides = array<i32>} : memref<80x256xf32, #tpu.memory_space<vmem>>, vector<16xf32>,
        %get3A_1001 = arith.index_cast %add3A_940 : i32 to index
        %get3A_1002 = arith.constant 48 : index
        %get3A_1003 = tpu.vector_load %arg9[%get3A_1001, %get3A_1002] {strides = array<i32>} : memref<80x256xf32, #tpu.memory_space<vmem>>, vector<16xf32>,
        %mul3A_1004 = arith.mulf %get3A_994, %get3A_1000 : vector<16xf32>
        %mul3A_1005 = arith.mulf %get3A_997, %get3A_1003 : vector<16xf32>
        %add3A_1006 = arith.addf %mul3A_1004, %mul3A_1005 : vector<16xf32>
        %reduce_sum3A_1007 = arith.constant true
        %reduce_sum3A_1008 = vector.broadcast %reduce_sum3A_1007 : i1 to vector<16xi1>
        %reduce_sum3A_1009 = tpu.scan <sum>, %add3A_1006 masked %reduce_sum3A_1008 : vector<16xf32>, vector<16xi1> -> vector<16xf32>
        %reduce_sum3A_1010 = vector.extract %reduce_sum3A_1009[15] : f32 from vector<16xf32>
        %broadcast_in_dim3A_1011 = vector.broadcast %reduce_sum3A_1010 : f32 to vector<16xf32>
        %exp3A_1012 = math.exp %broadcast_in_dim3A_1011 : vector<16xf32>
        %get3A_1013 = arith.index_cast %add3A_940 : i32 to index
        %get3A_1014 = arith.constant 160 : index
        %get3A_1015 = tpu.vector_load %arg9[%get3A_1013, %get3A_1014] {strides = array<i32>} : memref<80x256xf32, #tpu.memory_space<vmem>>, vector<16xf32>,
        %get3A_1016 = arith.index_cast %add3A_940 : i32 to index
        %get3A_1017 = arith.constant 176 : index
        %get3A_1018 = tpu.vector_load %arg9[%get3A_1016, %get3A_1017] {strides = array<i32>} : memref<80x256xf32, #tpu.memory_space<vmem>>, vector<16xf32>,
        %mul3A_1019 = arith.mulf %get3A_1015, %exp3A_1012 : vector<16xf32>
        %swap3A_1020 = arith.index_cast %add3A_940 : i32 to index
        %swap3A_1021 = arith.constant 32 : index
        %swap3A_1022 = tpu.vector_load %arg8[%swap3A_1020, %swap3A_1021] {strides = array<i32>} : memref<80x128xf32, #tpu.memory_space<vmem>>, vector<16xf32>,
        tpu.vector_store %arg8[%swap3A_1020, %swap3A_1021], %mul3A_1019 {strides = array<i32>} : memref<80x128xf32, #tpu.memory_space<vmem>>, vector<16xf32>,
        %mul3A_1023 = arith.mulf %get3A_1018, %exp3A_1012 : vector<16xf32>
        %swap3A_1024 = arith.index_cast %add3A_940 : i32 to index
        %swap3A_1025 = arith.constant 48 : index
        %swap3A_1026 = tpu.vector_load %arg8[%swap3A_1024, %swap3A_1025] {strides = array<i32>} : memref<80x128xf32, #tpu.memory_space<vmem>>, vector<16xf32>,
        tpu.vector_store %arg8[%swap3A_1024, %swap3A_1025], %mul3A_1023 {strides = array<i32>} : memref<80x128xf32, #tpu.memory_space<vmem>>, vector<16xf32>,
        %add3A_1027 = arith.constant 1 : i32
        %add3A_1028 = vector.broadcast %add3A_1027 : i32 to vector<16xi32>
        %add3A_1029 = arith.addi %broadcast_in_dim3A_951, %add3A_1028 : vector<16xi32>
        %eq3A_1030 = arith.cmpi eq, %iota3A, %add3A_1029 : vector<16xi32>
        %select_n3A_1031 = arith.select %eq3A_1030, %exp3A_1012, %select_n3A_991 : vector<16xi1>, vector<16xf32>
        %get3A_1032 = arith.index_cast %add3A_940 : i32 to index
        %get3A_1033 = arith.constant 64 : index
        %get3A_1034 = tpu.vector_load %arg8[%get3A_1032, %get3A_1033] {strides = array<i32>} : memref<80x128xf32, #tpu.memory_space<vmem>>, vector<16xf32>,
        %get3A_1035 = arith.index_cast %add3A_940 : i32 to index
        %get3A_1036 = arith.constant 80 : index
        %get3A_1037 = tpu.vector_load %arg8[%get3A_1035, %get3A_1036] {strides = array<i32>} : memref<80x128xf32, #tpu.memory_space<vmem>>, vector<16xf32>,
        %get3A_1038 = arith.index_cast %add3A_940 : i32 to index
        %get3A_1039 = arith.constant 64 : index
        %get3A_1040 = tpu.vector_load %arg9[%get3A_1038, %get3A_1039] {strides = array<i32>} : memref<80x256xf32, #tpu.memory_space<vmem>>, vector<16xf32>,
        %get3A_1041 = arith.index_cast %add3A_940 : i32 to index
        %get3A_1042 = arith.constant 80 : index
        %get3A_1043 = tpu.vector_load %arg9[%get3A_1041, %get3A_1042] {strides = array<i32>} : memref<80x256xf32, #tpu.memory_space<vmem>>, vector<16xf32>,
        %mul3A_1044 = arith.mulf %get3A_1034, %get3A_1040 : vector<16xf32>
        %mul3A_1045 = arith.mulf %get3A_1037, %get3A_1043 : vector<16xf32>
        %add3A_1046 = arith.addf %mul3A_1044, %mul3A_1045 : vector<16xf32>
        %reduce_sum3A_1047 = arith.constant true
        %reduce_sum3A_1048 = vector.broadcast %reduce_sum3A_1047 : i1 to vector<16xi1>
        %reduce_sum3A_1049 = tpu.scan <sum>, %add3A_1046 masked %reduce_sum3A_1048 : vector<16xf32>, vector<16xi1> -> vector<16xf32>
        %reduce_sum3A_1050 = vector.extract %reduce_sum3A_1049[15] : f32 from vector<16xf32>
        %broadcast_in_dim3A_1051 = vector.broadcast %reduce_sum3A_1050 : f32 to vector<16xf32>
        %exp3A_1052 = math.exp %broadcast_in_dim3A_1051 : vector<16xf32>
        %get3A_1053 = arith.index_cast %add3A_940 : i32 to index
        %get3A_1054 = arith.constant 192 : index
        %get3A_1055 = tpu.vector_load %arg9[%get3A_1053, %get3A_1054] {strides = array<i32>} : memref<80x256xf32, #tpu.memory_space<vmem>>, vector<16xf32>,
        %get3A_1056 = arith.index_cast %add3A_940 : i32 to index
        %get3A_1057 = arith.constant 208 : index
        %get3A_1058 = tpu.vector_load %arg9[%get3A_1056, %get3A_1057] {strides = array<i32>} : memref<80x256xf32, #tpu.memory_space<vmem>>, vector<16xf32>,
        %mul3A_1059 = arith.mulf %get3A_1055, %exp3A_1052 : vector<16xf32>
        %swap3A_1060 = arith.index_cast %add3A_940 : i32 to index
        %swap3A_1061 = arith.constant 64 : index
        %swap3A_1062 = tpu.vector_load %arg8[%swap3A_1060, %swap3A_1061] {strides = array<i32>} : memref<80x128xf32, #tpu.memory_space<vmem>>, vector<16xf32>,
        tpu.vector_store %arg8[%swap3A_1060, %swap3A_1061], %mul3A_1059 {strides = array<i32>} : memref<80x128xf32, #tpu.memory_space<vmem>>, vector<16xf32>,
        %mul3A_1063 = arith.mulf %get3A_1058, %exp3A_1052 : vector<16xf32>
        %swap3A_1064 = arith.index_cast %add3A_940 : i32 to index
        %swap3A_1065 = arith.constant 80 : index
        %swap3A_1066 = tpu.vector_load %arg8[%swap3A_1064, %swap3A_1065] {strides = array<i32>} : memref<80x128xf32, #tpu.memory_space<vmem>>, vector<16xf32>,
        tpu.vector_store %arg8[%swap3A_1064, %swap3A_1065], %mul3A_1063 {strides = array<i32>} : memref<80x128xf32, #tpu.memory_space<vmem>>, vector<16xf32>,
        %add3A_1067 = arith.constant 2 : i32
        %add3A_1068 = vector.broadcast %add3A_1067 : i32 to vector<16xi32>
        %add3A_1069 = arith.addi %broadcast_in_dim3A_951, %add3A_1068 : vector<16xi32>
        %eq3A_1070 = arith.cmpi eq, %iota3A, %add3A_1069 : vector<16xi32>
        %select_n3A_1071 = arith.select %eq3A_1070, %exp3A_1052, %select_n3A_1031 : vector<16xi1>, vector<16xf32>
        %get3A_1072 = arith.index_cast %add3A_940 : i32 to index
        %get3A_1073 = arith.constant 96 : index
        %get3A_1074 = tpu.vector_load %arg8[%get3A_1072, %get3A_1073] {strides = array<i32>} : memref<80x128xf32, #tpu.memory_space<vmem>>, vector<16xf32>,
        %get3A_1075 = arith.index_cast %add3A_940 : i32 to index
        %get3A_1076 = arith.constant 112 : index
        %get3A_1077 = tpu.vector_load %arg8[%get3A_1075, %get3A_1076] {strides = array<i32>} : memref<80x128xf32, #tpu.memory_space<vmem>>, vector<16xf32>,
        %get3A_1078 = arith.index_cast %add3A_940 : i32 to index
        %get3A_1079 = arith.constant 96 : index
        %get3A_1080 = tpu.vector_load %arg9[%get3A_1078, %get3A_1079] {strides = array<i32>} : memref<80x256xf32, #tpu.memory_space<vmem>>, vector<16xf32>,
        %get3A_1081 = arith.index_cast %add3A_940 : i32 to index
        %get3A_1082 = arith.constant 112 : index
        %get3A_1083 = tpu.vector_load %arg9[%get3A_1081, %get3A_1082] {strides = array<i32>} : memref<80x256xf32, #tpu.memory_space<vmem>>, vector<16xf32>,
        %mul3A_1084 = arith.mulf %get3A_1074, %get3A_1080 : vector<16xf32>
        %mul3A_1085 = arith.mulf %get3A_1077, %get3A_1083 : vector<16xf32>
        %add3A_1086 = arith.addf %mul3A_1084, %mul3A_1085 : vector<16xf32>
        %reduce_sum3A_1087 = arith.constant true
        %reduce_sum3A_1088 = vector.broadcast %reduce_sum3A_1087 : i1 to vector<16xi1>
        %reduce_sum3A_1089 = tpu.scan <sum>, %add3A_1086 masked %reduce_sum3A_1088 : vector<16xf32>, vector<16xi1> -> vector<16xf32>
        %reduce_sum3A_1090 = vector.extract %reduce_sum3A_1089[15] : f32 from vector<16xf32>
        %broadcast_in_dim3A_1091 = vector.broadcast %reduce_sum3A_1090 : f32 to vector<16xf32>
        %exp3A_1092 = math.exp %broadcast_in_dim3A_1091 : vector<16xf32>
        %get3A_1093 = arith.index_cast %add3A_940 : i32 to index
        %get3A_1094 = arith.constant 224 : index
        %get3A_1095 = tpu.vector_load %arg9[%get3A_1093, %get3A_1094] {strides = array<i32>} : memref<80x256xf32, #tpu.memory_space<vmem>>, vector<16xf32>,
        %get3A_1096 = arith.index_cast %add3A_940 : i32 to index
        %get3A_1097 = arith.constant 240 : index
        %get3A_1098 = tpu.vector_load %arg9[%get3A_1096, %get3A_1097] {strides = array<i32>} : memref<80x256xf32, #tpu.memory_space<vmem>>, vector<16xf32>,
        %mul3A_1099 = arith.mulf %get3A_1095, %exp3A_1092 : vector<16xf32>
        %swap3A_1100 = arith.index_cast %add3A_940 : i32 to index
        %swap3A_1101 = arith.constant 96 : index
        %swap3A_1102 = tpu.vector_load %arg8[%swap3A_1100, %swap3A_1101] {strides = array<i32>} : memref<80x128xf32, #tpu.memory_space<vmem>>, vector<16xf32>,
        tpu.vector_store %arg8[%swap3A_1100, %swap3A_1101], %mul3A_1099 {strides = array<i32>} : memref<80x128xf32, #tpu.memory_space<vmem>>, vector<16xf32>,
        %mul3A_1103 = arith.mulf %get3A_1098, %exp3A_1092 : vector<16xf32>
        %swap3A_1104 = arith.index_cast %add3A_940 : i32 to index
        %swap3A_1105 = arith.constant 112 : index
        %swap3A_1106 = tpu.vector_load %arg8[%swap3A_1104, %swap3A_1105] {strides = array<i32>} : memref<80x128xf32, #tpu.memory_space<vmem>>, vector<16xf32>,
        tpu.vector_store %arg8[%swap3A_1104, %swap3A_1105], %mul3A_1103 {strides = array<i32>} : memref<80x128xf32, #tpu.memory_space<vmem>>, vector<16xf32>,
        %add3A_1107 = arith.constant 3 : i32
        %add3A_1108 = vector.broadcast %add3A_1107 : i32 to vector<16xi32>
        %add3A_1109 = arith.addi %broadcast_in_dim3A_951, %add3A_1108 : vector<16xi32>
        %eq3A_1110 = arith.cmpi eq, %iota3A, %add3A_1109 : vector<16xi32>
        %select_n3A_1111 = arith.select %eq3A_1110, %exp3A_1092, %select_n3A_1071 : vector<16xi1>, vector<16xf32>
        %mul3A_1112 = arith.constant 16 : i32
        %mul3A_1113 = arith.muli %shift_right_logical3A_948, %mul3A_1112 : i32
        %swap3A_1114 = arith.index_cast %add3A_940 : i32 to index
        %swap3A_1115 = arith.index_cast %mul3A_1113 : i32 to index
        %swap3A_1116 = tpu.vector_load %arg10[%swap3A_1114, %swap3A_1115] {strides = array<i32>} : memref<80x128xf32, #tpu.memory_space<vmem>>, vector<16xf32>,
        tpu.vector_store %arg10[%swap3A_1114, %swap3A_1115], %select_n3A_1111 {strides = array<i32>} : memref<80x128xf32, #tpu.memory_space<vmem>>, vector<16xf32>,
        %mul3A_1117 = arith.constant 16 : i32
        %mul3A_1118 = arith.muli %scan3A_218, %mul3A_1117 : i32
        %add3A_1119 = arith.constant 5 : i32
        %add3A_1120 = arith.addi %mul3A_1118, %add3A_1119 : i32
        %slice3A_1121 = vector.extract_strided_slice %get3A_223 {offsets = [5], sizes = [1], strides = [1]} : vector<16xi32> to vector<1xi32>
        %squeeze3A_1122 = vector.extract %slice3A_1121[0] : i32 from vector<1xi32>
        %and3A_1123 = arith.constant 31 : i32
        %and3A_1124 = arith.andi %squeeze3A_1122, %and3A_1123 : i32
        %mul3A_1125 = arith.constant 4 : i32
        %mul3A_1126 = arith.muli %and3A_1124, %mul3A_1125 : i32
        %shift_right_logical3A_1127 = arith.constant 4 : i32
        %shift_right_logical3A_1128 = arith.shrui %mul3A_1126, %shift_right_logical3A_1127 : i32
        %and3A_1129 = arith.constant 15 : i32
        %and3A_1130 = arith.andi %mul3A_1126, %and3A_1129 : i32
        %broadcast_in_dim3A_1131 = vector.broadcast %and3A_1130 : i32 to vector<16xi32>
        %get3A_1132 = arith.index_cast %add3A_1120 : i32 to index
        %get3A_1133 = arith.constant 0 : index
        %get3A_1134 = tpu.vector_load %arg8[%get3A_1132, %get3A_1133] {strides = array<i32>} : memref<80x128xf32, #tpu.memory_space<vmem>>, vector<16xf32>,
        %get3A_1135 = arith.index_cast %add3A_1120 : i32 to index
        %get3A_1136 = arith.constant 16 : index
        %get3A_1137 = tpu.vector_load %arg8[%get3A_1135, %get3A_1136] {strides = array<i32>} : memref<80x128xf32, #tpu.memory_space<vmem>>, vector<16xf32>,
        %get3A_1138 = arith.index_cast %add3A_1120 : i32 to index
        %get3A_1139 = arith.constant 0 : index
        %get3A_1140 = tpu.vector_load %arg9[%get3A_1138, %get3A_1139] {strides = array<i32>} : memref<80x256xf32, #tpu.memory_space<vmem>>, vector<16xf32>,
        %get3A_1141 = arith.index_cast %add3A_1120 : i32 to index
        %get3A_1142 = arith.constant 16 : index
        %get3A_1143 = tpu.vector_load %arg9[%get3A_1141, %get3A_1142] {strides = array<i32>} : memref<80x256xf32, #tpu.memory_space<vmem>>, vector<16xf32>,
        %mul3A_1144 = arith.mulf %get3A_1134, %get3A_1140 : vector<16xf32>
        %mul3A_1145 = arith.mulf %get3A_1137, %get3A_1143 : vector<16xf32>
        %add3A_1146 = arith.addf %mul3A_1144, %mul3A_1145 : vector<16xf32>
        %reduce_sum3A_1147 = arith.constant true
        %reduce_sum3A_1148 = vector.broadcast %reduce_sum3A_1147 : i1 to vector<16xi1>
        %reduce_sum3A_1149 = tpu.scan <sum>, %add3A_1146 masked %reduce_sum3A_1148 : vector<16xf32>, vector<16xi1> -> vector<16xf32>
        %reduce_sum3A_1150 = vector.extract %reduce_sum3A_1149[15] : f32 from vector<16xf32>
        %broadcast_in_dim3A_1151 = vector.broadcast %reduce_sum3A_1150 : f32 to vector<16xf32>
        %exp3A_1152 = math.exp %broadcast_in_dim3A_1151 : vector<16xf32>
        %get3A_1153 = arith.index_cast %add3A_1120 : i32 to index
        %get3A_1154 = arith.constant 128 : index
        %get3A_1155 = tpu.vector_load %arg9[%get3A_1153, %get3A_1154] {strides = array<i32>} : memref<80x256xf32, #tpu.memory_space<vmem>>, vector<16xf32>,
        %get3A_1156 = arith.index_cast %add3A_1120 : i32 to index
        %get3A_1157 = arith.constant 144 : index
        %get3A_1158 = tpu.vector_load %arg9[%get3A_1156, %get3A_1157] {strides = array<i32>} : memref<80x256xf32, #tpu.memory_space<vmem>>, vector<16xf32>,
        %mul3A_1159 = arith.mulf %get3A_1155, %exp3A_1152 : vector<16xf32>
        %swap3A_1160 = arith.index_cast %add3A_1120 : i32 to index
        %swap3A_1161 = arith.constant 0 : index
        %swap3A_1162 = tpu.vector_load %arg8[%swap3A_1160, %swap3A_1161] {strides = array<i32>} : memref<80x128xf32, #tpu.memory_space<vmem>>, vector<16xf32>,
        tpu.vector_store %arg8[%swap3A_1160, %swap3A_1161], %mul3A_1159 {strides = array<i32>} : memref<80x128xf32, #tpu.memory_space<vmem>>, vector<16xf32>,
        %mul3A_1163 = arith.mulf %get3A_1158, %exp3A_1152 : vector<16xf32>
        %swap3A_1164 = arith.index_cast %add3A_1120 : i32 to index
        %swap3A_1165 = arith.constant 16 : index
        %swap3A_1166 = tpu.vector_load %arg8[%swap3A_1164, %swap3A_1165] {strides = array<i32>} : memref<80x128xf32, #tpu.memory_space<vmem>>, vector<16xf32>,
        tpu.vector_store %arg8[%swap3A_1164, %swap3A_1165], %mul3A_1163 {strides = array<i32>} : memref<80x128xf32, #tpu.memory_space<vmem>>, vector<16xf32>,
        %add3A_1167 = arith.constant 0 : i32
        %add3A_1168 = vector.broadcast %add3A_1167 : i32 to vector<16xi32>
        %add3A_1169 = arith.addi %broadcast_in_dim3A_1131, %add3A_1168 : vector<16xi32>
        %eq3A_1170 = arith.cmpi eq, %iota3A, %add3A_1169 : vector<16xi32>
        %select_n3A_1171 = arith.select %eq3A_1170, %exp3A_1152, %broadcast_in_dim3A_1 : vector<16xi1>, vector<16xf32>
        %get3A_1172 = arith.index_cast %add3A_1120 : i32 to index
        %get3A_1173 = arith.constant 32 : index
        %get3A_1174 = tpu.vector_load %arg8[%get3A_1172, %get3A_1173] {strides = array<i32>} : memref<80x128xf32, #tpu.memory_space<vmem>>, vector<16xf32>,
        %get3A_1175 = arith.index_cast %add3A_1120 : i32 to index
        %get3A_1176 = arith.constant 48 : index
        %get3A_1177 = tpu.vector_load %arg8[%get3A_1175, %get3A_1176] {strides = array<i32>} : memref<80x128xf32, #tpu.memory_space<vmem>>, vector<16xf32>,
        %get3A_1178 = arith.index_cast %add3A_1120 : i32 to index
        %get3A_1179 = arith.constant 32 : index
        %get3A_1180 = tpu.vector_load %arg9[%get3A_1178, %get3A_1179] {strides = array<i32>} : memref<80x256xf32, #tpu.memory_space<vmem>>, vector<16xf32>,
        %get3A_1181 = arith.index_cast %add3A_1120 : i32 to index
        %get3A_1182 = arith.constant 48 : index
        %get3A_1183 = tpu.vector_load %arg9[%get3A_1181, %get3A_1182] {strides = array<i32>} : memref<80x256xf32, #tpu.memory_space<vmem>>, vector<16xf32>,
        %mul3A_1184 = arith.mulf %get3A_1174, %get3A_1180 : vector<16xf32>
        %mul3A_1185 = arith.mulf %get3A_1177, %get3A_1183 : vector<16xf32>
        %add3A_1186 = arith.addf %mul3A_1184, %mul3A_1185 : vector<16xf32>
        %reduce_sum3A_1187 = arith.constant true
        %reduce_sum3A_1188 = vector.broadcast %reduce_sum3A_1187 : i1 to vector<16xi1>
        %reduce_sum3A_1189 = tpu.scan <sum>, %add3A_1186 masked %reduce_sum3A_1188 : vector<16xf32>, vector<16xi1> -> vector<16xf32>
        %reduce_sum3A_1190 = vector.extract %reduce_sum3A_1189[15] : f32 from vector<16xf32>
        %broadcast_in_dim3A_1191 = vector.broadcast %reduce_sum3A_1190 : f32 to vector<16xf32>
        %exp3A_1192 = math.exp %broadcast_in_dim3A_1191 : vector<16xf32>
        %get3A_1193 = arith.index_cast %add3A_1120 : i32 to index
        %get3A_1194 = arith.constant 160 : index
        %get3A_1195 = tpu.vector_load %arg9[%get3A_1193, %get3A_1194] {strides = array<i32>} : memref<80x256xf32, #tpu.memory_space<vmem>>, vector<16xf32>,
        %get3A_1196 = arith.index_cast %add3A_1120 : i32 to index
        %get3A_1197 = arith.constant 176 : index
        %get3A_1198 = tpu.vector_load %arg9[%get3A_1196, %get3A_1197] {strides = array<i32>} : memref<80x256xf32, #tpu.memory_space<vmem>>, vector<16xf32>,
        %mul3A_1199 = arith.mulf %get3A_1195, %exp3A_1192 : vector<16xf32>
        %swap3A_1200 = arith.index_cast %add3A_1120 : i32 to index
        %swap3A_1201 = arith.constant 32 : index
        %swap3A_1202 = tpu.vector_load %arg8[%swap3A_1200, %swap3A_1201] {strides = array<i32>} : memref<80x128xf32, #tpu.memory_space<vmem>>, vector<16xf32>,
        tpu.vector_store %arg8[%swap3A_1200, %swap3A_1201], %mul3A_1199 {strides = array<i32>} : memref<80x128xf32, #tpu.memory_space<vmem>>, vector<16xf32>,
        %mul3A_1203 = arith.mulf %get3A_1198, %exp3A_1192 : vector<16xf32>
        %swap3A_1204 = arith.index_cast %add3A_1120 : i32 to index
        %swap3A_1205 = arith.constant 48 : index
        %swap3A_1206 = tpu.vector_load %arg8[%swap3A_1204, %swap3A_1205] {strides = array<i32>} : memref<80x128xf32, #tpu.memory_space<vmem>>, vector<16xf32>,
        tpu.vector_store %arg8[%swap3A_1204, %swap3A_1205], %mul3A_1203 {strides = array<i32>} : memref<80x128xf32, #tpu.memory_space<vmem>>, vector<16xf32>,
        %add3A_1207 = arith.constant 1 : i32
        %add3A_1208 = vector.broadcast %add3A_1207 : i32 to vector<16xi32>
        %add3A_1209 = arith.addi %broadcast_in_dim3A_1131, %add3A_1208 : vector<16xi32>
        %eq3A_1210 = arith.cmpi eq, %iota3A, %add3A_1209 : vector<16xi32>
        %select_n3A_1211 = arith.select %eq3A_1210, %exp3A_1192, %select_n3A_1171 : vector<16xi1>, vector<16xf32>
        %get3A_1212 = arith.index_cast %add3A_1120 : i32 to index
        %get3A_1213 = arith.constant 64 : index
        %get3A_1214 = tpu.vector_load %arg8[%get3A_1212, %get3A_1213] {strides = array<i32>} : memref<80x128xf32, #tpu.memory_space<vmem>>, vector<16xf32>,
        %get3A_1215 = arith.index_cast %add3A_1120 : i32 to index
        %get3A_1216 = arith.constant 80 : index
        %get3A_1217 = tpu.vector_load %arg8[%get3A_1215, %get3A_1216] {strides = array<i32>} : memref<80x128xf32, #tpu.memory_space<vmem>>, vector<16xf32>,
        %get3A_1218 = arith.index_cast %add3A_1120 : i32 to index
        %get3A_1219 = arith.constant 64 : index
        %get3A_1220 = tpu.vector_load %arg9[%get3A_1218, %get3A_1219] {strides = array<i32>} : memref<80x256xf32, #tpu.memory_space<vmem>>, vector<16xf32>,
        %get3A_1221 = arith.index_cast %add3A_1120 : i32 to index
        %get3A_1222 = arith.constant 80 : index
        %get3A_1223 = tpu.vector_load %arg9[%get3A_1221, %get3A_1222] {strides = array<i32>} : memref<80x256xf32, #tpu.memory_space<vmem>>, vector<16xf32>,
        %mul3A_1224 = arith.mulf %get3A_1214, %get3A_1220 : vector<16xf32>
        %mul3A_1225 = arith.mulf %get3A_1217, %get3A_1223 : vector<16xf32>
        %add3A_1226 = arith.addf %mul3A_1224, %mul3A_1225 : vector<16xf32>
        %reduce_sum3A_1227 = arith.constant true
        %reduce_sum3A_1228 = vector.broadcast %reduce_sum3A_1227 : i1 to vector<16xi1>
        %reduce_sum3A_1229 = tpu.scan <sum>, %add3A_1226 masked %reduce_sum3A_1228 : vector<16xf32>, vector<16xi1> -> vector<16xf32>
        %reduce_sum3A_1230 = vector.extract %reduce_sum3A_1229[15] : f32 from vector<16xf32>
        %broadcast_in_dim3A_1231 = vector.broadcast %reduce_sum3A_1230 : f32 to vector<16xf32>
        %exp3A_1232 = math.exp %broadcast_in_dim3A_1231 : vector<16xf32>
        %get3A_1233 = arith.index_cast %add3A_1120 : i32 to index
        %get3A_1234 = arith.constant 192 : index
        %get3A_1235 = tpu.vector_load %arg9[%get3A_1233, %get3A_1234] {strides = array<i32>} : memref<80x256xf32, #tpu.memory_space<vmem>>, vector<16xf32>,
        %get3A_1236 = arith.index_cast %add3A_1120 : i32 to index
        %get3A_1237 = arith.constant 208 : index
        %get3A_1238 = tpu.vector_load %arg9[%get3A_1236, %get3A_1237] {strides = array<i32>} : memref<80x256xf32, #tpu.memory_space<vmem>>, vector<16xf32>,
        %mul3A_1239 = arith.mulf %get3A_1235, %exp3A_1232 : vector<16xf32>
        %swap3A_1240 = arith.index_cast %add3A_1120 : i32 to index
        %swap3A_1241 = arith.constant 64 : index
        %swap3A_1242 = tpu.vector_load %arg8[%swap3A_1240, %swap3A_1241] {strides = array<i32>} : memref<80x128xf32, #tpu.memory_space<vmem>>, vector<16xf32>,
        tpu.vector_store %arg8[%swap3A_1240, %swap3A_1241], %mul3A_1239 {strides = array<i32>} : memref<80x128xf32, #tpu.memory_space<vmem>>, vector<16xf32>,
        %mul3A_1243 = arith.mulf %get3A_1238, %exp3A_1232 : vector<16xf32>
        %swap3A_1244 = arith.index_cast %add3A_1120 : i32 to index
        %swap3A_1245 = arith.constant 80 : index
        %swap3A_1246 = tpu.vector_load %arg8[%swap3A_1244, %swap3A_1245] {strides = array<i32>} : memref<80x128xf32, #tpu.memory_space<vmem>>, vector<16xf32>,
        tpu.vector_store %arg8[%swap3A_1244, %swap3A_1245], %mul3A_1243 {strides = array<i32>} : memref<80x128xf32, #tpu.memory_space<vmem>>, vector<16xf32>,
        %add3A_1247 = arith.constant 2 : i32
        %add3A_1248 = vector.broadcast %add3A_1247 : i32 to vector<16xi32>
        %add3A_1249 = arith.addi %broadcast_in_dim3A_1131, %add3A_1248 : vector<16xi32>
        %eq3A_1250 = arith.cmpi eq, %iota3A, %add3A_1249 : vector<16xi32>
        %select_n3A_1251 = arith.select %eq3A_1250, %exp3A_1232, %select_n3A_1211 : vector<16xi1>, vector<16xf32>
        %get3A_1252 = arith.index_cast %add3A_1120 : i32 to index
        %get3A_1253 = arith.constant 96 : index
        %get3A_1254 = tpu.vector_load %arg8[%get3A_1252, %get3A_1253] {strides = array<i32>} : memref<80x128xf32, #tpu.memory_space<vmem>>, vector<16xf32>,
        %get3A_1255 = arith.index_cast %add3A_1120 : i32 to index
        %get3A_1256 = arith.constant 112 : index
        %get3A_1257 = tpu.vector_load %arg8[%get3A_1255, %get3A_1256] {strides = array<i32>} : memref<80x128xf32, #tpu.memory_space<vmem>>, vector<16xf32>,
        %get3A_1258 = arith.index_cast %add3A_1120 : i32 to index
        %get3A_1259 = arith.constant 96 : index
        %get3A_1260 = tpu.vector_load %arg9[%get3A_1258, %get3A_1259] {strides = array<i32>} : memref<80x256xf32, #tpu.memory_space<vmem>>, vector<16xf32>,
        %get3A_1261 = arith.index_cast %add3A_1120 : i32 to index
        %get3A_1262 = arith.constant 112 : index
        %get3A_1263 = tpu.vector_load %arg9[%get3A_1261, %get3A_1262] {strides = array<i32>} : memref<80x256xf32, #tpu.memory_space<vmem>>, vector<16xf32>,
        %mul3A_1264 = arith.mulf %get3A_1254, %get3A_1260 : vector<16xf32>
        %mul3A_1265 = arith.mulf %get3A_1257, %get3A_1263 : vector<16xf32>
        %add3A_1266 = arith.addf %mul3A_1264, %mul3A_1265 : vector<16xf32>
        %reduce_sum3A_1267 = arith.constant true
        %reduce_sum3A_1268 = vector.broadcast %reduce_sum3A_1267 : i1 to vector<16xi1>
        %reduce_sum3A_1269 = tpu.scan <sum>, %add3A_1266 masked %reduce_sum3A_1268 : vector<16xf32>, vector<16xi1> -> vector<16xf32>
        %reduce_sum3A_1270 = vector.extract %reduce_sum3A_1269[15] : f32 from vector<16xf32>
        %broadcast_in_dim3A_1271 = vector.broadcast %reduce_sum3A_1270 : f32 to vector<16xf32>
        %exp3A_1272 = math.exp %broadcast_in_dim3A_1271 : vector<16xf32>
        %get3A_1273 = arith.index_cast %add3A_1120 : i32 to index
        %get3A_1274 = arith.constant 224 : index
        %get3A_1275 = tpu.vector_load %arg9[%get3A_1273, %get3A_1274] {strides = array<i32>} : memref<80x256xf32, #tpu.memory_space<vmem>>, vector<16xf32>,
        %get3A_1276 = arith.index_cast %add3A_1120 : i32 to index
        %get3A_1277 = arith.constant 240 : index
        %get3A_1278 = tpu.vector_load %arg9[%get3A_1276, %get3A_1277] {strides = array<i32>} : memref<80x256xf32, #tpu.memory_space<vmem>>, vector<16xf32>,
        %mul3A_1279 = arith.mulf %get3A_1275, %exp3A_1272 : vector<16xf32>
        %swap3A_1280 = arith.index_cast %add3A_1120 : i32 to index
        %swap3A_1281 = arith.constant 96 : index
        %swap3A_1282 = tpu.vector_load %arg8[%swap3A_1280, %swap3A_1281] {strides = array<i32>} : memref<80x128xf32, #tpu.memory_space<vmem>>, vector<16xf32>,
        tpu.vector_store %arg8[%swap3A_1280, %swap3A_1281], %mul3A_1279 {strides = array<i32>} : memref<80x128xf32, #tpu.memory_space<vmem>>, vector<16xf32>,
        %mul3A_1283 = arith.mulf %get3A_1278, %exp3A_1272 : vector<16xf32>
        %swap3A_1284 = arith.index_cast %add3A_1120 : i32 to index
        %swap3A_1285 = arith.constant 112 : index
        %swap3A_1286 = tpu.vector_load %arg8[%swap3A_1284, %swap3A_1285] {strides = array<i32>} : memref<80x128xf32, #tpu.memory_space<vmem>>, vector<16xf32>,
        tpu.vector_store %arg8[%swap3A_1284, %swap3A_1285], %mul3A_1283 {strides = array<i32>} : memref<80x128xf32, #tpu.memory_space<vmem>>, vector<16xf32>,
        %add3A_1287 = arith.constant 3 : i32
        %add3A_1288 = vector.broadcast %add3A_1287 : i32 to vector<16xi32>
        %add3A_1289 = arith.addi %broadcast_in_dim3A_1131, %add3A_1288 : vector<16xi32>
        %eq3A_1290 = arith.cmpi eq, %iota3A, %add3A_1289 : vector<16xi32>
        %select_n3A_1291 = arith.select %eq3A_1290, %exp3A_1272, %select_n3A_1251 : vector<16xi1>, vector<16xf32>
        %mul3A_1292 = arith.constant 16 : i32
        %mul3A_1293 = arith.muli %shift_right_logical3A_1128, %mul3A_1292 : i32
        %swap3A_1294 = arith.index_cast %add3A_1120 : i32 to index
        %swap3A_1295 = arith.index_cast %mul3A_1293 : i32 to index
        %swap3A_1296 = tpu.vector_load %arg10[%swap3A_1294, %swap3A_1295] {strides = array<i32>} : memref<80x128xf32, #tpu.memory_space<vmem>>, vector<16xf32>,
        tpu.vector_store %arg10[%swap3A_1294, %swap3A_1295], %select_n3A_1291 {strides = array<i32>} : memref<80x128xf32, #tpu.memory_space<vmem>>, vector<16xf32>,
        %mul3A_1297 = arith.constant 16 : i32
        %mul3A_1298 = arith.muli %scan3A_218, %mul3A_1297 : i32
        %add3A_1299 = arith.constant 6 : i32
        %add3A_1300 = arith.addi %mul3A_1298, %add3A_1299 : i32
        %slice3A_1301 = vector.extract_strided_slice %get3A_223 {offsets = [6], sizes = [1], strides = [1]} : vector<16xi32> to vector<1xi32>
        %squeeze3A_1302 = vector.extract %slice3A_1301[0] : i32 from vector<1xi32>
        %and3A_1303 = arith.constant 31 : i32
        %and3A_1304 = arith.andi %squeeze3A_1302, %and3A_1303 : i32
        %mul3A_1305 = arith.constant 4 : i32
        %mul3A_1306 = arith.muli %and3A_1304, %mul3A_1305 : i32
        %shift_right_logical3A_1307 = arith.constant 4 : i32
        %shift_right_logical3A_1308 = arith.shrui %mul3A_1306, %shift_right_logical3A_1307 : i32
        %and3A_1309 = arith.constant 15 : i32
        %and3A_1310 = arith.andi %mul3A_1306, %and3A_1309 : i32
        %broadcast_in_dim3A_1311 = vector.broadcast %and3A_1310 : i32 to vector<16xi32>
        %get3A_1312 = arith.index_cast %add3A_1300 : i32 to index
        %get3A_1313 = arith.constant 0 : index
        %get3A_1314 = tpu.vector_load %arg8[%get3A_1312, %get3A_1313] {strides = array<i32>} : memref<80x128xf32, #tpu.memory_space<vmem>>, vector<16xf32>,
        %get3A_1315 = arith.index_cast %add3A_1300 : i32 to index
        %get3A_1316 = arith.constant 16 : index
        %get3A_1317 = tpu.vector_load %arg8[%get3A_1315, %get3A_1316] {strides = array<i32>} : memref<80x128xf32, #tpu.memory_space<vmem>>, vector<16xf32>,
        %get3A_1318 = arith.index_cast %add3A_1300 : i32 to index
        %get3A_1319 = arith.constant 0 : index
        %get3A_1320 = tpu.vector_load %arg9[%get3A_1318, %get3A_1319] {strides = array<i32>} : memref<80x256xf32, #tpu.memory_space<vmem>>, vector<16xf32>,
        %get3A_1321 = arith.index_cast %add3A_1300 : i32 to index
        %get3A_1322 = arith.constant 16 : index
        %get3A_1323 = tpu.vector_load %arg9[%get3A_1321, %get3A_1322] {strides = array<i32>} : memref<80x256xf32, #tpu.memory_space<vmem>>, vector<16xf32>,
        %mul3A_1324 = arith.mulf %get3A_1314, %get3A_1320 : vector<16xf32>
        %mul3A_1325 = arith.mulf %get3A_1317, %get3A_1323 : vector<16xf32>
        %add3A_1326 = arith.addf %mul3A_1324, %mul3A_1325 : vector<16xf32>
        %reduce_sum3A_1327 = arith.constant true
        %reduce_sum3A_1328 = vector.broadcast %reduce_sum3A_1327 : i1 to vector<16xi1>
        %reduce_sum3A_1329 = tpu.scan <sum>, %add3A_1326 masked %reduce_sum3A_1328 : vector<16xf32>, vector<16xi1> -> vector<16xf32>
        %reduce_sum3A_1330 = vector.extract %reduce_sum3A_1329[15] : f32 from vector<16xf32>
        %broadcast_in_dim3A_1331 = vector.broadcast %reduce_sum3A_1330 : f32 to vector<16xf32>
        %exp3A_1332 = math.exp %broadcast_in_dim3A_1331 : vector<16xf32>
        %get3A_1333 = arith.index_cast %add3A_1300 : i32 to index
        %get3A_1334 = arith.constant 128 : index
        %get3A_1335 = tpu.vector_load %arg9[%get3A_1333, %get3A_1334] {strides = array<i32>} : memref<80x256xf32, #tpu.memory_space<vmem>>, vector<16xf32>,
        %get3A_1336 = arith.index_cast %add3A_1300 : i32 to index
        %get3A_1337 = arith.constant 144 : index
        %get3A_1338 = tpu.vector_load %arg9[%get3A_1336, %get3A_1337] {strides = array<i32>} : memref<80x256xf32, #tpu.memory_space<vmem>>, vector<16xf32>,
        %mul3A_1339 = arith.mulf %get3A_1335, %exp3A_1332 : vector<16xf32>
        %swap3A_1340 = arith.index_cast %add3A_1300 : i32 to index
        %swap3A_1341 = arith.constant 0 : index
        %swap3A_1342 = tpu.vector_load %arg8[%swap3A_1340, %swap3A_1341] {strides = array<i32>} : memref<80x128xf32, #tpu.memory_space<vmem>>, vector<16xf32>,
        tpu.vector_store %arg8[%swap3A_1340, %swap3A_1341], %mul3A_1339 {strides = array<i32>} : memref<80x128xf32, #tpu.memory_space<vmem>>, vector<16xf32>,
        %mul3A_1343 = arith.mulf %get3A_1338, %exp3A_1332 : vector<16xf32>
        %swap3A_1344 = arith.index_cast %add3A_1300 : i32 to index
        %swap3A_1345 = arith.constant 16 : index
        %swap3A_1346 = tpu.vector_load %arg8[%swap3A_1344, %swap3A_1345] {strides = array<i32>} : memref<80x128xf32, #tpu.memory_space<vmem>>, vector<16xf32>,
        tpu.vector_store %arg8[%swap3A_1344, %swap3A_1345], %mul3A_1343 {strides = array<i32>} : memref<80x128xf32, #tpu.memory_space<vmem>>, vector<16xf32>,
        %add3A_1347 = arith.constant 0 : i32
        %add3A_1348 = vector.broadcast %add3A_1347 : i32 to vector<16xi32>
        %add3A_1349 = arith.addi %broadcast_in_dim3A_1311, %add3A_1348 : vector<16xi32>
        %eq3A_1350 = arith.cmpi eq, %iota3A, %add3A_1349 : vector<16xi32>
        %select_n3A_1351 = arith.select %eq3A_1350, %exp3A_1332, %broadcast_in_dim3A_1 : vector<16xi1>, vector<16xf32>
        %get3A_1352 = arith.index_cast %add3A_1300 : i32 to index
        %get3A_1353 = arith.constant 32 : index
        %get3A_1354 = tpu.vector_load %arg8[%get3A_1352, %get3A_1353] {strides = array<i32>} : memref<80x128xf32, #tpu.memory_space<vmem>>, vector<16xf32>,
        %get3A_1355 = arith.index_cast %add3A_1300 : i32 to index
        %get3A_1356 = arith.constant 48 : index
        %get3A_1357 = tpu.vector_load %arg8[%get3A_1355, %get3A_1356] {strides = array<i32>} : memref<80x128xf32, #tpu.memory_space<vmem>>, vector<16xf32>,
        %get3A_1358 = arith.index_cast %add3A_1300 : i32 to index
        %get3A_1359 = arith.constant 32 : index
        %get3A_1360 = tpu.vector_load %arg9[%get3A_1358, %get3A_1359] {strides = array<i32>} : memref<80x256xf32, #tpu.memory_space<vmem>>, vector<16xf32>,
        %get3A_1361 = arith.index_cast %add3A_1300 : i32 to index
        %get3A_1362 = arith.constant 48 : index
        %get3A_1363 = tpu.vector_load %arg9[%get3A_1361, %get3A_1362] {strides = array<i32>} : memref<80x256xf32, #tpu.memory_space<vmem>>, vector<16xf32>,
        %mul3A_1364 = arith.mulf %get3A_1354, %get3A_1360 : vector<16xf32>
        %mul3A_1365 = arith.mulf %get3A_1357, %get3A_1363 : vector<16xf32>
        %add3A_1366 = arith.addf %mul3A_1364, %mul3A_1365 : vector<16xf32>
        %reduce_sum3A_1367 = arith.constant true
        %reduce_sum3A_1368 = vector.broadcast %reduce_sum3A_1367 : i1 to vector<16xi1>
        %reduce_sum3A_1369 = tpu.scan <sum>, %add3A_1366 masked %reduce_sum3A_1368 : vector<16xf32>, vector<16xi1> -> vector<16xf32>
        %reduce_sum3A_1370 = vector.extract %reduce_sum3A_1369[15] : f32 from vector<16xf32>
        %broadcast_in_dim3A_1371 = vector.broadcast %reduce_sum3A_1370 : f32 to vector<16xf32>
        %exp3A_1372 = math.exp %broadcast_in_dim3A_1371 : vector<16xf32>
        %get3A_1373 = arith.index_cast %add3A_1300 : i32 to index
        %get3A_1374 = arith.constant 160 : index
        %get3A_1375 = tpu.vector_load %arg9[%get3A_1373, %get3A_1374] {strides = array<i32>} : memref<80x256xf32, #tpu.memory_space<vmem>>, vector<16xf32>,
        %get3A_1376 = arith.index_cast %add3A_1300 : i32 to index
        %get3A_1377 = arith.constant 176 : index
        %get3A_1378 = tpu.vector_load %arg9[%get3A_1376, %get3A_1377] {strides = array<i32>} : memref<80x256xf32, #tpu.memory_space<vmem>>, vector<16xf32>,
        %mul3A_1379 = arith.mulf %get3A_1375, %exp3A_1372 : vector<16xf32>
        %swap3A_1380 = arith.index_cast %add3A_1300 : i32 to index
        %swap3A_1381 = arith.constant 32 : index
        %swap3A_1382 = tpu.vector_load %arg8[%swap3A_1380, %swap3A_1381] {strides = array<i32>} : memref<80x128xf32, #tpu.memory_space<vmem>>, vector<16xf32>,
        tpu.vector_store %arg8[%swap3A_1380, %swap3A_1381], %mul3A_1379 {strides = array<i32>} : memref<80x128xf32, #tpu.memory_space<vmem>>, vector<16xf32>,
        %mul3A_1383 = arith.mulf %get3A_1378, %exp3A_1372 : vector<16xf32>
        %swap3A_1384 = arith.index_cast %add3A_1300 : i32 to index
        %swap3A_1385 = arith.constant 48 : index
        %swap3A_1386 = tpu.vector_load %arg8[%swap3A_1384, %swap3A_1385] {strides = array<i32>} : memref<80x128xf32, #tpu.memory_space<vmem>>, vector<16xf32>,
        tpu.vector_store %arg8[%swap3A_1384, %swap3A_1385], %mul3A_1383 {strides = array<i32>} : memref<80x128xf32, #tpu.memory_space<vmem>>, vector<16xf32>,
        %add3A_1387 = arith.constant 1 : i32
        %add3A_1388 = vector.broadcast %add3A_1387 : i32 to vector<16xi32>
        %add3A_1389 = arith.addi %broadcast_in_dim3A_1311, %add3A_1388 : vector<16xi32>
        %eq3A_1390 = arith.cmpi eq, %iota3A, %add3A_1389 : vector<16xi32>
        %select_n3A_1391 = arith.select %eq3A_1390, %exp3A_1372, %select_n3A_1351 : vector<16xi1>, vector<16xf32>
        %get3A_1392 = arith.index_cast %add3A_1300 : i32 to index
        %get3A_1393 = arith.constant 64 : index
        %get3A_1394 = tpu.vector_load %arg8[%get3A_1392, %get3A_1393] {strides = array<i32>} : memref<80x128xf32, #tpu.memory_space<vmem>>, vector<16xf32>,
        %get3A_1395 = arith.index_cast %add3A_1300 : i32 to index
        %get3A_1396 = arith.constant 80 : index
        %get3A_1397 = tpu.vector_load %arg8[%get3A_1395, %get3A_1396] {strides = array<i32>} : memref<80x128xf32, #tpu.memory_space<vmem>>, vector<16xf32>,
        %get3A_1398 = arith.index_cast %add3A_1300 : i32 to index
        %get3A_1399 = arith.constant 64 : index
        %get3A_1400 = tpu.vector_load %arg9[%get3A_1398, %get3A_1399] {strides = array<i32>} : memref<80x256xf32, #tpu.memory_space<vmem>>, vector<16xf32>,
        %get3A_1401 = arith.index_cast %add3A_1300 : i32 to index
        %get3A_1402 = arith.constant 80 : index
        %get3A_1403 = tpu.vector_load %arg9[%get3A_1401, %get3A_1402] {strides = array<i32>} : memref<80x256xf32, #tpu.memory_space<vmem>>, vector<16xf32>,
        %mul3A_1404 = arith.mulf %get3A_1394, %get3A_1400 : vector<16xf32>
        %mul3A_1405 = arith.mulf %get3A_1397, %get3A_1403 : vector<16xf32>
        %add3A_1406 = arith.addf %mul3A_1404, %mul3A_1405 : vector<16xf32>
        %reduce_sum3A_1407 = arith.constant true
        %reduce_sum3A_1408 = vector.broadcast %reduce_sum3A_1407 : i1 to vector<16xi1>
        %reduce_sum3A_1409 = tpu.scan <sum>, %add3A_1406 masked %reduce_sum3A_1408 : vector<16xf32>, vector<16xi1> -> vector<16xf32>
        %reduce_sum3A_1410 = vector.extract %reduce_sum3A_1409[15] : f32 from vector<16xf32>
        %broadcast_in_dim3A_1411 = vector.broadcast %reduce_sum3A_1410 : f32 to vector<16xf32>
        %exp3A_1412 = math.exp %broadcast_in_dim3A_1411 : vector<16xf32>
        %get3A_1413 = arith.index_cast %add3A_1300 : i32 to index
        %get3A_1414 = arith.constant 192 : index
        %get3A_1415 = tpu.vector_load %arg9[%get3A_1413, %get3A_1414] {strides = array<i32>} : memref<80x256xf32, #tpu.memory_space<vmem>>, vector<16xf32>,
        %get3A_1416 = arith.index_cast %add3A_1300 : i32 to index
        %get3A_1417 = arith.constant 208 : index
        %get3A_1418 = tpu.vector_load %arg9[%get3A_1416, %get3A_1417] {strides = array<i32>} : memref<80x256xf32, #tpu.memory_space<vmem>>, vector<16xf32>,
        %mul3A_1419 = arith.mulf %get3A_1415, %exp3A_1412 : vector<16xf32>
        %swap3A_1420 = arith.index_cast %add3A_1300 : i32 to index
        %swap3A_1421 = arith.constant 64 : index
        %swap3A_1422 = tpu.vector_load %arg8[%swap3A_1420, %swap3A_1421] {strides = array<i32>} : memref<80x128xf32, #tpu.memory_space<vmem>>, vector<16xf32>,
        tpu.vector_store %arg8[%swap3A_1420, %swap3A_1421], %mul3A_1419 {strides = array<i32>} : memref<80x128xf32, #tpu.memory_space<vmem>>, vector<16xf32>,
        %mul3A_1423 = arith.mulf %get3A_1418, %exp3A_1412 : vector<16xf32>
        %swap3A_1424 = arith.index_cast %add3A_1300 : i32 to index
        %swap3A_1425 = arith.constant 80 : index
        %swap3A_1426 = tpu.vector_load %arg8[%swap3A_1424, %swap3A_1425] {strides = array<i32>} : memref<80x128xf32, #tpu.memory_space<vmem>>, vector<16xf32>,
        tpu.vector_store %arg8[%swap3A_1424, %swap3A_1425], %mul3A_1423 {strides = array<i32>} : memref<80x128xf32, #tpu.memory_space<vmem>>, vector<16xf32>,
        %add3A_1427 = arith.constant 2 : i32
        %add3A_1428 = vector.broadcast %add3A_1427 : i32 to vector<16xi32>
        %add3A_1429 = arith.addi %broadcast_in_dim3A_1311, %add3A_1428 : vector<16xi32>
        %eq3A_1430 = arith.cmpi eq, %iota3A, %add3A_1429 : vector<16xi32>
        %select_n3A_1431 = arith.select %eq3A_1430, %exp3A_1412, %select_n3A_1391 : vector<16xi1>, vector<16xf32>
        %get3A_1432 = arith.index_cast %add3A_1300 : i32 to index
        %get3A_1433 = arith.constant 96 : index
        %get3A_1434 = tpu.vector_load %arg8[%get3A_1432, %get3A_1433] {strides = array<i32>} : memref<80x128xf32, #tpu.memory_space<vmem>>, vector<16xf32>,
        %get3A_1435 = arith.index_cast %add3A_1300 : i32 to index
        %get3A_1436 = arith.constant 112 : index
        %get3A_1437 = tpu.vector_load %arg8[%get3A_1435, %get3A_1436] {strides = array<i32>} : memref<80x128xf32, #tpu.memory_space<vmem>>, vector<16xf32>,
        %get3A_1438 = arith.index_cast %add3A_1300 : i32 to index
        %get3A_1439 = arith.constant 96 : index
        %get3A_1440 = tpu.vector_load %arg9[%get3A_1438, %get3A_1439] {strides = array<i32>} : memref<80x256xf32, #tpu.memory_space<vmem>>, vector<16xf32>,
        %get3A_1441 = arith.index_cast %add3A_1300 : i32 to index
        %get3A_1442 = arith.constant 112 : index
        %get3A_1443 = tpu.vector_load %arg9[%get3A_1441, %get3A_1442] {strides = array<i32>} : memref<80x256xf32, #tpu.memory_space<vmem>>, vector<16xf32>,
        %mul3A_1444 = arith.mulf %get3A_1434, %get3A_1440 : vector<16xf32>
        %mul3A_1445 = arith.mulf %get3A_1437, %get3A_1443 : vector<16xf32>
        %add3A_1446 = arith.addf %mul3A_1444, %mul3A_1445 : vector<16xf32>
        %reduce_sum3A_1447 = arith.constant true
        %reduce_sum3A_1448 = vector.broadcast %reduce_sum3A_1447 : i1 to vector<16xi1>
        %reduce_sum3A_1449 = tpu.scan <sum>, %add3A_1446 masked %reduce_sum3A_1448 : vector<16xf32>, vector<16xi1> -> vector<16xf32>
        %reduce_sum3A_1450 = vector.extract %reduce_sum3A_1449[15] : f32 from vector<16xf32>
        %broadcast_in_dim3A_1451 = vector.broadcast %reduce_sum3A_1450 : f32 to vector<16xf32>
        %exp3A_1452 = math.exp %broadcast_in_dim3A_1451 : vector<16xf32>
        %get3A_1453 = arith.index_cast %add3A_1300 : i32 to index
        %get3A_1454 = arith.constant 224 : index
        %get3A_1455 = tpu.vector_load %arg9[%get3A_1453, %get3A_1454] {strides = array<i32>} : memref<80x256xf32, #tpu.memory_space<vmem>>, vector<16xf32>,
        %get3A_1456 = arith.index_cast %add3A_1300 : i32 to index
        %get3A_1457 = arith.constant 240 : index
        %get3A_1458 = tpu.vector_load %arg9[%get3A_1456, %get3A_1457] {strides = array<i32>} : memref<80x256xf32, #tpu.memory_space<vmem>>, vector<16xf32>,
        %mul3A_1459 = arith.mulf %get3A_1455, %exp3A_1452 : vector<16xf32>
        %swap3A_1460 = arith.index_cast %add3A_1300 : i32 to index
        %swap3A_1461 = arith.constant 96 : index
        %swap3A_1462 = tpu.vector_load %arg8[%swap3A_1460, %swap3A_1461] {strides = array<i32>} : memref<80x128xf32, #tpu.memory_space<vmem>>, vector<16xf32>,
        tpu.vector_store %arg8[%swap3A_1460, %swap3A_1461], %mul3A_1459 {strides = array<i32>} : memref<80x128xf32, #tpu.memory_space<vmem>>, vector<16xf32>,
        %mul3A_1463 = arith.mulf %get3A_1458, %exp3A_1452 : vector<16xf32>
        %swap3A_1464 = arith.index_cast %add3A_1300 : i32 to index
        %swap3A_1465 = arith.constant 112 : index
        %swap3A_1466 = tpu.vector_load %arg8[%swap3A_1464, %swap3A_1465] {strides = array<i32>} : memref<80x128xf32, #tpu.memory_space<vmem>>, vector<16xf32>,
        tpu.vector_store %arg8[%swap3A_1464, %swap3A_1465], %mul3A_1463 {strides = array<i32>} : memref<80x128xf32, #tpu.memory_space<vmem>>, vector<16xf32>,
        %add3A_1467 = arith.constant 3 : i32
        %add3A_1468 = vector.broadcast %add3A_1467 : i32 to vector<16xi32>
        %add3A_1469 = arith.addi %broadcast_in_dim3A_1311, %add3A_1468 : vector<16xi32>
        %eq3A_1470 = arith.cmpi eq, %iota3A, %add3A_1469 : vector<16xi32>
        %select_n3A_1471 = arith.select %eq3A_1470, %exp3A_1452, %select_n3A_1431 : vector<16xi1>, vector<16xf32>
        %mul3A_1472 = arith.constant 16 : i32
        %mul3A_1473 = arith.muli %shift_right_logical3A_1308, %mul3A_1472 : i32
        %swap3A_1474 = arith.index_cast %add3A_1300 : i32 to index
        %swap3A_1475 = arith.index_cast %mul3A_1473 : i32 to index
        %swap3A_1476 = tpu.vector_load %arg10[%swap3A_1474, %swap3A_1475] {strides = array<i32>} : memref<80x128xf32, #tpu.memory_space<vmem>>, vector<16xf32>,
        tpu.vector_store %arg10[%swap3A_1474, %swap3A_1475], %select_n3A_1471 {strides = array<i32>} : memref<80x128xf32, #tpu.memory_space<vmem>>, vector<16xf32>,
        %mul3A_1477 = arith.constant 16 : i32
        %mul3A_1478 = arith.muli %scan3A_218, %mul3A_1477 : i32
        %add3A_1479 = arith.constant 7 : i32
        %add3A_1480 = arith.addi %mul3A_1478, %add3A_1479 : i32
        %slice3A_1481 = vector.extract_strided_slice %get3A_223 {offsets = [7], sizes = [1], strides = [1]} : vector<16xi32> to vector<1xi32>
        %squeeze3A_1482 = vector.extract %slice3A_1481[0] : i32 from vector<1xi32>
        %and3A_1483 = arith.constant 31 : i32
        %and3A_1484 = arith.andi %squeeze3A_1482, %and3A_1483 : i32
        %mul3A_1485 = arith.constant 4 : i32
        %mul3A_1486 = arith.muli %and3A_1484, %mul3A_1485 : i32
        %shift_right_logical3A_1487 = arith.constant 4 : i32
        %shift_right_logical3A_1488 = arith.shrui %mul3A_1486, %shift_right_logical3A_1487 : i32
        %and3A_1489 = arith.constant 15 : i32
        %and3A_1490 = arith.andi %mul3A_1486, %and3A_1489 : i32
        %broadcast_in_dim3A_1491 = vector.broadcast %and3A_1490 : i32 to vector<16xi32>
        %get3A_1492 = arith.index_cast %add3A_1480 : i32 to index
        %get3A_1493 = arith.constant 0 : index
        %get3A_1494 = tpu.vector_load %arg8[%get3A_1492, %get3A_1493] {strides = array<i32>} : memref<80x128xf32, #tpu.memory_space<vmem>>, vector<16xf32>,
        %get3A_1495 = arith.index_cast %add3A_1480 : i32 to index
        %get3A_1496 = arith.constant 16 : index
        %get3A_1497 = tpu.vector_load %arg8[%get3A_1495, %get3A_1496] {strides = array<i32>} : memref<80x128xf32, #tpu.memory_space<vmem>>, vector<16xf32>,
        %get3A_1498 = arith.index_cast %add3A_1480 : i32 to index
        %get3A_1499 = arith.constant 0 : index
        %get3A_1500 = tpu.vector_load %arg9[%get3A_1498, %get3A_1499] {strides = array<i32>} : memref<80x256xf32, #tpu.memory_space<vmem>>, vector<16xf32>,
        %get3A_1501 = arith.index_cast %add3A_1480 : i32 to index
        %get3A_1502 = arith.constant 16 : index
        %get3A_1503 = tpu.vector_load %arg9[%get3A_1501, %get3A_1502] {strides = array<i32>} : memref<80x256xf32, #tpu.memory_space<vmem>>, vector<16xf32>,
        %mul3A_1504 = arith.mulf %get3A_1494, %get3A_1500 : vector<16xf32>
        %mul3A_1505 = arith.mulf %get3A_1497, %get3A_1503 : vector<16xf32>
        %add3A_1506 = arith.addf %mul3A_1504, %mul3A_1505 : vector<16xf32>
        %reduce_sum3A_1507 = arith.constant true
        %reduce_sum3A_1508 = vector.broadcast %reduce_sum3A_1507 : i1 to vector<16xi1>
        %reduce_sum3A_1509 = tpu.scan <sum>, %add3A_1506 masked %reduce_sum3A_1508 : vector<16xf32>, vector<16xi1> -> vector<16xf32>
        %reduce_sum3A_1510 = vector.extract %reduce_sum3A_1509[15] : f32 from vector<16xf32>
        %broadcast_in_dim3A_1511 = vector.broadcast %reduce_sum3A_1510 : f32 to vector<16xf32>
        %exp3A_1512 = math.exp %broadcast_in_dim3A_1511 : vector<16xf32>
        %get3A_1513 = arith.index_cast %add3A_1480 : i32 to index
        %get3A_1514 = arith.constant 128 : index
        %get3A_1515 = tpu.vector_load %arg9[%get3A_1513, %get3A_1514] {strides = array<i32>} : memref<80x256xf32, #tpu.memory_space<vmem>>, vector<16xf32>,
        %get3A_1516 = arith.index_cast %add3A_1480 : i32 to index
        %get3A_1517 = arith.constant 144 : index
        %get3A_1518 = tpu.vector_load %arg9[%get3A_1516, %get3A_1517] {strides = array<i32>} : memref<80x256xf32, #tpu.memory_space<vmem>>, vector<16xf32>,
        %mul3A_1519 = arith.mulf %get3A_1515, %exp3A_1512 : vector<16xf32>
        %swap3A_1520 = arith.index_cast %add3A_1480 : i32 to index
        %swap3A_1521 = arith.constant 0 : index
        %swap3A_1522 = tpu.vector_load %arg8[%swap3A_1520, %swap3A_1521] {strides = array<i32>} : memref<80x128xf32, #tpu.memory_space<vmem>>, vector<16xf32>,
        tpu.vector_store %arg8[%swap3A_1520, %swap3A_1521], %mul3A_1519 {strides = array<i32>} : memref<80x128xf32, #tpu.memory_space<vmem>>, vector<16xf32>,
        %mul3A_1523 = arith.mulf %get3A_1518, %exp3A_1512 : vector<16xf32>
        %swap3A_1524 = arith.index_cast %add3A_1480 : i32 to index
        %swap3A_1525 = arith.constant 16 : index
        %swap3A_1526 = tpu.vector_load %arg8[%swap3A_1524, %swap3A_1525] {strides = array<i32>} : memref<80x128xf32, #tpu.memory_space<vmem>>, vector<16xf32>,
        tpu.vector_store %arg8[%swap3A_1524, %swap3A_1525], %mul3A_1523 {strides = array<i32>} : memref<80x128xf32, #tpu.memory_space<vmem>>, vector<16xf32>,
        %add3A_1527 = arith.constant 0 : i32
        %add3A_1528 = vector.broadcast %add3A_1527 : i32 to vector<16xi32>
        %add3A_1529 = arith.addi %broadcast_in_dim3A_1491, %add3A_1528 : vector<16xi32>
        %eq3A_1530 = arith.cmpi eq, %iota3A, %add3A_1529 : vector<16xi32>
        %select_n3A_1531 = arith.select %eq3A_1530, %exp3A_1512, %broadcast_in_dim3A_1 : vector<16xi1>, vector<16xf32>
        %get3A_1532 = arith.index_cast %add3A_1480 : i32 to index
        %get3A_1533 = arith.constant 32 : index
        %get3A_1534 = tpu.vector_load %arg8[%get3A_1532, %get3A_1533] {strides = array<i32>} : memref<80x128xf32, #tpu.memory_space<vmem>>, vector<16xf32>,
        %get3A_1535 = arith.index_cast %add3A_1480 : i32 to index
        %get3A_1536 = arith.constant 48 : index
        %get3A_1537 = tpu.vector_load %arg8[%get3A_1535, %get3A_1536] {strides = array<i32>} : memref<80x128xf32, #tpu.memory_space<vmem>>, vector<16xf32>,
        %get3A_1538 = arith.index_cast %add3A_1480 : i32 to index
        %get3A_1539 = arith.constant 32 : index
        %get3A_1540 = tpu.vector_load %arg9[%get3A_1538, %get3A_1539] {strides = array<i32>} : memref<80x256xf32, #tpu.memory_space<vmem>>, vector<16xf32>,
        %get3A_1541 = arith.index_cast %add3A_1480 : i32 to index
        %get3A_1542 = arith.constant 48 : index
        %get3A_1543 = tpu.vector_load %arg9[%get3A_1541, %get3A_1542] {strides = array<i32>} : memref<80x256xf32, #tpu.memory_space<vmem>>, vector<16xf32>,
        %mul3A_1544 = arith.mulf %get3A_1534, %get3A_1540 : vector<16xf32>
        %mul3A_1545 = arith.mulf %get3A_1537, %get3A_1543 : vector<16xf32>
        %add3A_1546 = arith.addf %mul3A_1544, %mul3A_1545 : vector<16xf32>
        %reduce_sum3A_1547 = arith.constant true
        %reduce_sum3A_1548 = vector.broadcast %reduce_sum3A_1547 : i1 to vector<16xi1>
        %reduce_sum3A_1549 = tpu.scan <sum>, %add3A_1546 masked %reduce_sum3A_1548 : vector<16xf32>, vector<16xi1> -> vector<16xf32>
        %reduce_sum3A_1550 = vector.extract %reduce_sum3A_1549[15] : f32 from vector<16xf32>
        %broadcast_in_dim3A_1551 = vector.broadcast %reduce_sum3A_1550 : f32 to vector<16xf32>
        %exp3A_1552 = math.exp %broadcast_in_dim3A_1551 : vector<16xf32>
        %get3A_1553 = arith.index_cast %add3A_1480 : i32 to index
        %get3A_1554 = arith.constant 160 : index
        %get3A_1555 = tpu.vector_load %arg9[%get3A_1553, %get3A_1554] {strides = array<i32>} : memref<80x256xf32, #tpu.memory_space<vmem>>, vector<16xf32>,
        %get3A_1556 = arith.index_cast %add3A_1480 : i32 to index
        %get3A_1557 = arith.constant 176 : index
        %get3A_1558 = tpu.vector_load %arg9[%get3A_1556, %get3A_1557] {strides = array<i32>} : memref<80x256xf32, #tpu.memory_space<vmem>>, vector<16xf32>,
        %mul3A_1559 = arith.mulf %get3A_1555, %exp3A_1552 : vector<16xf32>
        %swap3A_1560 = arith.index_cast %add3A_1480 : i32 to index
        %swap3A_1561 = arith.constant 32 : index
        %swap3A_1562 = tpu.vector_load %arg8[%swap3A_1560, %swap3A_1561] {strides = array<i32>} : memref<80x128xf32, #tpu.memory_space<vmem>>, vector<16xf32>,
        tpu.vector_store %arg8[%swap3A_1560, %swap3A_1561], %mul3A_1559 {strides = array<i32>} : memref<80x128xf32, #tpu.memory_space<vmem>>, vector<16xf32>,
        %mul3A_1563 = arith.mulf %get3A_1558, %exp3A_1552 : vector<16xf32>
        %swap3A_1564 = arith.index_cast %add3A_1480 : i32 to index
        %swap3A_1565 = arith.constant 48 : index
        %swap3A_1566 = tpu.vector_load %arg8[%swap3A_1564, %swap3A_1565] {strides = array<i32>} : memref<80x128xf32, #tpu.memory_space<vmem>>, vector<16xf32>,
        tpu.vector_store %arg8[%swap3A_1564, %swap3A_1565], %mul3A_1563 {strides = array<i32>} : memref<80x128xf32, #tpu.memory_space<vmem>>, vector<16xf32>,
        %add3A_1567 = arith.constant 1 : i32
        %add3A_1568 = vector.broadcast %add3A_1567 : i32 to vector<16xi32>
        %add3A_1569 = arith.addi %broadcast_in_dim3A_1491, %add3A_1568 : vector<16xi32>
        %eq3A_1570 = arith.cmpi eq, %iota3A, %add3A_1569 : vector<16xi32>
        %select_n3A_1571 = arith.select %eq3A_1570, %exp3A_1552, %select_n3A_1531 : vector<16xi1>, vector<16xf32>
        %get3A_1572 = arith.index_cast %add3A_1480 : i32 to index
        %get3A_1573 = arith.constant 64 : index
        %get3A_1574 = tpu.vector_load %arg8[%get3A_1572, %get3A_1573] {strides = array<i32>} : memref<80x128xf32, #tpu.memory_space<vmem>>, vector<16xf32>,
        %get3A_1575 = arith.index_cast %add3A_1480 : i32 to index
        %get3A_1576 = arith.constant 80 : index
        %get3A_1577 = tpu.vector_load %arg8[%get3A_1575, %get3A_1576] {strides = array<i32>} : memref<80x128xf32, #tpu.memory_space<vmem>>, vector<16xf32>,
        %get3A_1578 = arith.index_cast %add3A_1480 : i32 to index
        %get3A_1579 = arith.constant 64 : index
        %get3A_1580 = tpu.vector_load %arg9[%get3A_1578, %get3A_1579] {strides = array<i32>} : memref<80x256xf32, #tpu.memory_space<vmem>>, vector<16xf32>,
        %get3A_1581 = arith.index_cast %add3A_1480 : i32 to index
        %get3A_1582 = arith.constant 80 : index
        %get3A_1583 = tpu.vector_load %arg9[%get3A_1581, %get3A_1582] {strides = array<i32>} : memref<80x256xf32, #tpu.memory_space<vmem>>, vector<16xf32>,
        %mul3A_1584 = arith.mulf %get3A_1574, %get3A_1580 : vector<16xf32>
        %mul3A_1585 = arith.mulf %get3A_1577, %get3A_1583 : vector<16xf32>
        %add3A_1586 = arith.addf %mul3A_1584, %mul3A_1585 : vector<16xf32>
        %reduce_sum3A_1587 = arith.constant true
        %reduce_sum3A_1588 = vector.broadcast %reduce_sum3A_1587 : i1 to vector<16xi1>
        %reduce_sum3A_1589 = tpu.scan <sum>, %add3A_1586 masked %reduce_sum3A_1588 : vector<16xf32>, vector<16xi1> -> vector<16xf32>
        %reduce_sum3A_1590 = vector.extract %reduce_sum3A_1589[15] : f32 from vector<16xf32>
        %broadcast_in_dim3A_1591 = vector.broadcast %reduce_sum3A_1590 : f32 to vector<16xf32>
        %exp3A_1592 = math.exp %broadcast_in_dim3A_1591 : vector<16xf32>
        %get3A_1593 = arith.index_cast %add3A_1480 : i32 to index
        %get3A_1594 = arith.constant 192 : index
        %get3A_1595 = tpu.vector_load %arg9[%get3A_1593, %get3A_1594] {strides = array<i32>} : memref<80x256xf32, #tpu.memory_space<vmem>>, vector<16xf32>,
        %get3A_1596 = arith.index_cast %add3A_1480 : i32 to index
        %get3A_1597 = arith.constant 208 : index
        %get3A_1598 = tpu.vector_load %arg9[%get3A_1596, %get3A_1597] {strides = array<i32>} : memref<80x256xf32, #tpu.memory_space<vmem>>, vector<16xf32>,
        %mul3A_1599 = arith.mulf %get3A_1595, %exp3A_1592 : vector<16xf32>
        %swap3A_1600 = arith.index_cast %add3A_1480 : i32 to index
        %swap3A_1601 = arith.constant 64 : index
        %swap3A_1602 = tpu.vector_load %arg8[%swap3A_1600, %swap3A_1601] {strides = array<i32>} : memref<80x128xf32, #tpu.memory_space<vmem>>, vector<16xf32>,
        tpu.vector_store %arg8[%swap3A_1600, %swap3A_1601], %mul3A_1599 {strides = array<i32>} : memref<80x128xf32, #tpu.memory_space<vmem>>, vector<16xf32>,
        %mul3A_1603 = arith.mulf %get3A_1598, %exp3A_1592 : vector<16xf32>
        %swap3A_1604 = arith.index_cast %add3A_1480 : i32 to index
        %swap3A_1605 = arith.constant 80 : index
        %swap3A_1606 = tpu.vector_load %arg8[%swap3A_1604, %swap3A_1605] {strides = array<i32>} : memref<80x128xf32, #tpu.memory_space<vmem>>, vector<16xf32>,
        tpu.vector_store %arg8[%swap3A_1604, %swap3A_1605], %mul3A_1603 {strides = array<i32>} : memref<80x128xf32, #tpu.memory_space<vmem>>, vector<16xf32>,
        %add3A_1607 = arith.constant 2 : i32
        %add3A_1608 = vector.broadcast %add3A_1607 : i32 to vector<16xi32>
        %add3A_1609 = arith.addi %broadcast_in_dim3A_1491, %add3A_1608 : vector<16xi32>
        %eq3A_1610 = arith.cmpi eq, %iota3A, %add3A_1609 : vector<16xi32>
        %select_n3A_1611 = arith.select %eq3A_1610, %exp3A_1592, %select_n3A_1571 : vector<16xi1>, vector<16xf32>
        %get3A_1612 = arith.index_cast %add3A_1480 : i32 to index
        %get3A_1613 = arith.constant 96 : index
        %get3A_1614 = tpu.vector_load %arg8[%get3A_1612, %get3A_1613] {strides = array<i32>} : memref<80x128xf32, #tpu.memory_space<vmem>>, vector<16xf32>,
        %get3A_1615 = arith.index_cast %add3A_1480 : i32 to index
        %get3A_1616 = arith.constant 112 : index
        %get3A_1617 = tpu.vector_load %arg8[%get3A_1615, %get3A_1616] {strides = array<i32>} : memref<80x128xf32, #tpu.memory_space<vmem>>, vector<16xf32>,
        %get3A_1618 = arith.index_cast %add3A_1480 : i32 to index
        %get3A_1619 = arith.constant 96 : index
        %get3A_1620 = tpu.vector_load %arg9[%get3A_1618, %get3A_1619] {strides = array<i32>} : memref<80x256xf32, #tpu.memory_space<vmem>>, vector<16xf32>,
        %get3A_1621 = arith.index_cast %add3A_1480 : i32 to index
        %get3A_1622 = arith.constant 112 : index
        %get3A_1623 = tpu.vector_load %arg9[%get3A_1621, %get3A_1622] {strides = array<i32>} : memref<80x256xf32, #tpu.memory_space<vmem>>, vector<16xf32>,
        %mul3A_1624 = arith.mulf %get3A_1614, %get3A_1620 : vector<16xf32>
        %mul3A_1625 = arith.mulf %get3A_1617, %get3A_1623 : vector<16xf32>
        %add3A_1626 = arith.addf %mul3A_1624, %mul3A_1625 : vector<16xf32>
        %reduce_sum3A_1627 = arith.constant true
        %reduce_sum3A_1628 = vector.broadcast %reduce_sum3A_1627 : i1 to vector<16xi1>
        %reduce_sum3A_1629 = tpu.scan <sum>, %add3A_1626 masked %reduce_sum3A_1628 : vector<16xf32>, vector<16xi1> -> vector<16xf32>
        %reduce_sum3A_1630 = vector.extract %reduce_sum3A_1629[15] : f32 from vector<16xf32>
        %broadcast_in_dim3A_1631 = vector.broadcast %reduce_sum3A_1630 : f32 to vector<16xf32>
        %exp3A_1632 = math.exp %broadcast_in_dim3A_1631 : vector<16xf32>
        %get3A_1633 = arith.index_cast %add3A_1480 : i32 to index
        %get3A_1634 = arith.constant 224 : index
        %get3A_1635 = tpu.vector_load %arg9[%get3A_1633, %get3A_1634] {strides = array<i32>} : memref<80x256xf32, #tpu.memory_space<vmem>>, vector<16xf32>,
        %get3A_1636 = arith.index_cast %add3A_1480 : i32 to index
        %get3A_1637 = arith.constant 240 : index
        %get3A_1638 = tpu.vector_load %arg9[%get3A_1636, %get3A_1637] {strides = array<i32>} : memref<80x256xf32, #tpu.memory_space<vmem>>, vector<16xf32>,
        %mul3A_1639 = arith.mulf %get3A_1635, %exp3A_1632 : vector<16xf32>
        %swap3A_1640 = arith.index_cast %add3A_1480 : i32 to index
        %swap3A_1641 = arith.constant 96 : index
        %swap3A_1642 = tpu.vector_load %arg8[%swap3A_1640, %swap3A_1641] {strides = array<i32>} : memref<80x128xf32, #tpu.memory_space<vmem>>, vector<16xf32>,
        tpu.vector_store %arg8[%swap3A_1640, %swap3A_1641], %mul3A_1639 {strides = array<i32>} : memref<80x128xf32, #tpu.memory_space<vmem>>, vector<16xf32>,
        %mul3A_1643 = arith.mulf %get3A_1638, %exp3A_1632 : vector<16xf32>
        %swap3A_1644 = arith.index_cast %add3A_1480 : i32 to index
        %swap3A_1645 = arith.constant 112 : index
        %swap3A_1646 = tpu.vector_load %arg8[%swap3A_1644, %swap3A_1645] {strides = array<i32>} : memref<80x128xf32, #tpu.memory_space<vmem>>, vector<16xf32>,
        tpu.vector_store %arg8[%swap3A_1644, %swap3A_1645], %mul3A_1643 {strides = array<i32>} : memref<80x128xf32, #tpu.memory_space<vmem>>, vector<16xf32>,
        %add3A_1647 = arith.constant 3 : i32
        %add3A_1648 = vector.broadcast %add3A_1647 : i32 to vector<16xi32>
        %add3A_1649 = arith.addi %broadcast_in_dim3A_1491, %add3A_1648 : vector<16xi32>
        %eq3A_1650 = arith.cmpi eq, %iota3A, %add3A_1649 : vector<16xi32>
        %select_n3A_1651 = arith.select %eq3A_1650, %exp3A_1632, %select_n3A_1611 : vector<16xi1>, vector<16xf32>
        %mul3A_1652 = arith.constant 16 : i32
        %mul3A_1653 = arith.muli %shift_right_logical3A_1488, %mul3A_1652 : i32
        %swap3A_1654 = arith.index_cast %add3A_1480 : i32 to index
        %swap3A_1655 = arith.index_cast %mul3A_1653 : i32 to index
        %swap3A_1656 = tpu.vector_load %arg10[%swap3A_1654, %swap3A_1655] {strides = array<i32>} : memref<80x128xf32, #tpu.memory_space<vmem>>, vector<16xf32>,
        tpu.vector_store %arg10[%swap3A_1654, %swap3A_1655], %select_n3A_1651 {strides = array<i32>} : memref<80x128xf32, #tpu.memory_space<vmem>>, vector<16xf32>,
        %mul3A_1657 = arith.constant 16 : i32
        %mul3A_1658 = arith.muli %scan3A_218, %mul3A_1657 : i32
        %add3A_1659 = arith.constant 8 : i32
        %add3A_1660 = arith.addi %mul3A_1658, %add3A_1659 : i32
        %slice3A_1661 = vector.extract_strided_slice %get3A_223 {offsets = [8], sizes = [1], strides = [1]} : vector<16xi32> to vector<1xi32>
        %squeeze3A_1662 = vector.extract %slice3A_1661[0] : i32 from vector<1xi32>
        %and3A_1663 = arith.constant 31 : i32
        %and3A_1664 = arith.andi %squeeze3A_1662, %and3A_1663 : i32
        %mul3A_1665 = arith.constant 4 : i32
        %mul3A_1666 = arith.muli %and3A_1664, %mul3A_1665 : i32
        %shift_right_logical3A_1667 = arith.constant 4 : i32
        %shift_right_logical3A_1668 = arith.shrui %mul3A_1666, %shift_right_logical3A_1667 : i32
        %and3A_1669 = arith.constant 15 : i32
        %and3A_1670 = arith.andi %mul3A_1666, %and3A_1669 : i32
        %broadcast_in_dim3A_1671 = vector.broadcast %and3A_1670 : i32 to vector<16xi32>
        %get3A_1672 = arith.index_cast %add3A_1660 : i32 to index
        %get3A_1673 = arith.constant 0 : index
        %get3A_1674 = tpu.vector_load %arg8[%get3A_1672, %get3A_1673] {strides = array<i32>} : memref<80x128xf32, #tpu.memory_space<vmem>>, vector<16xf32>,
        %get3A_1675 = arith.index_cast %add3A_1660 : i32 to index
        %get3A_1676 = arith.constant 16 : index
        %get3A_1677 = tpu.vector_load %arg8[%get3A_1675, %get3A_1676] {strides = array<i32>} : memref<80x128xf32, #tpu.memory_space<vmem>>, vector<16xf32>,
        %get3A_1678 = arith.index_cast %add3A_1660 : i32 to index
        %get3A_1679 = arith.constant 0 : index
        %get3A_1680 = tpu.vector_load %arg9[%get3A_1678, %get3A_1679] {strides = array<i32>} : memref<80x256xf32, #tpu.memory_space<vmem>>, vector<16xf32>,
        %get3A_1681 = arith.index_cast %add3A_1660 : i32 to index
        %get3A_1682 = arith.constant 16 : index
        %get3A_1683 = tpu.vector_load %arg9[%get3A_1681, %get3A_1682] {strides = array<i32>} : memref<80x256xf32, #tpu.memory_space<vmem>>, vector<16xf32>,
        %mul3A_1684 = arith.mulf %get3A_1674, %get3A_1680 : vector<16xf32>
        %mul3A_1685 = arith.mulf %get3A_1677, %get3A_1683 : vector<16xf32>
        %add3A_1686 = arith.addf %mul3A_1684, %mul3A_1685 : vector<16xf32>
        %reduce_sum3A_1687 = arith.constant true
        %reduce_sum3A_1688 = vector.broadcast %reduce_sum3A_1687 : i1 to vector<16xi1>
        %reduce_sum3A_1689 = tpu.scan <sum>, %add3A_1686 masked %reduce_sum3A_1688 : vector<16xf32>, vector<16xi1> -> vector<16xf32>
        %reduce_sum3A_1690 = vector.extract %reduce_sum3A_1689[15] : f32 from vector<16xf32>
        %broadcast_in_dim3A_1691 = vector.broadcast %reduce_sum3A_1690 : f32 to vector<16xf32>
        %exp3A_1692 = math.exp %broadcast_in_dim3A_1691 : vector<16xf32>
        %get3A_1693 = arith.index_cast %add3A_1660 : i32 to index
        %get3A_1694 = arith.constant 128 : index
        %get3A_1695 = tpu.vector_load %arg9[%get3A_1693, %get3A_1694] {strides = array<i32>} : memref<80x256xf32, #tpu.memory_space<vmem>>, vector<16xf32>,
        %get3A_1696 = arith.index_cast %add3A_1660 : i32 to index
        %get3A_1697 = arith.constant 144 : index
        %get3A_1698 = tpu.vector_load %arg9[%get3A_1696, %get3A_1697] {strides = array<i32>} : memref<80x256xf32, #tpu.memory_space<vmem>>, vector<16xf32>,
        %mul3A_1699 = arith.mulf %get3A_1695, %exp3A_1692 : vector<16xf32>
        %swap3A_1700 = arith.index_cast %add3A_1660 : i32 to index
        %swap3A_1701 = arith.constant 0 : index
        %swap3A_1702 = tpu.vector_load %arg8[%swap3A_1700, %swap3A_1701] {strides = array<i32>} : memref<80x128xf32, #tpu.memory_space<vmem>>, vector<16xf32>,
        tpu.vector_store %arg8[%swap3A_1700, %swap3A_1701], %mul3A_1699 {strides = array<i32>} : memref<80x128xf32, #tpu.memory_space<vmem>>, vector<16xf32>,
        %mul3A_1703 = arith.mulf %get3A_1698, %exp3A_1692 : vector<16xf32>
        %swap3A_1704 = arith.index_cast %add3A_1660 : i32 to index
        %swap3A_1705 = arith.constant 16 : index
        %swap3A_1706 = tpu.vector_load %arg8[%swap3A_1704, %swap3A_1705] {strides = array<i32>} : memref<80x128xf32, #tpu.memory_space<vmem>>, vector<16xf32>,
        tpu.vector_store %arg8[%swap3A_1704, %swap3A_1705], %mul3A_1703 {strides = array<i32>} : memref<80x128xf32, #tpu.memory_space<vmem>>, vector<16xf32>,
        %add3A_1707 = arith.constant 0 : i32
        %add3A_1708 = vector.broadcast %add3A_1707 : i32 to vector<16xi32>
        %add3A_1709 = arith.addi %broadcast_in_dim3A_1671, %add3A_1708 : vector<16xi32>
        %eq3A_1710 = arith.cmpi eq, %iota3A, %add3A_1709 : vector<16xi32>
        %select_n3A_1711 = arith.select %eq3A_1710, %exp3A_1692, %broadcast_in_dim3A_1 : vector<16xi1>, vector<16xf32>
        %get3A_1712 = arith.index_cast %add3A_1660 : i32 to index
        %get3A_1713 = arith.constant 32 : index
        %get3A_1714 = tpu.vector_load %arg8[%get3A_1712, %get3A_1713] {strides = array<i32>} : memref<80x128xf32, #tpu.memory_space<vmem>>, vector<16xf32>,
        %get3A_1715 = arith.index_cast %add3A_1660 : i32 to index
        %get3A_1716 = arith.constant 48 : index
        %get3A_1717 = tpu.vector_load %arg8[%get3A_1715, %get3A_1716] {strides = array<i32>} : memref<80x128xf32, #tpu.memory_space<vmem>>, vector<16xf32>,
        %get3A_1718 = arith.index_cast %add3A_1660 : i32 to index
        %get3A_1719 = arith.constant 32 : index
        %get3A_1720 = tpu.vector_load %arg9[%get3A_1718, %get3A_1719] {strides = array<i32>} : memref<80x256xf32, #tpu.memory_space<vmem>>, vector<16xf32>,
        %get3A_1721 = arith.index_cast %add3A_1660 : i32 to index
        %get3A_1722 = arith.constant 48 : index
        %get3A_1723 = tpu.vector_load %arg9[%get3A_1721, %get3A_1722] {strides = array<i32>} : memref<80x256xf32, #tpu.memory_space<vmem>>, vector<16xf32>,
        %mul3A_1724 = arith.mulf %get3A_1714, %get3A_1720 : vector<16xf32>
        %mul3A_1725 = arith.mulf %get3A_1717, %get3A_1723 : vector<16xf32>
        %add3A_1726 = arith.addf %mul3A_1724, %mul3A_1725 : vector<16xf32>
        %reduce_sum3A_1727 = arith.constant true
        %reduce_sum3A_1728 = vector.broadcast %reduce_sum3A_1727 : i1 to vector<16xi1>
        %reduce_sum3A_1729 = tpu.scan <sum>, %add3A_1726 masked %reduce_sum3A_1728 : vector<16xf32>, vector<16xi1> -> vector<16xf32>
        %reduce_sum3A_1730 = vector.extract %reduce_sum3A_1729[15] : f32 from vector<16xf32>
        %broadcast_in_dim3A_1731 = vector.broadcast %reduce_sum3A_1730 : f32 to vector<16xf32>
        %exp3A_1732 = math.exp %broadcast_in_dim3A_1731 : vector<16xf32>
        %get3A_1733 = arith.index_cast %add3A_1660 : i32 to index
        %get3A_1734 = arith.constant 160 : index
        %get3A_1735 = tpu.vector_load %arg9[%get3A_1733, %get3A_1734] {strides = array<i32>} : memref<80x256xf32, #tpu.memory_space<vmem>>, vector<16xf32>,
        %get3A_1736 = arith.index_cast %add3A_1660 : i32 to index
        %get3A_1737 = arith.constant 176 : index
        %get3A_1738 = tpu.vector_load %arg9[%get3A_1736, %get3A_1737] {strides = array<i32>} : memref<80x256xf32, #tpu.memory_space<vmem>>, vector<16xf32>,
        %mul3A_1739 = arith.mulf %get3A_1735, %exp3A_1732 : vector<16xf32>
        %swap3A_1740 = arith.index_cast %add3A_1660 : i32 to index
        %swap3A_1741 = arith.constant 32 : index
        %swap3A_1742 = tpu.vector_load %arg8[%swap3A_1740, %swap3A_1741] {strides = array<i32>} : memref<80x128xf32, #tpu.memory_space<vmem>>, vector<16xf32>,
        tpu.vector_store %arg8[%swap3A_1740, %swap3A_1741], %mul3A_1739 {strides = array<i32>} : memref<80x128xf32, #tpu.memory_space<vmem>>, vector<16xf32>,
        %mul3A_1743 = arith.mulf %get3A_1738, %exp3A_1732 : vector<16xf32>
        %swap3A_1744 = arith.index_cast %add3A_1660 : i32 to index
        %swap3A_1745 = arith.constant 48 : index
        %swap3A_1746 = tpu.vector_load %arg8[%swap3A_1744, %swap3A_1745] {strides = array<i32>} : memref<80x128xf32, #tpu.memory_space<vmem>>, vector<16xf32>,
        tpu.vector_store %arg8[%swap3A_1744, %swap3A_1745], %mul3A_1743 {strides = array<i32>} : memref<80x128xf32, #tpu.memory_space<vmem>>, vector<16xf32>,
        %add3A_1747 = arith.constant 1 : i32
        %add3A_1748 = vector.broadcast %add3A_1747 : i32 to vector<16xi32>
        %add3A_1749 = arith.addi %broadcast_in_dim3A_1671, %add3A_1748 : vector<16xi32>
        %eq3A_1750 = arith.cmpi eq, %iota3A, %add3A_1749 : vector<16xi32>
        %select_n3A_1751 = arith.select %eq3A_1750, %exp3A_1732, %select_n3A_1711 : vector<16xi1>, vector<16xf32>
        %get3A_1752 = arith.index_cast %add3A_1660 : i32 to index
        %get3A_1753 = arith.constant 64 : index
        %get3A_1754 = tpu.vector_load %arg8[%get3A_1752, %get3A_1753] {strides = array<i32>} : memref<80x128xf32, #tpu.memory_space<vmem>>, vector<16xf32>,
        %get3A_1755 = arith.index_cast %add3A_1660 : i32 to index
        %get3A_1756 = arith.constant 80 : index
        %get3A_1757 = tpu.vector_load %arg8[%get3A_1755, %get3A_1756] {strides = array<i32>} : memref<80x128xf32, #tpu.memory_space<vmem>>, vector<16xf32>,
        %get3A_1758 = arith.index_cast %add3A_1660 : i32 to index
        %get3A_1759 = arith.constant 64 : index
        %get3A_1760 = tpu.vector_load %arg9[%get3A_1758, %get3A_1759] {strides = array<i32>} : memref<80x256xf32, #tpu.memory_space<vmem>>, vector<16xf32>,
        %get3A_1761 = arith.index_cast %add3A_1660 : i32 to index
        %get3A_1762 = arith.constant 80 : index
        %get3A_1763 = tpu.vector_load %arg9[%get3A_1761, %get3A_1762] {strides = array<i32>} : memref<80x256xf32, #tpu.memory_space<vmem>>, vector<16xf32>,
        %mul3A_1764 = arith.mulf %get3A_1754, %get3A_1760 : vector<16xf32>
        %mul3A_1765 = arith.mulf %get3A_1757, %get3A_1763 : vector<16xf32>
        %add3A_1766 = arith.addf %mul3A_1764, %mul3A_1765 : vector<16xf32>
        %reduce_sum3A_1767 = arith.constant true
        %reduce_sum3A_1768 = vector.broadcast %reduce_sum3A_1767 : i1 to vector<16xi1>
        %reduce_sum3A_1769 = tpu.scan <sum>, %add3A_1766 masked %reduce_sum3A_1768 : vector<16xf32>, vector<16xi1> -> vector<16xf32>
        %reduce_sum3A_1770 = vector.extract %reduce_sum3A_1769[15] : f32 from vector<16xf32>
        %broadcast_in_dim3A_1771 = vector.broadcast %reduce_sum3A_1770 : f32 to vector<16xf32>
        %exp3A_1772 = math.exp %broadcast_in_dim3A_1771 : vector<16xf32>
        %get3A_1773 = arith.index_cast %add3A_1660 : i32 to index
        %get3A_1774 = arith.constant 192 : index
        %get3A_1775 = tpu.vector_load %arg9[%get3A_1773, %get3A_1774] {strides = array<i32>} : memref<80x256xf32, #tpu.memory_space<vmem>>, vector<16xf32>,
        %get3A_1776 = arith.index_cast %add3A_1660 : i32 to index
        %get3A_1777 = arith.constant 208 : index
        %get3A_1778 = tpu.vector_load %arg9[%get3A_1776, %get3A_1777] {strides = array<i32>} : memref<80x256xf32, #tpu.memory_space<vmem>>, vector<16xf32>,
        %mul3A_1779 = arith.mulf %get3A_1775, %exp3A_1772 : vector<16xf32>
        %swap3A_1780 = arith.index_cast %add3A_1660 : i32 to index
        %swap3A_1781 = arith.constant 64 : index
        %swap3A_1782 = tpu.vector_load %arg8[%swap3A_1780, %swap3A_1781] {strides = array<i32>} : memref<80x128xf32, #tpu.memory_space<vmem>>, vector<16xf32>,
        tpu.vector_store %arg8[%swap3A_1780, %swap3A_1781], %mul3A_1779 {strides = array<i32>} : memref<80x128xf32, #tpu.memory_space<vmem>>, vector<16xf32>,
        %mul3A_1783 = arith.mulf %get3A_1778, %exp3A_1772 : vector<16xf32>
        %swap3A_1784 = arith.index_cast %add3A_1660 : i32 to index
        %swap3A_1785 = arith.constant 80 : index
        %swap3A_1786 = tpu.vector_load %arg8[%swap3A_1784, %swap3A_1785] {strides = array<i32>} : memref<80x128xf32, #tpu.memory_space<vmem>>, vector<16xf32>,
        tpu.vector_store %arg8[%swap3A_1784, %swap3A_1785], %mul3A_1783 {strides = array<i32>} : memref<80x128xf32, #tpu.memory_space<vmem>>, vector<16xf32>,
        %add3A_1787 = arith.constant 2 : i32
        %add3A_1788 = vector.broadcast %add3A_1787 : i32 to vector<16xi32>
        %add3A_1789 = arith.addi %broadcast_in_dim3A_1671, %add3A_1788 : vector<16xi32>
        %eq3A_1790 = arith.cmpi eq, %iota3A, %add3A_1789 : vector<16xi32>
        %select_n3A_1791 = arith.select %eq3A_1790, %exp3A_1772, %select_n3A_1751 : vector<16xi1>, vector<16xf32>
        %get3A_1792 = arith.index_cast %add3A_1660 : i32 to index
        %get3A_1793 = arith.constant 96 : index
        %get3A_1794 = tpu.vector_load %arg8[%get3A_1792, %get3A_1793] {strides = array<i32>} : memref<80x128xf32, #tpu.memory_space<vmem>>, vector<16xf32>,
        %get3A_1795 = arith.index_cast %add3A_1660 : i32 to index
        %get3A_1796 = arith.constant 112 : index
        %get3A_1797 = tpu.vector_load %arg8[%get3A_1795, %get3A_1796] {strides = array<i32>} : memref<80x128xf32, #tpu.memory_space<vmem>>, vector<16xf32>,
        %get3A_1798 = arith.index_cast %add3A_1660 : i32 to index
        %get3A_1799 = arith.constant 96 : index
        %get3A_1800 = tpu.vector_load %arg9[%get3A_1798, %get3A_1799] {strides = array<i32>} : memref<80x256xf32, #tpu.memory_space<vmem>>, vector<16xf32>,
        %get3A_1801 = arith.index_cast %add3A_1660 : i32 to index
        %get3A_1802 = arith.constant 112 : index
        %get3A_1803 = tpu.vector_load %arg9[%get3A_1801, %get3A_1802] {strides = array<i32>} : memref<80x256xf32, #tpu.memory_space<vmem>>, vector<16xf32>,
        %mul3A_1804 = arith.mulf %get3A_1794, %get3A_1800 : vector<16xf32>
        %mul3A_1805 = arith.mulf %get3A_1797, %get3A_1803 : vector<16xf32>
        %add3A_1806 = arith.addf %mul3A_1804, %mul3A_1805 : vector<16xf32>
        %reduce_sum3A_1807 = arith.constant true
        %reduce_sum3A_1808 = vector.broadcast %reduce_sum3A_1807 : i1 to vector<16xi1>
        %reduce_sum3A_1809 = tpu.scan <sum>, %add3A_1806 masked %reduce_sum3A_1808 : vector<16xf32>, vector<16xi1> -> vector<16xf32>
        %reduce_sum3A_1810 = vector.extract %reduce_sum3A_1809[15] : f32 from vector<16xf32>
        %broadcast_in_dim3A_1811 = vector.broadcast %reduce_sum3A_1810 : f32 to vector<16xf32>
        %exp3A_1812 = math.exp %broadcast_in_dim3A_1811 : vector<16xf32>
        %get3A_1813 = arith.index_cast %add3A_1660 : i32 to index
        %get3A_1814 = arith.constant 224 : index
        %get3A_1815 = tpu.vector_load %arg9[%get3A_1813, %get3A_1814] {strides = array<i32>} : memref<80x256xf32, #tpu.memory_space<vmem>>, vector<16xf32>,
        %get3A_1816 = arith.index_cast %add3A_1660 : i32 to index
        %get3A_1817 = arith.constant 240 : index
        %get3A_1818 = tpu.vector_load %arg9[%get3A_1816, %get3A_1817] {strides = array<i32>} : memref<80x256xf32, #tpu.memory_space<vmem>>, vector<16xf32>,
        %mul3A_1819 = arith.mulf %get3A_1815, %exp3A_1812 : vector<16xf32>
        %swap3A_1820 = arith.index_cast %add3A_1660 : i32 to index
        %swap3A_1821 = arith.constant 96 : index
        %swap3A_1822 = tpu.vector_load %arg8[%swap3A_1820, %swap3A_1821] {strides = array<i32>} : memref<80x128xf32, #tpu.memory_space<vmem>>, vector<16xf32>,
        tpu.vector_store %arg8[%swap3A_1820, %swap3A_1821], %mul3A_1819 {strides = array<i32>} : memref<80x128xf32, #tpu.memory_space<vmem>>, vector<16xf32>,
        %mul3A_1823 = arith.mulf %get3A_1818, %exp3A_1812 : vector<16xf32>
        %swap3A_1824 = arith.index_cast %add3A_1660 : i32 to index
        %swap3A_1825 = arith.constant 112 : index
        %swap3A_1826 = tpu.vector_load %arg8[%swap3A_1824, %swap3A_1825] {strides = array<i32>} : memref<80x128xf32, #tpu.memory_space<vmem>>, vector<16xf32>,
        tpu.vector_store %arg8[%swap3A_1824, %swap3A_1825], %mul3A_1823 {strides = array<i32>} : memref<80x128xf32, #tpu.memory_space<vmem>>, vector<16xf32>,
        %add3A_1827 = arith.constant 3 : i32
        %add3A_1828 = vector.broadcast %add3A_1827 : i32 to vector<16xi32>
        %add3A_1829 = arith.addi %broadcast_in_dim3A_1671, %add3A_1828 : vector<16xi32>
        %eq3A_1830 = arith.cmpi eq, %iota3A, %add3A_1829 : vector<16xi32>
        %select_n3A_1831 = arith.select %eq3A_1830, %exp3A_1812, %select_n3A_1791 : vector<16xi1>, vector<16xf32>
        %mul3A_1832 = arith.constant 16 : i32
        %mul3A_1833 = arith.muli %shift_right_logical3A_1668, %mul3A_1832 : i32
        %swap3A_1834 = arith.index_cast %add3A_1660 : i32 to index
        %swap3A_1835 = arith.index_cast %mul3A_1833 : i32 to index
        %swap3A_1836 = tpu.vector_load %arg10[%swap3A_1834, %swap3A_1835] {strides = array<i32>} : memref<80x128xf32, #tpu.memory_space<vmem>>, vector<16xf32>,
        tpu.vector_store %arg10[%swap3A_1834, %swap3A_1835], %select_n3A_1831 {strides = array<i32>} : memref<80x128xf32, #tpu.memory_space<vmem>>, vector<16xf32>,
        %mul3A_1837 = arith.constant 16 : i32
        %mul3A_1838 = arith.muli %scan3A_218, %mul3A_1837 : i32
        %add3A_1839 = arith.constant 9 : i32
        %add3A_1840 = arith.addi %mul3A_1838, %add3A_1839 : i32
        %slice3A_1841 = vector.extract_strided_slice %get3A_223 {offsets = [9], sizes = [1], strides = [1]} : vector<16xi32> to vector<1xi32>
        %squeeze3A_1842 = vector.extract %slice3A_1841[0] : i32 from vector<1xi32>
        %and3A_1843 = arith.constant 31 : i32
        %and3A_1844 = arith.andi %squeeze3A_1842, %and3A_1843 : i32
        %mul3A_1845 = arith.constant 4 : i32
        %mul3A_1846 = arith.muli %and3A_1844, %mul3A_1845 : i32
        %shift_right_logical3A_1847 = arith.constant 4 : i32
        %shift_right_logical3A_1848 = arith.shrui %mul3A_1846, %shift_right_logical3A_1847 : i32
        %and3A_1849 = arith.constant 15 : i32
        %and3A_1850 = arith.andi %mul3A_1846, %and3A_1849 : i32
        %broadcast_in_dim3A_1851 = vector.broadcast %and3A_1850 : i32 to vector<16xi32>
        %get3A_1852 = arith.index_cast %add3A_1840 : i32 to index
        %get3A_1853 = arith.constant 0 : index
        %get3A_1854 = tpu.vector_load %arg8[%get3A_1852, %get3A_1853] {strides = array<i32>} : memref<80x128xf32, #tpu.memory_space<vmem>>, vector<16xf32>,
        %get3A_1855 = arith.index_cast %add3A_1840 : i32 to index
        %get3A_1856 = arith.constant 16 : index
        %get3A_1857 = tpu.vector_load %arg8[%get3A_1855, %get3A_1856] {strides = array<i32>} : memref<80x128xf32, #tpu.memory_space<vmem>>, vector<16xf32>,
        %get3A_1858 = arith.index_cast %add3A_1840 : i32 to index
        %get3A_1859 = arith.constant 0 : index
        %get3A_1860 = tpu.vector_load %arg9[%get3A_1858, %get3A_1859] {strides = array<i32>} : memref<80x256xf32, #tpu.memory_space<vmem>>, vector<16xf32>,
        %get3A_1861 = arith.index_cast %add3A_1840 : i32 to index
        %get3A_1862 = arith.constant 16 : index
        %get3A_1863 = tpu.vector_load %arg9[%get3A_1861, %get3A_1862] {strides = array<i32>} : memref<80x256xf32, #tpu.memory_space<vmem>>, vector<16xf32>,
        %mul3A_1864 = arith.mulf %get3A_1854, %get3A_1860 : vector<16xf32>
        %mul3A_1865 = arith.mulf %get3A_1857, %get3A_1863 : vector<16xf32>
        %add3A_1866 = arith.addf %mul3A_1864, %mul3A_1865 : vector<16xf32>
        %reduce_sum3A_1867 = arith.constant true
        %reduce_sum3A_1868 = vector.broadcast %reduce_sum3A_1867 : i1 to vector<16xi1>
        %reduce_sum3A_1869 = tpu.scan <sum>, %add3A_1866 masked %reduce_sum3A_1868 : vector<16xf32>, vector<16xi1> -> vector<16xf32>
        %reduce_sum3A_1870 = vector.extract %reduce_sum3A_1869[15] : f32 from vector<16xf32>
        %broadcast_in_dim3A_1871 = vector.broadcast %reduce_sum3A_1870 : f32 to vector<16xf32>
        %exp3A_1872 = math.exp %broadcast_in_dim3A_1871 : vector<16xf32>
        %get3A_1873 = arith.index_cast %add3A_1840 : i32 to index
        %get3A_1874 = arith.constant 128 : index
        %get3A_1875 = tpu.vector_load %arg9[%get3A_1873, %get3A_1874] {strides = array<i32>} : memref<80x256xf32, #tpu.memory_space<vmem>>, vector<16xf32>,
        %get3A_1876 = arith.index_cast %add3A_1840 : i32 to index
        %get3A_1877 = arith.constant 144 : index
        %get3A_1878 = tpu.vector_load %arg9[%get3A_1876, %get3A_1877] {strides = array<i32>} : memref<80x256xf32, #tpu.memory_space<vmem>>, vector<16xf32>,
        %mul3A_1879 = arith.mulf %get3A_1875, %exp3A_1872 : vector<16xf32>
        %swap3A_1880 = arith.index_cast %add3A_1840 : i32 to index
        %swap3A_1881 = arith.constant 0 : index
        %swap3A_1882 = tpu.vector_load %arg8[%swap3A_1880, %swap3A_1881] {strides = array<i32>} : memref<80x128xf32, #tpu.memory_space<vmem>>, vector<16xf32>,
        tpu.vector_store %arg8[%swap3A_1880, %swap3A_1881], %mul3A_1879 {strides = array<i32>} : memref<80x128xf32, #tpu.memory_space<vmem>>, vector<16xf32>,
        %mul3A_1883 = arith.mulf %get3A_1878, %exp3A_1872 : vector<16xf32>
        %swap3A_1884 = arith.index_cast %add3A_1840 : i32 to index
        %swap3A_1885 = arith.constant 16 : index
        %swap3A_1886 = tpu.vector_load %arg8[%swap3A_1884, %swap3A_1885] {strides = array<i32>} : memref<80x128xf32, #tpu.memory_space<vmem>>, vector<16xf32>,
        tpu.vector_store %arg8[%swap3A_1884, %swap3A_1885], %mul3A_1883 {strides = array<i32>} : memref<80x128xf32, #tpu.memory_space<vmem>>, vector<16xf32>,
        %add3A_1887 = arith.constant 0 : i32
        %add3A_1888 = vector.broadcast %add3A_1887 : i32 to vector<16xi32>
        %add3A_1889 = arith.addi %broadcast_in_dim3A_1851, %add3A_1888 : vector<16xi32>
        %eq3A_1890 = arith.cmpi eq, %iota3A, %add3A_1889 : vector<16xi32>
        %select_n3A_1891 = arith.select %eq3A_1890, %exp3A_1872, %broadcast_in_dim3A_1 : vector<16xi1>, vector<16xf32>
        %get3A_1892 = arith.index_cast %add3A_1840 : i32 to index
        %get3A_1893 = arith.constant 32 : index
        %get3A_1894 = tpu.vector_load %arg8[%get3A_1892, %get3A_1893] {strides = array<i32>} : memref<80x128xf32, #tpu.memory_space<vmem>>, vector<16xf32>,
        %get3A_1895 = arith.index_cast %add3A_1840 : i32 to index
        %get3A_1896 = arith.constant 48 : index
        %get3A_1897 = tpu.vector_load %arg8[%get3A_1895, %get3A_1896] {strides = array<i32>} : memref<80x128xf32, #tpu.memory_space<vmem>>, vector<16xf32>,
        %get3A_1898 = arith.index_cast %add3A_1840 : i32 to index
        %get3A_1899 = arith.constant 32 : index
        %get3A_1900 = tpu.vector_load %arg9[%get3A_1898, %get3A_1899] {strides = array<i32>} : memref<80x256xf32, #tpu.memory_space<vmem>>, vector<16xf32>,
        %get3A_1901 = arith.index_cast %add3A_1840 : i32 to index
        %get3A_1902 = arith.constant 48 : index
        %get3A_1903 = tpu.vector_load %arg9[%get3A_1901, %get3A_1902] {strides = array<i32>} : memref<80x256xf32, #tpu.memory_space<vmem>>, vector<16xf32>,
        %mul3A_1904 = arith.mulf %get3A_1894, %get3A_1900 : vector<16xf32>
        %mul3A_1905 = arith.mulf %get3A_1897, %get3A_1903 : vector<16xf32>
        %add3A_1906 = arith.addf %mul3A_1904, %mul3A_1905 : vector<16xf32>
        %reduce_sum3A_1907 = arith.constant true
        %reduce_sum3A_1908 = vector.broadcast %reduce_sum3A_1907 : i1 to vector<16xi1>
        %reduce_sum3A_1909 = tpu.scan <sum>, %add3A_1906 masked %reduce_sum3A_1908 : vector<16xf32>, vector<16xi1> -> vector<16xf32>
        %reduce_sum3A_1910 = vector.extract %reduce_sum3A_1909[15] : f32 from vector<16xf32>
        %broadcast_in_dim3A_1911 = vector.broadcast %reduce_sum3A_1910 : f32 to vector<16xf32>
        %exp3A_1912 = math.exp %broadcast_in_dim3A_1911 : vector<16xf32>
        %get3A_1913 = arith.index_cast %add3A_1840 : i32 to index
        %get3A_1914 = arith.constant 160 : index
        %get3A_1915 = tpu.vector_load %arg9[%get3A_1913, %get3A_1914] {strides = array<i32>} : memref<80x256xf32, #tpu.memory_space<vmem>>, vector<16xf32>,
        %get3A_1916 = arith.index_cast %add3A_1840 : i32 to index
        %get3A_1917 = arith.constant 176 : index
        %get3A_1918 = tpu.vector_load %arg9[%get3A_1916, %get3A_1917] {strides = array<i32>} : memref<80x256xf32, #tpu.memory_space<vmem>>, vector<16xf32>,
        %mul3A_1919 = arith.mulf %get3A_1915, %exp3A_1912 : vector<16xf32>
        %swap3A_1920 = arith.index_cast %add3A_1840 : i32 to index
        %swap3A_1921 = arith.constant 32 : index
        %swap3A_1922 = tpu.vector_load %arg8[%swap3A_1920, %swap3A_1921] {strides = array<i32>} : memref<80x128xf32, #tpu.memory_space<vmem>>, vector<16xf32>,
        tpu.vector_store %arg8[%swap3A_1920, %swap3A_1921], %mul3A_1919 {strides = array<i32>} : memref<80x128xf32, #tpu.memory_space<vmem>>, vector<16xf32>,
        %mul3A_1923 = arith.mulf %get3A_1918, %exp3A_1912 : vector<16xf32>
        %swap3A_1924 = arith.index_cast %add3A_1840 : i32 to index
        %swap3A_1925 = arith.constant 48 : index
        %swap3A_1926 = tpu.vector_load %arg8[%swap3A_1924, %swap3A_1925] {strides = array<i32>} : memref<80x128xf32, #tpu.memory_space<vmem>>, vector<16xf32>,
        tpu.vector_store %arg8[%swap3A_1924, %swap3A_1925], %mul3A_1923 {strides = array<i32>} : memref<80x128xf32, #tpu.memory_space<vmem>>, vector<16xf32>,
        %add3A_1927 = arith.constant 1 : i32
        %add3A_1928 = vector.broadcast %add3A_1927 : i32 to vector<16xi32>
        %add3A_1929 = arith.addi %broadcast_in_dim3A_1851, %add3A_1928 : vector<16xi32>
        %eq3A_1930 = arith.cmpi eq, %iota3A, %add3A_1929 : vector<16xi32>
        %select_n3A_1931 = arith.select %eq3A_1930, %exp3A_1912, %select_n3A_1891 : vector<16xi1>, vector<16xf32>
        %get3A_1932 = arith.index_cast %add3A_1840 : i32 to index
        %get3A_1933 = arith.constant 64 : index
        %get3A_1934 = tpu.vector_load %arg8[%get3A_1932, %get3A_1933] {strides = array<i32>} : memref<80x128xf32, #tpu.memory_space<vmem>>, vector<16xf32>,
        %get3A_1935 = arith.index_cast %add3A_1840 : i32 to index
        %get3A_1936 = arith.constant 80 : index
        %get3A_1937 = tpu.vector_load %arg8[%get3A_1935, %get3A_1936] {strides = array<i32>} : memref<80x128xf32, #tpu.memory_space<vmem>>, vector<16xf32>,
        %get3A_1938 = arith.index_cast %add3A_1840 : i32 to index
        %get3A_1939 = arith.constant 64 : index
        %get3A_1940 = tpu.vector_load %arg9[%get3A_1938, %get3A_1939] {strides = array<i32>} : memref<80x256xf32, #tpu.memory_space<vmem>>, vector<16xf32>,
        %get3A_1941 = arith.index_cast %add3A_1840 : i32 to index
        %get3A_1942 = arith.constant 80 : index
        %get3A_1943 = tpu.vector_load %arg9[%get3A_1941, %get3A_1942] {strides = array<i32>} : memref<80x256xf32, #tpu.memory_space<vmem>>, vector<16xf32>,
        %mul3A_1944 = arith.mulf %get3A_1934, %get3A_1940 : vector<16xf32>
        %mul3A_1945 = arith.mulf %get3A_1937, %get3A_1943 : vector<16xf32>
        %add3A_1946 = arith.addf %mul3A_1944, %mul3A_1945 : vector<16xf32>
        %reduce_sum3A_1947 = arith.constant true
        %reduce_sum3A_1948 = vector.broadcast %reduce_sum3A_1947 : i1 to vector<16xi1>
        %reduce_sum3A_1949 = tpu.scan <sum>, %add3A_1946 masked %reduce_sum3A_1948 : vector<16xf32>, vector<16xi1> -> vector<16xf32>
        %reduce_sum3A_1950 = vector.extract %reduce_sum3A_1949[15] : f32 from vector<16xf32>
        %broadcast_in_dim3A_1951 = vector.broadcast %reduce_sum3A_1950 : f32 to vector<16xf32>
        %exp3A_1952 = math.exp %broadcast_in_dim3A_1951 : vector<16xf32>
        %get3A_1953 = arith.index_cast %add3A_1840 : i32 to index
        %get3A_1954 = arith.constant 192 : index
        %get3A_1955 = tpu.vector_load %arg9[%get3A_1953, %get3A_1954] {strides = array<i32>} : memref<80x256xf32, #tpu.memory_space<vmem>>, vector<16xf32>,
        %get3A_1956 = arith.index_cast %add3A_1840 : i32 to index
        %get3A_1957 = arith.constant 208 : index
        %get3A_1958 = tpu.vector_load %arg9[%get3A_1956, %get3A_1957] {strides = array<i32>} : memref<80x256xf32, #tpu.memory_space<vmem>>, vector<16xf32>,
        %mul3A_1959 = arith.mulf %get3A_1955, %exp3A_1952 : vector<16xf32>
        %swap3A_1960 = arith.index_cast %add3A_1840 : i32 to index
        %swap3A_1961 = arith.constant 64 : index
        %swap3A_1962 = tpu.vector_load %arg8[%swap3A_1960, %swap3A_1961] {strides = array<i32>} : memref<80x128xf32, #tpu.memory_space<vmem>>, vector<16xf32>,
        tpu.vector_store %arg8[%swap3A_1960, %swap3A_1961], %mul3A_1959 {strides = array<i32>} : memref<80x128xf32, #tpu.memory_space<vmem>>, vector<16xf32>,
        %mul3A_1963 = arith.mulf %get3A_1958, %exp3A_1952 : vector<16xf32>
        %swap3A_1964 = arith.index_cast %add3A_1840 : i32 to index
        %swap3A_1965 = arith.constant 80 : index
        %swap3A_1966 = tpu.vector_load %arg8[%swap3A_1964, %swap3A_1965] {strides = array<i32>} : memref<80x128xf32, #tpu.memory_space<vmem>>, vector<16xf32>,
        tpu.vector_store %arg8[%swap3A_1964, %swap3A_1965], %mul3A_1963 {strides = array<i32>} : memref<80x128xf32, #tpu.memory_space<vmem>>, vector<16xf32>,
        %add3A_1967 = arith.constant 2 : i32
        %add3A_1968 = vector.broadcast %add3A_1967 : i32 to vector<16xi32>
        %add3A_1969 = arith.addi %broadcast_in_dim3A_1851, %add3A_1968 : vector<16xi32>
        %eq3A_1970 = arith.cmpi eq, %iota3A, %add3A_1969 : vector<16xi32>
        %select_n3A_1971 = arith.select %eq3A_1970, %exp3A_1952, %select_n3A_1931 : vector<16xi1>, vector<16xf32>
        %get3A_1972 = arith.index_cast %add3A_1840 : i32 to index
        %get3A_1973 = arith.constant 96 : index
        %get3A_1974 = tpu.vector_load %arg8[%get3A_1972, %get3A_1973] {strides = array<i32>} : memref<80x128xf32, #tpu.memory_space<vmem>>, vector<16xf32>,
        %get3A_1975 = arith.index_cast %add3A_1840 : i32 to index
        %get3A_1976 = arith.constant 112 : index
        %get3A_1977 = tpu.vector_load %arg8[%get3A_1975, %get3A_1976] {strides = array<i32>} : memref<80x128xf32, #tpu.memory_space<vmem>>, vector<16xf32>,
        %get3A_1978 = arith.index_cast %add3A_1840 : i32 to index
        %get3A_1979 = arith.constant 96 : index
        %get3A_1980 = tpu.vector_load %arg9[%get3A_1978, %get3A_1979] {strides = array<i32>} : memref<80x256xf32, #tpu.memory_space<vmem>>, vector<16xf32>,
        %get3A_1981 = arith.index_cast %add3A_1840 : i32 to index
        %get3A_1982 = arith.constant 112 : index
        %get3A_1983 = tpu.vector_load %arg9[%get3A_1981, %get3A_1982] {strides = array<i32>} : memref<80x256xf32, #tpu.memory_space<vmem>>, vector<16xf32>,
        %mul3A_1984 = arith.mulf %get3A_1974, %get3A_1980 : vector<16xf32>
        %mul3A_1985 = arith.mulf %get3A_1977, %get3A_1983 : vector<16xf32>
        %add3A_1986 = arith.addf %mul3A_1984, %mul3A_1985 : vector<16xf32>
        %reduce_sum3A_1987 = arith.constant true
        %reduce_sum3A_1988 = vector.broadcast %reduce_sum3A_1987 : i1 to vector<16xi1>
        %reduce_sum3A_1989 = tpu.scan <sum>, %add3A_1986 masked %reduce_sum3A_1988 : vector<16xf32>, vector<16xi1> -> vector<16xf32>
        %reduce_sum3A_1990 = vector.extract %reduce_sum3A_1989[15] : f32 from vector<16xf32>
        %broadcast_in_dim3A_1991 = vector.broadcast %reduce_sum3A_1990 : f32 to vector<16xf32>
        %exp3A_1992 = math.exp %broadcast_in_dim3A_1991 : vector<16xf32>
        %get3A_1993 = arith.index_cast %add3A_1840 : i32 to index
        %get3A_1994 = arith.constant 224 : index
        %get3A_1995 = tpu.vector_load %arg9[%get3A_1993, %get3A_1994] {strides = array<i32>} : memref<80x256xf32, #tpu.memory_space<vmem>>, vector<16xf32>,
        %get3A_1996 = arith.index_cast %add3A_1840 : i32 to index
        %get3A_1997 = arith.constant 240 : index
        %get3A_1998 = tpu.vector_load %arg9[%get3A_1996, %get3A_1997] {strides = array<i32>} : memref<80x256xf32, #tpu.memory_space<vmem>>, vector<16xf32>,
        %mul3A_1999 = arith.mulf %get3A_1995, %exp3A_1992 : vector<16xf32>
        %swap3A_2000 = arith.index_cast %add3A_1840 : i32 to index
        %swap3A_2001 = arith.constant 96 : index
        %swap3A_2002 = tpu.vector_load %arg8[%swap3A_2000, %swap3A_2001] {strides = array<i32>} : memref<80x128xf32, #tpu.memory_space<vmem>>, vector<16xf32>,
        tpu.vector_store %arg8[%swap3A_2000, %swap3A_2001], %mul3A_1999 {strides = array<i32>} : memref<80x128xf32, #tpu.memory_space<vmem>>, vector<16xf32>,
        %mul3A_2003 = arith.mulf %get3A_1998, %exp3A_1992 : vector<16xf32>
        %swap3A_2004 = arith.index_cast %add3A_1840 : i32 to index
        %swap3A_2005 = arith.constant 112 : index
        %swap3A_2006 = tpu.vector_load %arg8[%swap3A_2004, %swap3A_2005] {strides = array<i32>} : memref<80x128xf32, #tpu.memory_space<vmem>>, vector<16xf32>,
        tpu.vector_store %arg8[%swap3A_2004, %swap3A_2005], %mul3A_2003 {strides = array<i32>} : memref<80x128xf32, #tpu.memory_space<vmem>>, vector<16xf32>,
        %add3A_2007 = arith.constant 3 : i32
        %add3A_2008 = vector.broadcast %add3A_2007 : i32 to vector<16xi32>
        %add3A_2009 = arith.addi %broadcast_in_dim3A_1851, %add3A_2008 : vector<16xi32>
        %eq3A_2010 = arith.cmpi eq, %iota3A, %add3A_2009 : vector<16xi32>
        %select_n3A_2011 = arith.select %eq3A_2010, %exp3A_1992, %select_n3A_1971 : vector<16xi1>, vector<16xf32>
        %mul3A_2012 = arith.constant 16 : i32
        %mul3A_2013 = arith.muli %shift_right_logical3A_1848, %mul3A_2012 : i32
        %swap3A_2014 = arith.index_cast %add3A_1840 : i32 to index
        %swap3A_2015 = arith.index_cast %mul3A_2013 : i32 to index
        %swap3A_2016 = tpu.vector_load %arg10[%swap3A_2014, %swap3A_2015] {strides = array<i32>} : memref<80x128xf32, #tpu.memory_space<vmem>>, vector<16xf32>,
        tpu.vector_store %arg10[%swap3A_2014, %swap3A_2015], %select_n3A_2011 {strides = array<i32>} : memref<80x128xf32, #tpu.memory_space<vmem>>, vector<16xf32>,
        %mul3A_2017 = arith.constant 16 : i32
        %mul3A_2018 = arith.muli %scan3A_218, %mul3A_2017 : i32
        %add3A_2019 = arith.constant 10 : i32
        %add3A_2020 = arith.addi %mul3A_2018, %add3A_2019 : i32
        %slice3A_2021 = vector.extract_strided_slice %get3A_223 {offsets = [10], sizes = [1], strides = [1]} : vector<16xi32> to vector<1xi32>
        %squeeze3A_2022 = vector.extract %slice3A_2021[0] : i32 from vector<1xi32>
        %and3A_2023 = arith.constant 31 : i32
        %and3A_2024 = arith.andi %squeeze3A_2022, %and3A_2023 : i32
        %mul3A_2025 = arith.constant 4 : i32
        %mul3A_2026 = arith.muli %and3A_2024, %mul3A_2025 : i32
        %shift_right_logical3A_2027 = arith.constant 4 : i32
        %shift_right_logical3A_2028 = arith.shrui %mul3A_2026, %shift_right_logical3A_2027 : i32
        %and3A_2029 = arith.constant 15 : i32
        %and3A_2030 = arith.andi %mul3A_2026, %and3A_2029 : i32
        %broadcast_in_dim3A_2031 = vector.broadcast %and3A_2030 : i32 to vector<16xi32>
        %get3A_2032 = arith.index_cast %add3A_2020 : i32 to index
        %get3A_2033 = arith.constant 0 : index
        %get3A_2034 = tpu.vector_load %arg8[%get3A_2032, %get3A_2033] {strides = array<i32>} : memref<80x128xf32, #tpu.memory_space<vmem>>, vector<16xf32>,
        %get3A_2035 = arith.index_cast %add3A_2020 : i32 to index
        %get3A_2036 = arith.constant 16 : index
        %get3A_2037 = tpu.vector_load %arg8[%get3A_2035, %get3A_2036] {strides = array<i32>} : memref<80x128xf32, #tpu.memory_space<vmem>>, vector<16xf32>,
        %get3A_2038 = arith.index_cast %add3A_2020 : i32 to index
        %get3A_2039 = arith.constant 0 : index
        %get3A_2040 = tpu.vector_load %arg9[%get3A_2038, %get3A_2039] {strides = array<i32>} : memref<80x256xf32, #tpu.memory_space<vmem>>, vector<16xf32>,
        %get3A_2041 = arith.index_cast %add3A_2020 : i32 to index
        %get3A_2042 = arith.constant 16 : index
        %get3A_2043 = tpu.vector_load %arg9[%get3A_2041, %get3A_2042] {strides = array<i32>} : memref<80x256xf32, #tpu.memory_space<vmem>>, vector<16xf32>,
        %mul3A_2044 = arith.mulf %get3A_2034, %get3A_2040 : vector<16xf32>
        %mul3A_2045 = arith.mulf %get3A_2037, %get3A_2043 : vector<16xf32>
        %add3A_2046 = arith.addf %mul3A_2044, %mul3A_2045 : vector<16xf32>
        %reduce_sum3A_2047 = arith.constant true
        %reduce_sum3A_2048 = vector.broadcast %reduce_sum3A_2047 : i1 to vector<16xi1>
        %reduce_sum3A_2049 = tpu.scan <sum>, %add3A_2046 masked %reduce_sum3A_2048 : vector<16xf32>, vector<16xi1> -> vector<16xf32>
        %reduce_sum3A_2050 = vector.extract %reduce_sum3A_2049[15] : f32 from vector<16xf32>
        %broadcast_in_dim3A_2051 = vector.broadcast %reduce_sum3A_2050 : f32 to vector<16xf32>
        %exp3A_2052 = math.exp %broadcast_in_dim3A_2051 : vector<16xf32>
        %get3A_2053 = arith.index_cast %add3A_2020 : i32 to index
        %get3A_2054 = arith.constant 128 : index
        %get3A_2055 = tpu.vector_load %arg9[%get3A_2053, %get3A_2054] {strides = array<i32>} : memref<80x256xf32, #tpu.memory_space<vmem>>, vector<16xf32>,
        %get3A_2056 = arith.index_cast %add3A_2020 : i32 to index
        %get3A_2057 = arith.constant 144 : index
        %get3A_2058 = tpu.vector_load %arg9[%get3A_2056, %get3A_2057] {strides = array<i32>} : memref<80x256xf32, #tpu.memory_space<vmem>>, vector<16xf32>,
        %mul3A_2059 = arith.mulf %get3A_2055, %exp3A_2052 : vector<16xf32>
        %swap3A_2060 = arith.index_cast %add3A_2020 : i32 to index
        %swap3A_2061 = arith.constant 0 : index
        %swap3A_2062 = tpu.vector_load %arg8[%swap3A_2060, %swap3A_2061] {strides = array<i32>} : memref<80x128xf32, #tpu.memory_space<vmem>>, vector<16xf32>,
        tpu.vector_store %arg8[%swap3A_2060, %swap3A_2061], %mul3A_2059 {strides = array<i32>} : memref<80x128xf32, #tpu.memory_space<vmem>>, vector<16xf32>,
        %mul3A_2063 = arith.mulf %get3A_2058, %exp3A_2052 : vector<16xf32>
        %swap3A_2064 = arith.index_cast %add3A_2020 : i32 to index
        %swap3A_2065 = arith.constant 16 : index
        %swap3A_2066 = tpu.vector_load %arg8[%swap3A_2064, %swap3A_2065] {strides = array<i32>} : memref<80x128xf32, #tpu.memory_space<vmem>>, vector<16xf32>,
        tpu.vector_store %arg8[%swap3A_2064, %swap3A_2065], %mul3A_2063 {strides = array<i32>} : memref<80x128xf32, #tpu.memory_space<vmem>>, vector<16xf32>,
        %add3A_2067 = arith.constant 0 : i32
        %add3A_2068 = vector.broadcast %add3A_2067 : i32 to vector<16xi32>
        %add3A_2069 = arith.addi %broadcast_in_dim3A_2031, %add3A_2068 : vector<16xi32>
        %eq3A_2070 = arith.cmpi eq, %iota3A, %add3A_2069 : vector<16xi32>
        %select_n3A_2071 = arith.select %eq3A_2070, %exp3A_2052, %broadcast_in_dim3A_1 : vector<16xi1>, vector<16xf32>
        %get3A_2072 = arith.index_cast %add3A_2020 : i32 to index
        %get3A_2073 = arith.constant 32 : index
        %get3A_2074 = tpu.vector_load %arg8[%get3A_2072, %get3A_2073] {strides = array<i32>} : memref<80x128xf32, #tpu.memory_space<vmem>>, vector<16xf32>,
        %get3A_2075 = arith.index_cast %add3A_2020 : i32 to index
        %get3A_2076 = arith.constant 48 : index
        %get3A_2077 = tpu.vector_load %arg8[%get3A_2075, %get3A_2076] {strides = array<i32>} : memref<80x128xf32, #tpu.memory_space<vmem>>, vector<16xf32>,
        %get3A_2078 = arith.index_cast %add3A_2020 : i32 to index
        %get3A_2079 = arith.constant 32 : index
        %get3A_2080 = tpu.vector_load %arg9[%get3A_2078, %get3A_2079] {strides = array<i32>} : memref<80x256xf32, #tpu.memory_space<vmem>>, vector<16xf32>,
        %get3A_2081 = arith.index_cast %add3A_2020 : i32 to index
        %get3A_2082 = arith.constant 48 : index
        %get3A_2083 = tpu.vector_load %arg9[%get3A_2081, %get3A_2082] {strides = array<i32>} : memref<80x256xf32, #tpu.memory_space<vmem>>, vector<16xf32>,
        %mul3A_2084 = arith.mulf %get3A_2074, %get3A_2080 : vector<16xf32>
        %mul3A_2085 = arith.mulf %get3A_2077, %get3A_2083 : vector<16xf32>
        %add3A_2086 = arith.addf %mul3A_2084, %mul3A_2085 : vector<16xf32>
        %reduce_sum3A_2087 = arith.constant true
        %reduce_sum3A_2088 = vector.broadcast %reduce_sum3A_2087 : i1 to vector<16xi1>
        %reduce_sum3A_2089 = tpu.scan <sum>, %add3A_2086 masked %reduce_sum3A_2088 : vector<16xf32>, vector<16xi1> -> vector<16xf32>
        %reduce_sum3A_2090 = vector.extract %reduce_sum3A_2089[15] : f32 from vector<16xf32>
        %broadcast_in_dim3A_2091 = vector.broadcast %reduce_sum3A_2090 : f32 to vector<16xf32>
        %exp3A_2092 = math.exp %broadcast_in_dim3A_2091 : vector<16xf32>
        %get3A_2093 = arith.index_cast %add3A_2020 : i32 to index
        %get3A_2094 = arith.constant 160 : index
        %get3A_2095 = tpu.vector_load %arg9[%get3A_2093, %get3A_2094] {strides = array<i32>} : memref<80x256xf32, #tpu.memory_space<vmem>>, vector<16xf32>,
        %get3A_2096 = arith.index_cast %add3A_2020 : i32 to index
        %get3A_2097 = arith.constant 176 : index
        %get3A_2098 = tpu.vector_load %arg9[%get3A_2096, %get3A_2097] {strides = array<i32>} : memref<80x256xf32, #tpu.memory_space<vmem>>, vector<16xf32>,
        %mul3A_2099 = arith.mulf %get3A_2095, %exp3A_2092 : vector<16xf32>
        %swap3A_2100 = arith.index_cast %add3A_2020 : i32 to index
        %swap3A_2101 = arith.constant 32 : index
        %swap3A_2102 = tpu.vector_load %arg8[%swap3A_2100, %swap3A_2101] {strides = array<i32>} : memref<80x128xf32, #tpu.memory_space<vmem>>, vector<16xf32>,
        tpu.vector_store %arg8[%swap3A_2100, %swap3A_2101], %mul3A_2099 {strides = array<i32>} : memref<80x128xf32, #tpu.memory_space<vmem>>, vector<16xf32>,
        %mul3A_2103 = arith.mulf %get3A_2098, %exp3A_2092 : vector<16xf32>
        %swap3A_2104 = arith.index_cast %add3A_2020 : i32 to index
        %swap3A_2105 = arith.constant 48 : index
        %swap3A_2106 = tpu.vector_load %arg8[%swap3A_2104, %swap3A_2105] {strides = array<i32>} : memref<80x128xf32, #tpu.memory_space<vmem>>, vector<16xf32>,
        tpu.vector_store %arg8[%swap3A_2104, %swap3A_2105], %mul3A_2103 {strides = array<i32>} : memref<80x128xf32, #tpu.memory_space<vmem>>, vector<16xf32>,
        %add3A_2107 = arith.constant 1 : i32
        %add3A_2108 = vector.broadcast %add3A_2107 : i32 to vector<16xi32>
        %add3A_2109 = arith.addi %broadcast_in_dim3A_2031, %add3A_2108 : vector<16xi32>
        %eq3A_2110 = arith.cmpi eq, %iota3A, %add3A_2109 : vector<16xi32>
        %select_n3A_2111 = arith.select %eq3A_2110, %exp3A_2092, %select_n3A_2071 : vector<16xi1>, vector<16xf32>
        %get3A_2112 = arith.index_cast %add3A_2020 : i32 to index
        %get3A_2113 = arith.constant 64 : index
        %get3A_2114 = tpu.vector_load %arg8[%get3A_2112, %get3A_2113] {strides = array<i32>} : memref<80x128xf32, #tpu.memory_space<vmem>>, vector<16xf32>,
        %get3A_2115 = arith.index_cast %add3A_2020 : i32 to index
        %get3A_2116 = arith.constant 80 : index
        %get3A_2117 = tpu.vector_load %arg8[%get3A_2115, %get3A_2116] {strides = array<i32>} : memref<80x128xf32, #tpu.memory_space<vmem>>, vector<16xf32>,
        %get3A_2118 = arith.index_cast %add3A_2020 : i32 to index
        %get3A_2119 = arith.constant 64 : index
        %get3A_2120 = tpu.vector_load %arg9[%get3A_2118, %get3A_2119] {strides = array<i32>} : memref<80x256xf32, #tpu.memory_space<vmem>>, vector<16xf32>,
        %get3A_2121 = arith.index_cast %add3A_2020 : i32 to index
        %get3A_2122 = arith.constant 80 : index
        %get3A_2123 = tpu.vector_load %arg9[%get3A_2121, %get3A_2122] {strides = array<i32>} : memref<80x256xf32, #tpu.memory_space<vmem>>, vector<16xf32>,
        %mul3A_2124 = arith.mulf %get3A_2114, %get3A_2120 : vector<16xf32>
        %mul3A_2125 = arith.mulf %get3A_2117, %get3A_2123 : vector<16xf32>
        %add3A_2126 = arith.addf %mul3A_2124, %mul3A_2125 : vector<16xf32>
        %reduce_sum3A_2127 = arith.constant true
        %reduce_sum3A_2128 = vector.broadcast %reduce_sum3A_2127 : i1 to vector<16xi1>
        %reduce_sum3A_2129 = tpu.scan <sum>, %add3A_2126 masked %reduce_sum3A_2128 : vector<16xf32>, vector<16xi1> -> vector<16xf32>
        %reduce_sum3A_2130 = vector.extract %reduce_sum3A_2129[15] : f32 from vector<16xf32>
        %broadcast_in_dim3A_2131 = vector.broadcast %reduce_sum3A_2130 : f32 to vector<16xf32>
        %exp3A_2132 = math.exp %broadcast_in_dim3A_2131 : vector<16xf32>
        %get3A_2133 = arith.index_cast %add3A_2020 : i32 to index
        %get3A_2134 = arith.constant 192 : index
        %get3A_2135 = tpu.vector_load %arg9[%get3A_2133, %get3A_2134] {strides = array<i32>} : memref<80x256xf32, #tpu.memory_space<vmem>>, vector<16xf32>,
        %get3A_2136 = arith.index_cast %add3A_2020 : i32 to index
        %get3A_2137 = arith.constant 208 : index
        %get3A_2138 = tpu.vector_load %arg9[%get3A_2136, %get3A_2137] {strides = array<i32>} : memref<80x256xf32, #tpu.memory_space<vmem>>, vector<16xf32>,
        %mul3A_2139 = arith.mulf %get3A_2135, %exp3A_2132 : vector<16xf32>
        %swap3A_2140 = arith.index_cast %add3A_2020 : i32 to index
        %swap3A_2141 = arith.constant 64 : index
        %swap3A_2142 = tpu.vector_load %arg8[%swap3A_2140, %swap3A_2141] {strides = array<i32>} : memref<80x128xf32, #tpu.memory_space<vmem>>, vector<16xf32>,
        tpu.vector_store %arg8[%swap3A_2140, %swap3A_2141], %mul3A_2139 {strides = array<i32>} : memref<80x128xf32, #tpu.memory_space<vmem>>, vector<16xf32>,
        %mul3A_2143 = arith.mulf %get3A_2138, %exp3A_2132 : vector<16xf32>
        %swap3A_2144 = arith.index_cast %add3A_2020 : i32 to index
        %swap3A_2145 = arith.constant 80 : index
        %swap3A_2146 = tpu.vector_load %arg8[%swap3A_2144, %swap3A_2145] {strides = array<i32>} : memref<80x128xf32, #tpu.memory_space<vmem>>, vector<16xf32>,
        tpu.vector_store %arg8[%swap3A_2144, %swap3A_2145], %mul3A_2143 {strides = array<i32>} : memref<80x128xf32, #tpu.memory_space<vmem>>, vector<16xf32>,
        %add3A_2147 = arith.constant 2 : i32
        %add3A_2148 = vector.broadcast %add3A_2147 : i32 to vector<16xi32>
        %add3A_2149 = arith.addi %broadcast_in_dim3A_2031, %add3A_2148 : vector<16xi32>
        %eq3A_2150 = arith.cmpi eq, %iota3A, %add3A_2149 : vector<16xi32>
        %select_n3A_2151 = arith.select %eq3A_2150, %exp3A_2132, %select_n3A_2111 : vector<16xi1>, vector<16xf32>
        %get3A_2152 = arith.index_cast %add3A_2020 : i32 to index
        %get3A_2153 = arith.constant 96 : index
        %get3A_2154 = tpu.vector_load %arg8[%get3A_2152, %get3A_2153] {strides = array<i32>} : memref<80x128xf32, #tpu.memory_space<vmem>>, vector<16xf32>,
        %get3A_2155 = arith.index_cast %add3A_2020 : i32 to index
        %get3A_2156 = arith.constant 112 : index
        %get3A_2157 = tpu.vector_load %arg8[%get3A_2155, %get3A_2156] {strides = array<i32>} : memref<80x128xf32, #tpu.memory_space<vmem>>, vector<16xf32>,
        %get3A_2158 = arith.index_cast %add3A_2020 : i32 to index
        %get3A_2159 = arith.constant 96 : index
        %get3A_2160 = tpu.vector_load %arg9[%get3A_2158, %get3A_2159] {strides = array<i32>} : memref<80x256xf32, #tpu.memory_space<vmem>>, vector<16xf32>,
        %get3A_2161 = arith.index_cast %add3A_2020 : i32 to index
        %get3A_2162 = arith.constant 112 : index
        %get3A_2163 = tpu.vector_load %arg9[%get3A_2161, %get3A_2162] {strides = array<i32>} : memref<80x256xf32, #tpu.memory_space<vmem>>, vector<16xf32>,
        %mul3A_2164 = arith.mulf %get3A_2154, %get3A_2160 : vector<16xf32>
        %mul3A_2165 = arith.mulf %get3A_2157, %get3A_2163 : vector<16xf32>
        %add3A_2166 = arith.addf %mul3A_2164, %mul3A_2165 : vector<16xf32>
        %reduce_sum3A_2167 = arith.constant true
        %reduce_sum3A_2168 = vector.broadcast %reduce_sum3A_2167 : i1 to vector<16xi1>
        %reduce_sum3A_2169 = tpu.scan <sum>, %add3A_2166 masked %reduce_sum3A_2168 : vector<16xf32>, vector<16xi1> -> vector<16xf32>
        %reduce_sum3A_2170 = vector.extract %reduce_sum3A_2169[15] : f32 from vector<16xf32>
        %broadcast_in_dim3A_2171 = vector.broadcast %reduce_sum3A_2170 : f32 to vector<16xf32>
        %exp3A_2172 = math.exp %broadcast_in_dim3A_2171 : vector<16xf32>
        %get3A_2173 = arith.index_cast %add3A_2020 : i32 to index
        %get3A_2174 = arith.constant 224 : index
        %get3A_2175 = tpu.vector_load %arg9[%get3A_2173, %get3A_2174] {strides = array<i32>} : memref<80x256xf32, #tpu.memory_space<vmem>>, vector<16xf32>,
        %get3A_2176 = arith.index_cast %add3A_2020 : i32 to index
        %get3A_2177 = arith.constant 240 : index
        %get3A_2178 = tpu.vector_load %arg9[%get3A_2176, %get3A_2177] {strides = array<i32>} : memref<80x256xf32, #tpu.memory_space<vmem>>, vector<16xf32>,
        %mul3A_2179 = arith.mulf %get3A_2175, %exp3A_2172 : vector<16xf32>
        %swap3A_2180 = arith.index_cast %add3A_2020 : i32 to index
        %swap3A_2181 = arith.constant 96 : index
        %swap3A_2182 = tpu.vector_load %arg8[%swap3A_2180, %swap3A_2181] {strides = array<i32>} : memref<80x128xf32, #tpu.memory_space<vmem>>, vector<16xf32>,
        tpu.vector_store %arg8[%swap3A_2180, %swap3A_2181], %mul3A_2179 {strides = array<i32>} : memref<80x128xf32, #tpu.memory_space<vmem>>, vector<16xf32>,
        %mul3A_2183 = arith.mulf %get3A_2178, %exp3A_2172 : vector<16xf32>
        %swap3A_2184 = arith.index_cast %add3A_2020 : i32 to index
        %swap3A_2185 = arith.constant 112 : index
        %swap3A_2186 = tpu.vector_load %arg8[%swap3A_2184, %swap3A_2185] {strides = array<i32>} : memref<80x128xf32, #tpu.memory_space<vmem>>, vector<16xf32>,
        tpu.vector_store %arg8[%swap3A_2184, %swap3A_2185], %mul3A_2183 {strides = array<i32>} : memref<80x128xf32, #tpu.memory_space<vmem>>, vector<16xf32>,
        %add3A_2187 = arith.constant 3 : i32
        %add3A_2188 = vector.broadcast %add3A_2187 : i32 to vector<16xi32>
        %add3A_2189 = arith.addi %broadcast_in_dim3A_2031, %add3A_2188 : vector<16xi32>
        %eq3A_2190 = arith.cmpi eq, %iota3A, %add3A_2189 : vector<16xi32>
        %select_n3A_2191 = arith.select %eq3A_2190, %exp3A_2172, %select_n3A_2151 : vector<16xi1>, vector<16xf32>
        %mul3A_2192 = arith.constant 16 : i32
        %mul3A_2193 = arith.muli %shift_right_logical3A_2028, %mul3A_2192 : i32
        %swap3A_2194 = arith.index_cast %add3A_2020 : i32 to index
        %swap3A_2195 = arith.index_cast %mul3A_2193 : i32 to index
        %swap3A_2196 = tpu.vector_load %arg10[%swap3A_2194, %swap3A_2195] {strides = array<i32>} : memref<80x128xf32, #tpu.memory_space<vmem>>, vector<16xf32>,
        tpu.vector_store %arg10[%swap3A_2194, %swap3A_2195], %select_n3A_2191 {strides = array<i32>} : memref<80x128xf32, #tpu.memory_space<vmem>>, vector<16xf32>,
        %mul3A_2197 = arith.constant 16 : i32
        %mul3A_2198 = arith.muli %scan3A_218, %mul3A_2197 : i32
        %add3A_2199 = arith.constant 11 : i32
        %add3A_2200 = arith.addi %mul3A_2198, %add3A_2199 : i32
        %slice3A_2201 = vector.extract_strided_slice %get3A_223 {offsets = [11], sizes = [1], strides = [1]} : vector<16xi32> to vector<1xi32>
        %squeeze3A_2202 = vector.extract %slice3A_2201[0] : i32 from vector<1xi32>
        %and3A_2203 = arith.constant 31 : i32
        %and3A_2204 = arith.andi %squeeze3A_2202, %and3A_2203 : i32
        %mul3A_2205 = arith.constant 4 : i32
        %mul3A_2206 = arith.muli %and3A_2204, %mul3A_2205 : i32
        %shift_right_logical3A_2207 = arith.constant 4 : i32
        %shift_right_logical3A_2208 = arith.shrui %mul3A_2206, %shift_right_logical3A_2207 : i32
        %and3A_2209 = arith.constant 15 : i32
        %and3A_2210 = arith.andi %mul3A_2206, %and3A_2209 : i32
        %broadcast_in_dim3A_2211 = vector.broadcast %and3A_2210 : i32 to vector<16xi32>
        %get3A_2212 = arith.index_cast %add3A_2200 : i32 to index
        %get3A_2213 = arith.constant 0 : index
        %get3A_2214 = tpu.vector_load %arg8[%get3A_2212, %get3A_2213] {strides = array<i32>} : memref<80x128xf32, #tpu.memory_space<vmem>>, vector<16xf32>,
        %get3A_2215 = arith.index_cast %add3A_2200 : i32 to index
        %get3A_2216 = arith.constant 16 : index
        %get3A_2217 = tpu.vector_load %arg8[%get3A_2215, %get3A_2216] {strides = array<i32>} : memref<80x128xf32, #tpu.memory_space<vmem>>, vector<16xf32>,
        %get3A_2218 = arith.index_cast %add3A_2200 : i32 to index
        %get3A_2219 = arith.constant 0 : index
        %get3A_2220 = tpu.vector_load %arg9[%get3A_2218, %get3A_2219] {strides = array<i32>} : memref<80x256xf32, #tpu.memory_space<vmem>>, vector<16xf32>,
        %get3A_2221 = arith.index_cast %add3A_2200 : i32 to index
        %get3A_2222 = arith.constant 16 : index
        %get3A_2223 = tpu.vector_load %arg9[%get3A_2221, %get3A_2222] {strides = array<i32>} : memref<80x256xf32, #tpu.memory_space<vmem>>, vector<16xf32>,
        %mul3A_2224 = arith.mulf %get3A_2214, %get3A_2220 : vector<16xf32>
        %mul3A_2225 = arith.mulf %get3A_2217, %get3A_2223 : vector<16xf32>
        %add3A_2226 = arith.addf %mul3A_2224, %mul3A_2225 : vector<16xf32>
        %reduce_sum3A_2227 = arith.constant true
        %reduce_sum3A_2228 = vector.broadcast %reduce_sum3A_2227 : i1 to vector<16xi1>
        %reduce_sum3A_2229 = tpu.scan <sum>, %add3A_2226 masked %reduce_sum3A_2228 : vector<16xf32>, vector<16xi1> -> vector<16xf32>
        %reduce_sum3A_2230 = vector.extract %reduce_sum3A_2229[15] : f32 from vector<16xf32>
        %broadcast_in_dim3A_2231 = vector.broadcast %reduce_sum3A_2230 : f32 to vector<16xf32>
        %exp3A_2232 = math.exp %broadcast_in_dim3A_2231 : vector<16xf32>
        %get3A_2233 = arith.index_cast %add3A_2200 : i32 to index
        %get3A_2234 = arith.constant 128 : index
        %get3A_2235 = tpu.vector_load %arg9[%get3A_2233, %get3A_2234] {strides = array<i32>} : memref<80x256xf32, #tpu.memory_space<vmem>>, vector<16xf32>,
        %get3A_2236 = arith.index_cast %add3A_2200 : i32 to index
        %get3A_2237 = arith.constant 144 : index
        %get3A_2238 = tpu.vector_load %arg9[%get3A_2236, %get3A_2237] {strides = array<i32>} : memref<80x256xf32, #tpu.memory_space<vmem>>, vector<16xf32>,
        %mul3A_2239 = arith.mulf %get3A_2235, %exp3A_2232 : vector<16xf32>
        %swap3A_2240 = arith.index_cast %add3A_2200 : i32 to index
        %swap3A_2241 = arith.constant 0 : index
        %swap3A_2242 = tpu.vector_load %arg8[%swap3A_2240, %swap3A_2241] {strides = array<i32>} : memref<80x128xf32, #tpu.memory_space<vmem>>, vector<16xf32>,
        tpu.vector_store %arg8[%swap3A_2240, %swap3A_2241], %mul3A_2239 {strides = array<i32>} : memref<80x128xf32, #tpu.memory_space<vmem>>, vector<16xf32>,
        %mul3A_2243 = arith.mulf %get3A_2238, %exp3A_2232 : vector<16xf32>
        %swap3A_2244 = arith.index_cast %add3A_2200 : i32 to index
        %swap3A_2245 = arith.constant 16 : index
        %swap3A_2246 = tpu.vector_load %arg8[%swap3A_2244, %swap3A_2245] {strides = array<i32>} : memref<80x128xf32, #tpu.memory_space<vmem>>, vector<16xf32>,
        tpu.vector_store %arg8[%swap3A_2244, %swap3A_2245], %mul3A_2243 {strides = array<i32>} : memref<80x128xf32, #tpu.memory_space<vmem>>, vector<16xf32>,
        %add3A_2247 = arith.constant 0 : i32
        %add3A_2248 = vector.broadcast %add3A_2247 : i32 to vector<16xi32>
        %add3A_2249 = arith.addi %broadcast_in_dim3A_2211, %add3A_2248 : vector<16xi32>
        %eq3A_2250 = arith.cmpi eq, %iota3A, %add3A_2249 : vector<16xi32>
        %select_n3A_2251 = arith.select %eq3A_2250, %exp3A_2232, %broadcast_in_dim3A_1 : vector<16xi1>, vector<16xf32>
        %get3A_2252 = arith.index_cast %add3A_2200 : i32 to index
        %get3A_2253 = arith.constant 32 : index
        %get3A_2254 = tpu.vector_load %arg8[%get3A_2252, %get3A_2253] {strides = array<i32>} : memref<80x128xf32, #tpu.memory_space<vmem>>, vector<16xf32>,
        %get3A_2255 = arith.index_cast %add3A_2200 : i32 to index
        %get3A_2256 = arith.constant 48 : index
        %get3A_2257 = tpu.vector_load %arg8[%get3A_2255, %get3A_2256] {strides = array<i32>} : memref<80x128xf32, #tpu.memory_space<vmem>>, vector<16xf32>,
        %get3A_2258 = arith.index_cast %add3A_2200 : i32 to index
        %get3A_2259 = arith.constant 32 : index
        %get3A_2260 = tpu.vector_load %arg9[%get3A_2258, %get3A_2259] {strides = array<i32>} : memref<80x256xf32, #tpu.memory_space<vmem>>, vector<16xf32>,
        %get3A_2261 = arith.index_cast %add3A_2200 : i32 to index
        %get3A_2262 = arith.constant 48 : index
        %get3A_2263 = tpu.vector_load %arg9[%get3A_2261, %get3A_2262] {strides = array<i32>} : memref<80x256xf32, #tpu.memory_space<vmem>>, vector<16xf32>,
        %mul3A_2264 = arith.mulf %get3A_2254, %get3A_2260 : vector<16xf32>
        %mul3A_2265 = arith.mulf %get3A_2257, %get3A_2263 : vector<16xf32>
        %add3A_2266 = arith.addf %mul3A_2264, %mul3A_2265 : vector<16xf32>
        %reduce_sum3A_2267 = arith.constant true
        %reduce_sum3A_2268 = vector.broadcast %reduce_sum3A_2267 : i1 to vector<16xi1>
        %reduce_sum3A_2269 = tpu.scan <sum>, %add3A_2266 masked %reduce_sum3A_2268 : vector<16xf32>, vector<16xi1> -> vector<16xf32>
        %reduce_sum3A_2270 = vector.extract %reduce_sum3A_2269[15] : f32 from vector<16xf32>
        %broadcast_in_dim3A_2271 = vector.broadcast %reduce_sum3A_2270 : f32 to vector<16xf32>
        %exp3A_2272 = math.exp %broadcast_in_dim3A_2271 : vector<16xf32>
        %get3A_2273 = arith.index_cast %add3A_2200 : i32 to index
        %get3A_2274 = arith.constant 160 : index
        %get3A_2275 = tpu.vector_load %arg9[%get3A_2273, %get3A_2274] {strides = array<i32>} : memref<80x256xf32, #tpu.memory_space<vmem>>, vector<16xf32>,
        %get3A_2276 = arith.index_cast %add3A_2200 : i32 to index
        %get3A_2277 = arith.constant 176 : index
        %get3A_2278 = tpu.vector_load %arg9[%get3A_2276, %get3A_2277] {strides = array<i32>} : memref<80x256xf32, #tpu.memory_space<vmem>>, vector<16xf32>,
        %mul3A_2279 = arith.mulf %get3A_2275, %exp3A_2272 : vector<16xf32>
        %swap3A_2280 = arith.index_cast %add3A_2200 : i32 to index
        %swap3A_2281 = arith.constant 32 : index
        %swap3A_2282 = tpu.vector_load %arg8[%swap3A_2280, %swap3A_2281] {strides = array<i32>} : memref<80x128xf32, #tpu.memory_space<vmem>>, vector<16xf32>,
        tpu.vector_store %arg8[%swap3A_2280, %swap3A_2281], %mul3A_2279 {strides = array<i32>} : memref<80x128xf32, #tpu.memory_space<vmem>>, vector<16xf32>,
        %mul3A_2283 = arith.mulf %get3A_2278, %exp3A_2272 : vector<16xf32>
        %swap3A_2284 = arith.index_cast %add3A_2200 : i32 to index
        %swap3A_2285 = arith.constant 48 : index
        %swap3A_2286 = tpu.vector_load %arg8[%swap3A_2284, %swap3A_2285] {strides = array<i32>} : memref<80x128xf32, #tpu.memory_space<vmem>>, vector<16xf32>,
        tpu.vector_store %arg8[%swap3A_2284, %swap3A_2285], %mul3A_2283 {strides = array<i32>} : memref<80x128xf32, #tpu.memory_space<vmem>>, vector<16xf32>,
        %add3A_2287 = arith.constant 1 : i32
        %add3A_2288 = vector.broadcast %add3A_2287 : i32 to vector<16xi32>
        %add3A_2289 = arith.addi %broadcast_in_dim3A_2211, %add3A_2288 : vector<16xi32>
        %eq3A_2290 = arith.cmpi eq, %iota3A, %add3A_2289 : vector<16xi32>
        %select_n3A_2291 = arith.select %eq3A_2290, %exp3A_2272, %select_n3A_2251 : vector<16xi1>, vector<16xf32>
        %get3A_2292 = arith.index_cast %add3A_2200 : i32 to index
        %get3A_2293 = arith.constant 64 : index
        %get3A_2294 = tpu.vector_load %arg8[%get3A_2292, %get3A_2293] {strides = array<i32>} : memref<80x128xf32, #tpu.memory_space<vmem>>, vector<16xf32>,
        %get3A_2295 = arith.index_cast %add3A_2200 : i32 to index
        %get3A_2296 = arith.constant 80 : index
        %get3A_2297 = tpu.vector_load %arg8[%get3A_2295, %get3A_2296] {strides = array<i32>} : memref<80x128xf32, #tpu.memory_space<vmem>>, vector<16xf32>,
        %get3A_2298 = arith.index_cast %add3A_2200 : i32 to index
        %get3A_2299 = arith.constant 64 : index
        %get3A_2300 = tpu.vector_load %arg9[%get3A_2298, %get3A_2299] {strides = array<i32>} : memref<80x256xf32, #tpu.memory_space<vmem>>, vector<16xf32>,
        %get3A_2301 = arith.index_cast %add3A_2200 : i32 to index
        %get3A_2302 = arith.constant 80 : index
        %get3A_2303 = tpu.vector_load %arg9[%get3A_2301, %get3A_2302] {strides = array<i32>} : memref<80x256xf32, #tpu.memory_space<vmem>>, vector<16xf32>,
        %mul3A_2304 = arith.mulf %get3A_2294, %get3A_2300 : vector<16xf32>
        %mul3A_2305 = arith.mulf %get3A_2297, %get3A_2303 : vector<16xf32>
        %add3A_2306 = arith.addf %mul3A_2304, %mul3A_2305 : vector<16xf32>
        %reduce_sum3A_2307 = arith.constant true
        %reduce_sum3A_2308 = vector.broadcast %reduce_sum3A_2307 : i1 to vector<16xi1>
        %reduce_sum3A_2309 = tpu.scan <sum>, %add3A_2306 masked %reduce_sum3A_2308 : vector<16xf32>, vector<16xi1> -> vector<16xf32>
        %reduce_sum3A_2310 = vector.extract %reduce_sum3A_2309[15] : f32 from vector<16xf32>
        %broadcast_in_dim3A_2311 = vector.broadcast %reduce_sum3A_2310 : f32 to vector<16xf32>
        %exp3A_2312 = math.exp %broadcast_in_dim3A_2311 : vector<16xf32>
        %get3A_2313 = arith.index_cast %add3A_2200 : i32 to index
        %get3A_2314 = arith.constant 192 : index
        %get3A_2315 = tpu.vector_load %arg9[%get3A_2313, %get3A_2314] {strides = array<i32>} : memref<80x256xf32, #tpu.memory_space<vmem>>, vector<16xf32>,
        %get3A_2316 = arith.index_cast %add3A_2200 : i32 to index
        %get3A_2317 = arith.constant 208 : index
        %get3A_2318 = tpu.vector_load %arg9[%get3A_2316, %get3A_2317] {strides = array<i32>} : memref<80x256xf32, #tpu.memory_space<vmem>>, vector<16xf32>,
        %mul3A_2319 = arith.mulf %get3A_2315, %exp3A_2312 : vector<16xf32>
        %swap3A_2320 = arith.index_cast %add3A_2200 : i32 to index
        %swap3A_2321 = arith.constant 64 : index
        %swap3A_2322 = tpu.vector_load %arg8[%swap3A_2320, %swap3A_2321] {strides = array<i32>} : memref<80x128xf32, #tpu.memory_space<vmem>>, vector<16xf32>,
        tpu.vector_store %arg8[%swap3A_2320, %swap3A_2321], %mul3A_2319 {strides = array<i32>} : memref<80x128xf32, #tpu.memory_space<vmem>>, vector<16xf32>,
        %mul3A_2323 = arith.mulf %get3A_2318, %exp3A_2312 : vector<16xf32>
        %swap3A_2324 = arith.index_cast %add3A_2200 : i32 to index
        %swap3A_2325 = arith.constant 80 : index
        %swap3A_2326 = tpu.vector_load %arg8[%swap3A_2324, %swap3A_2325] {strides = array<i32>} : memref<80x128xf32, #tpu.memory_space<vmem>>, vector<16xf32>,
        tpu.vector_store %arg8[%swap3A_2324, %swap3A_2325], %mul3A_2323 {strides = array<i32>} : memref<80x128xf32, #tpu.memory_space<vmem>>, vector<16xf32>,
        %add3A_2327 = arith.constant 2 : i32
        %add3A_2328 = vector.broadcast %add3A_2327 : i32 to vector<16xi32>
        %add3A_2329 = arith.addi %broadcast_in_dim3A_2211, %add3A_2328 : vector<16xi32>
        %eq3A_2330 = arith.cmpi eq, %iota3A, %add3A_2329 : vector<16xi32>
        %select_n3A_2331 = arith.select %eq3A_2330, %exp3A_2312, %select_n3A_2291 : vector<16xi1>, vector<16xf32>
        %get3A_2332 = arith.index_cast %add3A_2200 : i32 to index
        %get3A_2333 = arith.constant 96 : index
        %get3A_2334 = tpu.vector_load %arg8[%get3A_2332, %get3A_2333] {strides = array<i32>} : memref<80x128xf32, #tpu.memory_space<vmem>>, vector<16xf32>,
        %get3A_2335 = arith.index_cast %add3A_2200 : i32 to index
        %get3A_2336 = arith.constant 112 : index
        %get3A_2337 = tpu.vector_load %arg8[%get3A_2335, %get3A_2336] {strides = array<i32>} : memref<80x128xf32, #tpu.memory_space<vmem>>, vector<16xf32>,
        %get3A_2338 = arith.index_cast %add3A_2200 : i32 to index
        %get3A_2339 = arith.constant 96 : index
        %get3A_2340 = tpu.vector_load %arg9[%get3A_2338, %get3A_2339] {strides = array<i32>} : memref<80x256xf32, #tpu.memory_space<vmem>>, vector<16xf32>,
        %get3A_2341 = arith.index_cast %add3A_2200 : i32 to index
        %get3A_2342 = arith.constant 112 : index
        %get3A_2343 = tpu.vector_load %arg9[%get3A_2341, %get3A_2342] {strides = array<i32>} : memref<80x256xf32, #tpu.memory_space<vmem>>, vector<16xf32>,
        %mul3A_2344 = arith.mulf %get3A_2334, %get3A_2340 : vector<16xf32>
        %mul3A_2345 = arith.mulf %get3A_2337, %get3A_2343 : vector<16xf32>
        %add3A_2346 = arith.addf %mul3A_2344, %mul3A_2345 : vector<16xf32>
        %reduce_sum3A_2347 = arith.constant true
        %reduce_sum3A_2348 = vector.broadcast %reduce_sum3A_2347 : i1 to vector<16xi1>
        %reduce_sum3A_2349 = tpu.scan <sum>, %add3A_2346 masked %reduce_sum3A_2348 : vector<16xf32>, vector<16xi1> -> vector<16xf32>
        %reduce_sum3A_2350 = vector.extract %reduce_sum3A_2349[15] : f32 from vector<16xf32>
        %broadcast_in_dim3A_2351 = vector.broadcast %reduce_sum3A_2350 : f32 to vector<16xf32>
        %exp3A_2352 = math.exp %broadcast_in_dim3A_2351 : vector<16xf32>
        %get3A_2353 = arith.index_cast %add3A_2200 : i32 to index
        %get3A_2354 = arith.constant 224 : index
        %get3A_2355 = tpu.vector_load %arg9[%get3A_2353, %get3A_2354] {strides = array<i32>} : memref<80x256xf32, #tpu.memory_space<vmem>>, vector<16xf32>,
        %get3A_2356 = arith.index_cast %add3A_2200 : i32 to index
        %get3A_2357 = arith.constant 240 : index
        %get3A_2358 = tpu.vector_load %arg9[%get3A_2356, %get3A_2357] {strides = array<i32>} : memref<80x256xf32, #tpu.memory_space<vmem>>, vector<16xf32>,
        %mul3A_2359 = arith.mulf %get3A_2355, %exp3A_2352 : vector<16xf32>
        %swap3A_2360 = arith.index_cast %add3A_2200 : i32 to index
        %swap3A_2361 = arith.constant 96 : index
        %swap3A_2362 = tpu.vector_load %arg8[%swap3A_2360, %swap3A_2361] {strides = array<i32>} : memref<80x128xf32, #tpu.memory_space<vmem>>, vector<16xf32>,
        tpu.vector_store %arg8[%swap3A_2360, %swap3A_2361], %mul3A_2359 {strides = array<i32>} : memref<80x128xf32, #tpu.memory_space<vmem>>, vector<16xf32>,
        %mul3A_2363 = arith.mulf %get3A_2358, %exp3A_2352 : vector<16xf32>
        %swap3A_2364 = arith.index_cast %add3A_2200 : i32 to index
        %swap3A_2365 = arith.constant 112 : index
        %swap3A_2366 = tpu.vector_load %arg8[%swap3A_2364, %swap3A_2365] {strides = array<i32>} : memref<80x128xf32, #tpu.memory_space<vmem>>, vector<16xf32>,
        tpu.vector_store %arg8[%swap3A_2364, %swap3A_2365], %mul3A_2363 {strides = array<i32>} : memref<80x128xf32, #tpu.memory_space<vmem>>, vector<16xf32>,
        %add3A_2367 = arith.constant 3 : i32
        %add3A_2368 = vector.broadcast %add3A_2367 : i32 to vector<16xi32>
        %add3A_2369 = arith.addi %broadcast_in_dim3A_2211, %add3A_2368 : vector<16xi32>
        %eq3A_2370 = arith.cmpi eq, %iota3A, %add3A_2369 : vector<16xi32>
        %select_n3A_2371 = arith.select %eq3A_2370, %exp3A_2352, %select_n3A_2331 : vector<16xi1>, vector<16xf32>
        %mul3A_2372 = arith.constant 16 : i32
        %mul3A_2373 = arith.muli %shift_right_logical3A_2208, %mul3A_2372 : i32
        %swap3A_2374 = arith.index_cast %add3A_2200 : i32 to index
        %swap3A_2375 = arith.index_cast %mul3A_2373 : i32 to index
        %swap3A_2376 = tpu.vector_load %arg10[%swap3A_2374, %swap3A_2375] {strides = array<i32>} : memref<80x128xf32, #tpu.memory_space<vmem>>, vector<16xf32>,
        tpu.vector_store %arg10[%swap3A_2374, %swap3A_2375], %select_n3A_2371 {strides = array<i32>} : memref<80x128xf32, #tpu.memory_space<vmem>>, vector<16xf32>,
        %mul3A_2377 = arith.constant 16 : i32
        %mul3A_2378 = arith.muli %scan3A_218, %mul3A_2377 : i32
        %add3A_2379 = arith.constant 12 : i32
        %add3A_2380 = arith.addi %mul3A_2378, %add3A_2379 : i32
        %slice3A_2381 = vector.extract_strided_slice %get3A_223 {offsets = [12], sizes = [1], strides = [1]} : vector<16xi32> to vector<1xi32>
        %squeeze3A_2382 = vector.extract %slice3A_2381[0] : i32 from vector<1xi32>
        %and3A_2383 = arith.constant 31 : i32
        %and3A_2384 = arith.andi %squeeze3A_2382, %and3A_2383 : i32
        %mul3A_2385 = arith.constant 4 : i32
        %mul3A_2386 = arith.muli %and3A_2384, %mul3A_2385 : i32
        %shift_right_logical3A_2387 = arith.constant 4 : i32
        %shift_right_logical3A_2388 = arith.shrui %mul3A_2386, %shift_right_logical3A_2387 : i32
        %and3A_2389 = arith.constant 15 : i32
        %and3A_2390 = arith.andi %mul3A_2386, %and3A_2389 : i32
        %broadcast_in_dim3A_2391 = vector.broadcast %and3A_2390 : i32 to vector<16xi32>
        %get3A_2392 = arith.index_cast %add3A_2380 : i32 to index
        %get3A_2393 = arith.constant 0 : index
        %get3A_2394 = tpu.vector_load %arg8[%get3A_2392, %get3A_2393] {strides = array<i32>} : memref<80x128xf32, #tpu.memory_space<vmem>>, vector<16xf32>,
        %get3A_2395 = arith.index_cast %add3A_2380 : i32 to index
        %get3A_2396 = arith.constant 16 : index
        %get3A_2397 = tpu.vector_load %arg8[%get3A_2395, %get3A_2396] {strides = array<i32>} : memref<80x128xf32, #tpu.memory_space<vmem>>, vector<16xf32>,
        %get3A_2398 = arith.index_cast %add3A_2380 : i32 to index
        %get3A_2399 = arith.constant 0 : index
        %get3A_2400 = tpu.vector_load %arg9[%get3A_2398, %get3A_2399] {strides = array<i32>} : memref<80x256xf32, #tpu.memory_space<vmem>>, vector<16xf32>,
        %get3A_2401 = arith.index_cast %add3A_2380 : i32 to index
        %get3A_2402 = arith.constant 16 : index
        %get3A_2403 = tpu.vector_load %arg9[%get3A_2401, %get3A_2402] {strides = array<i32>} : memref<80x256xf32, #tpu.memory_space<vmem>>, vector<16xf32>,
        %mul3A_2404 = arith.mulf %get3A_2394, %get3A_2400 : vector<16xf32>
        %mul3A_2405 = arith.mulf %get3A_2397, %get3A_2403 : vector<16xf32>
        %add3A_2406 = arith.addf %mul3A_2404, %mul3A_2405 : vector<16xf32>
        %reduce_sum3A_2407 = arith.constant true
        %reduce_sum3A_2408 = vector.broadcast %reduce_sum3A_2407 : i1 to vector<16xi1>
        %reduce_sum3A_2409 = tpu.scan <sum>, %add3A_2406 masked %reduce_sum3A_2408 : vector<16xf32>, vector<16xi1> -> vector<16xf32>
        %reduce_sum3A_2410 = vector.extract %reduce_sum3A_2409[15] : f32 from vector<16xf32>
        %broadcast_in_dim3A_2411 = vector.broadcast %reduce_sum3A_2410 : f32 to vector<16xf32>
        %exp3A_2412 = math.exp %broadcast_in_dim3A_2411 : vector<16xf32>
        %get3A_2413 = arith.index_cast %add3A_2380 : i32 to index
        %get3A_2414 = arith.constant 128 : index
        %get3A_2415 = tpu.vector_load %arg9[%get3A_2413, %get3A_2414] {strides = array<i32>} : memref<80x256xf32, #tpu.memory_space<vmem>>, vector<16xf32>,
        %get3A_2416 = arith.index_cast %add3A_2380 : i32 to index
        %get3A_2417 = arith.constant 144 : index
        %get3A_2418 = tpu.vector_load %arg9[%get3A_2416, %get3A_2417] {strides = array<i32>} : memref<80x256xf32, #tpu.memory_space<vmem>>, vector<16xf32>,
        %mul3A_2419 = arith.mulf %get3A_2415, %exp3A_2412 : vector<16xf32>
        %swap3A_2420 = arith.index_cast %add3A_2380 : i32 to index
        %swap3A_2421 = arith.constant 0 : index
        %swap3A_2422 = tpu.vector_load %arg8[%swap3A_2420, %swap3A_2421] {strides = array<i32>} : memref<80x128xf32, #tpu.memory_space<vmem>>, vector<16xf32>,
        tpu.vector_store %arg8[%swap3A_2420, %swap3A_2421], %mul3A_2419 {strides = array<i32>} : memref<80x128xf32, #tpu.memory_space<vmem>>, vector<16xf32>,
        %mul3A_2423 = arith.mulf %get3A_2418, %exp3A_2412 : vector<16xf32>
        %swap3A_2424 = arith.index_cast %add3A_2380 : i32 to index
        %swap3A_2425 = arith.constant 16 : index
        %swap3A_2426 = tpu.vector_load %arg8[%swap3A_2424, %swap3A_2425] {strides = array<i32>} : memref<80x128xf32, #tpu.memory_space<vmem>>, vector<16xf32>,
        tpu.vector_store %arg8[%swap3A_2424, %swap3A_2425], %mul3A_2423 {strides = array<i32>} : memref<80x128xf32, #tpu.memory_space<vmem>>, vector<16xf32>,
        %add3A_2427 = arith.constant 0 : i32
        %add3A_2428 = vector.broadcast %add3A_2427 : i32 to vector<16xi32>
        %add3A_2429 = arith.addi %broadcast_in_dim3A_2391, %add3A_2428 : vector<16xi32>
        %eq3A_2430 = arith.cmpi eq, %iota3A, %add3A_2429 : vector<16xi32>
        %select_n3A_2431 = arith.select %eq3A_2430, %exp3A_2412, %broadcast_in_dim3A_1 : vector<16xi1>, vector<16xf32>
        %get3A_2432 = arith.index_cast %add3A_2380 : i32 to index
        %get3A_2433 = arith.constant 32 : index
        %get3A_2434 = tpu.vector_load %arg8[%get3A_2432, %get3A_2433] {strides = array<i32>} : memref<80x128xf32, #tpu.memory_space<vmem>>, vector<16xf32>,
        %get3A_2435 = arith.index_cast %add3A_2380 : i32 to index
        %get3A_2436 = arith.constant 48 : index
        %get3A_2437 = tpu.vector_load %arg8[%get3A_2435, %get3A_2436] {strides = array<i32>} : memref<80x128xf32, #tpu.memory_space<vmem>>, vector<16xf32>,
        %get3A_2438 = arith.index_cast %add3A_2380 : i32 to index
        %get3A_2439 = arith.constant 32 : index
        %get3A_2440 = tpu.vector_load %arg9[%get3A_2438, %get3A_2439] {strides = array<i32>} : memref<80x256xf32, #tpu.memory_space<vmem>>, vector<16xf32>,
        %get3A_2441 = arith.index_cast %add3A_2380 : i32 to index
        %get3A_2442 = arith.constant 48 : index
        %get3A_2443 = tpu.vector_load %arg9[%get3A_2441, %get3A_2442] {strides = array<i32>} : memref<80x256xf32, #tpu.memory_space<vmem>>, vector<16xf32>,
        %mul3A_2444 = arith.mulf %get3A_2434, %get3A_2440 : vector<16xf32>
        %mul3A_2445 = arith.mulf %get3A_2437, %get3A_2443 : vector<16xf32>
        %add3A_2446 = arith.addf %mul3A_2444, %mul3A_2445 : vector<16xf32>
        %reduce_sum3A_2447 = arith.constant true
        %reduce_sum3A_2448 = vector.broadcast %reduce_sum3A_2447 : i1 to vector<16xi1>
        %reduce_sum3A_2449 = tpu.scan <sum>, %add3A_2446 masked %reduce_sum3A_2448 : vector<16xf32>, vector<16xi1> -> vector<16xf32>
        %reduce_sum3A_2450 = vector.extract %reduce_sum3A_2449[15] : f32 from vector<16xf32>
        %broadcast_in_dim3A_2451 = vector.broadcast %reduce_sum3A_2450 : f32 to vector<16xf32>
        %exp3A_2452 = math.exp %broadcast_in_dim3A_2451 : vector<16xf32>
        %get3A_2453 = arith.index_cast %add3A_2380 : i32 to index
        %get3A_2454 = arith.constant 160 : index
        %get3A_2455 = tpu.vector_load %arg9[%get3A_2453, %get3A_2454] {strides = array<i32>} : memref<80x256xf32, #tpu.memory_space<vmem>>, vector<16xf32>,
        %get3A_2456 = arith.index_cast %add3A_2380 : i32 to index
        %get3A_2457 = arith.constant 176 : index
        %get3A_2458 = tpu.vector_load %arg9[%get3A_2456, %get3A_2457] {strides = array<i32>} : memref<80x256xf32, #tpu.memory_space<vmem>>, vector<16xf32>,
        %mul3A_2459 = arith.mulf %get3A_2455, %exp3A_2452 : vector<16xf32>
        %swap3A_2460 = arith.index_cast %add3A_2380 : i32 to index
        %swap3A_2461 = arith.constant 32 : index
        %swap3A_2462 = tpu.vector_load %arg8[%swap3A_2460, %swap3A_2461] {strides = array<i32>} : memref<80x128xf32, #tpu.memory_space<vmem>>, vector<16xf32>,
        tpu.vector_store %arg8[%swap3A_2460, %swap3A_2461], %mul3A_2459 {strides = array<i32>} : memref<80x128xf32, #tpu.memory_space<vmem>>, vector<16xf32>,
        %mul3A_2463 = arith.mulf %get3A_2458, %exp3A_2452 : vector<16xf32>
        %swap3A_2464 = arith.index_cast %add3A_2380 : i32 to index
        %swap3A_2465 = arith.constant 48 : index
        %swap3A_2466 = tpu.vector_load %arg8[%swap3A_2464, %swap3A_2465] {strides = array<i32>} : memref<80x128xf32, #tpu.memory_space<vmem>>, vector<16xf32>,
        tpu.vector_store %arg8[%swap3A_2464, %swap3A_2465], %mul3A_2463 {strides = array<i32>} : memref<80x128xf32, #tpu.memory_space<vmem>>, vector<16xf32>,
        %add3A_2467 = arith.constant 1 : i32
        %add3A_2468 = vector.broadcast %add3A_2467 : i32 to vector<16xi32>
        %add3A_2469 = arith.addi %broadcast_in_dim3A_2391, %add3A_2468 : vector<16xi32>
        %eq3A_2470 = arith.cmpi eq, %iota3A, %add3A_2469 : vector<16xi32>
        %select_n3A_2471 = arith.select %eq3A_2470, %exp3A_2452, %select_n3A_2431 : vector<16xi1>, vector<16xf32>
        %get3A_2472 = arith.index_cast %add3A_2380 : i32 to index
        %get3A_2473 = arith.constant 64 : index
        %get3A_2474 = tpu.vector_load %arg8[%get3A_2472, %get3A_2473] {strides = array<i32>} : memref<80x128xf32, #tpu.memory_space<vmem>>, vector<16xf32>,
        %get3A_2475 = arith.index_cast %add3A_2380 : i32 to index
        %get3A_2476 = arith.constant 80 : index
        %get3A_2477 = tpu.vector_load %arg8[%get3A_2475, %get3A_2476] {strides = array<i32>} : memref<80x128xf32, #tpu.memory_space<vmem>>, vector<16xf32>,
        %get3A_2478 = arith.index_cast %add3A_2380 : i32 to index
        %get3A_2479 = arith.constant 64 : index
        %get3A_2480 = tpu.vector_load %arg9[%get3A_2478, %get3A_2479] {strides = array<i32>} : memref<80x256xf32, #tpu.memory_space<vmem>>, vector<16xf32>,
        %get3A_2481 = arith.index_cast %add3A_2380 : i32 to index
        %get3A_2482 = arith.constant 80 : index
        %get3A_2483 = tpu.vector_load %arg9[%get3A_2481, %get3A_2482] {strides = array<i32>} : memref<80x256xf32, #tpu.memory_space<vmem>>, vector<16xf32>,
        %mul3A_2484 = arith.mulf %get3A_2474, %get3A_2480 : vector<16xf32>
        %mul3A_2485 = arith.mulf %get3A_2477, %get3A_2483 : vector<16xf32>
        %add3A_2486 = arith.addf %mul3A_2484, %mul3A_2485 : vector<16xf32>
        %reduce_sum3A_2487 = arith.constant true
        %reduce_sum3A_2488 = vector.broadcast %reduce_sum3A_2487 : i1 to vector<16xi1>
        %reduce_sum3A_2489 = tpu.scan <sum>, %add3A_2486 masked %reduce_sum3A_2488 : vector<16xf32>, vector<16xi1> -> vector<16xf32>
        %reduce_sum3A_2490 = vector.extract %reduce_sum3A_2489[15] : f32 from vector<16xf32>
        %broadcast_in_dim3A_2491 = vector.broadcast %reduce_sum3A_2490 : f32 to vector<16xf32>
        %exp3A_2492 = math.exp %broadcast_in_dim3A_2491 : vector<16xf32>
        %get3A_2493 = arith.index_cast %add3A_2380 : i32 to index
        %get3A_2494 = arith.constant 192 : index
        %get3A_2495 = tpu.vector_load %arg9[%get3A_2493, %get3A_2494] {strides = array<i32>} : memref<80x256xf32, #tpu.memory_space<vmem>>, vector<16xf32>,
        %get3A_2496 = arith.index_cast %add3A_2380 : i32 to index
        %get3A_2497 = arith.constant 208 : index
        %get3A_2498 = tpu.vector_load %arg9[%get3A_2496, %get3A_2497] {strides = array<i32>} : memref<80x256xf32, #tpu.memory_space<vmem>>, vector<16xf32>,
        %mul3A_2499 = arith.mulf %get3A_2495, %exp3A_2492 : vector<16xf32>
        %swap3A_2500 = arith.index_cast %add3A_2380 : i32 to index
        %swap3A_2501 = arith.constant 64 : index
        %swap3A_2502 = tpu.vector_load %arg8[%swap3A_2500, %swap3A_2501] {strides = array<i32>} : memref<80x128xf32, #tpu.memory_space<vmem>>, vector<16xf32>,
        tpu.vector_store %arg8[%swap3A_2500, %swap3A_2501], %mul3A_2499 {strides = array<i32>} : memref<80x128xf32, #tpu.memory_space<vmem>>, vector<16xf32>,
        %mul3A_2503 = arith.mulf %get3A_2498, %exp3A_2492 : vector<16xf32>
        %swap3A_2504 = arith.index_cast %add3A_2380 : i32 to index
        %swap3A_2505 = arith.constant 80 : index
        %swap3A_2506 = tpu.vector_load %arg8[%swap3A_2504, %swap3A_2505] {strides = array<i32>} : memref<80x128xf32, #tpu.memory_space<vmem>>, vector<16xf32>,
        tpu.vector_store %arg8[%swap3A_2504, %swap3A_2505], %mul3A_2503 {strides = array<i32>} : memref<80x128xf32, #tpu.memory_space<vmem>>, vector<16xf32>,
        %add3A_2507 = arith.constant 2 : i32
        %add3A_2508 = vector.broadcast %add3A_2507 : i32 to vector<16xi32>
        %add3A_2509 = arith.addi %broadcast_in_dim3A_2391, %add3A_2508 : vector<16xi32>
        %eq3A_2510 = arith.cmpi eq, %iota3A, %add3A_2509 : vector<16xi32>
        %select_n3A_2511 = arith.select %eq3A_2510, %exp3A_2492, %select_n3A_2471 : vector<16xi1>, vector<16xf32>
        %get3A_2512 = arith.index_cast %add3A_2380 : i32 to index
        %get3A_2513 = arith.constant 96 : index
        %get3A_2514 = tpu.vector_load %arg8[%get3A_2512, %get3A_2513] {strides = array<i32>} : memref<80x128xf32, #tpu.memory_space<vmem>>, vector<16xf32>,
        %get3A_2515 = arith.index_cast %add3A_2380 : i32 to index
        %get3A_2516 = arith.constant 112 : index
        %get3A_2517 = tpu.vector_load %arg8[%get3A_2515, %get3A_2516] {strides = array<i32>} : memref<80x128xf32, #tpu.memory_space<vmem>>, vector<16xf32>,
        %get3A_2518 = arith.index_cast %add3A_2380 : i32 to index
        %get3A_2519 = arith.constant 96 : index
        %get3A_2520 = tpu.vector_load %arg9[%get3A_2518, %get3A_2519] {strides = array<i32>} : memref<80x256xf32, #tpu.memory_space<vmem>>, vector<16xf32>,
        %get3A_2521 = arith.index_cast %add3A_2380 : i32 to index
        %get3A_2522 = arith.constant 112 : index
        %get3A_2523 = tpu.vector_load %arg9[%get3A_2521, %get3A_2522] {strides = array<i32>} : memref<80x256xf32, #tpu.memory_space<vmem>>, vector<16xf32>,
        %mul3A_2524 = arith.mulf %get3A_2514, %get3A_2520 : vector<16xf32>
        %mul3A_2525 = arith.mulf %get3A_2517, %get3A_2523 : vector<16xf32>
        %add3A_2526 = arith.addf %mul3A_2524, %mul3A_2525 : vector<16xf32>
        %reduce_sum3A_2527 = arith.constant true
        %reduce_sum3A_2528 = vector.broadcast %reduce_sum3A_2527 : i1 to vector<16xi1>
        %reduce_sum3A_2529 = tpu.scan <sum>, %add3A_2526 masked %reduce_sum3A_2528 : vector<16xf32>, vector<16xi1> -> vector<16xf32>
        %reduce_sum3A_2530 = vector.extract %reduce_sum3A_2529[15] : f32 from vector<16xf32>
        %broadcast_in_dim3A_2531 = vector.broadcast %reduce_sum3A_2530 : f32 to vector<16xf32>
        %exp3A_2532 = math.exp %broadcast_in_dim3A_2531 : vector<16xf32>
        %get3A_2533 = arith.index_cast %add3A_2380 : i32 to index
        %get3A_2534 = arith.constant 224 : index
        %get3A_2535 = tpu.vector_load %arg9[%get3A_2533, %get3A_2534] {strides = array<i32>} : memref<80x256xf32, #tpu.memory_space<vmem>>, vector<16xf32>,
        %get3A_2536 = arith.index_cast %add3A_2380 : i32 to index
        %get3A_2537 = arith.constant 240 : index
        %get3A_2538 = tpu.vector_load %arg9[%get3A_2536, %get3A_2537] {strides = array<i32>} : memref<80x256xf32, #tpu.memory_space<vmem>>, vector<16xf32>,
        %mul3A_2539 = arith.mulf %get3A_2535, %exp3A_2532 : vector<16xf32>
        %swap3A_2540 = arith.index_cast %add3A_2380 : i32 to index
        %swap3A_2541 = arith.constant 96 : index
        %swap3A_2542 = tpu.vector_load %arg8[%swap3A_2540, %swap3A_2541] {strides = array<i32>} : memref<80x128xf32, #tpu.memory_space<vmem>>, vector<16xf32>,
        tpu.vector_store %arg8[%swap3A_2540, %swap3A_2541], %mul3A_2539 {strides = array<i32>} : memref<80x128xf32, #tpu.memory_space<vmem>>, vector<16xf32>,
        %mul3A_2543 = arith.mulf %get3A_2538, %exp3A_2532 : vector<16xf32>
        %swap3A_2544 = arith.index_cast %add3A_2380 : i32 to index
        %swap3A_2545 = arith.constant 112 : index
        %swap3A_2546 = tpu.vector_load %arg8[%swap3A_2544, %swap3A_2545] {strides = array<i32>} : memref<80x128xf32, #tpu.memory_space<vmem>>, vector<16xf32>,
        tpu.vector_store %arg8[%swap3A_2544, %swap3A_2545], %mul3A_2543 {strides = array<i32>} : memref<80x128xf32, #tpu.memory_space<vmem>>, vector<16xf32>,
        %add3A_2547 = arith.constant 3 : i32
        %add3A_2548 = vector.broadcast %add3A_2547 : i32 to vector<16xi32>
        %add3A_2549 = arith.addi %broadcast_in_dim3A_2391, %add3A_2548 : vector<16xi32>
        %eq3A_2550 = arith.cmpi eq, %iota3A, %add3A_2549 : vector<16xi32>
        %select_n3A_2551 = arith.select %eq3A_2550, %exp3A_2532, %select_n3A_2511 : vector<16xi1>, vector<16xf32>
        %mul3A_2552 = arith.constant 16 : i32
        %mul3A_2553 = arith.muli %shift_right_logical3A_2388, %mul3A_2552 : i32
        %swap3A_2554 = arith.index_cast %add3A_2380 : i32 to index
        %swap3A_2555 = arith.index_cast %mul3A_2553 : i32 to index
        %swap3A_2556 = tpu.vector_load %arg10[%swap3A_2554, %swap3A_2555] {strides = array<i32>} : memref<80x128xf32, #tpu.memory_space<vmem>>, vector<16xf32>,
        tpu.vector_store %arg10[%swap3A_2554, %swap3A_2555], %select_n3A_2551 {strides = array<i32>} : memref<80x128xf32, #tpu.memory_space<vmem>>, vector<16xf32>,
        %mul3A_2557 = arith.constant 16 : i32
        %mul3A_2558 = arith.muli %scan3A_218, %mul3A_2557 : i32
        %add3A_2559 = arith.constant 13 : i32
        %add3A_2560 = arith.addi %mul3A_2558, %add3A_2559 : i32
        %slice3A_2561 = vector.extract_strided_slice %get3A_223 {offsets = [13], sizes = [1], strides = [1]} : vector<16xi32> to vector<1xi32>
        %squeeze3A_2562 = vector.extract %slice3A_2561[0] : i32 from vector<1xi32>
        %and3A_2563 = arith.constant 31 : i32
        %and3A_2564 = arith.andi %squeeze3A_2562, %and3A_2563 : i32
        %mul3A_2565 = arith.constant 4 : i32
        %mul3A_2566 = arith.muli %and3A_2564, %mul3A_2565 : i32
        %shift_right_logical3A_2567 = arith.constant 4 : i32
        %shift_right_logical3A_2568 = arith.shrui %mul3A_2566, %shift_right_logical3A_2567 : i32
        %and3A_2569 = arith.constant 15 : i32
        %and3A_2570 = arith.andi %mul3A_2566, %and3A_2569 : i32
        %broadcast_in_dim3A_2571 = vector.broadcast %and3A_2570 : i32 to vector<16xi32>
        %get3A_2572 = arith.index_cast %add3A_2560 : i32 to index
        %get3A_2573 = arith.constant 0 : index
        %get3A_2574 = tpu.vector_load %arg8[%get3A_2572, %get3A_2573] {strides = array<i32>} : memref<80x128xf32, #tpu.memory_space<vmem>>, vector<16xf32>,
        %get3A_2575 = arith.index_cast %add3A_2560 : i32 to index
        %get3A_2576 = arith.constant 16 : index
        %get3A_2577 = tpu.vector_load %arg8[%get3A_2575, %get3A_2576] {strides = array<i32>} : memref<80x128xf32, #tpu.memory_space<vmem>>, vector<16xf32>,
        %get3A_2578 = arith.index_cast %add3A_2560 : i32 to index
        %get3A_2579 = arith.constant 0 : index
        %get3A_2580 = tpu.vector_load %arg9[%get3A_2578, %get3A_2579] {strides = array<i32>} : memref<80x256xf32, #tpu.memory_space<vmem>>, vector<16xf32>,
        %get3A_2581 = arith.index_cast %add3A_2560 : i32 to index
        %get3A_2582 = arith.constant 16 : index
        %get3A_2583 = tpu.vector_load %arg9[%get3A_2581, %get3A_2582] {strides = array<i32>} : memref<80x256xf32, #tpu.memory_space<vmem>>, vector<16xf32>,
        %mul3A_2584 = arith.mulf %get3A_2574, %get3A_2580 : vector<16xf32>
        %mul3A_2585 = arith.mulf %get3A_2577, %get3A_2583 : vector<16xf32>
        %add3A_2586 = arith.addf %mul3A_2584, %mul3A_2585 : vector<16xf32>
        %reduce_sum3A_2587 = arith.constant true
        %reduce_sum3A_2588 = vector.broadcast %reduce_sum3A_2587 : i1 to vector<16xi1>
        %reduce_sum3A_2589 = tpu.scan <sum>, %add3A_2586 masked %reduce_sum3A_2588 : vector<16xf32>, vector<16xi1> -> vector<16xf32>
        %reduce_sum3A_2590 = vector.extract %reduce_sum3A_2589[15] : f32 from vector<16xf32>
        %broadcast_in_dim3A_2591 = vector.broadcast %reduce_sum3A_2590 : f32 to vector<16xf32>
        %exp3A_2592 = math.exp %broadcast_in_dim3A_2591 : vector<16xf32>
        %get3A_2593 = arith.index_cast %add3A_2560 : i32 to index
        %get3A_2594 = arith.constant 128 : index
        %get3A_2595 = tpu.vector_load %arg9[%get3A_2593, %get3A_2594] {strides = array<i32>} : memref<80x256xf32, #tpu.memory_space<vmem>>, vector<16xf32>,
        %get3A_2596 = arith.index_cast %add3A_2560 : i32 to index
        %get3A_2597 = arith.constant 144 : index
        %get3A_2598 = tpu.vector_load %arg9[%get3A_2596, %get3A_2597] {strides = array<i32>} : memref<80x256xf32, #tpu.memory_space<vmem>>, vector<16xf32>,
        %mul3A_2599 = arith.mulf %get3A_2595, %exp3A_2592 : vector<16xf32>
        %swap3A_2600 = arith.index_cast %add3A_2560 : i32 to index
        %swap3A_2601 = arith.constant 0 : index
        %swap3A_2602 = tpu.vector_load %arg8[%swap3A_2600, %swap3A_2601] {strides = array<i32>} : memref<80x128xf32, #tpu.memory_space<vmem>>, vector<16xf32>,
        tpu.vector_store %arg8[%swap3A_2600, %swap3A_2601], %mul3A_2599 {strides = array<i32>} : memref<80x128xf32, #tpu.memory_space<vmem>>, vector<16xf32>,
        %mul3A_2603 = arith.mulf %get3A_2598, %exp3A_2592 : vector<16xf32>
        %swap3A_2604 = arith.index_cast %add3A_2560 : i32 to index
        %swap3A_2605 = arith.constant 16 : index
        %swap3A_2606 = tpu.vector_load %arg8[%swap3A_2604, %swap3A_2605] {strides = array<i32>} : memref<80x128xf32, #tpu.memory_space<vmem>>, vector<16xf32>,
        tpu.vector_store %arg8[%swap3A_2604, %swap3A_2605], %mul3A_2603 {strides = array<i32>} : memref<80x128xf32, #tpu.memory_space<vmem>>, vector<16xf32>,
        %add3A_2607 = arith.constant 0 : i32
        %add3A_2608 = vector.broadcast %add3A_2607 : i32 to vector<16xi32>
        %add3A_2609 = arith.addi %broadcast_in_dim3A_2571, %add3A_2608 : vector<16xi32>
        %eq3A_2610 = arith.cmpi eq, %iota3A, %add3A_2609 : vector<16xi32>
        %select_n3A_2611 = arith.select %eq3A_2610, %exp3A_2592, %broadcast_in_dim3A_1 : vector<16xi1>, vector<16xf32>
        %get3A_2612 = arith.index_cast %add3A_2560 : i32 to index
        %get3A_2613 = arith.constant 32 : index
        %get3A_2614 = tpu.vector_load %arg8[%get3A_2612, %get3A_2613] {strides = array<i32>} : memref<80x128xf32, #tpu.memory_space<vmem>>, vector<16xf32>,
        %get3A_2615 = arith.index_cast %add3A_2560 : i32 to index
        %get3A_2616 = arith.constant 48 : index
        %get3A_2617 = tpu.vector_load %arg8[%get3A_2615, %get3A_2616] {strides = array<i32>} : memref<80x128xf32, #tpu.memory_space<vmem>>, vector<16xf32>,
        %get3A_2618 = arith.index_cast %add3A_2560 : i32 to index
        %get3A_2619 = arith.constant 32 : index
        %get3A_2620 = tpu.vector_load %arg9[%get3A_2618, %get3A_2619] {strides = array<i32>} : memref<80x256xf32, #tpu.memory_space<vmem>>, vector<16xf32>,
        %get3A_2621 = arith.index_cast %add3A_2560 : i32 to index
        %get3A_2622 = arith.constant 48 : index
        %get3A_2623 = tpu.vector_load %arg9[%get3A_2621, %get3A_2622] {strides = array<i32>} : memref<80x256xf32, #tpu.memory_space<vmem>>, vector<16xf32>,
        %mul3A_2624 = arith.mulf %get3A_2614, %get3A_2620 : vector<16xf32>
        %mul3A_2625 = arith.mulf %get3A_2617, %get3A_2623 : vector<16xf32>
        %add3A_2626 = arith.addf %mul3A_2624, %mul3A_2625 : vector<16xf32>
        %reduce_sum3A_2627 = arith.constant true
        %reduce_sum3A_2628 = vector.broadcast %reduce_sum3A_2627 : i1 to vector<16xi1>
        %reduce_sum3A_2629 = tpu.scan <sum>, %add3A_2626 masked %reduce_sum3A_2628 : vector<16xf32>, vector<16xi1> -> vector<16xf32>
        %reduce_sum3A_2630 = vector.extract %reduce_sum3A_2629[15] : f32 from vector<16xf32>
        %broadcast_in_dim3A_2631 = vector.broadcast %reduce_sum3A_2630 : f32 to vector<16xf32>
        %exp3A_2632 = math.exp %broadcast_in_dim3A_2631 : vector<16xf32>
        %get3A_2633 = arith.index_cast %add3A_2560 : i32 to index
        %get3A_2634 = arith.constant 160 : index
        %get3A_2635 = tpu.vector_load %arg9[%get3A_2633, %get3A_2634] {strides = array<i32>} : memref<80x256xf32, #tpu.memory_space<vmem>>, vector<16xf32>,
        %get3A_2636 = arith.index_cast %add3A_2560 : i32 to index
        %get3A_2637 = arith.constant 176 : index
        %get3A_2638 = tpu.vector_load %arg9[%get3A_2636, %get3A_2637] {strides = array<i32>} : memref<80x256xf32, #tpu.memory_space<vmem>>, vector<16xf32>,
        %mul3A_2639 = arith.mulf %get3A_2635, %exp3A_2632 : vector<16xf32>
        %swap3A_2640 = arith.index_cast %add3A_2560 : i32 to index
        %swap3A_2641 = arith.constant 32 : index
        %swap3A_2642 = tpu.vector_load %arg8[%swap3A_2640, %swap3A_2641] {strides = array<i32>} : memref<80x128xf32, #tpu.memory_space<vmem>>, vector<16xf32>,
        tpu.vector_store %arg8[%swap3A_2640, %swap3A_2641], %mul3A_2639 {strides = array<i32>} : memref<80x128xf32, #tpu.memory_space<vmem>>, vector<16xf32>,
        %mul3A_2643 = arith.mulf %get3A_2638, %exp3A_2632 : vector<16xf32>
        %swap3A_2644 = arith.index_cast %add3A_2560 : i32 to index
        %swap3A_2645 = arith.constant 48 : index
        %swap3A_2646 = tpu.vector_load %arg8[%swap3A_2644, %swap3A_2645] {strides = array<i32>} : memref<80x128xf32, #tpu.memory_space<vmem>>, vector<16xf32>,
        tpu.vector_store %arg8[%swap3A_2644, %swap3A_2645], %mul3A_2643 {strides = array<i32>} : memref<80x128xf32, #tpu.memory_space<vmem>>, vector<16xf32>,
        %add3A_2647 = arith.constant 1 : i32
        %add3A_2648 = vector.broadcast %add3A_2647 : i32 to vector<16xi32>
        %add3A_2649 = arith.addi %broadcast_in_dim3A_2571, %add3A_2648 : vector<16xi32>
        %eq3A_2650 = arith.cmpi eq, %iota3A, %add3A_2649 : vector<16xi32>
        %select_n3A_2651 = arith.select %eq3A_2650, %exp3A_2632, %select_n3A_2611 : vector<16xi1>, vector<16xf32>
        %get3A_2652 = arith.index_cast %add3A_2560 : i32 to index
        %get3A_2653 = arith.constant 64 : index
        %get3A_2654 = tpu.vector_load %arg8[%get3A_2652, %get3A_2653] {strides = array<i32>} : memref<80x128xf32, #tpu.memory_space<vmem>>, vector<16xf32>,
        %get3A_2655 = arith.index_cast %add3A_2560 : i32 to index
        %get3A_2656 = arith.constant 80 : index
        %get3A_2657 = tpu.vector_load %arg8[%get3A_2655, %get3A_2656] {strides = array<i32>} : memref<80x128xf32, #tpu.memory_space<vmem>>, vector<16xf32>,
        %get3A_2658 = arith.index_cast %add3A_2560 : i32 to index
        %get3A_2659 = arith.constant 64 : index
        %get3A_2660 = tpu.vector_load %arg9[%get3A_2658, %get3A_2659] {strides = array<i32>} : memref<80x256xf32, #tpu.memory_space<vmem>>, vector<16xf32>,
        %get3A_2661 = arith.index_cast %add3A_2560 : i32 to index
        %get3A_2662 = arith.constant 80 : index
        %get3A_2663 = tpu.vector_load %arg9[%get3A_2661, %get3A_2662] {strides = array<i32>} : memref<80x256xf32, #tpu.memory_space<vmem>>, vector<16xf32>,
        %mul3A_2664 = arith.mulf %get3A_2654, %get3A_2660 : vector<16xf32>
        %mul3A_2665 = arith.mulf %get3A_2657, %get3A_2663 : vector<16xf32>
        %add3A_2666 = arith.addf %mul3A_2664, %mul3A_2665 : vector<16xf32>
        %reduce_sum3A_2667 = arith.constant true
        %reduce_sum3A_2668 = vector.broadcast %reduce_sum3A_2667 : i1 to vector<16xi1>
        %reduce_sum3A_2669 = tpu.scan <sum>, %add3A_2666 masked %reduce_sum3A_2668 : vector<16xf32>, vector<16xi1> -> vector<16xf32>
        %reduce_sum3A_2670 = vector.extract %reduce_sum3A_2669[15] : f32 from vector<16xf32>
        %broadcast_in_dim3A_2671 = vector.broadcast %reduce_sum3A_2670 : f32 to vector<16xf32>
        %exp3A_2672 = math.exp %broadcast_in_dim3A_2671 : vector<16xf32>
        %get3A_2673 = arith.index_cast %add3A_2560 : i32 to index
        %get3A_2674 = arith.constant 192 : index
        %get3A_2675 = tpu.vector_load %arg9[%get3A_2673, %get3A_2674] {strides = array<i32>} : memref<80x256xf32, #tpu.memory_space<vmem>>, vector<16xf32>,
        %get3A_2676 = arith.index_cast %add3A_2560 : i32 to index
        %get3A_2677 = arith.constant 208 : index
        %get3A_2678 = tpu.vector_load %arg9[%get3A_2676, %get3A_2677] {strides = array<i32>} : memref<80x256xf32, #tpu.memory_space<vmem>>, vector<16xf32>,
        %mul3A_2679 = arith.mulf %get3A_2675, %exp3A_2672 : vector<16xf32>
        %swap3A_2680 = arith.index_cast %add3A_2560 : i32 to index
        %swap3A_2681 = arith.constant 64 : index
        %swap3A_2682 = tpu.vector_load %arg8[%swap3A_2680, %swap3A_2681] {strides = array<i32>} : memref<80x128xf32, #tpu.memory_space<vmem>>, vector<16xf32>,
        tpu.vector_store %arg8[%swap3A_2680, %swap3A_2681], %mul3A_2679 {strides = array<i32>} : memref<80x128xf32, #tpu.memory_space<vmem>>, vector<16xf32>,
        %mul3A_2683 = arith.mulf %get3A_2678, %exp3A_2672 : vector<16xf32>
        %swap3A_2684 = arith.index_cast %add3A_2560 : i32 to index
        %swap3A_2685 = arith.constant 80 : index
        %swap3A_2686 = tpu.vector_load %arg8[%swap3A_2684, %swap3A_2685] {strides = array<i32>} : memref<80x128xf32, #tpu.memory_space<vmem>>, vector<16xf32>,
        tpu.vector_store %arg8[%swap3A_2684, %swap3A_2685], %mul3A_2683 {strides = array<i32>} : memref<80x128xf32, #tpu.memory_space<vmem>>, vector<16xf32>,
        %add3A_2687 = arith.constant 2 : i32
        %add3A_2688 = vector.broadcast %add3A_2687 : i32 to vector<16xi32>
        %add3A_2689 = arith.addi %broadcast_in_dim3A_2571, %add3A_2688 : vector<16xi32>
        %eq3A_2690 = arith.cmpi eq, %iota3A, %add3A_2689 : vector<16xi32>
        %select_n3A_2691 = arith.select %eq3A_2690, %exp3A_2672, %select_n3A_2651 : vector<16xi1>, vector<16xf32>
        %get3A_2692 = arith.index_cast %add3A_2560 : i32 to index
        %get3A_2693 = arith.constant 96 : index
        %get3A_2694 = tpu.vector_load %arg8[%get3A_2692, %get3A_2693] {strides = array<i32>} : memref<80x128xf32, #tpu.memory_space<vmem>>, vector<16xf32>,
        %get3A_2695 = arith.index_cast %add3A_2560 : i32 to index
        %get3A_2696 = arith.constant 112 : index
        %get3A_2697 = tpu.vector_load %arg8[%get3A_2695, %get3A_2696] {strides = array<i32>} : memref<80x128xf32, #tpu.memory_space<vmem>>, vector<16xf32>,
        %get3A_2698 = arith.index_cast %add3A_2560 : i32 to index
        %get3A_2699 = arith.constant 96 : index
        %get3A_2700 = tpu.vector_load %arg9[%get3A_2698, %get3A_2699] {strides = array<i32>} : memref<80x256xf32, #tpu.memory_space<vmem>>, vector<16xf32>,
        %get3A_2701 = arith.index_cast %add3A_2560 : i32 to index
        %get3A_2702 = arith.constant 112 : index
        %get3A_2703 = tpu.vector_load %arg9[%get3A_2701, %get3A_2702] {strides = array<i32>} : memref<80x256xf32, #tpu.memory_space<vmem>>, vector<16xf32>,
        %mul3A_2704 = arith.mulf %get3A_2694, %get3A_2700 : vector<16xf32>
        %mul3A_2705 = arith.mulf %get3A_2697, %get3A_2703 : vector<16xf32>
        %add3A_2706 = arith.addf %mul3A_2704, %mul3A_2705 : vector<16xf32>
        %reduce_sum3A_2707 = arith.constant true
        %reduce_sum3A_2708 = vector.broadcast %reduce_sum3A_2707 : i1 to vector<16xi1>
        %reduce_sum3A_2709 = tpu.scan <sum>, %add3A_2706 masked %reduce_sum3A_2708 : vector<16xf32>, vector<16xi1> -> vector<16xf32>
        %reduce_sum3A_2710 = vector.extract %reduce_sum3A_2709[15] : f32 from vector<16xf32>
        %broadcast_in_dim3A_2711 = vector.broadcast %reduce_sum3A_2710 : f32 to vector<16xf32>
        %exp3A_2712 = math.exp %broadcast_in_dim3A_2711 : vector<16xf32>
        %get3A_2713 = arith.index_cast %add3A_2560 : i32 to index
        %get3A_2714 = arith.constant 224 : index
        %get3A_2715 = tpu.vector_load %arg9[%get3A_2713, %get3A_2714] {strides = array<i32>} : memref<80x256xf32, #tpu.memory_space<vmem>>, vector<16xf32>,
        %get3A_2716 = arith.index_cast %add3A_2560 : i32 to index
        %get3A_2717 = arith.constant 240 : index
        %get3A_2718 = tpu.vector_load %arg9[%get3A_2716, %get3A_2717] {strides = array<i32>} : memref<80x256xf32, #tpu.memory_space<vmem>>, vector<16xf32>,
        %mul3A_2719 = arith.mulf %get3A_2715, %exp3A_2712 : vector<16xf32>
        %swap3A_2720 = arith.index_cast %add3A_2560 : i32 to index
        %swap3A_2721 = arith.constant 96 : index
        %swap3A_2722 = tpu.vector_load %arg8[%swap3A_2720, %swap3A_2721] {strides = array<i32>} : memref<80x128xf32, #tpu.memory_space<vmem>>, vector<16xf32>,
        tpu.vector_store %arg8[%swap3A_2720, %swap3A_2721], %mul3A_2719 {strides = array<i32>} : memref<80x128xf32, #tpu.memory_space<vmem>>, vector<16xf32>,
        %mul3A_2723 = arith.mulf %get3A_2718, %exp3A_2712 : vector<16xf32>
        %swap3A_2724 = arith.index_cast %add3A_2560 : i32 to index
        %swap3A_2725 = arith.constant 112 : index
        %swap3A_2726 = tpu.vector_load %arg8[%swap3A_2724, %swap3A_2725] {strides = array<i32>} : memref<80x128xf32, #tpu.memory_space<vmem>>, vector<16xf32>,
        tpu.vector_store %arg8[%swap3A_2724, %swap3A_2725], %mul3A_2723 {strides = array<i32>} : memref<80x128xf32, #tpu.memory_space<vmem>>, vector<16xf32>,
        %add3A_2727 = arith.constant 3 : i32
        %add3A_2728 = vector.broadcast %add3A_2727 : i32 to vector<16xi32>
        %add3A_2729 = arith.addi %broadcast_in_dim3A_2571, %add3A_2728 : vector<16xi32>
        %eq3A_2730 = arith.cmpi eq, %iota3A, %add3A_2729 : vector<16xi32>
        %select_n3A_2731 = arith.select %eq3A_2730, %exp3A_2712, %select_n3A_2691 : vector<16xi1>, vector<16xf32>
        %mul3A_2732 = arith.constant 16 : i32
        %mul3A_2733 = arith.muli %shift_right_logical3A_2568, %mul3A_2732 : i32
        %swap3A_2734 = arith.index_cast %add3A_2560 : i32 to index
        %swap3A_2735 = arith.index_cast %mul3A_2733 : i32 to index
        %swap3A_2736 = tpu.vector_load %arg10[%swap3A_2734, %swap3A_2735] {strides = array<i32>} : memref<80x128xf32, #tpu.memory_space<vmem>>, vector<16xf32>,
        tpu.vector_store %arg10[%swap3A_2734, %swap3A_2735], %select_n3A_2731 {strides = array<i32>} : memref<80x128xf32, #tpu.memory_space<vmem>>, vector<16xf32>,
        %mul3A_2737 = arith.constant 16 : i32
        %mul3A_2738 = arith.muli %scan3A_218, %mul3A_2737 : i32
        %add3A_2739 = arith.constant 14 : i32
        %add3A_2740 = arith.addi %mul3A_2738, %add3A_2739 : i32
        %slice3A_2741 = vector.extract_strided_slice %get3A_223 {offsets = [14], sizes = [1], strides = [1]} : vector<16xi32> to vector<1xi32>
        %squeeze3A_2742 = vector.extract %slice3A_2741[0] : i32 from vector<1xi32>
        %and3A_2743 = arith.constant 31 : i32
        %and3A_2744 = arith.andi %squeeze3A_2742, %and3A_2743 : i32
        %mul3A_2745 = arith.constant 4 : i32
        %mul3A_2746 = arith.muli %and3A_2744, %mul3A_2745 : i32
        %shift_right_logical3A_2747 = arith.constant 4 : i32
        %shift_right_logical3A_2748 = arith.shrui %mul3A_2746, %shift_right_logical3A_2747 : i32
        %and3A_2749 = arith.constant 15 : i32
        %and3A_2750 = arith.andi %mul3A_2746, %and3A_2749 : i32
        %broadcast_in_dim3A_2751 = vector.broadcast %and3A_2750 : i32 to vector<16xi32>
        %get3A_2752 = arith.index_cast %add3A_2740 : i32 to index
        %get3A_2753 = arith.constant 0 : index
        %get3A_2754 = tpu.vector_load %arg8[%get3A_2752, %get3A_2753] {strides = array<i32>} : memref<80x128xf32, #tpu.memory_space<vmem>>, vector<16xf32>,
        %get3A_2755 = arith.index_cast %add3A_2740 : i32 to index
        %get3A_2756 = arith.constant 16 : index
        %get3A_2757 = tpu.vector_load %arg8[%get3A_2755, %get3A_2756] {strides = array<i32>} : memref<80x128xf32, #tpu.memory_space<vmem>>, vector<16xf32>,
        %get3A_2758 = arith.index_cast %add3A_2740 : i32 to index
        %get3A_2759 = arith.constant 0 : index
        %get3A_2760 = tpu.vector_load %arg9[%get3A_2758, %get3A_2759] {strides = array<i32>} : memref<80x256xf32, #tpu.memory_space<vmem>>, vector<16xf32>,
        %get3A_2761 = arith.index_cast %add3A_2740 : i32 to index
        %get3A_2762 = arith.constant 16 : index
        %get3A_2763 = tpu.vector_load %arg9[%get3A_2761, %get3A_2762] {strides = array<i32>} : memref<80x256xf32, #tpu.memory_space<vmem>>, vector<16xf32>,
        %mul3A_2764 = arith.mulf %get3A_2754, %get3A_2760 : vector<16xf32>
        %mul3A_2765 = arith.mulf %get3A_2757, %get3A_2763 : vector<16xf32>
        %add3A_2766 = arith.addf %mul3A_2764, %mul3A_2765 : vector<16xf32>
        %reduce_sum3A_2767 = arith.constant true
        %reduce_sum3A_2768 = vector.broadcast %reduce_sum3A_2767 : i1 to vector<16xi1>
        %reduce_sum3A_2769 = tpu.scan <sum>, %add3A_2766 masked %reduce_sum3A_2768 : vector<16xf32>, vector<16xi1> -> vector<16xf32>
        %reduce_sum3A_2770 = vector.extract %reduce_sum3A_2769[15] : f32 from vector<16xf32>
        %broadcast_in_dim3A_2771 = vector.broadcast %reduce_sum3A_2770 : f32 to vector<16xf32>
        %exp3A_2772 = math.exp %broadcast_in_dim3A_2771 : vector<16xf32>
        %get3A_2773 = arith.index_cast %add3A_2740 : i32 to index
        %get3A_2774 = arith.constant 128 : index
        %get3A_2775 = tpu.vector_load %arg9[%get3A_2773, %get3A_2774] {strides = array<i32>} : memref<80x256xf32, #tpu.memory_space<vmem>>, vector<16xf32>,
        %get3A_2776 = arith.index_cast %add3A_2740 : i32 to index
        %get3A_2777 = arith.constant 144 : index
        %get3A_2778 = tpu.vector_load %arg9[%get3A_2776, %get3A_2777] {strides = array<i32>} : memref<80x256xf32, #tpu.memory_space<vmem>>, vector<16xf32>,
        %mul3A_2779 = arith.mulf %get3A_2775, %exp3A_2772 : vector<16xf32>
        %swap3A_2780 = arith.index_cast %add3A_2740 : i32 to index
        %swap3A_2781 = arith.constant 0 : index
        %swap3A_2782 = tpu.vector_load %arg8[%swap3A_2780, %swap3A_2781] {strides = array<i32>} : memref<80x128xf32, #tpu.memory_space<vmem>>, vector<16xf32>,
        tpu.vector_store %arg8[%swap3A_2780, %swap3A_2781], %mul3A_2779 {strides = array<i32>} : memref<80x128xf32, #tpu.memory_space<vmem>>, vector<16xf32>,
        %mul3A_2783 = arith.mulf %get3A_2778, %exp3A_2772 : vector<16xf32>
        %swap3A_2784 = arith.index_cast %add3A_2740 : i32 to index
        %swap3A_2785 = arith.constant 16 : index
        %swap3A_2786 = tpu.vector_load %arg8[%swap3A_2784, %swap3A_2785] {strides = array<i32>} : memref<80x128xf32, #tpu.memory_space<vmem>>, vector<16xf32>,
        tpu.vector_store %arg8[%swap3A_2784, %swap3A_2785], %mul3A_2783 {strides = array<i32>} : memref<80x128xf32, #tpu.memory_space<vmem>>, vector<16xf32>,
        %add3A_2787 = arith.constant 0 : i32
        %add3A_2788 = vector.broadcast %add3A_2787 : i32 to vector<16xi32>
        %add3A_2789 = arith.addi %broadcast_in_dim3A_2751, %add3A_2788 : vector<16xi32>
        %eq3A_2790 = arith.cmpi eq, %iota3A, %add3A_2789 : vector<16xi32>
        %select_n3A_2791 = arith.select %eq3A_2790, %exp3A_2772, %broadcast_in_dim3A_1 : vector<16xi1>, vector<16xf32>
        %get3A_2792 = arith.index_cast %add3A_2740 : i32 to index
        %get3A_2793 = arith.constant 32 : index
        %get3A_2794 = tpu.vector_load %arg8[%get3A_2792, %get3A_2793] {strides = array<i32>} : memref<80x128xf32, #tpu.memory_space<vmem>>, vector<16xf32>,
        %get3A_2795 = arith.index_cast %add3A_2740 : i32 to index
        %get3A_2796 = arith.constant 48 : index
        %get3A_2797 = tpu.vector_load %arg8[%get3A_2795, %get3A_2796] {strides = array<i32>} : memref<80x128xf32, #tpu.memory_space<vmem>>, vector<16xf32>,
        %get3A_2798 = arith.index_cast %add3A_2740 : i32 to index
        %get3A_2799 = arith.constant 32 : index
        %get3A_2800 = tpu.vector_load %arg9[%get3A_2798, %get3A_2799] {strides = array<i32>} : memref<80x256xf32, #tpu.memory_space<vmem>>, vector<16xf32>,
        %get3A_2801 = arith.index_cast %add3A_2740 : i32 to index
        %get3A_2802 = arith.constant 48 : index
        %get3A_2803 = tpu.vector_load %arg9[%get3A_2801, %get3A_2802] {strides = array<i32>} : memref<80x256xf32, #tpu.memory_space<vmem>>, vector<16xf32>,
        %mul3A_2804 = arith.mulf %get3A_2794, %get3A_2800 : vector<16xf32>
        %mul3A_2805 = arith.mulf %get3A_2797, %get3A_2803 : vector<16xf32>
        %add3A_2806 = arith.addf %mul3A_2804, %mul3A_2805 : vector<16xf32>
        %reduce_sum3A_2807 = arith.constant true
        %reduce_sum3A_2808 = vector.broadcast %reduce_sum3A_2807 : i1 to vector<16xi1>
        %reduce_sum3A_2809 = tpu.scan <sum>, %add3A_2806 masked %reduce_sum3A_2808 : vector<16xf32>, vector<16xi1> -> vector<16xf32>
        %reduce_sum3A_2810 = vector.extract %reduce_sum3A_2809[15] : f32 from vector<16xf32>
        %broadcast_in_dim3A_2811 = vector.broadcast %reduce_sum3A_2810 : f32 to vector<16xf32>
        %exp3A_2812 = math.exp %broadcast_in_dim3A_2811 : vector<16xf32>
        %get3A_2813 = arith.index_cast %add3A_2740 : i32 to index
        %get3A_2814 = arith.constant 160 : index
        %get3A_2815 = tpu.vector_load %arg9[%get3A_2813, %get3A_2814] {strides = array<i32>} : memref<80x256xf32, #tpu.memory_space<vmem>>, vector<16xf32>,
        %get3A_2816 = arith.index_cast %add3A_2740 : i32 to index
        %get3A_2817 = arith.constant 176 : index
        %get3A_2818 = tpu.vector_load %arg9[%get3A_2816, %get3A_2817] {strides = array<i32>} : memref<80x256xf32, #tpu.memory_space<vmem>>, vector<16xf32>,
        %mul3A_2819 = arith.mulf %get3A_2815, %exp3A_2812 : vector<16xf32>
        %swap3A_2820 = arith.index_cast %add3A_2740 : i32 to index
        %swap3A_2821 = arith.constant 32 : index
        %swap3A_2822 = tpu.vector_load %arg8[%swap3A_2820, %swap3A_2821] {strides = array<i32>} : memref<80x128xf32, #tpu.memory_space<vmem>>, vector<16xf32>,
        tpu.vector_store %arg8[%swap3A_2820, %swap3A_2821], %mul3A_2819 {strides = array<i32>} : memref<80x128xf32, #tpu.memory_space<vmem>>, vector<16xf32>,
        %mul3A_2823 = arith.mulf %get3A_2818, %exp3A_2812 : vector<16xf32>
        %swap3A_2824 = arith.index_cast %add3A_2740 : i32 to index
        %swap3A_2825 = arith.constant 48 : index
        %swap3A_2826 = tpu.vector_load %arg8[%swap3A_2824, %swap3A_2825] {strides = array<i32>} : memref<80x128xf32, #tpu.memory_space<vmem>>, vector<16xf32>,
        tpu.vector_store %arg8[%swap3A_2824, %swap3A_2825], %mul3A_2823 {strides = array<i32>} : memref<80x128xf32, #tpu.memory_space<vmem>>, vector<16xf32>,
        %add3A_2827 = arith.constant 1 : i32
        %add3A_2828 = vector.broadcast %add3A_2827 : i32 to vector<16xi32>
        %add3A_2829 = arith.addi %broadcast_in_dim3A_2751, %add3A_2828 : vector<16xi32>
        %eq3A_2830 = arith.cmpi eq, %iota3A, %add3A_2829 : vector<16xi32>
        %select_n3A_2831 = arith.select %eq3A_2830, %exp3A_2812, %select_n3A_2791 : vector<16xi1>, vector<16xf32>
        %get3A_2832 = arith.index_cast %add3A_2740 : i32 to index
        %get3A_2833 = arith.constant 64 : index
        %get3A_2834 = tpu.vector_load %arg8[%get3A_2832, %get3A_2833] {strides = array<i32>} : memref<80x128xf32, #tpu.memory_space<vmem>>, vector<16xf32>,
        %get3A_2835 = arith.index_cast %add3A_2740 : i32 to index
        %get3A_2836 = arith.constant 80 : index
        %get3A_2837 = tpu.vector_load %arg8[%get3A_2835, %get3A_2836] {strides = array<i32>} : memref<80x128xf32, #tpu.memory_space<vmem>>, vector<16xf32>,
        %get3A_2838 = arith.index_cast %add3A_2740 : i32 to index
        %get3A_2839 = arith.constant 64 : index
        %get3A_2840 = tpu.vector_load %arg9[%get3A_2838, %get3A_2839] {strides = array<i32>} : memref<80x256xf32, #tpu.memory_space<vmem>>, vector<16xf32>,
        %get3A_2841 = arith.index_cast %add3A_2740 : i32 to index
        %get3A_2842 = arith.constant 80 : index
        %get3A_2843 = tpu.vector_load %arg9[%get3A_2841, %get3A_2842] {strides = array<i32>} : memref<80x256xf32, #tpu.memory_space<vmem>>, vector<16xf32>,
        %mul3A_2844 = arith.mulf %get3A_2834, %get3A_2840 : vector<16xf32>
        %mul3A_2845 = arith.mulf %get3A_2837, %get3A_2843 : vector<16xf32>
        %add3A_2846 = arith.addf %mul3A_2844, %mul3A_2845 : vector<16xf32>
        %reduce_sum3A_2847 = arith.constant true
        %reduce_sum3A_2848 = vector.broadcast %reduce_sum3A_2847 : i1 to vector<16xi1>
        %reduce_sum3A_2849 = tpu.scan <sum>, %add3A_2846 masked %reduce_sum3A_2848 : vector<16xf32>, vector<16xi1> -> vector<16xf32>
        %reduce_sum3A_2850 = vector.extract %reduce_sum3A_2849[15] : f32 from vector<16xf32>
        %broadcast_in_dim3A_2851 = vector.broadcast %reduce_sum3A_2850 : f32 to vector<16xf32>
        %exp3A_2852 = math.exp %broadcast_in_dim3A_2851 : vector<16xf32>
        %get3A_2853 = arith.index_cast %add3A_2740 : i32 to index
        %get3A_2854 = arith.constant 192 : index
        %get3A_2855 = tpu.vector_load %arg9[%get3A_2853, %get3A_2854] {strides = array<i32>} : memref<80x256xf32, #tpu.memory_space<vmem>>, vector<16xf32>,
        %get3A_2856 = arith.index_cast %add3A_2740 : i32 to index
        %get3A_2857 = arith.constant 208 : index
        %get3A_2858 = tpu.vector_load %arg9[%get3A_2856, %get3A_2857] {strides = array<i32>} : memref<80x256xf32, #tpu.memory_space<vmem>>, vector<16xf32>,
        %mul3A_2859 = arith.mulf %get3A_2855, %exp3A_2852 : vector<16xf32>
        %swap3A_2860 = arith.index_cast %add3A_2740 : i32 to index
        %swap3A_2861 = arith.constant 64 : index
        %swap3A_2862 = tpu.vector_load %arg8[%swap3A_2860, %swap3A_2861] {strides = array<i32>} : memref<80x128xf32, #tpu.memory_space<vmem>>, vector<16xf32>,
        tpu.vector_store %arg8[%swap3A_2860, %swap3A_2861], %mul3A_2859 {strides = array<i32>} : memref<80x128xf32, #tpu.memory_space<vmem>>, vector<16xf32>,
        %mul3A_2863 = arith.mulf %get3A_2858, %exp3A_2852 : vector<16xf32>
        %swap3A_2864 = arith.index_cast %add3A_2740 : i32 to index
        %swap3A_2865 = arith.constant 80 : index
        %swap3A_2866 = tpu.vector_load %arg8[%swap3A_2864, %swap3A_2865] {strides = array<i32>} : memref<80x128xf32, #tpu.memory_space<vmem>>, vector<16xf32>,
        tpu.vector_store %arg8[%swap3A_2864, %swap3A_2865], %mul3A_2863 {strides = array<i32>} : memref<80x128xf32, #tpu.memory_space<vmem>>, vector<16xf32>,
        %add3A_2867 = arith.constant 2 : i32
        %add3A_2868 = vector.broadcast %add3A_2867 : i32 to vector<16xi32>
        %add3A_2869 = arith.addi %broadcast_in_dim3A_2751, %add3A_2868 : vector<16xi32>
        %eq3A_2870 = arith.cmpi eq, %iota3A, %add3A_2869 : vector<16xi32>
        %select_n3A_2871 = arith.select %eq3A_2870, %exp3A_2852, %select_n3A_2831 : vector<16xi1>, vector<16xf32>
        %get3A_2872 = arith.index_cast %add3A_2740 : i32 to index
        %get3A_2873 = arith.constant 96 : index
        %get3A_2874 = tpu.vector_load %arg8[%get3A_2872, %get3A_2873] {strides = array<i32>} : memref<80x128xf32, #tpu.memory_space<vmem>>, vector<16xf32>,
        %get3A_2875 = arith.index_cast %add3A_2740 : i32 to index
        %get3A_2876 = arith.constant 112 : index
        %get3A_2877 = tpu.vector_load %arg8[%get3A_2875, %get3A_2876] {strides = array<i32>} : memref<80x128xf32, #tpu.memory_space<vmem>>, vector<16xf32>,
        %get3A_2878 = arith.index_cast %add3A_2740 : i32 to index
        %get3A_2879 = arith.constant 96 : index
        %get3A_2880 = tpu.vector_load %arg9[%get3A_2878, %get3A_2879] {strides = array<i32>} : memref<80x256xf32, #tpu.memory_space<vmem>>, vector<16xf32>,
        %get3A_2881 = arith.index_cast %add3A_2740 : i32 to index
        %get3A_2882 = arith.constant 112 : index
        %get3A_2883 = tpu.vector_load %arg9[%get3A_2881, %get3A_2882] {strides = array<i32>} : memref<80x256xf32, #tpu.memory_space<vmem>>, vector<16xf32>,
        %mul3A_2884 = arith.mulf %get3A_2874, %get3A_2880 : vector<16xf32>
        %mul3A_2885 = arith.mulf %get3A_2877, %get3A_2883 : vector<16xf32>
        %add3A_2886 = arith.addf %mul3A_2884, %mul3A_2885 : vector<16xf32>
        %reduce_sum3A_2887 = arith.constant true
        %reduce_sum3A_2888 = vector.broadcast %reduce_sum3A_2887 : i1 to vector<16xi1>
        %reduce_sum3A_2889 = tpu.scan <sum>, %add3A_2886 masked %reduce_sum3A_2888 : vector<16xf32>, vector<16xi1> -> vector<16xf32>
        %reduce_sum3A_2890 = vector.extract %reduce_sum3A_2889[15] : f32 from vector<16xf32>
        %broadcast_in_dim3A_2891 = vector.broadcast %reduce_sum3A_2890 : f32 to vector<16xf32>
        %exp3A_2892 = math.exp %broadcast_in_dim3A_2891 : vector<16xf32>
        %get3A_2893 = arith.index_cast %add3A_2740 : i32 to index
        %get3A_2894 = arith.constant 224 : index
        %get3A_2895 = tpu.vector_load %arg9[%get3A_2893, %get3A_2894] {strides = array<i32>} : memref<80x256xf32, #tpu.memory_space<vmem>>, vector<16xf32>,
        %get3A_2896 = arith.index_cast %add3A_2740 : i32 to index
        %get3A_2897 = arith.constant 240 : index
        %get3A_2898 = tpu.vector_load %arg9[%get3A_2896, %get3A_2897] {strides = array<i32>} : memref<80x256xf32, #tpu.memory_space<vmem>>, vector<16xf32>,
        %mul3A_2899 = arith.mulf %get3A_2895, %exp3A_2892 : vector<16xf32>
        %swap3A_2900 = arith.index_cast %add3A_2740 : i32 to index
        %swap3A_2901 = arith.constant 96 : index
        %swap3A_2902 = tpu.vector_load %arg8[%swap3A_2900, %swap3A_2901] {strides = array<i32>} : memref<80x128xf32, #tpu.memory_space<vmem>>, vector<16xf32>,
        tpu.vector_store %arg8[%swap3A_2900, %swap3A_2901], %mul3A_2899 {strides = array<i32>} : memref<80x128xf32, #tpu.memory_space<vmem>>, vector<16xf32>,
        %mul3A_2903 = arith.mulf %get3A_2898, %exp3A_2892 : vector<16xf32>
        %swap3A_2904 = arith.index_cast %add3A_2740 : i32 to index
        %swap3A_2905 = arith.constant 112 : index
        %swap3A_2906 = tpu.vector_load %arg8[%swap3A_2904, %swap3A_2905] {strides = array<i32>} : memref<80x128xf32, #tpu.memory_space<vmem>>, vector<16xf32>,
        tpu.vector_store %arg8[%swap3A_2904, %swap3A_2905], %mul3A_2903 {strides = array<i32>} : memref<80x128xf32, #tpu.memory_space<vmem>>, vector<16xf32>,
        %add3A_2907 = arith.constant 3 : i32
        %add3A_2908 = vector.broadcast %add3A_2907 : i32 to vector<16xi32>
        %add3A_2909 = arith.addi %broadcast_in_dim3A_2751, %add3A_2908 : vector<16xi32>
        %eq3A_2910 = arith.cmpi eq, %iota3A, %add3A_2909 : vector<16xi32>
        %select_n3A_2911 = arith.select %eq3A_2910, %exp3A_2892, %select_n3A_2871 : vector<16xi1>, vector<16xf32>
        %mul3A_2912 = arith.constant 16 : i32
        %mul3A_2913 = arith.muli %shift_right_logical3A_2748, %mul3A_2912 : i32
        %swap3A_2914 = arith.index_cast %add3A_2740 : i32 to index
        %swap3A_2915 = arith.index_cast %mul3A_2913 : i32 to index
        %swap3A_2916 = tpu.vector_load %arg10[%swap3A_2914, %swap3A_2915] {strides = array<i32>} : memref<80x128xf32, #tpu.memory_space<vmem>>, vector<16xf32>,
        tpu.vector_store %arg10[%swap3A_2914, %swap3A_2915], %select_n3A_2911 {strides = array<i32>} : memref<80x128xf32, #tpu.memory_space<vmem>>, vector<16xf32>,
        %mul3A_2917 = arith.constant 16 : i32
        %mul3A_2918 = arith.muli %scan3A_218, %mul3A_2917 : i32
        %add3A_2919 = arith.constant 15 : i32
        %add3A_2920 = arith.addi %mul3A_2918, %add3A_2919 : i32
        %slice3A_2921 = vector.extract_strided_slice %get3A_223 {offsets = [15], sizes = [1], strides = [1]} : vector<16xi32> to vector<1xi32>
        %squeeze3A_2922 = vector.extract %slice3A_2921[0] : i32 from vector<1xi32>
        %and3A_2923 = arith.constant 31 : i32
        %and3A_2924 = arith.andi %squeeze3A_2922, %and3A_2923 : i32
        %mul3A_2925 = arith.constant 4 : i32
        %mul3A_2926 = arith.muli %and3A_2924, %mul3A_2925 : i32
        %shift_right_logical3A_2927 = arith.constant 4 : i32
        %shift_right_logical3A_2928 = arith.shrui %mul3A_2926, %shift_right_logical3A_2927 : i32
        %and3A_2929 = arith.constant 15 : i32
        %and3A_2930 = arith.andi %mul3A_2926, %and3A_2929 : i32
        %broadcast_in_dim3A_2931 = vector.broadcast %and3A_2930 : i32 to vector<16xi32>
        %get3A_2932 = arith.index_cast %add3A_2920 : i32 to index
        %get3A_2933 = arith.constant 0 : index
        %get3A_2934 = tpu.vector_load %arg8[%get3A_2932, %get3A_2933] {strides = array<i32>} : memref<80x128xf32, #tpu.memory_space<vmem>>, vector<16xf32>,
        %get3A_2935 = arith.index_cast %add3A_2920 : i32 to index
        %get3A_2936 = arith.constant 16 : index
        %get3A_2937 = tpu.vector_load %arg8[%get3A_2935, %get3A_2936] {strides = array<i32>} : memref<80x128xf32, #tpu.memory_space<vmem>>, vector<16xf32>,
        %get3A_2938 = arith.index_cast %add3A_2920 : i32 to index
        %get3A_2939 = arith.constant 0 : index
        %get3A_2940 = tpu.vector_load %arg9[%get3A_2938, %get3A_2939] {strides = array<i32>} : memref<80x256xf32, #tpu.memory_space<vmem>>, vector<16xf32>,
        %get3A_2941 = arith.index_cast %add3A_2920 : i32 to index
        %get3A_2942 = arith.constant 16 : index
        %get3A_2943 = tpu.vector_load %arg9[%get3A_2941, %get3A_2942] {strides = array<i32>} : memref<80x256xf32, #tpu.memory_space<vmem>>, vector<16xf32>,
        %mul3A_2944 = arith.mulf %get3A_2934, %get3A_2940 : vector<16xf32>
        %mul3A_2945 = arith.mulf %get3A_2937, %get3A_2943 : vector<16xf32>
        %add3A_2946 = arith.addf %mul3A_2944, %mul3A_2945 : vector<16xf32>
        %reduce_sum3A_2947 = arith.constant true
        %reduce_sum3A_2948 = vector.broadcast %reduce_sum3A_2947 : i1 to vector<16xi1>
        %reduce_sum3A_2949 = tpu.scan <sum>, %add3A_2946 masked %reduce_sum3A_2948 : vector<16xf32>, vector<16xi1> -> vector<16xf32>
        %reduce_sum3A_2950 = vector.extract %reduce_sum3A_2949[15] : f32 from vector<16xf32>
        %broadcast_in_dim3A_2951 = vector.broadcast %reduce_sum3A_2950 : f32 to vector<16xf32>
        %exp3A_2952 = math.exp %broadcast_in_dim3A_2951 : vector<16xf32>
        %get3A_2953 = arith.index_cast %add3A_2920 : i32 to index
        %get3A_2954 = arith.constant 128 : index
        %get3A_2955 = tpu.vector_load %arg9[%get3A_2953, %get3A_2954] {strides = array<i32>} : memref<80x256xf32, #tpu.memory_space<vmem>>, vector<16xf32>,
        %get3A_2956 = arith.index_cast %add3A_2920 : i32 to index
        %get3A_2957 = arith.constant 144 : index
        %get3A_2958 = tpu.vector_load %arg9[%get3A_2956, %get3A_2957] {strides = array<i32>} : memref<80x256xf32, #tpu.memory_space<vmem>>, vector<16xf32>,
        %mul3A_2959 = arith.mulf %get3A_2955, %exp3A_2952 : vector<16xf32>
        %swap3A_2960 = arith.index_cast %add3A_2920 : i32 to index
        %swap3A_2961 = arith.constant 0 : index
        %swap3A_2962 = tpu.vector_load %arg8[%swap3A_2960, %swap3A_2961] {strides = array<i32>} : memref<80x128xf32, #tpu.memory_space<vmem>>, vector<16xf32>,
        tpu.vector_store %arg8[%swap3A_2960, %swap3A_2961], %mul3A_2959 {strides = array<i32>} : memref<80x128xf32, #tpu.memory_space<vmem>>, vector<16xf32>,
        %mul3A_2963 = arith.mulf %get3A_2958, %exp3A_2952 : vector<16xf32>
        %swap3A_2964 = arith.index_cast %add3A_2920 : i32 to index
        %swap3A_2965 = arith.constant 16 : index
        %swap3A_2966 = tpu.vector_load %arg8[%swap3A_2964, %swap3A_2965] {strides = array<i32>} : memref<80x128xf32, #tpu.memory_space<vmem>>, vector<16xf32>,
        tpu.vector_store %arg8[%swap3A_2964, %swap3A_2965], %mul3A_2963 {strides = array<i32>} : memref<80x128xf32, #tpu.memory_space<vmem>>, vector<16xf32>,
        %add3A_2967 = arith.constant 0 : i32
        %add3A_2968 = vector.broadcast %add3A_2967 : i32 to vector<16xi32>
        %add3A_2969 = arith.addi %broadcast_in_dim3A_2931, %add3A_2968 : vector<16xi32>
        %eq3A_2970 = arith.cmpi eq, %iota3A, %add3A_2969 : vector<16xi32>
        %select_n3A_2971 = arith.select %eq3A_2970, %exp3A_2952, %broadcast_in_dim3A_1 : vector<16xi1>, vector<16xf32>
        %get3A_2972 = arith.index_cast %add3A_2920 : i32 to index
        %get3A_2973 = arith.constant 32 : index
        %get3A_2974 = tpu.vector_load %arg8[%get3A_2972, %get3A_2973] {strides = array<i32>} : memref<80x128xf32, #tpu.memory_space<vmem>>, vector<16xf32>,
        %get3A_2975 = arith.index_cast %add3A_2920 : i32 to index
        %get3A_2976 = arith.constant 48 : index
        %get3A_2977 = tpu.vector_load %arg8[%get3A_2975, %get3A_2976] {strides = array<i32>} : memref<80x128xf32, #tpu.memory_space<vmem>>, vector<16xf32>,
        %get3A_2978 = arith.index_cast %add3A_2920 : i32 to index
        %get3A_2979 = arith.constant 32 : index
        %get3A_2980 = tpu.vector_load %arg9[%get3A_2978, %get3A_2979] {strides = array<i32>} : memref<80x256xf32, #tpu.memory_space<vmem>>, vector<16xf32>,
        %get3A_2981 = arith.index_cast %add3A_2920 : i32 to index
        %get3A_2982 = arith.constant 48 : index
        %get3A_2983 = tpu.vector_load %arg9[%get3A_2981, %get3A_2982] {strides = array<i32>} : memref<80x256xf32, #tpu.memory_space<vmem>>, vector<16xf32>,
        %mul3A_2984 = arith.mulf %get3A_2974, %get3A_2980 : vector<16xf32>
        %mul3A_2985 = arith.mulf %get3A_2977, %get3A_2983 : vector<16xf32>
        %add3A_2986 = arith.addf %mul3A_2984, %mul3A_2985 : vector<16xf32>
        %reduce_sum3A_2987 = arith.constant true
        %reduce_sum3A_2988 = vector.broadcast %reduce_sum3A_2987 : i1 to vector<16xi1>
        %reduce_sum3A_2989 = tpu.scan <sum>, %add3A_2986 masked %reduce_sum3A_2988 : vector<16xf32>, vector<16xi1> -> vector<16xf32>
        %reduce_sum3A_2990 = vector.extract %reduce_sum3A_2989[15] : f32 from vector<16xf32>
        %broadcast_in_dim3A_2991 = vector.broadcast %reduce_sum3A_2990 : f32 to vector<16xf32>
        %exp3A_2992 = math.exp %broadcast_in_dim3A_2991 : vector<16xf32>
        %get3A_2993 = arith.index_cast %add3A_2920 : i32 to index
        %get3A_2994 = arith.constant 160 : index
        %get3A_2995 = tpu.vector_load %arg9[%get3A_2993, %get3A_2994] {strides = array<i32>} : memref<80x256xf32, #tpu.memory_space<vmem>>, vector<16xf32>,
        %get3A_2996 = arith.index_cast %add3A_2920 : i32 to index
        %get3A_2997 = arith.constant 176 : index
        %get3A_2998 = tpu.vector_load %arg9[%get3A_2996, %get3A_2997] {strides = array<i32>} : memref<80x256xf32, #tpu.memory_space<vmem>>, vector<16xf32>,
        %mul3A_2999 = arith.mulf %get3A_2995, %exp3A_2992 : vector<16xf32>
        %swap3A_3000 = arith.index_cast %add3A_2920 : i32 to index
        %swap3A_3001 = arith.constant 32 : index
        %swap3A_3002 = tpu.vector_load %arg8[%swap3A_3000, %swap3A_3001] {strides = array<i32>} : memref<80x128xf32, #tpu.memory_space<vmem>>, vector<16xf32>,
        tpu.vector_store %arg8[%swap3A_3000, %swap3A_3001], %mul3A_2999 {strides = array<i32>} : memref<80x128xf32, #tpu.memory_space<vmem>>, vector<16xf32>,
        %mul3A_3003 = arith.mulf %get3A_2998, %exp3A_2992 : vector<16xf32>
        %swap3A_3004 = arith.index_cast %add3A_2920 : i32 to index
        %swap3A_3005 = arith.constant 48 : index
        %swap3A_3006 = tpu.vector_load %arg8[%swap3A_3004, %swap3A_3005] {strides = array<i32>} : memref<80x128xf32, #tpu.memory_space<vmem>>, vector<16xf32>,
        tpu.vector_store %arg8[%swap3A_3004, %swap3A_3005], %mul3A_3003 {strides = array<i32>} : memref<80x128xf32, #tpu.memory_space<vmem>>, vector<16xf32>,
        %add3A_3007 = arith.constant 1 : i32
        %add3A_3008 = vector.broadcast %add3A_3007 : i32 to vector<16xi32>
        %add3A_3009 = arith.addi %broadcast_in_dim3A_2931, %add3A_3008 : vector<16xi32>
        %eq3A_3010 = arith.cmpi eq, %iota3A, %add3A_3009 : vector<16xi32>
        %select_n3A_3011 = arith.select %eq3A_3010, %exp3A_2992, %select_n3A_2971 : vector<16xi1>, vector<16xf32>
        %get3A_3012 = arith.index_cast %add3A_2920 : i32 to index
        %get3A_3013 = arith.constant 64 : index
        %get3A_3014 = tpu.vector_load %arg8[%get3A_3012, %get3A_3013] {strides = array<i32>} : memref<80x128xf32, #tpu.memory_space<vmem>>, vector<16xf32>,
        %get3A_3015 = arith.index_cast %add3A_2920 : i32 to index
        %get3A_3016 = arith.constant 80 : index
        %get3A_3017 = tpu.vector_load %arg8[%get3A_3015, %get3A_3016] {strides = array<i32>} : memref<80x128xf32, #tpu.memory_space<vmem>>, vector<16xf32>,
        %get3A_3018 = arith.index_cast %add3A_2920 : i32 to index
        %get3A_3019 = arith.constant 64 : index
        %get3A_3020 = tpu.vector_load %arg9[%get3A_3018, %get3A_3019] {strides = array<i32>} : memref<80x256xf32, #tpu.memory_space<vmem>>, vector<16xf32>,
        %get3A_3021 = arith.index_cast %add3A_2920 : i32 to index
        %get3A_3022 = arith.constant 80 : index
        %get3A_3023 = tpu.vector_load %arg9[%get3A_3021, %get3A_3022] {strides = array<i32>} : memref<80x256xf32, #tpu.memory_space<vmem>>, vector<16xf32>,
        %mul3A_3024 = arith.mulf %get3A_3014, %get3A_3020 : vector<16xf32>
        %mul3A_3025 = arith.mulf %get3A_3017, %get3A_3023 : vector<16xf32>
        %add3A_3026 = arith.addf %mul3A_3024, %mul3A_3025 : vector<16xf32>
        %reduce_sum3A_3027 = arith.constant true
        %reduce_sum3A_3028 = vector.broadcast %reduce_sum3A_3027 : i1 to vector<16xi1>
        %reduce_sum3A_3029 = tpu.scan <sum>, %add3A_3026 masked %reduce_sum3A_3028 : vector<16xf32>, vector<16xi1> -> vector<16xf32>
        %reduce_sum3A_3030 = vector.extract %reduce_sum3A_3029[15] : f32 from vector<16xf32>
        %broadcast_in_dim3A_3031 = vector.broadcast %reduce_sum3A_3030 : f32 to vector<16xf32>
        %exp3A_3032 = math.exp %broadcast_in_dim3A_3031 : vector<16xf32>
        %get3A_3033 = arith.index_cast %add3A_2920 : i32 to index
        %get3A_3034 = arith.constant 192 : index
        %get3A_3035 = tpu.vector_load %arg9[%get3A_3033, %get3A_3034] {strides = array<i32>} : memref<80x256xf32, #tpu.memory_space<vmem>>, vector<16xf32>,
        %get3A_3036 = arith.index_cast %add3A_2920 : i32 to index
        %get3A_3037 = arith.constant 208 : index
        %get3A_3038 = tpu.vector_load %arg9[%get3A_3036, %get3A_3037] {strides = array<i32>} : memref<80x256xf32, #tpu.memory_space<vmem>>, vector<16xf32>,
        %mul3A_3039 = arith.mulf %get3A_3035, %exp3A_3032 : vector<16xf32>
        %swap3A_3040 = arith.index_cast %add3A_2920 : i32 to index
        %swap3A_3041 = arith.constant 64 : index
        %swap3A_3042 = tpu.vector_load %arg8[%swap3A_3040, %swap3A_3041] {strides = array<i32>} : memref<80x128xf32, #tpu.memory_space<vmem>>, vector<16xf32>,
        tpu.vector_store %arg8[%swap3A_3040, %swap3A_3041], %mul3A_3039 {strides = array<i32>} : memref<80x128xf32, #tpu.memory_space<vmem>>, vector<16xf32>,
        %mul3A_3043 = arith.mulf %get3A_3038, %exp3A_3032 : vector<16xf32>
        %swap3A_3044 = arith.index_cast %add3A_2920 : i32 to index
        %swap3A_3045 = arith.constant 80 : index
        %swap3A_3046 = tpu.vector_load %arg8[%swap3A_3044, %swap3A_3045] {strides = array<i32>} : memref<80x128xf32, #tpu.memory_space<vmem>>, vector<16xf32>,
        tpu.vector_store %arg8[%swap3A_3044, %swap3A_3045], %mul3A_3043 {strides = array<i32>} : memref<80x128xf32, #tpu.memory_space<vmem>>, vector<16xf32>,
        %add3A_3047 = arith.constant 2 : i32
        %add3A_3048 = vector.broadcast %add3A_3047 : i32 to vector<16xi32>
        %add3A_3049 = arith.addi %broadcast_in_dim3A_2931, %add3A_3048 : vector<16xi32>
        %eq3A_3050 = arith.cmpi eq, %iota3A, %add3A_3049 : vector<16xi32>
        %select_n3A_3051 = arith.select %eq3A_3050, %exp3A_3032, %select_n3A_3011 : vector<16xi1>, vector<16xf32>
        %get3A_3052 = arith.index_cast %add3A_2920 : i32 to index
        %get3A_3053 = arith.constant 96 : index
        %get3A_3054 = tpu.vector_load %arg8[%get3A_3052, %get3A_3053] {strides = array<i32>} : memref<80x128xf32, #tpu.memory_space<vmem>>, vector<16xf32>,
        %get3A_3055 = arith.index_cast %add3A_2920 : i32 to index
        %get3A_3056 = arith.constant 112 : index
        %get3A_3057 = tpu.vector_load %arg8[%get3A_3055, %get3A_3056] {strides = array<i32>} : memref<80x128xf32, #tpu.memory_space<vmem>>, vector<16xf32>,
        %get3A_3058 = arith.index_cast %add3A_2920 : i32 to index
        %get3A_3059 = arith.constant 96 : index
        %get3A_3060 = tpu.vector_load %arg9[%get3A_3058, %get3A_3059] {strides = array<i32>} : memref<80x256xf32, #tpu.memory_space<vmem>>, vector<16xf32>,
        %get3A_3061 = arith.index_cast %add3A_2920 : i32 to index
        %get3A_3062 = arith.constant 112 : index
        %get3A_3063 = tpu.vector_load %arg9[%get3A_3061, %get3A_3062] {strides = array<i32>} : memref<80x256xf32, #tpu.memory_space<vmem>>, vector<16xf32>,
        %mul3A_3064 = arith.mulf %get3A_3054, %get3A_3060 : vector<16xf32>
        %mul3A_3065 = arith.mulf %get3A_3057, %get3A_3063 : vector<16xf32>
        %add3A_3066 = arith.addf %mul3A_3064, %mul3A_3065 : vector<16xf32>
        %reduce_sum3A_3067 = arith.constant true
        %reduce_sum3A_3068 = vector.broadcast %reduce_sum3A_3067 : i1 to vector<16xi1>
        %reduce_sum3A_3069 = tpu.scan <sum>, %add3A_3066 masked %reduce_sum3A_3068 : vector<16xf32>, vector<16xi1> -> vector<16xf32>
        %reduce_sum3A_3070 = vector.extract %reduce_sum3A_3069[15] : f32 from vector<16xf32>
        %broadcast_in_dim3A_3071 = vector.broadcast %reduce_sum3A_3070 : f32 to vector<16xf32>
        %exp3A_3072 = math.exp %broadcast_in_dim3A_3071 : vector<16xf32>
        %get3A_3073 = arith.index_cast %add3A_2920 : i32 to index
        %get3A_3074 = arith.constant 224 : index
        %get3A_3075 = tpu.vector_load %arg9[%get3A_3073, %get3A_3074] {strides = array<i32>} : memref<80x256xf32, #tpu.memory_space<vmem>>, vector<16xf32>,
        %get3A_3076 = arith.index_cast %add3A_2920 : i32 to index
        %get3A_3077 = arith.constant 240 : index
        %get3A_3078 = tpu.vector_load %arg9[%get3A_3076, %get3A_3077] {strides = array<i32>} : memref<80x256xf32, #tpu.memory_space<vmem>>, vector<16xf32>,
        %mul3A_3079 = arith.mulf %get3A_3075, %exp3A_3072 : vector<16xf32>
        %swap3A_3080 = arith.index_cast %add3A_2920 : i32 to index
        %swap3A_3081 = arith.constant 96 : index
        %swap3A_3082 = tpu.vector_load %arg8[%swap3A_3080, %swap3A_3081] {strides = array<i32>} : memref<80x128xf32, #tpu.memory_space<vmem>>, vector<16xf32>,
        tpu.vector_store %arg8[%swap3A_3080, %swap3A_3081], %mul3A_3079 {strides = array<i32>} : memref<80x128xf32, #tpu.memory_space<vmem>>, vector<16xf32>,
        %mul3A_3083 = arith.mulf %get3A_3078, %exp3A_3072 : vector<16xf32>
        %swap3A_3084 = arith.index_cast %add3A_2920 : i32 to index
        %swap3A_3085 = arith.constant 112 : index
        %swap3A_3086 = tpu.vector_load %arg8[%swap3A_3084, %swap3A_3085] {strides = array<i32>} : memref<80x128xf32, #tpu.memory_space<vmem>>, vector<16xf32>,
        tpu.vector_store %arg8[%swap3A_3084, %swap3A_3085], %mul3A_3083 {strides = array<i32>} : memref<80x128xf32, #tpu.memory_space<vmem>>, vector<16xf32>,
        %add3A_3087 = arith.constant 3 : i32
        %add3A_3088 = vector.broadcast %add3A_3087 : i32 to vector<16xi32>
        %add3A_3089 = arith.addi %broadcast_in_dim3A_2931, %add3A_3088 : vector<16xi32>
        %eq3A_3090 = arith.cmpi eq, %iota3A, %add3A_3089 : vector<16xi32>
        %select_n3A_3091 = arith.select %eq3A_3090, %exp3A_3072, %select_n3A_3051 : vector<16xi1>, vector<16xf32>
        %mul3A_3092 = arith.constant 16 : i32
        %mul3A_3093 = arith.muli %shift_right_logical3A_2928, %mul3A_3092 : i32
        %swap3A_3094 = arith.index_cast %add3A_2920 : i32 to index
        %swap3A_3095 = arith.index_cast %mul3A_3093 : i32 to index
        %swap3A_3096 = tpu.vector_load %arg10[%swap3A_3094, %swap3A_3095] {strides = array<i32>} : memref<80x128xf32, #tpu.memory_space<vmem>>, vector<16xf32>,
        tpu.vector_store %arg10[%swap3A_3094, %swap3A_3095], %select_n3A_3091 {strides = array<i32>} : memref<80x128xf32, #tpu.memory_space<vmem>>, vector<16xf32>,
        %scan3A_3097 = arith.constant 0 : i32
        scf.yield %scan3A_3097 : i32
      }
      %scan3A_216 = arith.constant 5 : i32
      "tpu.region"() ({
        %run_scoped3A = tpu.sem_alloc : memref<!tpu.dma_semaphore, #tpu.memory_space<semaphore_mem>>
        %dma_start3A_218 = arith.constant 0 : i32
        %dma_start3A_219 = arith.constant 0 : i32
        %dma_start3A_220 = tpu.memref_slice %arg7[%dma_start3A_218, %dma_start3A_219] : memref<10320x128xf32, #tpu.memory_space<vmem_shared>> -> memref<10320x128xf32, #tpu.memory_space<vmem_shared>>
        tpu.enqueue_indirect_dma source(%arg8 : memref<80x128xf32, #tpu.memory_space<vmem>>) target(%dma_start3A_220 : memref<10320x128xf32, #tpu.memory_space<vmem_shared>>) offsets(%arg12 : memref<80xi32, #tpu.memory_space<vmem>>) semaphore(%run_scoped3A : memref<!tpu.dma_semaphore, #tpu.memory_space<semaphore_mem>>) {add = true}
        %dma_wait3A_221 = arith.constant 0 : i32
        %dma_wait3A_222 = arith.constant 0 : i32
        %dma_wait3A_223 = tpu.memref_slice %arg7[%dma_wait3A_221, %dma_wait3A_222] : memref<10320x128xf32, #tpu.memory_space<vmem_shared>> -> memref<10320x128xf32, #tpu.memory_space<vmem_shared>>
        tpu.wait_indirect_dma semaphore(%run_scoped3A : memref<!tpu.dma_semaphore, #tpu.memory_space<semaphore_mem>>) src(%arg8 : memref<80x128xf32, #tpu.memory_space<vmem>>) dst(%dma_wait3A_223 : memref<10320x128xf32, #tpu.memory_space<vmem_shared>>)
        tpu.yield
      }) : () -> ()
      "tpu.region"() ({
        %run_scoped3A = tpu.sem_alloc : memref<!tpu.dma_semaphore, #tpu.memory_space<semaphore_mem>>
        %dma_start3A_218 = arith.constant 0 : i32
        %dma_start3A_219 = arith.constant 0 : i32
        %dma_start3A_220 = tpu.memref_slice %arg7[%dma_start3A_218, %dma_start3A_219] : memref<10320x128xf32, #tpu.memory_space<vmem_shared>> -> memref<10320x128xf32, #tpu.memory_space<vmem_shared>>
        tpu.enqueue_indirect_dma source(%arg10 : memref<80x128xf32, #tpu.memory_space<vmem>>) target(%dma_start3A_220 : memref<10320x128xf32, #tpu.memory_space<vmem_shared>>) offsets(%arg13 : memref<80xi32, #tpu.memory_space<vmem>>) semaphore(%run_scoped3A : memref<!tpu.dma_semaphore, #tpu.memory_space<semaphore_mem>>) {add = true}
        %dma_wait3A_221 = arith.constant 0 : i32
        %dma_wait3A_222 = arith.constant 0 : i32
        %dma_wait3A_223 = tpu.memref_slice %arg7[%dma_wait3A_221, %dma_wait3A_222] : memref<10320x128xf32, #tpu.memory_space<vmem_shared>> -> memref<10320x128xf32, #tpu.memory_space<vmem_shared>>
        tpu.wait_indirect_dma semaphore(%run_scoped3A : memref<!tpu.dma_semaphore, #tpu.memory_space<semaphore_mem>>) src(%arg10 : memref<80x128xf32, #tpu.memory_space<vmem>>) dst(%dma_wait3A_223 : memref<10320x128xf32, #tpu.memory_space<vmem_shared>>)
        tpu.yield
      }) : () -> ()
      %scan3A_217 = arith.constant 0 : i32
      scf.yield %scan3A_217 : i32
    }
    %scan3A_74 = arith.constant 125 : i32
    %barrier3A_75 = arith.constant 0 : index
    tpu.barrier barrier_id(%barrier3A_75)
    %add3A_76 = arith.constant 0 : i32
    %add3A_77 = arith.addi %arg1, %add3A_76 : i32
    %lt3A_78 = arith.constant 129 : i32
    %lt3A_79 = arith.cmpi slt, %add3A_77, %lt3A_78 : i32
    %convert_element_type3A_80 = arith.extui %lt3A_79 : i1 to i32
    %cond3A_81 = arith.constant 0 : i32
    %cond3A_82 = arith.cmpi ne, %convert_element_type3A_80, %cond3A_81 : i32
    scf.if %cond3A_82 {
      %mul3A_139 = arith.constant 80 : i32
      %mul3A_140 = arith.muli %add3A_77, %mul3A_139 : i32
      "tpu.region"() ({
        %run_scoped3A = tpu.sem_alloc : memref<!tpu.dma_semaphore, #tpu.memory_space<semaphore_mem>>
        %dma_start3A = arith.constant 0 : i32
        %dma_start3A_146 = tpu.memref_slice %arg7[%mul3A_140, %dma_start3A] : memref<10320x128xf32, #tpu.memory_space<vmem_shared>> -> memref<80x128xf32, #tpu.memory_space<vmem_shared>>
        %dma_start3A_147 = arith.constant 0 : i32
        %dma_start3A_148 = tpu.memref_slice %arg7[%mul3A_140, %dma_start3A_147] : memref<10320x128xf32, #tpu.memory_space<vmem_shared>> -> memref<80x128xf32, #tpu.memory_space<vmem_shared>>
        tpu.enqueue_dma source(%dma_start3A_148 : memref<80x128xf32, #tpu.memory_space<vmem_shared>>) target(%arg8 : memref<80x128xf32, #tpu.memory_space<vmem>>) target_semaphore(%run_scoped3A : memref<!tpu.dma_semaphore, #tpu.memory_space<semaphore_mem>>)
        %dma_wait3A = arith.constant 0 : i32
        %dma_wait3A_149 = tpu.memref_slice %arg7[%mul3A_140, %dma_wait3A] : memref<10320x128xf32, #tpu.memory_space<vmem_shared>> -> memref<80x128xf32, #tpu.memory_space<vmem_shared>>
        %dma_wait3A_150 = arith.constant 0 : i32
        %dma_wait3A_151 = tpu.memref_slice %arg7[%mul3A_140, %dma_wait3A_150] : memref<10320x128xf32, #tpu.memory_space<vmem_shared>> -> memref<80x128xf32, #tpu.memory_space<vmem_shared>>
        tpu.wait_dma2 semaphore(%run_scoped3A : memref<!tpu.dma_semaphore, #tpu.memory_space<semaphore_mem>>) src(%dma_wait3A_151 : memref<80x128xf32, #tpu.memory_space<vmem_shared>>) dst(%arg8 : memref<80x128xf32, #tpu.memory_space<vmem>>)
        tpu.yield
      }) : () -> ()
      %mul3A_141 = arith.constant 10320 : i32
      %mul3A_142 = arith.muli %arg0, %mul3A_141 : i32
      %mul3A_143 = arith.constant 80 : i32
      %mul3A_144 = arith.muli %add3A_77, %mul3A_143 : i32
      %add3A_145 = arith.addi %mul3A_142, %mul3A_144 : i32
      "tpu.region"() ({
        %run_scoped3A = tpu.sem_alloc : memref<!tpu.dma_semaphore, #tpu.memory_space<semaphore_mem>>
        %dma_start3A = arith.constant 0 : i32
        %dma_start3A_146 = tpu.memref_slice %arg6[%add3A_145, %dma_start3A] : memref<20640x128xf32, #tpu.memory_space<hbm>> -> memref<80x128xf32, #tpu.memory_space<hbm>>
        %dma_start3A_147 = arith.constant 0 : i32
        %dma_start3A_148 = tpu.memref_slice %arg6[%add3A_145, %dma_start3A_147] : memref<20640x128xf32, #tpu.memory_space<hbm>> -> memref<80x128xf32, #tpu.memory_space<hbm>>
        tpu.enqueue_dma source(%arg8 : memref<80x128xf32, #tpu.memory_space<vmem>>) target(%dma_start3A_148 : memref<80x128xf32, #tpu.memory_space<hbm>>) target_semaphore(%run_scoped3A : memref<!tpu.dma_semaphore, #tpu.memory_space<semaphore_mem>>)
        %dma_wait3A = arith.constant 0 : i32
        %dma_wait3A_149 = tpu.memref_slice %arg6[%add3A_145, %dma_wait3A] : memref<20640x128xf32, #tpu.memory_space<hbm>> -> memref<80x128xf32, #tpu.memory_space<hbm>>
        %dma_wait3A_150 = arith.constant 0 : i32
        %dma_wait3A_151 = tpu.memref_slice %arg6[%add3A_145, %dma_wait3A_150] : memref<20640x128xf32, #tpu.memory_space<hbm>> -> memref<80x128xf32, #tpu.memory_space<hbm>>
        tpu.wait_dma2 semaphore(%run_scoped3A : memref<!tpu.dma_semaphore, #tpu.memory_space<semaphore_mem>>) src(%arg8 : memref<80x128xf32, #tpu.memory_space<vmem>>) dst(%dma_wait3A_151 : memref<80x128xf32, #tpu.memory_space<hbm>>)
        tpu.yield
      }) : () -> ()
    } else {
    }
    %add3A_83 = arith.constant 16 : i32
    %add3A_84 = arith.addi %arg1, %add3A_83 : i32
    %lt3A_85 = arith.constant 129 : i32
    %lt3A_86 = arith.cmpi slt, %add3A_84, %lt3A_85 : i32
    %convert_element_type3A_87 = arith.extui %lt3A_86 : i1 to i32
    %cond3A_88 = arith.constant 0 : i32
    %cond3A_89 = arith.cmpi ne, %convert_element_type3A_87, %cond3A_88 : i32
    scf.if %cond3A_89 {
      %mul3A_139 = arith.constant 80 : i32
      %mul3A_140 = arith.muli %add3A_84, %mul3A_139 : i32
      "tpu.region"() ({
        %run_scoped3A = tpu.sem_alloc : memref<!tpu.dma_semaphore, #tpu.memory_space<semaphore_mem>>
        %dma_start3A = arith.constant 0 : i32
        %dma_start3A_146 = tpu.memref_slice %arg7[%mul3A_140, %dma_start3A] : memref<10320x128xf32, #tpu.memory_space<vmem_shared>> -> memref<80x128xf32, #tpu.memory_space<vmem_shared>>
        %dma_start3A_147 = arith.constant 0 : i32
        %dma_start3A_148 = tpu.memref_slice %arg7[%mul3A_140, %dma_start3A_147] : memref<10320x128xf32, #tpu.memory_space<vmem_shared>> -> memref<80x128xf32, #tpu.memory_space<vmem_shared>>
        tpu.enqueue_dma source(%dma_start3A_148 : memref<80x128xf32, #tpu.memory_space<vmem_shared>>) target(%arg8 : memref<80x128xf32, #tpu.memory_space<vmem>>) target_semaphore(%run_scoped3A : memref<!tpu.dma_semaphore, #tpu.memory_space<semaphore_mem>>)
        %dma_wait3A = arith.constant 0 : i32
        %dma_wait3A_149 = tpu.memref_slice %arg7[%mul3A_140, %dma_wait3A] : memref<10320x128xf32, #tpu.memory_space<vmem_shared>> -> memref<80x128xf32, #tpu.memory_space<vmem_shared>>
        %dma_wait3A_150 = arith.constant 0 : i32
        %dma_wait3A_151 = tpu.memref_slice %arg7[%mul3A_140, %dma_wait3A_150] : memref<10320x128xf32, #tpu.memory_space<vmem_shared>> -> memref<80x128xf32, #tpu.memory_space<vmem_shared>>
        tpu.wait_dma2 semaphore(%run_scoped3A : memref<!tpu.dma_semaphore, #tpu.memory_space<semaphore_mem>>) src(%dma_wait3A_151 : memref<80x128xf32, #tpu.memory_space<vmem_shared>>) dst(%arg8 : memref<80x128xf32, #tpu.memory_space<vmem>>)
        tpu.yield
      }) : () -> ()
      %mul3A_141 = arith.constant 10320 : i32
      %mul3A_142 = arith.muli %arg0, %mul3A_141 : i32
      %mul3A_143 = arith.constant 80 : i32
      %mul3A_144 = arith.muli %add3A_84, %mul3A_143 : i32
      %add3A_145 = arith.addi %mul3A_142, %mul3A_144 : i32
      "tpu.region"() ({
        %run_scoped3A = tpu.sem_alloc : memref<!tpu.dma_semaphore, #tpu.memory_space<semaphore_mem>>
        %dma_start3A = arith.constant 0 : i32
        %dma_start3A_146 = tpu.memref_slice %arg6[%add3A_145, %dma_start3A] : memref<20640x128xf32, #tpu.memory_space<hbm>> -> memref<80x128xf32, #tpu.memory_space<hbm>>
        %dma_start3A_147 = arith.constant 0 : i32
        %dma_start3A_148 = tpu.memref_slice %arg6[%add3A_145, %dma_start3A_147] : memref<20640x128xf32, #tpu.memory_space<hbm>> -> memref<80x128xf32, #tpu.memory_space<hbm>>
        tpu.enqueue_dma source(%arg8 : memref<80x128xf32, #tpu.memory_space<vmem>>) target(%dma_start3A_148 : memref<80x128xf32, #tpu.memory_space<hbm>>) target_semaphore(%run_scoped3A : memref<!tpu.dma_semaphore, #tpu.memory_space<semaphore_mem>>)
        %dma_wait3A = arith.constant 0 : i32
        %dma_wait3A_149 = tpu.memref_slice %arg6[%add3A_145, %dma_wait3A] : memref<20640x128xf32, #tpu.memory_space<hbm>> -> memref<80x128xf32, #tpu.memory_space<hbm>>
        %dma_wait3A_150 = arith.constant 0 : i32
        %dma_wait3A_151 = tpu.memref_slice %arg6[%add3A_145, %dma_wait3A_150] : memref<20640x128xf32, #tpu.memory_space<hbm>> -> memref<80x128xf32, #tpu.memory_space<hbm>>
        tpu.wait_dma2 semaphore(%run_scoped3A : memref<!tpu.dma_semaphore, #tpu.memory_space<semaphore_mem>>) src(%arg8 : memref<80x128xf32, #tpu.memory_space<vmem>>) dst(%dma_wait3A_151 : memref<80x128xf32, #tpu.memory_space<hbm>>)
        tpu.yield
      }) : () -> ()
    } else {
    }
    %add3A_90 = arith.constant 32 : i32
    %add3A_91 = arith.addi %arg1, %add3A_90 : i32
    %lt3A_92 = arith.constant 129 : i32
    %lt3A_93 = arith.cmpi slt, %add3A_91, %lt3A_92 : i32
    %convert_element_type3A_94 = arith.extui %lt3A_93 : i1 to i32
    %cond3A_95 = arith.constant 0 : i32
    %cond3A_96 = arith.cmpi ne, %convert_element_type3A_94, %cond3A_95 : i32
    scf.if %cond3A_96 {
      %mul3A_139 = arith.constant 80 : i32
      %mul3A_140 = arith.muli %add3A_91, %mul3A_139 : i32
      "tpu.region"() ({
        %run_scoped3A = tpu.sem_alloc : memref<!tpu.dma_semaphore, #tpu.memory_space<semaphore_mem>>
        %dma_start3A = arith.constant 0 : i32
        %dma_start3A_146 = tpu.memref_slice %arg7[%mul3A_140, %dma_start3A] : memref<10320x128xf32, #tpu.memory_space<vmem_shared>> -> memref<80x128xf32, #tpu.memory_space<vmem_shared>>
        %dma_start3A_147 = arith.constant 0 : i32
        %dma_start3A_148 = tpu.memref_slice %arg7[%mul3A_140, %dma_start3A_147] : memref<10320x128xf32, #tpu.memory_space<vmem_shared>> -> memref<80x128xf32, #tpu.memory_space<vmem_shared>>
        tpu.enqueue_dma source(%dma_start3A_148 : memref<80x128xf32, #tpu.memory_space<vmem_shared>>) target(%arg8 : memref<80x128xf32, #tpu.memory_space<vmem>>) target_semaphore(%run_scoped3A : memref<!tpu.dma_semaphore, #tpu.memory_space<semaphore_mem>>)
        %dma_wait3A = arith.constant 0 : i32
        %dma_wait3A_149 = tpu.memref_slice %arg7[%mul3A_140, %dma_wait3A] : memref<10320x128xf32, #tpu.memory_space<vmem_shared>> -> memref<80x128xf32, #tpu.memory_space<vmem_shared>>
        %dma_wait3A_150 = arith.constant 0 : i32
        %dma_wait3A_151 = tpu.memref_slice %arg7[%mul3A_140, %dma_wait3A_150] : memref<10320x128xf32, #tpu.memory_space<vmem_shared>> -> memref<80x128xf32, #tpu.memory_space<vmem_shared>>
        tpu.wait_dma2 semaphore(%run_scoped3A : memref<!tpu.dma_semaphore, #tpu.memory_space<semaphore_mem>>) src(%dma_wait3A_151 : memref<80x128xf32, #tpu.memory_space<vmem_shared>>) dst(%arg8 : memref<80x128xf32, #tpu.memory_space<vmem>>)
        tpu.yield
      }) : () -> ()
      %mul3A_141 = arith.constant 10320 : i32
      %mul3A_142 = arith.muli %arg0, %mul3A_141 : i32
      %mul3A_143 = arith.constant 80 : i32
      %mul3A_144 = arith.muli %add3A_91, %mul3A_143 : i32
      %add3A_145 = arith.addi %mul3A_142, %mul3A_144 : i32
      "tpu.region"() ({
        %run_scoped3A = tpu.sem_alloc : memref<!tpu.dma_semaphore, #tpu.memory_space<semaphore_mem>>
        %dma_start3A = arith.constant 0 : i32
        %dma_start3A_146 = tpu.memref_slice %arg6[%add3A_145, %dma_start3A] : memref<20640x128xf32, #tpu.memory_space<hbm>> -> memref<80x128xf32, #tpu.memory_space<hbm>>
        %dma_start3A_147 = arith.constant 0 : i32
        %dma_start3A_148 = tpu.memref_slice %arg6[%add3A_145, %dma_start3A_147] : memref<20640x128xf32, #tpu.memory_space<hbm>> -> memref<80x128xf32, #tpu.memory_space<hbm>>
        tpu.enqueue_dma source(%arg8 : memref<80x128xf32, #tpu.memory_space<vmem>>) target(%dma_start3A_148 : memref<80x128xf32, #tpu.memory_space<hbm>>) target_semaphore(%run_scoped3A : memref<!tpu.dma_semaphore, #tpu.memory_space<semaphore_mem>>)
        %dma_wait3A = arith.constant 0 : i32
        %dma_wait3A_149 = tpu.memref_slice %arg6[%add3A_145, %dma_wait3A] : memref<20640x128xf32, #tpu.memory_space<hbm>> -> memref<80x128xf32, #tpu.memory_space<hbm>>
        %dma_wait3A_150 = arith.constant 0 : i32
        %dma_wait3A_151 = tpu.memref_slice %arg6[%add3A_145, %dma_wait3A_150] : memref<20640x128xf32, #tpu.memory_space<hbm>> -> memref<80x128xf32, #tpu.memory_space<hbm>>
        tpu.wait_dma2 semaphore(%run_scoped3A : memref<!tpu.dma_semaphore, #tpu.memory_space<semaphore_mem>>) src(%arg8 : memref<80x128xf32, #tpu.memory_space<vmem>>) dst(%dma_wait3A_151 : memref<80x128xf32, #tpu.memory_space<hbm>>)
        tpu.yield
      }) : () -> ()
    } else {
    }
    %add3A_97 = arith.constant 48 : i32
    %add3A_98 = arith.addi %arg1, %add3A_97 : i32
    %lt3A_99 = arith.constant 129 : i32
    %lt3A_100 = arith.cmpi slt, %add3A_98, %lt3A_99 : i32
    %convert_element_type3A_101 = arith.extui %lt3A_100 : i1 to i32
    %cond3A_102 = arith.constant 0 : i32
    %cond3A_103 = arith.cmpi ne, %convert_element_type3A_101, %cond3A_102 : i32
    scf.if %cond3A_103 {
      %mul3A_139 = arith.constant 80 : i32
      %mul3A_140 = arith.muli %add3A_98, %mul3A_139 : i32
      "tpu.region"() ({
        %run_scoped3A = tpu.sem_alloc : memref<!tpu.dma_semaphore, #tpu.memory_space<semaphore_mem>>
        %dma_start3A = arith.constant 0 : i32
        %dma_start3A_146 = tpu.memref_slice %arg7[%mul3A_140, %dma_start3A] : memref<10320x128xf32, #tpu.memory_space<vmem_shared>> -> memref<80x128xf32, #tpu.memory_space<vmem_shared>>
        %dma_start3A_147 = arith.constant 0 : i32
        %dma_start3A_148 = tpu.memref_slice %arg7[%mul3A_140, %dma_start3A_147] : memref<10320x128xf32, #tpu.memory_space<vmem_shared>> -> memref<80x128xf32, #tpu.memory_space<vmem_shared>>
        tpu.enqueue_dma source(%dma_start3A_148 : memref<80x128xf32, #tpu.memory_space<vmem_shared>>) target(%arg8 : memref<80x128xf32, #tpu.memory_space<vmem>>) target_semaphore(%run_scoped3A : memref<!tpu.dma_semaphore, #tpu.memory_space<semaphore_mem>>)
        %dma_wait3A = arith.constant 0 : i32
        %dma_wait3A_149 = tpu.memref_slice %arg7[%mul3A_140, %dma_wait3A] : memref<10320x128xf32, #tpu.memory_space<vmem_shared>> -> memref<80x128xf32, #tpu.memory_space<vmem_shared>>
        %dma_wait3A_150 = arith.constant 0 : i32
        %dma_wait3A_151 = tpu.memref_slice %arg7[%mul3A_140, %dma_wait3A_150] : memref<10320x128xf32, #tpu.memory_space<vmem_shared>> -> memref<80x128xf32, #tpu.memory_space<vmem_shared>>
        tpu.wait_dma2 semaphore(%run_scoped3A : memref<!tpu.dma_semaphore, #tpu.memory_space<semaphore_mem>>) src(%dma_wait3A_151 : memref<80x128xf32, #tpu.memory_space<vmem_shared>>) dst(%arg8 : memref<80x128xf32, #tpu.memory_space<vmem>>)
        tpu.yield
      }) : () -> ()
      %mul3A_141 = arith.constant 10320 : i32
      %mul3A_142 = arith.muli %arg0, %mul3A_141 : i32
      %mul3A_143 = arith.constant 80 : i32
      %mul3A_144 = arith.muli %add3A_98, %mul3A_143 : i32
      %add3A_145 = arith.addi %mul3A_142, %mul3A_144 : i32
      "tpu.region"() ({
        %run_scoped3A = tpu.sem_alloc : memref<!tpu.dma_semaphore, #tpu.memory_space<semaphore_mem>>
        %dma_start3A = arith.constant 0 : i32
        %dma_start3A_146 = tpu.memref_slice %arg6[%add3A_145, %dma_start3A] : memref<20640x128xf32, #tpu.memory_space<hbm>> -> memref<80x128xf32, #tpu.memory_space<hbm>>
        %dma_start3A_147 = arith.constant 0 : i32
        %dma_start3A_148 = tpu.memref_slice %arg6[%add3A_145, %dma_start3A_147] : memref<20640x128xf32, #tpu.memory_space<hbm>> -> memref<80x128xf32, #tpu.memory_space<hbm>>
        tpu.enqueue_dma source(%arg8 : memref<80x128xf32, #tpu.memory_space<vmem>>) target(%dma_start3A_148 : memref<80x128xf32, #tpu.memory_space<hbm>>) target_semaphore(%run_scoped3A : memref<!tpu.dma_semaphore, #tpu.memory_space<semaphore_mem>>)
        %dma_wait3A = arith.constant 0 : i32
        %dma_wait3A_149 = tpu.memref_slice %arg6[%add3A_145, %dma_wait3A] : memref<20640x128xf32, #tpu.memory_space<hbm>> -> memref<80x128xf32, #tpu.memory_space<hbm>>
        %dma_wait3A_150 = arith.constant 0 : i32
        %dma_wait3A_151 = tpu.memref_slice %arg6[%add3A_145, %dma_wait3A_150] : memref<20640x128xf32, #tpu.memory_space<hbm>> -> memref<80x128xf32, #tpu.memory_space<hbm>>
        tpu.wait_dma2 semaphore(%run_scoped3A : memref<!tpu.dma_semaphore, #tpu.memory_space<semaphore_mem>>) src(%arg8 : memref<80x128xf32, #tpu.memory_space<vmem>>) dst(%dma_wait3A_151 : memref<80x128xf32, #tpu.memory_space<hbm>>)
        tpu.yield
      }) : () -> ()
    } else {
    }
    %add3A_104 = arith.constant 64 : i32
    %add3A_105 = arith.addi %arg1, %add3A_104 : i32
    %lt3A_106 = arith.constant 129 : i32
    %lt3A_107 = arith.cmpi slt, %add3A_105, %lt3A_106 : i32
    %convert_element_type3A_108 = arith.extui %lt3A_107 : i1 to i32
    %cond3A_109 = arith.constant 0 : i32
    %cond3A_110 = arith.cmpi ne, %convert_element_type3A_108, %cond3A_109 : i32
    scf.if %cond3A_110 {
      %mul3A_139 = arith.constant 80 : i32
      %mul3A_140 = arith.muli %add3A_105, %mul3A_139 : i32
      "tpu.region"() ({
        %run_scoped3A = tpu.sem_alloc : memref<!tpu.dma_semaphore, #tpu.memory_space<semaphore_mem>>
        %dma_start3A = arith.constant 0 : i32
        %dma_start3A_146 = tpu.memref_slice %arg7[%mul3A_140, %dma_start3A] : memref<10320x128xf32, #tpu.memory_space<vmem_shared>> -> memref<80x128xf32, #tpu.memory_space<vmem_shared>>
        %dma_start3A_147 = arith.constant 0 : i32
        %dma_start3A_148 = tpu.memref_slice %arg7[%mul3A_140, %dma_start3A_147] : memref<10320x128xf32, #tpu.memory_space<vmem_shared>> -> memref<80x128xf32, #tpu.memory_space<vmem_shared>>
        tpu.enqueue_dma source(%dma_start3A_148 : memref<80x128xf32, #tpu.memory_space<vmem_shared>>) target(%arg8 : memref<80x128xf32, #tpu.memory_space<vmem>>) target_semaphore(%run_scoped3A : memref<!tpu.dma_semaphore, #tpu.memory_space<semaphore_mem>>)
        %dma_wait3A = arith.constant 0 : i32
        %dma_wait3A_149 = tpu.memref_slice %arg7[%mul3A_140, %dma_wait3A] : memref<10320x128xf32, #tpu.memory_space<vmem_shared>> -> memref<80x128xf32, #tpu.memory_space<vmem_shared>>
        %dma_wait3A_150 = arith.constant 0 : i32
        %dma_wait3A_151 = tpu.memref_slice %arg7[%mul3A_140, %dma_wait3A_150] : memref<10320x128xf32, #tpu.memory_space<vmem_shared>> -> memref<80x128xf32, #tpu.memory_space<vmem_shared>>
        tpu.wait_dma2 semaphore(%run_scoped3A : memref<!tpu.dma_semaphore, #tpu.memory_space<semaphore_mem>>) src(%dma_wait3A_151 : memref<80x128xf32, #tpu.memory_space<vmem_shared>>) dst(%arg8 : memref<80x128xf32, #tpu.memory_space<vmem>>)
        tpu.yield
      }) : () -> ()
      %mul3A_141 = arith.constant 10320 : i32
      %mul3A_142 = arith.muli %arg0, %mul3A_141 : i32
      %mul3A_143 = arith.constant 80 : i32
      %mul3A_144 = arith.muli %add3A_105, %mul3A_143 : i32
      %add3A_145 = arith.addi %mul3A_142, %mul3A_144 : i32
      "tpu.region"() ({
        %run_scoped3A = tpu.sem_alloc : memref<!tpu.dma_semaphore, #tpu.memory_space<semaphore_mem>>
        %dma_start3A = arith.constant 0 : i32
        %dma_start3A_146 = tpu.memref_slice %arg6[%add3A_145, %dma_start3A] : memref<20640x128xf32, #tpu.memory_space<hbm>> -> memref<80x128xf32, #tpu.memory_space<hbm>>
        %dma_start3A_147 = arith.constant 0 : i32
        %dma_start3A_148 = tpu.memref_slice %arg6[%add3A_145, %dma_start3A_147] : memref<20640x128xf32, #tpu.memory_space<hbm>> -> memref<80x128xf32, #tpu.memory_space<hbm>>
        tpu.enqueue_dma source(%arg8 : memref<80x128xf32, #tpu.memory_space<vmem>>) target(%dma_start3A_148 : memref<80x128xf32, #tpu.memory_space<hbm>>) target_semaphore(%run_scoped3A : memref<!tpu.dma_semaphore, #tpu.memory_space<semaphore_mem>>)
        %dma_wait3A = arith.constant 0 : i32
        %dma_wait3A_149 = tpu.memref_slice %arg6[%add3A_145, %dma_wait3A] : memref<20640x128xf32, #tpu.memory_space<hbm>> -> memref<80x128xf32, #tpu.memory_space<hbm>>
        %dma_wait3A_150 = arith.constant 0 : i32
        %dma_wait3A_151 = tpu.memref_slice %arg6[%add3A_145, %dma_wait3A_150] : memref<20640x128xf32, #tpu.memory_space<hbm>> -> memref<80x128xf32, #tpu.memory_space<hbm>>
        tpu.wait_dma2 semaphore(%run_scoped3A : memref<!tpu.dma_semaphore, #tpu.memory_space<semaphore_mem>>) src(%arg8 : memref<80x128xf32, #tpu.memory_space<vmem>>) dst(%dma_wait3A_151 : memref<80x128xf32, #tpu.memory_space<hbm>>)
        tpu.yield
      }) : () -> ()
    } else {
    }
    %add3A_111 = arith.constant 80 : i32
    %add3A_112 = arith.addi %arg1, %add3A_111 : i32
    %lt3A_113 = arith.constant 129 : i32
    %lt3A_114 = arith.cmpi slt, %add3A_112, %lt3A_113 : i32
    %convert_element_type3A_115 = arith.extui %lt3A_114 : i1 to i32
    %cond3A_116 = arith.constant 0 : i32
    %cond3A_117 = arith.cmpi ne, %convert_element_type3A_115, %cond3A_116 : i32
    scf.if %cond3A_117 {
      %mul3A_139 = arith.constant 80 : i32
      %mul3A_140 = arith.muli %add3A_112, %mul3A_139 : i32
      "tpu.region"() ({
        %run_scoped3A = tpu.sem_alloc : memref<!tpu.dma_semaphore, #tpu.memory_space<semaphore_mem>>
        %dma_start3A = arith.constant 0 : i32
        %dma_start3A_146 = tpu.memref_slice %arg7[%mul3A_140, %dma_start3A] : memref<10320x128xf32, #tpu.memory_space<vmem_shared>> -> memref<80x128xf32, #tpu.memory_space<vmem_shared>>
        %dma_start3A_147 = arith.constant 0 : i32
        %dma_start3A_148 = tpu.memref_slice %arg7[%mul3A_140, %dma_start3A_147] : memref<10320x128xf32, #tpu.memory_space<vmem_shared>> -> memref<80x128xf32, #tpu.memory_space<vmem_shared>>
        tpu.enqueue_dma source(%dma_start3A_148 : memref<80x128xf32, #tpu.memory_space<vmem_shared>>) target(%arg8 : memref<80x128xf32, #tpu.memory_space<vmem>>) target_semaphore(%run_scoped3A : memref<!tpu.dma_semaphore, #tpu.memory_space<semaphore_mem>>)
        %dma_wait3A = arith.constant 0 : i32
        %dma_wait3A_149 = tpu.memref_slice %arg7[%mul3A_140, %dma_wait3A] : memref<10320x128xf32, #tpu.memory_space<vmem_shared>> -> memref<80x128xf32, #tpu.memory_space<vmem_shared>>
        %dma_wait3A_150 = arith.constant 0 : i32
        %dma_wait3A_151 = tpu.memref_slice %arg7[%mul3A_140, %dma_wait3A_150] : memref<10320x128xf32, #tpu.memory_space<vmem_shared>> -> memref<80x128xf32, #tpu.memory_space<vmem_shared>>
        tpu.wait_dma2 semaphore(%run_scoped3A : memref<!tpu.dma_semaphore, #tpu.memory_space<semaphore_mem>>) src(%dma_wait3A_151 : memref<80x128xf32, #tpu.memory_space<vmem_shared>>) dst(%arg8 : memref<80x128xf32, #tpu.memory_space<vmem>>)
        tpu.yield
      }) : () -> ()
      %mul3A_141 = arith.constant 10320 : i32
      %mul3A_142 = arith.muli %arg0, %mul3A_141 : i32
      %mul3A_143 = arith.constant 80 : i32
      %mul3A_144 = arith.muli %add3A_112, %mul3A_143 : i32
      %add3A_145 = arith.addi %mul3A_142, %mul3A_144 : i32
      "tpu.region"() ({
        %run_scoped3A = tpu.sem_alloc : memref<!tpu.dma_semaphore, #tpu.memory_space<semaphore_mem>>
        %dma_start3A = arith.constant 0 : i32
        %dma_start3A_146 = tpu.memref_slice %arg6[%add3A_145, %dma_start3A] : memref<20640x128xf32, #tpu.memory_space<hbm>> -> memref<80x128xf32, #tpu.memory_space<hbm>>
        %dma_start3A_147 = arith.constant 0 : i32
        %dma_start3A_148 = tpu.memref_slice %arg6[%add3A_145, %dma_start3A_147] : memref<20640x128xf32, #tpu.memory_space<hbm>> -> memref<80x128xf32, #tpu.memory_space<hbm>>
        tpu.enqueue_dma source(%arg8 : memref<80x128xf32, #tpu.memory_space<vmem>>) target(%dma_start3A_148 : memref<80x128xf32, #tpu.memory_space<hbm>>) target_semaphore(%run_scoped3A : memref<!tpu.dma_semaphore, #tpu.memory_space<semaphore_mem>>)
        %dma_wait3A = arith.constant 0 : i32
        %dma_wait3A_149 = tpu.memref_slice %arg6[%add3A_145, %dma_wait3A] : memref<20640x128xf32, #tpu.memory_space<hbm>> -> memref<80x128xf32, #tpu.memory_space<hbm>>
        %dma_wait3A_150 = arith.constant 0 : i32
        %dma_wait3A_151 = tpu.memref_slice %arg6[%add3A_145, %dma_wait3A_150] : memref<20640x128xf32, #tpu.memory_space<hbm>> -> memref<80x128xf32, #tpu.memory_space<hbm>>
        tpu.wait_dma2 semaphore(%run_scoped3A : memref<!tpu.dma_semaphore, #tpu.memory_space<semaphore_mem>>) src(%arg8 : memref<80x128xf32, #tpu.memory_space<vmem>>) dst(%dma_wait3A_151 : memref<80x128xf32, #tpu.memory_space<hbm>>)
        tpu.yield
      }) : () -> ()
    } else {
    }
    %add3A_118 = arith.constant 96 : i32
    %add3A_119 = arith.addi %arg1, %add3A_118 : i32
    %lt3A_120 = arith.constant 129 : i32
    %lt3A_121 = arith.cmpi slt, %add3A_119, %lt3A_120 : i32
    %convert_element_type3A_122 = arith.extui %lt3A_121 : i1 to i32
    %cond3A_123 = arith.constant 0 : i32
    %cond3A_124 = arith.cmpi ne, %convert_element_type3A_122, %cond3A_123 : i32
    scf.if %cond3A_124 {
      %mul3A_139 = arith.constant 80 : i32
      %mul3A_140 = arith.muli %add3A_119, %mul3A_139 : i32
      "tpu.region"() ({
        %run_scoped3A = tpu.sem_alloc : memref<!tpu.dma_semaphore, #tpu.memory_space<semaphore_mem>>
        %dma_start3A = arith.constant 0 : i32
        %dma_start3A_146 = tpu.memref_slice %arg7[%mul3A_140, %dma_start3A] : memref<10320x128xf32, #tpu.memory_space<vmem_shared>> -> memref<80x128xf32, #tpu.memory_space<vmem_shared>>
        %dma_start3A_147 = arith.constant 0 : i32
        %dma_start3A_148 = tpu.memref_slice %arg7[%mul3A_140, %dma_start3A_147] : memref<10320x128xf32, #tpu.memory_space<vmem_shared>> -> memref<80x128xf32, #tpu.memory_space<vmem_shared>>
        tpu.enqueue_dma source(%dma_start3A_148 : memref<80x128xf32, #tpu.memory_space<vmem_shared>>) target(%arg8 : memref<80x128xf32, #tpu.memory_space<vmem>>) target_semaphore(%run_scoped3A : memref<!tpu.dma_semaphore, #tpu.memory_space<semaphore_mem>>)
        %dma_wait3A = arith.constant 0 : i32
        %dma_wait3A_149 = tpu.memref_slice %arg7[%mul3A_140, %dma_wait3A] : memref<10320x128xf32, #tpu.memory_space<vmem_shared>> -> memref<80x128xf32, #tpu.memory_space<vmem_shared>>
        %dma_wait3A_150 = arith.constant 0 : i32
        %dma_wait3A_151 = tpu.memref_slice %arg7[%mul3A_140, %dma_wait3A_150] : memref<10320x128xf32, #tpu.memory_space<vmem_shared>> -> memref<80x128xf32, #tpu.memory_space<vmem_shared>>
        tpu.wait_dma2 semaphore(%run_scoped3A : memref<!tpu.dma_semaphore, #tpu.memory_space<semaphore_mem>>) src(%dma_wait3A_151 : memref<80x128xf32, #tpu.memory_space<vmem_shared>>) dst(%arg8 : memref<80x128xf32, #tpu.memory_space<vmem>>)
        tpu.yield
      }) : () -> ()
      %mul3A_141 = arith.constant 10320 : i32
      %mul3A_142 = arith.muli %arg0, %mul3A_141 : i32
      %mul3A_143 = arith.constant 80 : i32
      %mul3A_144 = arith.muli %add3A_119, %mul3A_143 : i32
      %add3A_145 = arith.addi %mul3A_142, %mul3A_144 : i32
      "tpu.region"() ({
        %run_scoped3A = tpu.sem_alloc : memref<!tpu.dma_semaphore, #tpu.memory_space<semaphore_mem>>
        %dma_start3A = arith.constant 0 : i32
        %dma_start3A_146 = tpu.memref_slice %arg6[%add3A_145, %dma_start3A] : memref<20640x128xf32, #tpu.memory_space<hbm>> -> memref<80x128xf32, #tpu.memory_space<hbm>>
        %dma_start3A_147 = arith.constant 0 : i32
        %dma_start3A_148 = tpu.memref_slice %arg6[%add3A_145, %dma_start3A_147] : memref<20640x128xf32, #tpu.memory_space<hbm>> -> memref<80x128xf32, #tpu.memory_space<hbm>>
        tpu.enqueue_dma source(%arg8 : memref<80x128xf32, #tpu.memory_space<vmem>>) target(%dma_start3A_148 : memref<80x128xf32, #tpu.memory_space<hbm>>) target_semaphore(%run_scoped3A : memref<!tpu.dma_semaphore, #tpu.memory_space<semaphore_mem>>)
        %dma_wait3A = arith.constant 0 : i32
        %dma_wait3A_149 = tpu.memref_slice %arg6[%add3A_145, %dma_wait3A] : memref<20640x128xf32, #tpu.memory_space<hbm>> -> memref<80x128xf32, #tpu.memory_space<hbm>>
        %dma_wait3A_150 = arith.constant 0 : i32
        %dma_wait3A_151 = tpu.memref_slice %arg6[%add3A_145, %dma_wait3A_150] : memref<20640x128xf32, #tpu.memory_space<hbm>> -> memref<80x128xf32, #tpu.memory_space<hbm>>
        tpu.wait_dma2 semaphore(%run_scoped3A : memref<!tpu.dma_semaphore, #tpu.memory_space<semaphore_mem>>) src(%arg8 : memref<80x128xf32, #tpu.memory_space<vmem>>) dst(%dma_wait3A_151 : memref<80x128xf32, #tpu.memory_space<hbm>>)
        tpu.yield
      }) : () -> ()
    } else {
    }
    %add3A_125 = arith.constant 112 : i32
    %add3A_126 = arith.addi %arg1, %add3A_125 : i32
    %lt3A_127 = arith.constant 129 : i32
    %lt3A_128 = arith.cmpi slt, %add3A_126, %lt3A_127 : i32
    %convert_element_type3A_129 = arith.extui %lt3A_128 : i1 to i32
    %cond3A_130 = arith.constant 0 : i32
    %cond3A_131 = arith.cmpi ne, %convert_element_type3A_129, %cond3A_130 : i32
    scf.if %cond3A_131 {
      %mul3A_139 = arith.constant 80 : i32
      %mul3A_140 = arith.muli %add3A_126, %mul3A_139 : i32
      "tpu.region"() ({
        %run_scoped3A = tpu.sem_alloc : memref<!tpu.dma_semaphore, #tpu.memory_space<semaphore_mem>>
        %dma_start3A = arith.constant 0 : i32
        %dma_start3A_146 = tpu.memref_slice %arg7[%mul3A_140, %dma_start3A] : memref<10320x128xf32, #tpu.memory_space<vmem_shared>> -> memref<80x128xf32, #tpu.memory_space<vmem_shared>>
        %dma_start3A_147 = arith.constant 0 : i32
        %dma_start3A_148 = tpu.memref_slice %arg7[%mul3A_140, %dma_start3A_147] : memref<10320x128xf32, #tpu.memory_space<vmem_shared>> -> memref<80x128xf32, #tpu.memory_space<vmem_shared>>
        tpu.enqueue_dma source(%dma_start3A_148 : memref<80x128xf32, #tpu.memory_space<vmem_shared>>) target(%arg8 : memref<80x128xf32, #tpu.memory_space<vmem>>) target_semaphore(%run_scoped3A : memref<!tpu.dma_semaphore, #tpu.memory_space<semaphore_mem>>)
        %dma_wait3A = arith.constant 0 : i32
        %dma_wait3A_149 = tpu.memref_slice %arg7[%mul3A_140, %dma_wait3A] : memref<10320x128xf32, #tpu.memory_space<vmem_shared>> -> memref<80x128xf32, #tpu.memory_space<vmem_shared>>
        %dma_wait3A_150 = arith.constant 0 : i32
        %dma_wait3A_151 = tpu.memref_slice %arg7[%mul3A_140, %dma_wait3A_150] : memref<10320x128xf32, #tpu.memory_space<vmem_shared>> -> memref<80x128xf32, #tpu.memory_space<vmem_shared>>
        tpu.wait_dma2 semaphore(%run_scoped3A : memref<!tpu.dma_semaphore, #tpu.memory_space<semaphore_mem>>) src(%dma_wait3A_151 : memref<80x128xf32, #tpu.memory_space<vmem_shared>>) dst(%arg8 : memref<80x128xf32, #tpu.memory_space<vmem>>)
        tpu.yield
      }) : () -> ()
      %mul3A_141 = arith.constant 10320 : i32
      %mul3A_142 = arith.muli %arg0, %mul3A_141 : i32
      %mul3A_143 = arith.constant 80 : i32
      %mul3A_144 = arith.muli %add3A_126, %mul3A_143 : i32
      %add3A_145 = arith.addi %mul3A_142, %mul3A_144 : i32
      "tpu.region"() ({
        %run_scoped3A = tpu.sem_alloc : memref<!tpu.dma_semaphore, #tpu.memory_space<semaphore_mem>>
        %dma_start3A = arith.constant 0 : i32
        %dma_start3A_146 = tpu.memref_slice %arg6[%add3A_145, %dma_start3A] : memref<20640x128xf32, #tpu.memory_space<hbm>> -> memref<80x128xf32, #tpu.memory_space<hbm>>
        %dma_start3A_147 = arith.constant 0 : i32
        %dma_start3A_148 = tpu.memref_slice %arg6[%add3A_145, %dma_start3A_147] : memref<20640x128xf32, #tpu.memory_space<hbm>> -> memref<80x128xf32, #tpu.memory_space<hbm>>
        tpu.enqueue_dma source(%arg8 : memref<80x128xf32, #tpu.memory_space<vmem>>) target(%dma_start3A_148 : memref<80x128xf32, #tpu.memory_space<hbm>>) target_semaphore(%run_scoped3A : memref<!tpu.dma_semaphore, #tpu.memory_space<semaphore_mem>>)
        %dma_wait3A = arith.constant 0 : i32
        %dma_wait3A_149 = tpu.memref_slice %arg6[%add3A_145, %dma_wait3A] : memref<20640x128xf32, #tpu.memory_space<hbm>> -> memref<80x128xf32, #tpu.memory_space<hbm>>
        %dma_wait3A_150 = arith.constant 0 : i32
        %dma_wait3A_151 = tpu.memref_slice %arg6[%add3A_145, %dma_wait3A_150] : memref<20640x128xf32, #tpu.memory_space<hbm>> -> memref<80x128xf32, #tpu.memory_space<hbm>>
        tpu.wait_dma2 semaphore(%run_scoped3A : memref<!tpu.dma_semaphore, #tpu.memory_space<semaphore_mem>>) src(%arg8 : memref<80x128xf32, #tpu.memory_space<vmem>>) dst(%dma_wait3A_151 : memref<80x128xf32, #tpu.memory_space<hbm>>)
        tpu.yield
      }) : () -> ()
    } else {
    }
    %add3A_132 = arith.constant 128 : i32
    %add3A_133 = arith.addi %arg1, %add3A_132 : i32
    %lt3A_134 = arith.constant 129 : i32
    %lt3A_135 = arith.cmpi slt, %add3A_133, %lt3A_134 : i32
    %convert_element_type3A_136 = arith.extui %lt3A_135 : i1 to i32
    %cond3A_137 = arith.constant 0 : i32
    %cond3A_138 = arith.cmpi ne, %convert_element_type3A_136, %cond3A_137 : i32
    scf.if %cond3A_138 {
      %mul3A_139 = arith.constant 80 : i32
      %mul3A_140 = arith.muli %add3A_133, %mul3A_139 : i32
      "tpu.region"() ({
        %run_scoped3A = tpu.sem_alloc : memref<!tpu.dma_semaphore, #tpu.memory_space<semaphore_mem>>
        %dma_start3A = arith.constant 0 : i32
        %dma_start3A_146 = tpu.memref_slice %arg7[%mul3A_140, %dma_start3A] : memref<10320x128xf32, #tpu.memory_space<vmem_shared>> -> memref<80x128xf32, #tpu.memory_space<vmem_shared>>
        %dma_start3A_147 = arith.constant 0 : i32
        %dma_start3A_148 = tpu.memref_slice %arg7[%mul3A_140, %dma_start3A_147] : memref<10320x128xf32, #tpu.memory_space<vmem_shared>> -> memref<80x128xf32, #tpu.memory_space<vmem_shared>>
        tpu.enqueue_dma source(%dma_start3A_148 : memref<80x128xf32, #tpu.memory_space<vmem_shared>>) target(%arg8 : memref<80x128xf32, #tpu.memory_space<vmem>>) target_semaphore(%run_scoped3A : memref<!tpu.dma_semaphore, #tpu.memory_space<semaphore_mem>>)
        %dma_wait3A = arith.constant 0 : i32
        %dma_wait3A_149 = tpu.memref_slice %arg7[%mul3A_140, %dma_wait3A] : memref<10320x128xf32, #tpu.memory_space<vmem_shared>> -> memref<80x128xf32, #tpu.memory_space<vmem_shared>>
        %dma_wait3A_150 = arith.constant 0 : i32
        %dma_wait3A_151 = tpu.memref_slice %arg7[%mul3A_140, %dma_wait3A_150] : memref<10320x128xf32, #tpu.memory_space<vmem_shared>> -> memref<80x128xf32, #tpu.memory_space<vmem_shared>>
        tpu.wait_dma2 semaphore(%run_scoped3A : memref<!tpu.dma_semaphore, #tpu.memory_space<semaphore_mem>>) src(%dma_wait3A_151 : memref<80x128xf32, #tpu.memory_space<vmem_shared>>) dst(%arg8 : memref<80x128xf32, #tpu.memory_space<vmem>>)
        tpu.yield
      }) : () -> ()
      %mul3A_141 = arith.constant 10320 : i32
      %mul3A_142 = arith.muli %arg0, %mul3A_141 : i32
      %mul3A_143 = arith.constant 80 : i32
      %mul3A_144 = arith.muli %add3A_133, %mul3A_143 : i32
      %add3A_145 = arith.addi %mul3A_142, %mul3A_144 : i32
      "tpu.region"() ({
        %run_scoped3A = tpu.sem_alloc : memref<!tpu.dma_semaphore, #tpu.memory_space<semaphore_mem>>
        %dma_start3A = arith.constant 0 : i32
        %dma_start3A_146 = tpu.memref_slice %arg6[%add3A_145, %dma_start3A] : memref<20640x128xf32, #tpu.memory_space<hbm>> -> memref<80x128xf32, #tpu.memory_space<hbm>>
        %dma_start3A_147 = arith.constant 0 : i32
        %dma_start3A_148 = tpu.memref_slice %arg6[%add3A_145, %dma_start3A_147] : memref<20640x128xf32, #tpu.memory_space<hbm>> -> memref<80x128xf32, #tpu.memory_space<hbm>>
        tpu.enqueue_dma source(%arg8 : memref<80x128xf32, #tpu.memory_space<vmem>>) target(%dma_start3A_148 : memref<80x128xf32, #tpu.memory_space<hbm>>) target_semaphore(%run_scoped3A : memref<!tpu.dma_semaphore, #tpu.memory_space<semaphore_mem>>)
        %dma_wait3A = arith.constant 0 : i32
        %dma_wait3A_149 = tpu.memref_slice %arg6[%add3A_145, %dma_wait3A] : memref<20640x128xf32, #tpu.memory_space<hbm>> -> memref<80x128xf32, #tpu.memory_space<hbm>>
        %dma_wait3A_150 = arith.constant 0 : i32
        %dma_wait3A_151 = tpu.memref_slice %arg6[%add3A_145, %dma_wait3A_150] : memref<20640x128xf32, #tpu.memory_space<hbm>> -> memref<80x128xf32, #tpu.memory_space<hbm>>
        tpu.wait_dma2 semaphore(%run_scoped3A : memref<!tpu.dma_semaphore, #tpu.memory_space<semaphore_mem>>) src(%arg8 : memref<80x128xf32, #tpu.memory_space<vmem>>) dst(%dma_wait3A_151 : memref<80x128xf32, #tpu.memory_space<hbm>>)
        tpu.yield
      }) : () -> ()
    } else {
    }
    return
  }
}

module attributes {stable_mosaic.version = 14 : i64} {
  func.func @_qkv_body(%arg0: i32, %arg1: memref<400x128xf32, #tpu.memory_space<vmem>>, %arg2: memref<128x384xf32, #tpu.memory_space<vmem>>, %arg3: memref<1x384xf32, #tpu.memory_space<vmem>>, %arg4: memref<400x128xf32, #tpu.memory_space<vmem>>, %arg5: memref<400x256xf32, #tpu.memory_space<vmem>>) attributes {dimension_semantics = [#tpu.dimension_semantics<arbitrary>], iteration_bounds = array<i64: 25>, scalar_prefetch = 0 : i64, scratch_operands = 0 : i64, tpu.core_type = #tpu.core_type<tc>, window_params = [{transform_indices = @transform_0, window_bounds = array<i64: 400, 128>}, {pipeline_mode = #tpu.pipeline_mode<synchronous>, transform_indices = @transform_1, window_bounds = array<i64: 128, 384>}, {pipeline_mode = #tpu.pipeline_mode<synchronous>, transform_indices = @transform_2, window_bounds = array<i64: 1, 384>}, {transform_indices = @transform_3, window_bounds = array<i64: 400, 128>}, {transform_indices = @transform_4, window_bounds = array<i64: 400, 256>}]} {
    %get3A = arith.constant 0 : index
    %get3A_0 = arith.constant 0 : index
    %get3A_1 = vector.load %arg1[%get3A, %get3A_0] : memref<400x128xf32, #tpu.memory_space<vmem>>, vector<400x128xf32>
    %get3A_2 = arith.constant 0 : index
    %get3A_3 = arith.constant 0 : index
    %get3A_4 = vector.load %arg2[%get3A_2, %get3A_3] : memref<128x384xf32, #tpu.memory_space<vmem>>, vector<128x384xf32>
    %dot_general3A = arith.constant dense<0.000000e+00> : vector<400x384xf32>
    %dot_general3A_5 = tpu.matmul %get3A_1, %get3A_4, %dot_general3A {dimension_numbers = #tpu.dot_dimension_numbers<[1], [0], [0], [1], [0, 0, 1, 1], [], []>, transpose_lhs_hint = false} : vector<400x128xf32>, vector<128x384xf32>, vector<400x384xf32> -> vector<400x384xf32>
    %get3A_6 = arith.constant 0 : index
    %get3A_7 = arith.constant 0 : index
    %get3A_8 = vector.load %arg3[%get3A_6, %get3A_7] : memref<1x384xf32, #tpu.memory_space<vmem>>, vector<1x384xf32>
    %add3A = vector.broadcast %get3A_8 : vector<1x384xf32> to vector<400x384xf32>
    %add3A_9 = arith.addf %dot_general3A_5, %add3A : vector<400x384xf32>
    %slice3A = vector.extract_strided_slice %add3A_9 {offsets = [0, 0], sizes = [400, 128], strides = [1, 1]} : vector<400x384xf32> to vector<400x128xf32>
    %mul3A = arith.constant 0.176776692 : f32
    %mul3A_10 = vector.broadcast %mul3A : f32 to vector<400x128xf32>
    %mul3A_11 = arith.mulf %slice3A, %mul3A_10 : vector<400x128xf32>
    %swap3A = arith.constant 0 : index
    %swap3A_12 = arith.constant 0 : index
    %swap3A_13 = vector.load %arg4[%swap3A, %swap3A_12] : memref<400x128xf32, #tpu.memory_space<vmem>>, vector<400x128xf32>
    tpu.vector_store %arg4[%swap3A, %swap3A_12], %mul3A_11 {strides = array<i32>} : memref<400x128xf32, #tpu.memory_space<vmem>>, vector<400x128xf32>,
    %slice3A_14 = vector.extract_strided_slice %add3A_9 {offsets = [0, 128], sizes = [400, 256], strides = [1, 1]} : vector<400x384xf32> to vector<400x256xf32>
    %swap3A_15 = arith.constant 0 : index
    %swap3A_16 = arith.constant 0 : index
    %swap3A_17 = vector.load %arg5[%swap3A_15, %swap3A_16] : memref<400x256xf32, #tpu.memory_space<vmem>>, vector<400x256xf32>
    tpu.vector_store %arg5[%swap3A_15, %swap3A_16], %slice3A_14 {strides = array<i32>} : memref<400x256xf32, #tpu.memory_space<vmem>>, vector<400x256xf32>,
    return
  }
  func.func @transform_0(%arg0: i32) -> (i32, i32) {
    %c0_i32 = arith.constant 0 : i32
    %c0_i32_0 = arith.constant 0 : i32
    return %arg0, %c0_i32 : i32, i32
  }
  func.func @transform_1(%arg0: i32) -> (i32, i32) {
    %c0_i32 = arith.constant 0 : i32
    %c0_i32_0 = arith.constant 0 : i32
    %c0_i32_1 = arith.constant 0 : i32
    return %c0_i32, %c0_i32_0 : i32, i32
  }
  func.func @transform_2(%arg0: i32) -> (i32, i32) {
    %c0_i32 = arith.constant 0 : i32
    %c0_i32_0 = arith.constant 0 : i32
    %c0_i32_1 = arith.constant 0 : i32
    return %c0_i32, %c0_i32_0 : i32, i32
  }
  func.func @transform_3(%arg0: i32) -> (i32, i32) {
    %c0_i32 = arith.constant 0 : i32
    %c0_i32_0 = arith.constant 0 : i32
    return %arg0, %c0_i32 : i32, i32
  }
  func.func @transform_4(%arg0: i32) -> (i32, i32) {
    %c0_i32 = arith.constant 0 : i32
    %c0_i32_0 = arith.constant 0 : i32
    return %arg0, %c0_i32 : i32, i32
  }
}

module attributes {stable_mosaic.version = 14 : i64} {
  func.func @_final_body(%arg0: i32, %arg1: memref<1x512x128xf32, #tpu.memory_space<vmem>>, %arg2: memref<1x512x128xf32, #tpu.memory_space<vmem>>, %arg3: memref<1x16x128xf32, #tpu.memory_space<vmem>>, %arg4: memref<1x16x128xf32, #tpu.memory_space<vmem>>, %arg5: memref<512x128xf32, #tpu.memory_space<vmem>>, %arg6: memref<128x128xf32, #tpu.memory_space<vmem>>, %arg7: memref<1x128xf32, #tpu.memory_space<vmem>>, %arg8: memref<1x128xf32, #tpu.memory_space<vmem>>, %arg9: memref<1x128xf32, #tpu.memory_space<vmem>>, %arg10: memref<1x128xf32, #tpu.memory_space<vmem>>, %arg11: memref<1x128xf32, #tpu.memory_space<vmem>>, %arg12: memref<128x256xf32, #tpu.memory_space<vmem>>, %arg13: memref<1x256xf32, #tpu.memory_space<vmem>>, %arg14: memref<256x128xf32, #tpu.memory_space<vmem>>, %arg15: memref<1x128xf32, #tpu.memory_space<vmem>>, %arg16: memref<512x128xf32, #tpu.memory_space<vmem>>) attributes {dimension_semantics = [#tpu.dimension_semantics<arbitrary>], iteration_bounds = array<i64: 20>, scalar_prefetch = 0 : i64, scratch_operands = 0 : i64, tpu.core_type = #tpu.core_type<tc>, window_params = [{transform_indices = @transform_0, window_bounds = array<i64: 1, 512, 128>}, {transform_indices = @transform_1, window_bounds = array<i64: 1, 512, 128>}, {transform_indices = @transform_2, window_bounds = array<i64: 1, 16, 128>}, {transform_indices = @transform_3, window_bounds = array<i64: 1, 16, 128>}, {transform_indices = @transform_4, window_bounds = array<i64: 512, 128>}, {pipeline_mode = #tpu.pipeline_mode<synchronous>, transform_indices = @transform_5, window_bounds = array<i64: 128, 128>}, {pipeline_mode = #tpu.pipeline_mode<synchronous>, transform_indices = @transform_6, window_bounds = array<i64: 1, 128>}, {pipeline_mode = #tpu.pipeline_mode<synchronous>, transform_indices = @transform_7, window_bounds = array<i64: 1, 128>}, {pipeline_mode = #tpu.pipeline_mode<synchronous>, transform_indices = @transform_8, window_bounds = array<i64: 1, 128>}, {pipeline_mode = #tpu.pipeline_mode<synchronous>, transform_indices = @transform_9, window_bounds = array<i64: 1, 128>}, {pipeline_mode = #tpu.pipeline_mode<synchronous>, transform_indices = @transform_10, window_bounds = array<i64: 1, 128>}, {pipeline_mode = #tpu.pipeline_mode<synchronous>, transform_indices = @transform_11, window_bounds = array<i64: 128, 256>}, {pipeline_mode = #tpu.pipeline_mode<synchronous>, transform_indices = @transform_12, window_bounds = array<i64: 1, 256>}, {pipeline_mode = #tpu.pipeline_mode<synchronous>, transform_indices = @transform_13, window_bounds = array<i64: 256, 128>}, {pipeline_mode = #tpu.pipeline_mode<synchronous>, transform_indices = @transform_14, window_bounds = array<i64: 1, 128>}, {transform_indices = @transform_15, window_bounds = array<i64: 512, 128>}]} {
    %get3A = arith.constant 0 : index
    %get3A_0 = arith.constant 0 : index
    %get3A_1 = arith.constant 0 : index
    %get3A_2 = vector.load %arg1[%get3A, %get3A_0, %get3A_1] : memref<1x512x128xf32, #tpu.memory_space<vmem>>, vector<1x512x128xf32>
    %reshape3A = vector.shape_cast %get3A_2 : vector<1x512x128xf32> to vector<512x128xf32>
    %get3A_3 = arith.constant 0 : index
    %get3A_4 = arith.constant 0 : index
    %get3A_5 = arith.constant 0 : index
    %get3A_6 = vector.load %arg2[%get3A_3, %get3A_4, %get3A_5] : memref<1x512x128xf32, #tpu.memory_space<vmem>>, vector<1x512x128xf32>
    %reshape3A_7 = vector.shape_cast %get3A_6 : vector<1x512x128xf32> to vector<512x128xf32>
    %add3A = arith.addf %reshape3A, %reshape3A_7 : vector<512x128xf32>
    %get3A_8 = arith.constant 0 : index
    %get3A_9 = arith.constant 0 : index
    %get3A_10 = arith.constant 0 : index
    %get3A_11 = vector.load %arg3[%get3A_8, %get3A_9, %get3A_10] : memref<1x16x128xf32, #tpu.memory_space<vmem>>, vector<1x16x128xf32>
    %reshape3A_12 = vector.shape_cast %get3A_11 : vector<1x16x128xf32> to vector<16x128xf32>
    %get3A_13 = arith.constant 0 : index
    %get3A_14 = arith.constant 0 : index
    %get3A_15 = arith.constant 0 : index
    %get3A_16 = vector.load %arg4[%get3A_13, %get3A_14, %get3A_15] : memref<1x16x128xf32, #tpu.memory_space<vmem>>, vector<1x16x128xf32>
    %reshape3A_17 = vector.shape_cast %get3A_16 : vector<1x16x128xf32> to vector<16x128xf32>
    %add3A_18 = arith.addf %reshape3A_12, %reshape3A_17 : vector<16x128xf32>
    %iota3A = tpu.iota {dimensions = array<i32: 0>} : vector<512x16xi32>
    %jit3A = arith.constant 32 : i32
    %div3A = vector.broadcast %jit3A : i32 to vector<512x16xi32>
    %div3A_19 = arith.divsi %iota3A, %div3A : vector<512x16xi32>
    %sign3A = arith.constant 0 : i32
    %sign3A_20 = vector.broadcast %sign3A : i32 to vector<512x16xi32>
    %sign3A_21 = arith.cmpi sgt, %iota3A, %sign3A_20 : vector<512x16xi32>
    %sign3A_22 = arith.extui %sign3A_21 : vector<512x16xi1> to vector<512x16xi32>
    %sign3A_23 = arith.constant 0 : i32
    %sign3A_24 = vector.broadcast %sign3A_23 : i32 to vector<512x16xi32>
    %sign3A_25 = arith.cmpi slt, %iota3A, %sign3A_24 : vector<512x16xi32>
    %sign3A_26 = arith.extui %sign3A_25 : vector<512x16xi1> to vector<512x16xi32>
    %sign3A_27 = arith.subi %sign3A_22, %sign3A_26 : vector<512x16xi32>
    %sign3A_28 = arith.constant 0 : i32
    %sign3A_29 = arith.cmpi sgt, %jit3A, %sign3A_28 : i32
    %sign3A_30 = arith.extui %sign3A_29 : i1 to i32
    %sign3A_31 = arith.constant 0 : i32
    %sign3A_32 = arith.cmpi slt, %jit3A, %sign3A_31 : i32
    %sign3A_33 = arith.extui %sign3A_32 : i1 to i32
    %sign3A_34 = arith.subi %sign3A_30, %sign3A_33 : i32
    %ne3A = vector.broadcast %sign3A_34 : i32 to vector<512x16xi32>
    %ne3A_35 = arith.cmpi ne, %sign3A_27, %ne3A : vector<512x16xi32>
    %rem3A = vector.broadcast %jit3A : i32 to vector<512x16xi32>
    %rem3A_36 = arith.remsi %iota3A, %rem3A : vector<512x16xi32>
    %ne3A_37 = arith.constant 0 : i32
    %ne3A_38 = vector.broadcast %ne3A_37 : i32 to vector<512x16xi32>
    %ne3A_39 = arith.cmpi ne, %rem3A_36, %ne3A_38 : vector<512x16xi32>
    %and3A = arith.andi %ne3A_35, %ne3A_39 : vector<512x16xi1>
    %sub3A = arith.constant 1 : i32
    %sub3A_40 = vector.broadcast %sub3A : i32 to vector<512x16xi32>
    %sub3A_41 = arith.subi %div3A_19, %sub3A_40 : vector<512x16xi32>
    %select_n3A = arith.select %and3A, %sub3A_41, %div3A_19 : vector<512x16xi1>, vector<512x16xi32>
    %iota3A_42 = tpu.iota {dimensions = array<i32: 1>} : vector<512x16xi32>
    %eq3A = arith.cmpi eq, %select_n3A, %iota3A_42 : vector<512x16xi32>
    %jit3A_43 = arith.constant 1.000000e+00 : f32
    %jit3A_44 = arith.constant 0.000000e+00 : f32
    %broadcast_in_dim3A = vector.broadcast %jit3A_43 : f32 to vector<512x16xf32>
    %broadcast_in_dim3A_45 = vector.broadcast %jit3A_44 : f32 to vector<512x16xf32>
    %select_n3A_46 = arith.select %eq3A, %broadcast_in_dim3A, %broadcast_in_dim3A_45 : vector<512x16xi1>, vector<512x16xf32>
    %dot_general3A = arith.constant dense<0.000000e+00> : vector<512x128xf32>
    %dot_general3A_47 = tpu.matmul %select_n3A_46, %add3A_18, %dot_general3A {dimension_numbers = #tpu.dot_dimension_numbers<[1], [0], [0], [1], [0, 0, 1, 1], [], []>, transpose_lhs_hint = false} : vector<512x16xf32>, vector<16x128xf32>, vector<512x128xf32> -> vector<512x128xf32>
    %iota3A_48 = tpu.iota {dimensions = array<i32: 0>} : vector<512x128xi32>
    %jit3A_49 = arith.constant 32 : i32
    %eq3A_50 = arith.constant 0 : i32
    %eq3A_51 = arith.cmpi eq, %jit3A_49, %eq3A_50 : i32
    %jit3A_52 = arith.constant 1 : i32
    %select_n3A_53 = arith.select %eq3A_51, %jit3A_52, %jit3A_49 : i32
    %rem3A_54 = vector.broadcast %select_n3A_53 : i32 to vector<512x128xi32>
    %rem3A_55 = arith.remsi %iota3A_48, %rem3A_54 : vector<512x128xi32>
    %ne3A_56 = arith.constant 0 : i32
    %ne3A_57 = vector.broadcast %ne3A_56 : i32 to vector<512x128xi32>
    %ne3A_58 = arith.cmpi ne, %rem3A_55, %ne3A_57 : vector<512x128xi32>
    %lt3A = arith.constant 0 : i32
    %lt3A_59 = vector.broadcast %lt3A : i32 to vector<512x128xi32>
    %lt3A_60 = arith.cmpi slt, %rem3A_55, %lt3A_59 : vector<512x128xi32>
    %lt3A_61 = arith.constant 0 : i32
    %lt3A_62 = arith.cmpi slt, %select_n3A_53, %lt3A_61 : i32
    %ne3A_63 = vector.broadcast %lt3A_62 : i1 to vector<512x128xi1>
    %ne3A_64 = vector.broadcast %ne3A_63 : vector<512x128xi1> to vector<512x128xi1>
    %ne3A_65 = arith.xori %lt3A_60, %ne3A_64 : vector<512x128xi1>
    %and3A_66 = arith.andi %ne3A_65, %ne3A_58 : vector<512x128xi1>
    %add3A_67 = vector.broadcast %select_n3A_53 : i32 to vector<512x128xi32>
    %add3A_68 = arith.addi %rem3A_55, %add3A_67 : vector<512x128xi32>
    %select_n3A_69 = arith.select %and3A_66, %add3A_68, %rem3A_55 : vector<512x128xi1>, vector<512x128xi32>
    %mul3A = arith.constant 4 : i32
    %mul3A_70 = vector.broadcast %mul3A : i32 to vector<512x128xi32>
    %mul3A_71 = arith.muli %select_n3A_69, %mul3A_70 : vector<512x128xi32>
    %iota3A_72 = tpu.iota {dimensions = array<i32: 1>} : vector<512x128xi32>
    %jit3A_73 = arith.constant 32 : i32
    %div3A_74 = vector.broadcast %jit3A_73 : i32 to vector<512x128xi32>
    %div3A_75 = arith.divsi %iota3A_72, %div3A_74 : vector<512x128xi32>
    %sign3A_76 = arith.constant 0 : i32
    %sign3A_77 = vector.broadcast %sign3A_76 : i32 to vector<512x128xi32>
    %sign3A_78 = arith.cmpi sgt, %iota3A_72, %sign3A_77 : vector<512x128xi32>
    %sign3A_79 = arith.extui %sign3A_78 : vector<512x128xi1> to vector<512x128xi32>
    %sign3A_80 = arith.constant 0 : i32
    %sign3A_81 = vector.broadcast %sign3A_80 : i32 to vector<512x128xi32>
    %sign3A_82 = arith.cmpi slt, %iota3A_72, %sign3A_81 : vector<512x128xi32>
    %sign3A_83 = arith.extui %sign3A_82 : vector<512x128xi1> to vector<512x128xi32>
    %sign3A_84 = arith.subi %sign3A_79, %sign3A_83 : vector<512x128xi32>
    %sign3A_85 = arith.constant 0 : i32
    %sign3A_86 = arith.cmpi sgt, %jit3A_73, %sign3A_85 : i32
    %sign3A_87 = arith.extui %sign3A_86 : i1 to i32
    %sign3A_88 = arith.constant 0 : i32
    %sign3A_89 = arith.cmpi slt, %jit3A_73, %sign3A_88 : i32
    %sign3A_90 = arith.extui %sign3A_89 : i1 to i32
    %sign3A_91 = arith.subi %sign3A_87, %sign3A_90 : i32
    %ne3A_92 = vector.broadcast %sign3A_91 : i32 to vector<512x128xi32>
    %ne3A_93 = arith.cmpi ne, %sign3A_84, %ne3A_92 : vector<512x128xi32>
    %rem3A_94 = vector.broadcast %jit3A_73 : i32 to vector<512x128xi32>
    %rem3A_95 = arith.remsi %iota3A_72, %rem3A_94 : vector<512x128xi32>
    %ne3A_96 = arith.constant 0 : i32
    %ne3A_97 = vector.broadcast %ne3A_96 : i32 to vector<512x128xi32>
    %ne3A_98 = arith.cmpi ne, %rem3A_95, %ne3A_97 : vector<512x128xi32>
    %and3A_99 = arith.andi %ne3A_93, %ne3A_98 : vector<512x128xi1>
    %sub3A_100 = arith.constant 1 : i32
    %sub3A_101 = vector.broadcast %sub3A_100 : i32 to vector<512x128xi32>
    %sub3A_102 = arith.subi %div3A_75, %sub3A_101 : vector<512x128xi32>
    %select_n3A_103 = arith.select %and3A_99, %sub3A_102, %div3A_75 : vector<512x128xi1>, vector<512x128xi32>
    %add3A_104 = arith.addi %mul3A_71, %select_n3A_103 : vector<512x128xi32>
    %lt3A_105 = arith.constant 0 : i32
    %lt3A_106 = vector.broadcast %lt3A_105 : i32 to vector<512x128xi32>
    %lt3A_107 = arith.cmpi slt, %add3A_104, %lt3A_106 : vector<512x128xi32>
    %add3A_108 = arith.constant 128 : i32
    %add3A_109 = vector.broadcast %add3A_108 : i32 to vector<512x128xi32>
    %add3A_110 = arith.addi %add3A_104, %add3A_109 : vector<512x128xi32>
    %select_n3A_111 = arith.select %lt3A_107, %add3A_110, %add3A_104 : vector<512x128xi1>, vector<512x128xi32>
    %reshape3A_112 = vector.shape_cast %select_n3A_111 : vector<512x128xi32> to vector<512x128x1xi32>
    %gather3A = vector.shape_cast %reshape3A_112 : vector<512x128x1xi32> to vector<512x128xi32>
    %gather3A_113 = tpu.dynamic_gather %dot_general3A_47[%gather3A] in [1] : vector<512x128xf32>, vector<512x128xi32> -> vector<512x128xf32>
    %gt3A = arith.constant 0.000000e+00 : f32
    %gt3A_114 = vector.broadcast %gt3A : f32 to vector<512x128xf32>
    %gt3A_115 = arith.cmpf ogt, %gather3A_113, %gt3A_114 : vector<512x128xf32>
    %div3A_116 = arith.constant 1.000000e+00 : f32
    %div3A_117 = vector.broadcast %div3A_116 : f32 to vector<512x128xf32>
    %div3A_118 = arith.divf %div3A_117, %gather3A_113 : vector<512x128xf32>
    %jit3A_119 = arith.constant 0.000000e+00 : f32
    %broadcast_in_dim3A_120 = vector.broadcast %jit3A_119 : f32 to vector<512x128xf32>
    %select_n3A_121 = arith.select %gt3A_115, %div3A_118, %broadcast_in_dim3A_120 : vector<512x128xi1>, vector<512x128xf32>
    %mul3A_122 = arith.mulf %add3A, %select_n3A_121 : vector<512x128xf32>
    %get3A_123 = arith.constant 0 : index
    %get3A_124 = arith.constant 0 : index
    %get3A_125 = vector.load %arg5[%get3A_123, %get3A_124] : memref<512x128xf32, #tpu.memory_space<vmem>>, vector<512x128xf32>
    %get3A_126 = arith.constant 0 : index
    %get3A_127 = arith.constant 0 : index
    %get3A_128 = vector.load %arg6[%get3A_126, %get3A_127] : memref<128x128xf32, #tpu.memory_space<vmem>>, vector<128x128xf32>
    %dot_general3A_129 = arith.constant dense<0.000000e+00> : vector<512x128xf32>
    %dot_general3A_130 = tpu.matmul %mul3A_122, %get3A_128, %dot_general3A_129 {dimension_numbers = #tpu.dot_dimension_numbers<[1], [0], [0], [1], [0, 0, 1, 1], [], []>, transpose_lhs_hint = false} : vector<512x128xf32>, vector<128x128xf32>, vector<512x128xf32> -> vector<512x128xf32>
    %get3A_131 = arith.constant 0 : index
    %get3A_132 = arith.constant 0 : index
    %get3A_133 = vector.load %arg7[%get3A_131, %get3A_132] : memref<1x128xf32, #tpu.memory_space<vmem>>, vector<1x128xf32>
    %add3A_134 = vector.broadcast %get3A_133 : vector<1x128xf32> to vector<512x128xf32>
    %add3A_135 = arith.addf %dot_general3A_130, %add3A_134 : vector<512x128xf32>
    %add3A_136 = arith.addf %get3A_125, %add3A_135 : vector<512x128xf32>
    %get3A_137 = arith.constant 0 : index
    %get3A_138 = arith.constant 0 : index
    %get3A_139 = vector.load %arg8[%get3A_137, %get3A_138] : memref<1x128xf32, #tpu.memory_space<vmem>>, vector<1x128xf32>
    %get3A_140 = arith.constant 0 : index
    %get3A_141 = arith.constant 0 : index
    %get3A_142 = vector.load %arg9[%get3A_140, %get3A_141] : memref<1x128xf32, #tpu.memory_space<vmem>>, vector<1x128xf32>
    %reduce_sum3A = arith.constant dense<0.000000e+00> : vector<512xf32>
    %reduce_sum3A_143 = vector.multi_reduction <add>, %add3A_136, %reduce_sum3A [1] : vector<512x128xf32> to vector<512xf32>
    %broadcast_in_dim3A_144 = vector.shape_cast %reduce_sum3A_143 : vector<512xf32> to vector<512x1xf32>
    %div3A_145 = arith.constant 1.280000e+02 : f32
    %div3A_146 = vector.broadcast %div3A_145 : f32 to vector<512x1xf32>
    %div3A_147 = arith.divf %broadcast_in_dim3A_144, %div3A_146 : vector<512x1xf32>
    %sub3A_148 = vector.broadcast %div3A_147 : vector<512x1xf32> to vector<512x128xf32>
    %sub3A_149 = arith.subf %add3A_136, %sub3A_148 : vector<512x128xf32>
    %integer_pow3A = arith.mulf %sub3A_149, %sub3A_149 : vector<512x128xf32>
    %reduce_sum3A_150 = arith.constant dense<0.000000e+00> : vector<512xf32>
    %reduce_sum3A_151 = vector.multi_reduction <add>, %integer_pow3A, %reduce_sum3A_150 [1] : vector<512x128xf32> to vector<512xf32>
    %broadcast_in_dim3A_152 = vector.shape_cast %reduce_sum3A_151 : vector<512xf32> to vector<512x1xf32>
    %div3A_153 = arith.constant 1.280000e+02 : f32
    %div3A_154 = vector.broadcast %div3A_153 : f32 to vector<512x1xf32>
    %div3A_155 = arith.divf %broadcast_in_dim3A_152, %div3A_154 : vector<512x1xf32>
    %sub3A_156 = vector.broadcast %div3A_147 : vector<512x1xf32> to vector<512x128xf32>
    %sub3A_157 = arith.subf %add3A_136, %sub3A_156 : vector<512x128xf32>
    %add3A_158 = arith.constant 9.99999974E-6 : f32
    %add3A_159 = vector.broadcast %add3A_158 : f32 to vector<512x1xf32>
    %add3A_160 = arith.addf %div3A_155, %add3A_159 : vector<512x1xf32>
    %rsqrt3A = math.rsqrt %add3A_160 : vector<512x1xf32>
    %mul3A_161 = vector.broadcast %rsqrt3A : vector<512x1xf32> to vector<512x128xf32>
    %mul3A_162 = arith.mulf %sub3A_157, %mul3A_161 : vector<512x128xf32>
    %mul3A_163 = vector.broadcast %get3A_139 : vector<1x128xf32> to vector<512x128xf32>
    %mul3A_164 = arith.mulf %mul3A_162, %mul3A_163 : vector<512x128xf32>
    %add3A_165 = vector.broadcast %get3A_142 : vector<1x128xf32> to vector<512x128xf32>
    %add3A_166 = arith.addf %mul3A_164, %add3A_165 : vector<512x128xf32>
    %get3A_167 = arith.constant 0 : index
    %get3A_168 = arith.constant 0 : index
    %get3A_169 = vector.load %arg12[%get3A_167, %get3A_168] : memref<128x256xf32, #tpu.memory_space<vmem>>, vector<128x256xf32>
    %dot_general3A_170 = arith.constant dense<0.000000e+00> : vector<512x256xf32>
    %dot_general3A_171 = tpu.matmul %add3A_166, %get3A_169, %dot_general3A_170 {dimension_numbers = #tpu.dot_dimension_numbers<[1], [0], [0], [1], [0, 0, 1, 1], [], []>, transpose_lhs_hint = false} : vector<512x128xf32>, vector<128x256xf32>, vector<512x256xf32> -> vector<512x256xf32>
    %get3A_172 = arith.constant 0 : index
    %get3A_173 = arith.constant 0 : index
    %get3A_174 = vector.load %arg13[%get3A_172, %get3A_173] : memref<1x256xf32, #tpu.memory_space<vmem>>, vector<1x256xf32>
    %add3A_175 = vector.broadcast %get3A_174 : vector<1x256xf32> to vector<512x256xf32>
    %add3A_176 = arith.addf %dot_general3A_171, %add3A_175 : vector<512x256xf32>
    %max3A = arith.constant 0.000000e+00 : f32
    %max3A_177 = vector.broadcast %max3A : f32 to vector<512x256xf32>
    %max3A_178 = arith.maximumf %add3A_176, %max3A_177 : vector<512x256xf32>
    %get3A_179 = arith.constant 0 : index
    %get3A_180 = arith.constant 0 : index
    %get3A_181 = vector.load %arg14[%get3A_179, %get3A_180] : memref<256x128xf32, #tpu.memory_space<vmem>>, vector<256x128xf32>
    %dot_general3A_182 = arith.constant dense<0.000000e+00> : vector<512x128xf32>
    %dot_general3A_183 = tpu.matmul %max3A_178, %get3A_181, %dot_general3A_182 {dimension_numbers = #tpu.dot_dimension_numbers<[1], [0], [0], [1], [0, 0, 1, 1], [], []>, transpose_lhs_hint = false} : vector<512x256xf32>, vector<256x128xf32>, vector<512x128xf32> -> vector<512x128xf32>
    %get3A_184 = arith.constant 0 : index
    %get3A_185 = arith.constant 0 : index
    %get3A_186 = vector.load %arg15[%get3A_184, %get3A_185] : memref<1x128xf32, #tpu.memory_space<vmem>>, vector<1x128xf32>
    %add3A_187 = vector.broadcast %get3A_186 : vector<1x128xf32> to vector<512x128xf32>
    %add3A_188 = arith.addf %dot_general3A_183, %add3A_187 : vector<512x128xf32>
    %add3A_189 = arith.addf %add3A_166, %add3A_188 : vector<512x128xf32>
    %get3A_190 = arith.constant 0 : index
    %get3A_191 = arith.constant 0 : index
    %get3A_192 = vector.load %arg10[%get3A_190, %get3A_191] : memref<1x128xf32, #tpu.memory_space<vmem>>, vector<1x128xf32>
    %get3A_193 = arith.constant 0 : index
    %get3A_194 = arith.constant 0 : index
    %get3A_195 = vector.load %arg11[%get3A_193, %get3A_194] : memref<1x128xf32, #tpu.memory_space<vmem>>, vector<1x128xf32>
    %reduce_sum3A_196 = arith.constant dense<0.000000e+00> : vector<512xf32>
    %reduce_sum3A_197 = vector.multi_reduction <add>, %add3A_189, %reduce_sum3A_196 [1] : vector<512x128xf32> to vector<512xf32>
    %broadcast_in_dim3A_198 = vector.shape_cast %reduce_sum3A_197 : vector<512xf32> to vector<512x1xf32>
    %div3A_199 = arith.constant 1.280000e+02 : f32
    %div3A_200 = vector.broadcast %div3A_199 : f32 to vector<512x1xf32>
    %div3A_201 = arith.divf %broadcast_in_dim3A_198, %div3A_200 : vector<512x1xf32>
    %sub3A_202 = vector.broadcast %div3A_201 : vector<512x1xf32> to vector<512x128xf32>
    %sub3A_203 = arith.subf %add3A_189, %sub3A_202 : vector<512x128xf32>
    %integer_pow3A_204 = arith.mulf %sub3A_203, %sub3A_203 : vector<512x128xf32>
    %reduce_sum3A_205 = arith.constant dense<0.000000e+00> : vector<512xf32>
    %reduce_sum3A_206 = vector.multi_reduction <add>, %integer_pow3A_204, %reduce_sum3A_205 [1] : vector<512x128xf32> to vector<512xf32>
    %broadcast_in_dim3A_207 = vector.shape_cast %reduce_sum3A_206 : vector<512xf32> to vector<512x1xf32>
    %div3A_208 = arith.constant 1.280000e+02 : f32
    %div3A_209 = vector.broadcast %div3A_208 : f32 to vector<512x1xf32>
    %div3A_210 = arith.divf %broadcast_in_dim3A_207, %div3A_209 : vector<512x1xf32>
    %sub3A_211 = vector.broadcast %div3A_201 : vector<512x1xf32> to vector<512x128xf32>
    %sub3A_212 = arith.subf %add3A_189, %sub3A_211 : vector<512x128xf32>
    %add3A_213 = arith.constant 9.99999974E-6 : f32
    %add3A_214 = vector.broadcast %add3A_213 : f32 to vector<512x1xf32>
    %add3A_215 = arith.addf %div3A_210, %add3A_214 : vector<512x1xf32>
    %rsqrt3A_216 = math.rsqrt %add3A_215 : vector<512x1xf32>
    %mul3A_217 = vector.broadcast %rsqrt3A_216 : vector<512x1xf32> to vector<512x128xf32>
    %mul3A_218 = arith.mulf %sub3A_212, %mul3A_217 : vector<512x128xf32>
    %mul3A_219 = vector.broadcast %get3A_192 : vector<1x128xf32> to vector<512x128xf32>
    %mul3A_220 = arith.mulf %mul3A_218, %mul3A_219 : vector<512x128xf32>
    %add3A_221 = vector.broadcast %get3A_195 : vector<1x128xf32> to vector<512x128xf32>
    %add3A_222 = arith.addf %mul3A_220, %add3A_221 : vector<512x128xf32>
    %swap3A = arith.constant 0 : index
    %swap3A_223 = arith.constant 0 : index
    %swap3A_224 = vector.load %arg16[%swap3A, %swap3A_223] : memref<512x128xf32, #tpu.memory_space<vmem>>, vector<512x128xf32>
    tpu.vector_store %arg16[%swap3A, %swap3A_223], %add3A_222 {strides = array<i32>} : memref<512x128xf32, #tpu.memory_space<vmem>>, vector<512x128xf32>,
    return
  }
  func.func @transform_0(%arg0: i32) -> (i32, i32, i32) {
    %c0_i32 = arith.constant 0 : i32
    %c0_i32_0 = arith.constant 0 : i32
    %c0_i32_1 = arith.constant 0 : i32
    return %c0_i32, %arg0, %c0_i32_0 : i32, i32, i32
  }
  func.func @transform_1(%arg0: i32) -> (i32, i32, i32) {
    %c1_i32 = arith.constant 1 : i32
    %c0_i32 = arith.constant 0 : i32
    %c0_i32_0 = arith.constant 0 : i32
    return %c1_i32, %arg0, %c0_i32 : i32, i32, i32
  }
  func.func @transform_2(%arg0: i32) -> (i32, i32, i32) {
    %add3A = arith.constant 625 : i32
    %add3A_0 = arith.addi %add3A, %arg0 : i32
    %c0_i32 = arith.constant 0 : i32
    %c0_i32_1 = arith.constant 0 : i32
    %c0_i32_2 = arith.constant 0 : i32
    return %c0_i32, %add3A_0, %c0_i32_1 : i32, i32, i32
  }
  func.func @transform_3(%arg0: i32) -> (i32, i32, i32) {
    %add3A = arith.constant 625 : i32
    %add3A_0 = arith.addi %add3A, %arg0 : i32
    %c1_i32 = arith.constant 1 : i32
    %c0_i32 = arith.constant 0 : i32
    %c0_i32_1 = arith.constant 0 : i32
    return %c1_i32, %add3A_0, %c0_i32 : i32, i32, i32
  }
  func.func @transform_4(%arg0: i32) -> (i32, i32) {
    %c0_i32 = arith.constant 0 : i32
    %c0_i32_0 = arith.constant 0 : i32
    return %arg0, %c0_i32 : i32, i32
  }
  func.func @transform_5(%arg0: i32) -> (i32, i32) {
    %c0_i32 = arith.constant 0 : i32
    %c0_i32_0 = arith.constant 0 : i32
    %c0_i32_1 = arith.constant 0 : i32
    return %c0_i32, %c0_i32_0 : i32, i32
  }
  func.func @transform_6(%arg0: i32) -> (i32, i32) {
    %c0_i32 = arith.constant 0 : i32
    %c0_i32_0 = arith.constant 0 : i32
    %c0_i32_1 = arith.constant 0 : i32
    return %c0_i32, %c0_i32_0 : i32, i32
  }
  func.func @transform_7(%arg0: i32) -> (i32, i32) {
    %c0_i32 = arith.constant 0 : i32
    %c0_i32_0 = arith.constant 0 : i32
    %c0_i32_1 = arith.constant 0 : i32
    return %c0_i32, %c0_i32_0 : i32, i32
  }
  func.func @transform_8(%arg0: i32) -> (i32, i32) {
    %c0_i32 = arith.constant 0 : i32
    %c0_i32_0 = arith.constant 0 : i32
    %c0_i32_1 = arith.constant 0 : i32
    return %c0_i32, %c0_i32_0 : i32, i32
  }
  func.func @transform_9(%arg0: i32) -> (i32, i32) {
    %c0_i32 = arith.constant 0 : i32
    %c0_i32_0 = arith.constant 0 : i32
    %c0_i32_1 = arith.constant 0 : i32
    return %c0_i32, %c0_i32_0 : i32, i32
  }
  func.func @transform_10(%arg0: i32) -> (i32, i32) {
    %c0_i32 = arith.constant 0 : i32
    %c0_i32_0 = arith.constant 0 : i32
    %c0_i32_1 = arith.constant 0 : i32
    return %c0_i32, %c0_i32_0 : i32, i32
  }
  func.func @transform_11(%arg0: i32) -> (i32, i32) {
    %c0_i32 = arith.constant 0 : i32
    %c0_i32_0 = arith.constant 0 : i32
    %c0_i32_1 = arith.constant 0 : i32
    return %c0_i32, %c0_i32_0 : i32, i32
  }
  func.func @transform_12(%arg0: i32) -> (i32, i32) {
    %c0_i32 = arith.constant 0 : i32
    %c0_i32_0 = arith.constant 0 : i32
    %c0_i32_1 = arith.constant 0 : i32
    return %c0_i32, %c0_i32_0 : i32, i32
  }
  func.func @transform_13(%arg0: i32) -> (i32, i32) {
    %c0_i32 = arith.constant 0 : i32
    %c0_i32_0 = arith.constant 0 : i32
    %c0_i32_1 = arith.constant 0 : i32
    return %c0_i32, %c0_i32_0 : i32, i32
  }
  func.func @transform_14(%arg0: i32) -> (i32, i32) {
    %c0_i32 = arith.constant 0 : i32
    %c0_i32_0 = arith.constant 0 : i32
    %c0_i32_1 = arith.constant 0 : i32
    return %c0_i32, %c0_i32_0 : i32, i32
  }
  func.func @transform_15(%arg0: i32) -> (i32, i32) {
    %c0_i32 = arith.constant 0 : i32
    %c0_i32_0 = arith.constant 0 : i32
    return %arg0, %c0_i32 : i32, i32
  }
}

</mosaic_0001>

<sc_bundles>
// kernel: kernel.5.cloned.1.call-start
scs
__scs_entry_jumppad:
0x0: {  	(pc) =	sbr.rel $0x88, $3  }
0x1: {  	(tag) =	ssettag $0x0;
	lr =	simm.s32 $0x1  }
0x2: {  	[smem:$0x3F93] =	sst lr;
	_ =	strace $0xD0000000  }
0x3: {  	_ = 	snop  }
0x4: {  	_ = 	snop  }
0x5: {  	_ = 	snop  }
0x6: {  	_ = 	snop  }
0x7: {  	_ = 	snop  }
__scs_overlays_trampoline_lowered:
0x8: {  	[smem:$0x3FA2] =	sst s0  }
0x9: {  	[smem:$0x3FA3] =	sst s1  }
0xa: {  	[smem:$0x3FA4] =	sst s2  }
0xb: {  	[smem:$0x3FA5] =	sst s3  }
0xc: {  	[smem:$0x3FA6] =	sst s4  }
0xd: {  	[smem:$0x3FA7] =	sst s5  }
0xe: {  	[smem:$0x3FA8] =	sst s6  }
0xf: {  	[smem:$0x3FA9] =	sst s7  }
0x10: {  	[smem:$0x3FAA] =	sst s8  }
0x11: {  	[smem:$0x3FAB] =	sst s9;
	s0 =	simm.s32 @!p0 $0x0  }
0x12: {  	s1 =	sld [smem:$0x3F91];
	s0 =	simm.s32 @p0 $0x1  }
0x13: {  	[smem:$0x3FAC] =	sst s0;
	s0 =	simm.s32 @!p1 $0x0  }
0x14: {  	s2 =	sld [smem:$0x3F90];
	s0 =	simm.s32 @p1 $0x1  }
0x15: {  	[smem:$0x3FAD] =	sst s0;
	s0 =	simm.s32 @!p2 $0x0  }
0x16: {  	s3 =	sld [smem:$0x3FDB];
	s0 =	simm.s32 @p2 $0x1  }
0x17: {  	s4 =	simm.s32 $0x1BF5;
	[smem:$0x3FAF] =	sst s0  }
0x18: {  	s0 =	sld [smem:$0x3F92];
	_ =	swait.ge [sflag:s4], $0x0  }
0x19: {  	s7 =	sld [smem:$0x3F93]  }
0x1a: {  	s8 =	sadd.s32 $0xFFFFE003, lr  }
0x1b: {  	s9 =	sadd.s32 $0xFFFFFEF7, lr;
	s5 =	simm.s32 $0xFFFFFFFF;
	p2 =	slt.u32 s8, $0xFFFFF086  }
0x1c: {  	p1 =	slt.u32 s9, $0xF7A;
	s5 =	simm.s32 @!p2 $0x0  }
0x1d: {  	s5 =	simm.s32 @p1 $0x1;
	p0 =	seq.s32 s7, s2  }
0x1e: {  	s7 =	smul.u32 @!p0 $0xF7A, s2;
	p2 =	seq.s32 @!p0 s5, $0x0  }
0x1f: {  	s9 =	smul.u32 $0xF7A, s1;
	s8 =	simm.s32 @!p0 $0x1BF5;
	p2 =	por !p2, p0  }
0x20: {  	[sflag:s8] =	ssyncset.s32 @!p0 $0xFFFFF086;
	s6 =	sadd.s32 @!p0 s3, s7;
	s7 =	simm.s32 @!p0 $0x108  }
0x21: {  	s3 =	sadd.s32 s3, s9;
	s6 =	sadd.s32 @!p0 $0x88, s6;
	s7 =	simm.s32 @p2 $0x1082  }
0x22: {  	[simem:s7], [sflag:s8] =	dma.local @!p0 [hbm:s6], $0xF7A  }
0x23: {  	s9 =	sor.u32 $0xD0000000, s2;
	s6 =	simm.s32 $0x108;
	_ =	swait.ge @!p0 [sflag:s8], $0x0  }
0x24: {  	s3 =	sadd.s32 $0x88, s3;
	s6 =	simm.s32 @!p1 $0x1082;
	[sflag:s4] =	ssyncset.s32 $0xFFFFF086  }
0x25: {  	[simem:s6], [sflag:s4] =	dma.local [hbm:s3], $0xF7A  }
0x26: {  	[smem:$0x3F93] =	sst s1;
	(tag) =	ssettag s2;
	_ =	strace s9  }
0x27: {  	s1 =	sld [smem:$0x3FA3]  }
0x28: {  	s2 =	sld [smem:$0x3FA4]  }
0x29: {  	s4 =	sld [smem:$0x3FA6]  }
0x2a: {  	p0 =	seq.s32 s5, $0x0;
	s5 =	sld [smem:$0x3FA7]  }
0x2b: {  	s6 =	sld [smem:$0x3FA8]  }
0x2c: {  	s7 =	sld [smem:$0x3FA9]  }
0x2d: {  	s3 =	simm.s32 $0x108;
	s8 =	sld [smem:$0x3FAA]  }
0x2e: {  	s3 =	simm.s32 @!p0 $0x1082;
	s9 =	sld [smem:$0x3FAB]  }
0x2f: {  	lr =	sadd.s32 s0, s3;
	s0 =	sld [smem:$0x3FA2]  }
0x30: {  	s3 =	sld [smem:$0x3FA5]  }
0x31: {  	[smem:$0x3FAE] =	sst s10  }
0x32: {  	s10 =	sld [smem:$0x3FAC];
	_ =	sdelay $0x3  }
0x33: {  	p0 =	seq.s32 s10, $0x1;
	s10 =	sld [smem:$0x3FAE];
	_ =	sdelay $0x3  }
0x34: {  	[smem:$0x3FAE] =	sst s10  }
0x35: {  	s10 =	sld [smem:$0x3FAD];
	_ =	sdelay $0x3  }
0x36: {  	p1 =	seq.s32 s10, $0x1;
	s10 =	sld [smem:$0x3FAE];
	_ =	sdelay $0x3  }
0x37: {  	[smem:$0x3FAE] =	sst s10  }
0x38: {  	s10 =	sld [smem:$0x3FAF]  }
0x39: {  	_ = 	snop;
	(pc) =	sbr.ind lr, $3  }
0x3a: {  	_ = 	snop  }
0x3b: {  	_ = 	snop  }
0x3c: {  	p2 =	seq.s32 s10, $0x1;
	s10 =	sld [smem:$0x3FAE]  }
0x3d: {  	_ =	shalt  }
0x3e: {  	_ =	shalt  }
0x3f: {  	_ =	shalt  }
0x40: {  	_ =	shalt  }
0x41: {  	_ =	shalt  }
0x42: {  	_ =	shalt  }
0x43: {  	_ =	shalt  }
0x44: {  	_ =	shalt  }
0x45: {  	_ =	shalt  }
0x46: {  	_ =	shalt  }
0x47: {  	_ =	shalt  }
0x48: {  	_ =	shalt  }
0x49: {  	_ =	shalt  }
0x4a: {  	_ =	shalt  }
0x4b: {  	_ =	shalt  }
0x4c: {  	_ =	shalt  }
0x4d: {  	_ =	shalt  }
0x4e: {  	_ =	shalt  }
0x4f: {  	_ =	shalt  }
0x50: {  	_ =	shalt  }
0x51: {  	_ =	shalt  }
0x52: {  	_ =	shalt  }
0x53: {  	_ =	shalt  }
0x54: {  	_ =	shalt  }
0x55: {  	_ =	shalt  }
0x56: {  	_ =	shalt  }
0x57: {  	_ =	shalt  }
0x58: {  	_ =	shalt  }
0x59: {  	_ =	shalt  }
0x5a: {  	_ =	shalt  }
0x5b: {  	_ =	shalt  }
0x5c: {  	_ =	shalt  }
0x5d: {  	_ =	shalt  }
0x5e: {  	_ =	shalt  }
0x5f: {  	_ =	shalt  }
0x60: {  	_ =	shalt  }
0x61: {  	_ =	shalt  }
0x62: {  	_ =	shalt  }
0x63: {  	_ =	shalt  }
0x64: {  	_ =	shalt  }
0x65: {  	_ =	shalt  }
0x66: {  	_ =	shalt  }
0x67: {  	_ =	shalt  }
0x68: {  	_ =	shalt  }
0x69: {  	_ =	shalt  }
0x6a: {  	_ =	shalt  }
0x6b: {  	_ =	shalt  }
0x6c: {  	_ =	shalt  }
0x6d: {  	_ =	shalt  }
0x6e: {  	_ =	shalt  }
0x6f: {  	_ =	shalt  }
0x70: {  	_ =	shalt  }
0x71: {  	_ =	shalt  }
0x72: {  	_ =	shalt  }
0x73: {  	_ =	shalt  }
0x74: {  	_ =	shalt  }
0x75: {  	_ =	shalt  }
0x76: {  	_ =	shalt  }
0x77: {  	_ =	shalt  }
0x78: {  	_ =	shalt  }
0x79: {  	_ =	shalt  }
0x7a: {  	_ =	shalt  }
0x7b: {  	_ =	shalt  }
0x7c: {  	_ =	shalt  }
0x7d: {  	_ =	shalt  }
0x7e: {  	_ =	shalt  }
0x7f: {  	_ =	shalt  }
0x80: {  	_ =	shalt  }
0x81: {  	_ =	shalt  }
0x82: {  	_ =	shalt  }
0x83: {  	_ =	shalt  }
0x84: {  	_ =	shalt  }
0x85: {  	_ =	shalt  }
0x86: {  	_ =	shalt  }
0x87: {  	_ =	shalt  }
.Lfunc_end0:
.L_simem_size_0:
called_computation_lowered:
.L_overlay_start_0:
0x88: {  	s2 =	sld [smem:$0x3FD9]  }
0x89: {  	s3 =	sld [smem:$0x3FFE];
	_ =	sdelay $0x1  }
0x8a: {  	s1 =	srdreg.scid  }
0x8b: {  	s0 =	sand.u32 $0x1, s1  }
0x8c: {  	s17 =	sshll.u32 s0, $0xA;
	s2 =	sadd.s32 s3, s2  }
0x8d: {  	s2 =	sadd.s32 s2, s17  }
0x8e: {  	[smem:$0x3FBA] =	sst s2  }
0x8f: {  	_ = 	snop  }
0x90: {  	s2 =	sld [smem:$0x3FD0];
	(tm) =	ssettm $0x1  }
0x91: {  	s18 =	sld [smem:$0x3FFB];
	_ =	sdelay $0x3  }
0x92: {  	_ =	strace s18  }
0x93: {  	s3 =	sld [smem:$0x3FFC];
	_ =	sdelay $0x3  }
0x94: {  	_ =	strace s3  }
0x95: {  	s3 =	sld [smem:$0x3FFD];
	_ =	sdelay $0x3  }
0x96: {  	_ =	strace s3  }
0x97: {  	_ =	strace $0x8FFFFFFF  }
0x98: {  	s19 =	sld [smem:$0x3FDB];
	_ =	sdelay $0x1  }
0x99: {  	s4 =	simm.s32 $_scs_section_size  }
0x9a: {  	s5 =	simm.s32 $_size__tile_overlayer_lowered;
	s6 =	simm.s32 $_tile_overlayer_lowered  }
0x9b: {  	s22 =	simm.s32 $0x1BFF;
	s21 =	sshll.u32 s6, $0x1;
	s3 =	sadd.s32 s4, s19  }
0x9c: {  	s7 =	simm.s32 $0x0;
	s20 =	sshll.u32 s5, $0x1;
	s5 =	sadd.s32 s21, s3  }
0x9d: {  	[timem:s7], [sflag:s22] =	dma.local [hbm:s5], s20  }
0x9e: {  	_ =	swait.ge [sflag:s22], s20  }
0x9f: {  	s4 =	ssub.s32 $0x0, s20;
	[sflag:s22] =	ssyncset.done $0x0  }
0xa0: {  	[sflag:s22] =	ssyncadd.s32 s4;
	_ =	sdelay $0x1  }
0xa1: {  	s23 =	simm.s32 $0x1B8B  }
0xa2: {  	_ =	swait.ge [sflag:s23], $0x1  }
0xa3: {  	[sflag:s23] =	ssyncset.done $0x0  }
0xa4: {  	s25 =	simm.s32 $0x1B8E;
	s24 =	sld [smem:$0x3FFE];
	[sflag:s23] =	ssyncadd.s32 $0xFFFFFFFF  }
0xa5: {  	s26 =	simm.s32 $execute0_lowered;
	[smem:$0x3FD2] =	sst s25  }
0xa6: {  	s5 =	sshll.u32 s26, $0x1;
	_ =	strace $0x80000046;
	[dreg:$0x1] =	wrdreg $0xFFFFFFFF  }
0xa7: {  	s28 =	simm.s32 $_size_execute0_lowered;
	s3 =	sadd.s32 s3, s5;
	[dreg:$0x0] =	wrdreg $0x0  }
0xa8: {  	s5 =	sshll.u32 s28, $0x1;
	[dreg:$0x2] =	wrdreg s3  }
0xa9: {  	[dreg:$0x3] =	wrdreg s5  }
0xaa: {  	[dreg:$0x4] =	wrdreg $0xC0  }
0xab: {  	_ =	task [dreg:s7], $0x5FFFF  }
0xac: {  	[dreg:$0x1] =	wrdreg $0xFFFFFFFF  }
0xad: {  	[dreg:$0x0] =	wrdreg $0x60  }
0xae: {  	[dreg:$0x2] =	wrdreg s2  }
0xaf: {  	[dreg:$0x3] =	wrdreg s24  }
0xb0: {  	[dreg:$0x4] =	wrdreg $0x0  }
0xb1: {  	[dreg:$0x5] =	wrdreg $0x9  }
0xb2: {  	_ =	task.clear_ibuf [dreg:s7], $0x6FFFF;
	_ =	strace $0x90000046  }
0xb3: {  	s29 =	simm.s32 $0x9;
	_ =	strace $0x80000048  }
0xb4: {  	_ =	swait.ge [sflag:s29], $0x1  }
0xb5: {  	[sflag:s29] =	ssyncadd.s32 $0xFFFFFFFF  }
0xb6: {  	_ =	strace $0x90000048  }
0xb7: {  	_ =	sfence  }
0xb8: {  	s30 =	sld [smem:$0x0];
	_ =	sdelay $0x2  }
0xb9: {  	s31 =	sshll.u32 s1, $0xD;
	s1 =	sshrl.u32 s1, $0x2  }
0xba: {  	s3 =	sand.u32 $0x4000, s31;
	s1 =	sadd.s32 s1, s30  }
0xbb: {  	s0 =	sor.u32 s3, s0;
	s1 =	sshll.u32 s1, $0x11  }
0xbc: {  	s0 =	sor.u32 s1, s0  }
0xbd: {  	s0 =	sadd.s32 $0x8F2B, s0  }
0xbe: {  	[sflag:s0] =	ssyncadd.remote.s32 $0x1  }
0xbf: {  	_ =	sfence.sel $0xFFFF  }
0xc0: {  	[dreg:$0x0] =	wrdreg $0xFFFFFFFF;
	(pc) =	sbr.abs _section_cstart, $3  }
0xc1: {  	[dreg:$0x1] =	wrdreg $0xFFFFFFFF  }
0xc2: {  	_ =	task.clear_ibuf [dreg:s7], $0x2FFFF;
	_ =	strace $0x9FFFFFFF  }
0xc3: {  	(tm) =	ssettm $0x7FFFFFFF  }
tec
execute0_lowered:
.L_overlay_start_1:
0x0: {  	(tag) =	ssettag $0x1  }
0x1: {  	s4 =	stileid.u32  }
0x2: {  	s0 =	srdreg.scid;
	s8 =	smul.u32 $0x50, s4  }
0x3: {  	s24 =	sand.u32 $0x1, s0;
	s25 =	smul.u32 $0xA000, s4  }
0x4: {  	s7 =	sor.u32 $0x10, s4;
	s5 =	smul.u32 $0x2850, s24  }
0x5: {  	s9 =	sor.u32 $0x20, s4;
	s10 =	smul.u32 $0x50, s7  }
0x6: {  	s1 =	rddreg [dreg:$0x1];
	s14 =	sor.u32 $0x30, s4;
	s12 =	smul.u32 $0x50, s9  }
0x7: {  	s2 =	rddreg [dreg:$0x2];
	s16 =	sor.u32 $0x50, s4;
	s13 =	smul.u32 $0x50, s14  }
0x8: {  	s3 =	simm.s32 $0x0;
	s18 =	sor.u32 $0x60, s4;
	s20 =	smul.u32 $0x50, s16  }
0x9: {  	s28 =	simm.s32 $0x14280;
	s19 =	sor.u32 $0x70, s4;
	s21 =	smul.u32 $0x50, s18  }
0xa: {  	s29 =	simm.s32 $0x3;
	s31 =	simm.s32 $0x1E300;
	s22 =	smul.u32 $0x50, s19  }
0xb: {  	[smem:$0x7FF] =	sst s3;
	s6 =	sadd.s32 $0x63A00, s1;
	s7 =	smul.u32 $0xA000, s7  }
0xc: {  	p0 =	sne.s32 s4, $0x0;
	_ =	strace $0x80000047;
	s3 =	smul.u32 $0x28500, s24  }
0xd: {  	s0 =	ssub.s32 $0x2, s24;
	s15 =	sshll.u32 s24, $0x4;
	s23 =	smul.u32 $0xA000, s9  }
0xe: {  	s24 =	smul.u32 $0xA000, s14;
	s14 =	sadd.s32 $0x1C00, s1;
	s11 =	sshrl.u32 s0, $0x1  }
0xf: {  	s9 =	smul.u32 $0xA000, s16;
	s25 =	sshrl.u32 s25, $0x2;
	s0 =	ssub.s32 s0, s11  }
0x10: {  	s11 =	sor.u32 $0x40, s4;
	s8 =	sadd.s32 s8, s5;
	s10 =	sadd.s32 s5, s10  }
0x11: {  	s12 =	sadd.s32 s5, s12;
	s13 =	sadd.s32 s5, s13;
	s20 =	sadd.s32 s5, s20  }
0x12: {  	s21 =	sadd.s32 s5, s21;
	s3 =	sadd.s32 s3, s6;
	s7 =	sshrl.u32 s7, $0x2  }
0x13: {  	s16 =	sshrl.u32 s9, $0x2;
	s9 =	simm.s32 $0x19280;
	s17 =	smul.u32 $0x50, s11  }
0x14: {  	s8 =	sshll.u32 s8, $0x4;
	s26 =	sshll.u32 s10, $0x4;
	s10 =	sshll.u32 s12, $0x4  }
0x15: {  	s12 =	sshll.u32 s13, $0x4;
	s20 =	sshll.u32 s20, $0x4;
	s21 =	sshll.u32 s21, $0x4  }
0x16: {  	s0 =	smax.u32 s0, $0x1;
	s8 =	sadd.s32 s6, s8;
	s13 =	sadd.s32 s6, s12  }
0x17: {  	s12 =	sadd.s32 $0x15800, s1;
	[dreg:$0x15] =	wrdreg s0;
	s0 =	simm.s32 $0x50  }
0x18: {  	s17 =	sadd.s32 s5, s17;
	s5 =	sadd.s32 s5, s22;
	[dreg:$0x4] =	wrdreg s8  }
0x19: {  	s8 =	sadd.s32 s6, s26;
	[dreg:$0x7] =	wrdreg s13;
	s26 =	smul.u32 $0xA000, s11  }
0x1a: {  	s13 =	sadd.s32 $0xBA00, s1;
	s11 =	smul.u32 $0xA000, s18;
	s1 =	sadd.s32 s16, s2  }
0x1b: {  	s16 =	simm.s32 $0x2;
	[dreg:$0x5] =	wrdreg s8;
	s8 =	sadd.s32 s6, s10  }
0x1c: {  	s17 =	sshll.u32 s17, $0x4;
	s5 =	sshll.u32 s5, $0x4;
	[dreg:$0x11] =	wrdreg s1  }
0x1d: {  	s10 =	sshrl.u32 s23, $0x2;
	[dreg:$0x6] =	wrdreg s8;
	s8 =	sadd.s32 s6, s17  }
0x1e: {  	s5 =	sadd.s32 s6, s5;
	s22 =	sadd.s32 s10, s2;
	s17 =	sshrl.u32 s11, $0x2  }
0x1f: {  	s10 =	simm.s32 $0x19A80;
	s11 =	simm.s32 $0x1A280;
	[dreg:$0x8] =	wrdreg s8  }
0x20: {  	s8 =	sadd.s32 s6, s20;
	[dreg:$0xb] =	wrdreg s5;
	s5 =	sor.u32 s4, s15  }
0x21: {  	s20 =	sadd.s32 s25, s2;
	s4 =	sshrl.u32 s24, $0x2;
	[dreg:$0xe] =	wrdreg s22  }
0x22: {  	s15 =	smul.u32 $0xA000, s19;
	s19 =	sadd.s32 s17, s2;
	[dreg:$0x9] =	wrdreg s8  }
0x23: {  	s24 =	sadd.s32 $0x28000, s3;
	s25 =	sadd.s32 $0x140000, s2;
	[dreg:$0x12] =	wrdreg s19  }
0x24: {  	s17 =	simm.s32 $0x1E380;
	s8 =	sadd.s32 s6, s21;
	[dreg:$0x14] =	wrdreg s24  }
0x25: {  	s21 =	sadd.s32 s7, s2;
	[dreg:$0x16] =	wrdreg s25;
	s6 =	simm.s32 $0x17A80  }
0x26: {  	s7 =	simm.s32 $0x18280;
	s24 =	simm.s32 $0x1AA80;
	[dreg:$0xc] =	wrdreg s20  }
0x27: {  	s25 =	simm.s32 $0x1B280;
	s19 =	simm.s32 $0x0;
	[dreg:$0xa] =	wrdreg s8  }
0x28: {  	s8 =	sshrl.u32 s26, $0x2;
	s26 =	sadd.s32 s4, s2;
	s18 =	sshrl.u32 s15, $0x2  }
0x29: {  	s4 =	simm.s32 $0x1E280;
	s15 =	simm.s32 $0x1;
	[dreg:$0xd] =	wrdreg s21  }
0x2a: {  	v0 =	vlaneseq.u32;
	s30 =	sadd.s32 s8, s2;
	s23 =	sadd.s32 s18, s2;
	[dreg:$0xf] =	wrdreg s26  }
0x2b: {  	v1 =	vimm.f32 $0.0e+00;
	vm0 =	vmmov $0xffff;
	v3 =	vshrl.u32 v0, $0x3;
	s8 =	simm.s32 $0x18A80;
	s18 =	simm.s32 $0x1BA80;
	[dreg:$0x13] =	wrdreg s23  }
0x2c: {  	v2 =	vand.u32 $0x7, v0;
	v4 =	vor.u32 $0x8, v0;
	v3 =	vmul.u32 $0x8, v3;
	s23 =	smul.u32 $0x2710, s5;
	s5 =	simm.s32 $0x17280;
	[dreg:$0x10] =	wrdreg s30  }
.LBB2_1:
0x2d: {  	s1 =	simm.s32 $0x0;
	s3 =	simm.s32 $0x200  }
.LBB2_2:
0x2e: {  	p1 =	sne.s32 s3, $0x9E00;
	[tilespmem:s1+$0x142F0] =	vst v1  }
0x2f: {  	[tilespmem:s1+$0x14280] =	vst v1  }
0x30: {  	[tilespmem:s1+$0x14290] =	vst v1  }
.Ltmp0:
0x31: {  	[tilespmem:s1+$0x142A0] =	vst v1;
	(pc) =	sbr.rel @p1 .LBB2_2-.Ltmp0, $4  }
0x32: {  	[tilespmem:s1+$0x142B0] =	vst v1  }
0x33: {  	[tilespmem:s1+$0x142C0] =	vst v1  }
0x34: {  	[tilespmem:s1+$0x142D0] =	vst v1  }
0x35: {  	[tilespmem:s1+$0x142E0] =	vst v1;
	s1 =	sshra.s32 s3, $0x2;
	s3 =	sadd.s32 $0x200, s3  }
0x36: {  	[tilespmem:s1+$0x142F0] =	vst v1  }
0x37: {  	[tilespmem:s1+$0x14280] =	vst v1  }
0x38: {  	[tilespmem:s1+$0x14290] =	vst v1  }
0x39: {  	[tilespmem:s1+$0x142A0] =	vst v1  }
0x3a: {  	[tilespmem:s1+$0x142B0] =	vst v1  }
0x3b: {  	[tilespmem:s1+$0x142C0] =	vst v1  }
0x3c: {  	[tilespmem:s1+$0x142D0] =	vst v1  }
0x3d: {  	[dreg:$0x17] =	wrdreg s19;
	[tilespmem:s1+$0x142E0] =	vst v1  }
0x3e: {  	[spmem:s20] =	stream.linear.scatter [tilespmem:s28], [sflag:$0x3], $0x2800, $0x38;
	[tilespmem:$0x1E400] =	vst v63  }
0x3f: {  	_ =	swait.ge [sflag:s29], $0x2800  }
0x40: {  	[sflag:s29] =	ssyncset.done $0x0  }
0x41: {  	[sflag:s29] =	ssyncadd.s32 $0xFFFFD800  }
0x42: {  	[spmem:s21] =	stream.linear.scatter [tilespmem:s28], [sflag:$0x3], $0x2800, $0x38;
	[tilespmem:$0x1E400] =	vst v63  }
0x43: {  	_ =	swait.ge [sflag:s29], $0x2800  }
0x44: {  	[sflag:s29] =	ssyncset.done $0x0  }
0x45: {  	[sflag:s29] =	ssyncadd.s32 $0xFFFFD800  }
0x46: {  	[spmem:s22] =	stream.linear.scatter [tilespmem:s28], [sflag:$0x3], $0x2800, $0x38;
	[tilespmem:$0x1E400] =	vst v63  }
0x47: {  	_ =	swait.ge [sflag:s29], $0x2800  }
0x48: {  	[sflag:s29] =	ssyncset.done $0x0  }
0x49: {  	[sflag:s29] =	ssyncadd.s32 $0xFFFFD800  }
0x4a: {  	[spmem:s26] =	stream.linear.scatter [tilespmem:s28], [sflag:$0x3], $0x2800, $0x38;
	[tilespmem:$0x1E400] =	vst v63  }
0x4b: {  	_ =	swait.ge [sflag:s29], $0x2800  }
0x4c: {  	[sflag:s29] =	ssyncset.done $0x0  }
0x4d: {  	[sflag:s29] =	ssyncadd.s32 $0xFFFFD800  }
0x4e: {  	[spmem:s30] =	stream.linear.scatter [tilespmem:s28], [sflag:$0x3], $0x2800, $0x38;
	[tilespmem:$0x1E400] =	vst v63  }
0x4f: {  	_ =	swait.ge [sflag:s29], $0x2800  }
0x50: {  	[sflag:s29] =	ssyncset.done $0x0  }
0x51: {  	s22 =	rddreg [dreg:$0x11];
	[sflag:s29] =	ssyncadd.s32 $0xFFFFD800  }
0x52: {  	[spmem:s22] =	stream.linear.scatter [tilespmem:s28], [sflag:$0x3], $0x2800, $0x38;
	[tilespmem:$0x1E400] =	vst v63  }
0x53: {  	_ =	swait.ge [sflag:s29], $0x2800  }
0x54: {  	[sflag:s29] =	ssyncset.done $0x0  }
0x55: {  	s26 =	rddreg [dreg:$0x12];
	[sflag:s29] =	ssyncadd.s32 $0xFFFFD800  }
0x56: {  	[spmem:s26] =	stream.linear.scatter [tilespmem:s28], [sflag:$0x3], $0x2800, $0x38;
	[tilespmem:$0x1E400] =	vst v63  }
0x57: {  	_ =	swait.ge [sflag:s29], $0x2800  }
0x58: {  	[sflag:s29] =	ssyncset.done $0x0  }
0x59: {  	s30 =	rddreg [dreg:$0x13];
	[sflag:s29] =	ssyncadd.s32 $0xFFFFD800  }
0x5a: {  	[spmem:s30] =	stream.linear.scatter [tilespmem:s28], [sflag:$0x3], $0x2800, $0x38;
	[tilespmem:$0x1E400] =	vst v63  }
0x5b: {  	_ =	swait.ge [sflag:s29], $0x2800  }
0x5c: {  	[sflag:s29] =	ssyncset.done $0x0  }
0x5d: {  	s1 =	simm.s32 @!p0 $0x14280;
	s3 =	rddreg [dreg:$0x16];
	[sflag:s29] =	ssyncadd.s32 $0xFFFFD800  }
0x5e: {  	[spmem:s3] =	stream.linear.scatter @!p0 [tilespmem:s1], [sflag:$0x3], $0x2800, $0x38;
	[tilespmem:$0x1E400] =	vst v63  }
0x5f: {  	s1 =	simm.s32 @!p0 $0x3  }
0x60: {  	_ =	swait.ge @!p0 [sflag:s1], $0x2800  }
0x61: {  	[sflag:s1] =	ssyncset.done @!p0 $0x0  }
0x62: {  	[sflag:s1] =	ssyncadd.s32 @!p0 $0xFFFFD800  }
0x63: {  	s20 =	simm.s32 $0x0;
	s21 =	simm.s32 $0x0;
	[bflag:$0x0] =	sbarrier.arrive $0xFFFF  }
.LBB2_4:
0x64: {  	s1 =	smul.u32 $0x50, s21;
	_ =	sdelay $0x1  }
0x65: {  	s1 =	sadd.s32 s23, s1  }
0x66: {  	s1 =	sshrl.u32 s1, $0x3  }
0x67: {  	s3 =	sadd.s32 s13, s1  }
0x68: {  	[tilespmem:s4], [sflag:$0x3] =	stream.linear.gather [hbm4b:s3+s20], $0x50, $0x38;
	[tilespmem:$0x1E400] =	vst v63  }
0x69: {  	_ =	swait.ge [sflag:s29], $0x50  }
0x6a: {  	[sflag:s29] =	ssyncset.done $0x0  }
0x6b: {  	s1 =	sadd.s32 s14, s1;
	[sflag:s29] =	ssyncadd.s32 $0xFFFFFFB0  }
0x6c: {  	[tilespmem:s31], [sflag:$0x3] =	stream.linear.gather [hbm4b:s1+s20], $0x50, $0x38;
	[tilespmem:$0x1E400] =	vst v63  }
0x6d: {  	_ =	swait.ge [sflag:s29], $0x50  }
0x6e: {  	[sflag:s29] =	ssyncset.done $0x0  }
0x6f: {  	[sflag:s29] =	ssyncadd.s32 $0xFFFFFFB0  }
0x70: {  	s26 =	rddreg [dreg:$0x0]  }
0x71: {  	[tilespmem:s28], [sflag:$0x1] =	stream.indirect.gather [hbm4b:s26+s0], $0x80, s31, s0, $0xb8;
	[tilespmem:$0x1E400] =	vst v63  }
0x72: {  	v5 =	vld [tilespmem:$0x1E280];
	_ =	sdelay $0x4  }
0x73: {  	v6 =	vshll.u32 v5, $0x1  }
0x74: {  	v5 =	vand.u32 $0x7, v5;
	v6 =	vand.u32 $0xFFFFFFF0, v6  }
0x75: {  	v5 =	vor.u32 v5, v6  }
0x76: {  	v6 =	vperm.xlane v5, v2;
	_ =	sdelay $0x1  }
0x77: {  	v5 =	vperm.xlane v5, v4;
	v6 =	vadd.s32 v3, v6;
	_ =	sdelay $0x1  }
0x78: {  	v5 =	vadd.s32 v3, v5;
	_ =	sdelay $0x1  }
0x79: {  	s30 =	simm.s32 $0x16A80  }
0x7a: {  	[tilespmem:s30], [sflag:$0x2] =	stream.indirect_vreg.gather [hbm4b:s12+s20], $0x80, v6, vm0, $0xb8;
	[tilespmem:$0x1E400] =	vst v63  }
0x7b: {  	_ = 	snop  }
0x7c: {  	[tilespmem:s5], [sflag:$0x2] =	stream.indirect_vreg.gather [hbm4b:s12+s20], $0x80, v5, vm0, $0xb8;
	[tilespmem:$0x1E400] =	vst v63  }
0x7d: {  	v5 =	vld [tilespmem:$0x1E290];
	_ =	sdelay $0x4  }
0x7e: {  	v6 =	vshll.u32 v5, $0x1  }
0x7f: {  	v5 =	vand.u32 $0x7, v5;
	v6 =	vand.u32 $0xFFFFFFF0, v6  }
0x80: {  	v5 =	vor.u32 v5, v6  }
0x81: {  	v6 =	vperm.xlane v5, v2;
	_ =	sdelay $0x1  }
0x82: {  	v5 =	vperm.xlane v5, v4;
	v6 =	vadd.s32 v3, v6;
	_ =	sdelay $0x1  }
0x83: {  	v5 =	vadd.s32 v3, v5;
	_ =	sdelay $0x2  }
0x84: {  	[tilespmem:s6], [sflag:$0x2] =	stream.indirect_vreg.gather [hbm4b:s12+s20], $0x80, v6, vm0, $0xb8;
	[tilespmem:$0x1E400] =	vst v63  }
0x85: {  	_ = 	snop  }
0x86: {  	[tilespmem:s7], [sflag:$0x2] =	stream.indirect_vreg.gather [hbm4b:s12+s20], $0x80, v5, vm0, $0xb8;
	[tilespmem:$0x1E400] =	vst v63  }
0x87: {  	v5 =	vld [tilespmem:$0x1E2A0];
	_ =	sdelay $0x4  }
0x88: {  	v6 =	vshll.u32 v5, $0x1  }
0x89: {  	v5 =	vand.u32 $0x7, v5;
	v6 =	vand.u32 $0xFFFFFFF0, v6  }
0x8a: {  	v5 =	vor.u32 v5, v6  }
0x8b: {  	v6 =	vperm.xlane v5, v2;
	_ =	sdelay $0x1  }
0x8c: {  	v5 =	vperm.xlane v5, v4;
	v6 =	vadd.s32 v3, v6;
	_ =	sdelay $0x1  }
0x8d: {  	v5 =	vadd.s32 v3, v5;
	_ =	sdelay $0x2  }
0x8e: {  	[tilespmem:s8], [sflag:$0x2] =	stream.indirect_vreg.gather [hbm4b:s12+s20], $0x80, v6, vm0, $0xb8;
	[tilespmem:$0x1E400] =	vst v63  }
0x8f: {  	_ = 	snop  }
0x90: {  	[tilespmem:s9], [sflag:$0x2] =	stream.indirect_vreg.gather [hbm4b:s12+s20], $0x80, v5, vm0, $0xb8;
	[tilespmem:$0x1E400] =	vst v63  }
0x91: {  	v5 =	vld [tilespmem:$0x1E2B0];
	_ =	sdelay $0x4  }
0x92: {  	v6 =	vshll.u32 v5, $0x1  }
0x93: {  	v5 =	vand.u32 $0x7, v5;
	v6 =	vand.u32 $0xFFFFFFF0, v6  }
0x94: {  	v5 =	vor.u32 v5, v6  }
0x95: {  	v6 =	vperm.xlane v5, v2;
	_ =	sdelay $0x1  }
0x96: {  	v5 =	vperm.xlane v5, v4;
	v6 =	vadd.s32 v3, v6;
	_ =	sdelay $0x1  }
0x97: {  	v5 =	vadd.s32 v3, v5;
	_ =	sdelay $0x2  }
0x98: {  	[tilespmem:s10], [sflag:$0x2] =	stream.indirect_vreg.gather [hbm4b:s12+s20], $0x80, v6, vm0, $0xb8;
	[tilespmem:$0x1E400] =	vst v63  }
0x99: {  	_ = 	snop  }
0x9a: {  	[tilespmem:s11], [sflag:$0x2] =	stream.indirect_vreg.gather [hbm4b:s12+s20], $0x80, v5, vm0, $0xb8;
	[tilespmem:$0x1E400] =	vst v63  }
0x9b: {  	v5 =	vld [tilespmem:$0x1E2C0];
	_ =	sdelay $0x4  }
0x9c: {  	v6 =	vshll.u32 v5, $0x1  }
0x9d: {  	v5 =	vand.u32 $0x7, v5;
	v6 =	vand.u32 $0xFFFFFFF0, v6  }
0x9e: {  	v5 =	vor.u32 v5, v6  }
0x9f: {  	v6 =	vperm.xlane v5, v2;
	_ =	sdelay $0x1  }
0xa0: {  	v5 =	vperm.xlane v5, v4;
	v6 =	vadd.s32 v3, v6;
	_ =	sdelay $0x1  }
0xa1: {  	v5 =	vadd.s32 v3, v5;
	_ =	sdelay $0x2  }
0xa2: {  	[tilespmem:s24], [sflag:$0x2] =	stream.indirect_vreg.gather [hbm4b:s12+s20], $0x80, v6, vm0, $0xb8;
	[tilespmem:$0x1E400] =	vst v63  }
0xa3: {  	_ = 	snop  }
0xa4: {  	[tilespmem:s25], [sflag:$0x2] =	stream.indirect_vreg.gather [hbm4b:s12+s20], $0x80, v5, vm0, $0xb8;
	[tilespmem:$0x1E400] =	vst v63  }
0xa5: {  	v5 =	vld [tilespmem:$0x1E300]  }
0xa6: {  	v6 =	vld [tilespmem:$0x1E310]  }
0xa7: {  	v7 =	vld [tilespmem:$0x1E320]  }
0xa8: {  	v8 =	vld [tilespmem:$0x1E330]  }
0xa9: {  	v9 =	vld [tilespmem:$0x1E340]  }
0xaa: {  	v5 =	vshrl.u32 v5, $0x5  }
0xab: {  	v6 =	vshrl.u32 v6, $0x5;
	v5 =	vadd.s32 $0x2710, v5  }
0xac: {  	[tilespmem:$0x1E380] =	vst v5;
	v5 =	vadd.s32 $0x2710, v6;
	v6 =	vshrl.u32 v7, $0x5  }
0xad: {  	[tilespmem:$0x1E390] =	vst v5;
	v5 =	vadd.s32 $0x2710, v6;
	v6 =	vshrl.u32 v8, $0x5  }
0xae: {  	[tilespmem:$0x1E3A0] =	vst v5;
	v5 =	vadd.s32 $0x2710, v6;
	v6 =	vshrl.u32 v9, $0x5  }
0xaf: {  	[tilespmem:$0x1E3B0] =	vst v5;
	v5 =	vadd.s32 $0x2710, v6  }
0xb0: {  	s3 =	simm.s32 $0x200;
	s1 =	simm.s32 $0x0;
	[tilespmem:$0x1E3C0] =	vst v5  }
.LBB2_5:
0xb1: {  	p1 =	sne.s32 s3, $0x9E00;
	[tilespmem:s1+$0x1BAF0] =	vst v1  }
0xb2: {  	[tilespmem:s1+$0x1BA80] =	vst v1  }
0xb3: {  	[tilespmem:s1+$0x1BA90] =	vst v1  }
.Ltmp1:
0xb4: {  	[tilespmem:s1+$0x1BAA0] =	vst v1;
	(pc) =	sbr.rel @p1 .LBB2_5-.Ltmp1, $4  }
0xb5: {  	[tilespmem:s1+$0x1BAB0] =	vst v1  }
0xb6: {  	[tilespmem:s1+$0x1BAC0] =	vst v1  }
0xb7: {  	[tilespmem:s1+$0x1BAD0] =	vst v1  }
0xb8: {  	[tilespmem:s1+$0x1BAE0] =	vst v1;
	s1 =	sshra.s32 s3, $0x2;
	s3 =	sadd.s32 $0x200, s3  }
0xb9: {  	[tilespmem:s1+$0x1BAF0] =	vst v1  }
0xba: {  	[tilespmem:s1+$0x1BA80] =	vst v1  }
0xbb: {  	[tilespmem:s1+$0x1BA90] =	vst v1  }
0xbc: {  	[tilespmem:s1+$0x1BAA0] =	vst v1  }
0xbd: {  	[tilespmem:s1+$0x1BAB0] =	vst v1  }
0xbe: {  	[tilespmem:s1+$0x1BAC0] =	vst v1  }
0xbf: {  	[tilespmem:s1+$0x1BAD0] =	vst v1  }
0xc0: {  	[tilespmem:s1+$0x1BAE0] =	vst v1  }
0xc1: {  	_ =	swait.ge [sflag:s15], $0x2800  }
0xc2: {  	[sflag:s15] =	ssyncset.done $0x0  }
0xc3: {  	[sflag:s15] =	ssyncadd.s32 $0xFFFFD800  }
0xc4: {  	_ =	swait.ge [sflag:s16], $0x5000  }
0xc5: {  	[sflag:s16] =	ssyncset.done $0x0  }
0xc6: {  	s22 =	simm.s32 $0x0;
	[sflag:s16] =	ssyncadd.s32 $0xFFFFB000  }
.LBB2_7:
0xc7: {  	s3 =	sshll.u32 s22, $0xB  }
0xc8: {  	s1 =	sshll.u32 s22, $0xC;
	v5 =	vld [tilespmem:s3+$0x14280]  }
0xc9: {  	v6 =	vld [tilespmem:s3+$0x14290];
	s19 =	sand.u32 $0x3FFFF000, s1  }
0xca: {  	v7 =	vld [tilespmem:s19+$0x16A80]  }
0xcb: {  	v8 =	vld [tilespmem:s19+$0x16A90];
	_ =	sdelay $0x4  }
0xcc: {  	v5 =	vmul.f32 v7, v5;
	v6 =	vmul.f32 v8, v6;
	_ =	sdelay $0x1  }
0xcd: {  	v5 =	vadd.f32 v6, v5;
	_ =	sdelay $0x1  }
0xce: {  	(xrf2) =	vadd.scan.msk.f32 $0xffff, v5;
	_ =	sdelay $0x9  }
0xcf: {  	v5, _, _ =	vpop (xrf2)  }
0xd0: {  	v5 =	vmul.f32 $1.442695020e+00, v5;
	_ =	sdelay $0x1  }
0xd1: {  	v5 =	vbroadcast v5, $0xF;
	_ =	sdelay $0x1  }
0xd2: {  	(erf) = vpow2.f32 v5;
	_ =	sdelay $0x4  }
0xd3: {  	v5 =	vld [tilespmem:s19+$0x16E80]  }
0xd4: {  	v6 =	vld [tilespmem:s19+$0x16E90];
	_ =	sdelay $0x2  }
0xd5: {  	v7 =	vpop (erf)  }
0xd6: {  	s26 =	sshll.u32 s22, $0x4;
	v5 =	vmul.f32 v7, v5  }
0xd7: {  	v51 =	vld [tilespmem:s26+$0x1E300];
	v6 =	vmul.f32 v7, v6  }
0xd8: {  	[tilespmem:s3+$0x14280] =	vst v5;
	v5 =	vld [tilespmem:s3+$0x142A0]  }
0xd9: {  	[tilespmem:s3+$0x14290] =	vst v6;
	v6 =	vld [tilespmem:s3+$0x142B0]  }
0xda: {  	v9 =	vld [tilespmem:s19+$0x16AA0]  }
0xdb: {  	v10 =	vld [tilespmem:s19+$0x16AB0];
	_ =	sdelay $0x4  }
0xdc: {  	v5 =	vmul.f32 v9, v5;
	v6 =	vmul.f32 v10, v6;
	_ =	sdelay $0x1  }
0xdd: {  	v5 =	vadd.f32 v6, v5;
	_ =	sdelay $0x1  }
0xde: {  	(xrf2) =	vadd.scan.msk.f32 $0xffff, v5;
	_ =	sdelay $0x9  }
0xdf: {  	v5, _, _ =	vpop (xrf2)  }
0xe0: {  	v5 =	vmul.f32 $1.442695020e+00, v5;
	_ =	sdelay $0x1  }
0xe1: {  	v5 =	vbroadcast v5, $0xF;
	_ =	sdelay $0x1  }
0xe2: {  	(erf) = vpow2.f32 v5;
	_ =	sdelay $0x4  }
0xe3: {  	v5 =	vld [tilespmem:s19+$0x16EA0]  }
0xe4: {  	v6 =	vld [tilespmem:s19+$0x16EB0];
	_ =	sdelay $0x2  }
0xe5: {  	v52 =	vpop (erf)  }
0xe6: {  	v5 =	vmul.f32 v52, v5  }
0xe7: {  	v6 =	vmul.f32 v52, v6  }
0xe8: {  	[tilespmem:s3+$0x142A0] =	vst v5;
	v5 =	vld [tilespmem:s3+$0x142C0]  }
0xe9: {  	[tilespmem:s3+$0x142B0] =	vst v6;
	v6 =	vld [tilespmem:s3+$0x142D0]  }
0xea: {  	v53 =	vld [tilespmem:s19+$0x16AC0]  }
0xeb: {  	v11 =	vld [tilespmem:s19+$0x16AD0];
	_ =	sdelay $0x4  }
0xec: {  	v5 =	vmul.f32 v53, v5;
	v6 =	vmul.f32 v11, v6;
	_ =	sdelay $0x1  }
0xed: {  	v5 =	vadd.f32 v6, v5;
	_ =	sdelay $0x1  }
0xee: {  	(xrf2) =	vadd.scan.msk.f32 $0xffff, v5;
	_ =	sdelay $0x9  }
0xef: {  	v5, _, _ =	vpop (xrf2)  }
0xf0: {  	v5 =	vmul.f32 $1.442695020e+00, v5;
	_ =	sdelay $0x1  }
0xf1: {  	v5 =	vbroadcast v5, $0xF;
	_ =	sdelay $0x1  }
0xf2: {  	(erf) = vpow2.f32 v5;
	_ =	sdelay $0x4  }
0xf3: {  	v5 =	vld [tilespmem:s19+$0x16EC0]  }
0xf4: {  	v6 =	vld [tilespmem:s19+$0x16ED0];
	_ =	sdelay $0x2  }
0xf5: {  	v54 =	vpop (erf)  }
0xf6: {  	v5 =	vmul.f32 v54, v5  }
0xf7: {  	v6 =	vmul.f32 v54, v6  }
0xf8: {  	[tilespmem:s3+$0x142C0] =	vst v5;
	v5 =	vld [tilespmem:s3+$0x142E0]  }
0xf9: {  	[tilespmem:s3+$0x142D0] =	vst v6;
	v6 =	vld [tilespmem:s3+$0x142F0]  }
0xfa: {  	v55 =	vld [tilespmem:s19+$0x16AE0]  }
0xfb: {  	v12 =	vld [tilespmem:s19+$0x16AF0];
	_ =	sdelay $0x4  }
0xfc: {  	v5 =	vmul.f32 v55, v5;
	v6 =	vmul.f32 v12, v6;
	_ =	sdelay $0x1  }
0xfd: {  	v5 =	vadd.f32 v6, v5;
	_ =	sdelay $0x1  }
0xfe: {  	(xrf2) =	vadd.scan.msk.f32 $0xffff, v5;
	_ =	sdelay $0x3  }
0xff: {  	v5 =	vshll.u32 v51, $0x2  }
0x100: {  	(v2sf) =	vpush v5, $0x0;
	_ =	sdelay $0x4  }
0x101: {  	v6, _, _ =	vpop (xrf2)  }
0x102: {  	v6 =	vmul.f32 $1.442695020e+00, v6;
	_ =	sdelay $0x1  }
0x103: {  	v6 =	vbroadcast v6, $0xF;
	_ =	sdelay $0x1  }
0x104: {  	(erf) = vpow2.f32 v6;
	_ =	sdelay $0x4  }
0x105: {  	v6 =	vld [tilespmem:s19+$0x16EE0];
	s1 =	spop (v2sf)  }
0x106: {  	v56 =	vld [tilespmem:s19+$0x16EF0];
	s30 =	sand.u32 $0xC, s1  }
0x107: {  	v57 =	vmov s30  }
0x108: {  	vm1 =	veq.s32 v57, v0  }
0x109: {  	v58 =	vor.u32 $0x1, v57;
	v60 =	vor.u32 $0x2, v57;
	v61 =	vor.u32 $0x3, v57;
	v59 =	vpop (erf)  }
0x10a: {  	v7 =	vnsel vm1, $0x0, v7;
	vm1 =	veq.s32 v58, v0;
	v6 =	vmul.f32 v59, v6  }
0x10b: {  	v7 =	vsel vm1, v52, v7;
	vm1 =	veq.s32 v60, v0;
	v8 =	vmul.f32 v59, v56  }
0x10c: {  	s1 =	sand.u32 $0x70, s1;
	v7 =	vsel vm1, v54, v7;
	vm1 =	veq.s32 v61, v0;
	[tilespmem:s3+$0x142E0] =	vst v6  }
0x10d: {  	s1 =	sor.u32 s1, s3;
	[tilespmem:s3+$0x142F0] =	vst v8;
	v6 =	vsel vm1, v59, v7  }
0x10e: {  	[tilespmem:s1+$0x1BA80] =	vst v6  }
0x10f: {  	v6 =	vld [tilespmem:s3+$0x14300]  }
0x110: {  	v7 =	vld [tilespmem:s3+$0x14310]  }
0x111: {  	v8 =	vld [tilespmem:s19+$0x16B00]  }
0x112: {  	v62 =	vld [tilespmem:s19+$0x16B10];
	_ =	sdelay $0x4  }
0x113: {  	v6 =	vmul.f32 v8, v6;
	v7 =	vmul.f32 v62, v7;
	_ =	sdelay $0x1  }
0x114: {  	v6 =	vadd.f32 v7, v6;
	_ =	sdelay $0x1  }
0x115: {  	(xrf2) =	vadd.scan.msk.f32 $0xffff, v6;
	_ =	sdelay $0x9  }
0x116: {  	v6, _, _ =	vpop (xrf2)  }
0x117: {  	v6 =	vmul.f32 $1.442695020e+00, v6;
	_ =	sdelay $0x1  }
0x118: {  	v6 =	vbroadcast v6, $0xF;
	_ =	sdelay $0x1  }
0x119: {  	(erf) = vpow2.f32 v6;
	_ =	sdelay $0x4  }
0x11a: {  	v6 =	vld [tilespmem:s19+$0x16F00]  }
0x11b: {  	v7 =	vld [tilespmem:s19+$0x16F10];
	_ =	sdelay $0x2  }
0x11c: {  	v63 =	vpop (erf)  }
0x11d: {  	v6 =	vmul.f32 v63, v6  }
0x11e: {  	v7 =	vmul.f32 v63, v7  }
0x11f: {  	[tilespmem:s3+$0x14300] =	vst v6;
	v6 =	vld [tilespmem:s3+$0x14320]  }
0x120: {  	[tilespmem:s3+$0x14310] =	vst v7;
	v7 =	vld [tilespmem:s3+$0x14330]  }
0x121: {  	v16 =	vld [tilespmem:s19+$0x16B20]  }
0x122: {  	v17 =	vld [tilespmem:s19+$0x16B30];
	_ =	sdelay $0x4  }
0x123: {  	v6 =	vmul.f32 v16, v6;
	v7 =	vmul.f32 v17, v7;
	_ =	sdelay $0x1  }
0x124: {  	v6 =	vadd.f32 v7, v6;
	_ =	sdelay $0x1  }
0x125: {  	(xrf2) =	vadd.scan.msk.f32 $0xffff, v6;
	_ =	sdelay $0x9  }
0x126: {  	v6, _, _ =	vpop (xrf2)  }
0x127: {  	v6 =	vmul.f32 $1.442695020e+00, v6;
	_ =	sdelay $0x1  }
0x128: {  	v6 =	vbroadcast v6, $0xF;
	_ =	sdelay $0x1  }
0x129: {  	(erf) = vpow2.f32 v6;
	_ =	sdelay $0x4  }
0x12a: {  	v6 =	vld [tilespmem:s19+$0x16F20]  }
0x12b: {  	v7 =	vld [tilespmem:s19+$0x16F30];
	_ =	sdelay $0x2  }
0x12c: {  	v18 =	vpop (erf)  }
0x12d: {  	v6 =	vmul.f32 v18, v6  }
0x12e: {  	v7 =	vmul.f32 v18, v7  }
0x12f: {  	[tilespmem:s3+$0x14320] =	vst v6;
	v6 =	vld [tilespmem:s3+$0x14340]  }
0x130: {  	[tilespmem:s3+$0x14330] =	vst v7;
	v7 =	vld [tilespmem:s3+$0x14350]  }
0x131: {  	v19 =	vld [tilespmem:s19+$0x16B40]  }
0x132: {  	v20 =	vld [tilespmem:s19+$0x16B50];
	_ =	sdelay $0x4  }
0x133: {  	v6 =	vmul.f32 v19, v6;
	v7 =	vmul.f32 v20, v7;
	_ =	sdelay $0x1  }
0x134: {  	v6 =	vadd.f32 v7, v6;
	_ =	sdelay $0x1  }
0x135: {  	(xrf2) =	vadd.scan.msk.f32 $0xffff, v6;
	_ =	sdelay $0x9  }
0x136: {  	v6, _, _ =	vpop (xrf2)  }
0x137: {  	v6 =	vmul.f32 $1.442695020e+00, v6;
	_ =	sdelay $0x1  }
0x138: {  	v6 =	vbroadcast v6, $0xF;
	_ =	sdelay $0x1  }
0x139: {  	(erf) = vpow2.f32 v6;
	_ =	sdelay $0x4  }
0x13a: {  	v6 =	vld [tilespmem:s19+$0x16F40]  }
0x13b: {  	v7 =	vld [tilespmem:s19+$0x16F50];
	_ =	sdelay $0x2  }
0x13c: {  	v21 =	vpop (erf)  }
0x13d: {  	v6 =	vmul.f32 v21, v6  }
0x13e: {  	v7 =	vmul.f32 v21, v7  }
0x13f: {  	[tilespmem:s3+$0x14340] =	vst v6;
	v6 =	vld [tilespmem:s3+$0x14360]  }
0x140: {  	[tilespmem:s3+$0x14350] =	vst v7;
	v7 =	vld [tilespmem:s3+$0x14370]  }
0x141: {  	v22 =	vld [tilespmem:s19+$0x16B60]  }
0x142: {  	v23 =	vld [tilespmem:s19+$0x16B70];
	_ =	sdelay $0x4  }
0x143: {  	v6 =	vmul.f32 v22, v6;
	v7 =	vmul.f32 v23, v7;
	_ =	sdelay $0x1  }
0x144: {  	v6 =	vadd.f32 v7, v6;
	_ =	sdelay $0x1  }
0x145: {  	(xrf2) =	vadd.scan.msk.f32 $0xffff, v6;
	_ =	sdelay $0x4  }
0x146: {  	(v2sf) =	vpush v5, $0x1;
	_ =	sdelay $0x4  }
0x147: {  	v6, _, _ =	vpop (xrf2)  }
0x148: {  	v6 =	vmul.f32 $1.442695020e+00, v6;
	_ =	sdelay $0x1  }
0x149: {  	v6 =	vbroadcast v6, $0xF;
	_ =	sdelay $0x1  }
0x14a: {  	(erf) = vpow2.f32 v6;
	_ =	sdelay $0x4  }
0x14b: {  	s1 =	spop (v2sf);
	v6 =	vld [tilespmem:s19+$0x16F60]  }
0x14c: {  	s30 =	sand.u32 $0xC, s1;
	v7 =	vld [tilespmem:s19+$0x16F70]  }
0x14d: {  	v24 =	vmov s30  }
0x14e: {  	vm1 =	veq.s32 v24, v0  }
0x14f: {  	v25 =	vor.u32 $0x1, v24;
	v27 =	vor.u32 $0x2, v24;
	v28 =	vor.u32 $0x3, v24;
	v26 =	vpop (erf)  }
0x150: {  	v8 =	vnsel vm1, $0x0, v63;
	vm1 =	veq.s32 v25, v0;
	v6 =	vmul.f32 v26, v6  }
0x151: {  	v8 =	vsel vm1, v18, v8;
	vm1 =	veq.s32 v27, v0;
	v7 =	vmul.f32 v26, v7  }
0x152: {  	s1 =	sand.u32 $0x70, s1;
	v8 =	vsel vm1, v21, v8;
	vm1 =	veq.s32 v28, v0;
	[tilespmem:s3+$0x14360] =	vst v6  }
0x153: {  	s1 =	sor.u32 s1, s3;
	[tilespmem:s3+$0x14370] =	vst v7;
	v6 =	vsel vm1, v26, v8  }
0x154: {  	[tilespmem:s1+$0x1BB00] =	vst v6  }
0x155: {  	v6 =	vld [tilespmem:s3+$0x14380]  }
0x156: {  	v7 =	vld [tilespmem:s3+$0x14390]  }
0x157: {  	v29 =	vld [tilespmem:s19+$0x16B80]  }
0x158: {  	v30 =	vld [tilespmem:s19+$0x16B90];
	_ =	sdelay $0x4  }
0x159: {  	v6 =	vmul.f32 v29, v6;
	v7 =	vmul.f32 v30, v7;
	_ =	sdelay $0x1  }
0x15a: {  	v6 =	vadd.f32 v7, v6;
	_ =	sdelay $0x1  }
0x15b: {  	(xrf2) =	vadd.scan.msk.f32 $0xffff, v6;
	_ =	sdelay $0x9  }
0x15c: {  	v6, _, _ =	vpop (xrf2)  }
0x15d: {  	v6 =	vmul.f32 $1.442695020e+00, v6;
	_ =	sdelay $0x1  }
0x15e: {  	v6 =	vbroadcast v6, $0xF;
	_ =	sdelay $0x1  }
0x15f: {  	(erf) = vpow2.f32 v6;
	_ =	sdelay $0x4  }
0x160: {  	v6 =	vld [tilespmem:s19+$0x16F80]  }
0x161: {  	v7 =	vld [tilespmem:s19+$0x16F90];
	_ =	sdelay $0x2  }
0x162: {  	v31 =	vpop (erf)  }
0x163: {  	v6 =	vmul.f32 v31, v6  }
0x164: {  	v7 =	vmul.f32 v31, v7  }
0x165: {  	[tilespmem:s3+$0x14380] =	vst v6;
	v6 =	vld [tilespmem:s3+$0x143A0]  }
0x166: {  	[tilespmem:s3+$0x14390] =	vst v7;
	v7 =	vld [tilespmem:s3+$0x143B0]  }
0x167: {  	v32 =	vld [tilespmem:s19+$0x16BA0]  }
0x168: {  	v33 =	vld [tilespmem:s19+$0x16BB0];
	_ =	sdelay $0x4  }
0x169: {  	v6 =	vmul.f32 v32, v6;
	v7 =	vmul.f32 v33, v7;
	_ =	sdelay $0x1  }
0x16a: {  	v6 =	vadd.f32 v7, v6;
	_ =	sdelay $0x1  }
0x16b: {  	(xrf2) =	vadd.scan.msk.f32 $0xffff, v6;
	_ =	sdelay $0x9  }
0x16c: {  	v6, _, _ =	vpop (xrf2)  }
0x16d: {  	v6 =	vmul.f32 $1.442695020e+00, v6;
	_ =	sdelay $0x1  }
0x16e: {  	v6 =	vbroadcast v6, $0xF;
	_ =	sdelay $0x1  }
0x16f: {  	(erf) = vpow2.f32 v6;
	_ =	sdelay $0x4  }
0x170: {  	v6 =	vld [tilespmem:s19+$0x16FA0]  }
0x171: {  	v7 =	vld [tilespmem:s19+$0x16FB0];
	_ =	sdelay $0x2  }
0x172: {  	v34 =	vpop (erf)  }
0x173: {  	v6 =	vmul.f32 v34, v6  }
0x174: {  	v7 =	vmul.f32 v34, v7  }
0x175: {  	[tilespmem:s3+$0x143A0] =	vst v6;
	v6 =	vld [tilespmem:s3+$0x143C0]  }
0x176: {  	[tilespmem:s3+$0x143B0] =	vst v7;
	v7 =	vld [tilespmem:s3+$0x143D0]  }
0x177: {  	v35 =	vld [tilespmem:s19+$0x16BC0]  }
0x178: {  	v36 =	vld [tilespmem:s19+$0x16BD0];
	_ =	sdelay $0x4  }
0x179: {  	v6 =	vmul.f32 v35, v6;
	v7 =	vmul.f32 v36, v7;
	_ =	sdelay $0x1  }
0x17a: {  	v6 =	vadd.f32 v7, v6;
	_ =	sdelay $0x1  }
0x17b: {  	(xrf2) =	vadd.scan.msk.f32 $0xffff, v6;
	_ =	sdelay $0x9  }
0x17c: {  	v6, _, _ =	vpop (xrf2)  }
0x17d: {  	v6 =	vmul.f32 $1.442695020e+00, v6;
	_ =	sdelay $0x1  }
0x17e: {  	v6 =	vbroadcast v6, $0xF;
	_ =	sdelay $0x1  }
0x17f: {  	(erf) = vpow2.f32 v6;
	_ =	sdelay $0x4  }
0x180: {  	v6 =	vld [tilespmem:s19+$0x16FC0]  }
0x181: {  	v7 =	vld [tilespmem:s19+$0x16FD0];
	_ =	sdelay $0x2  }
0x182: {  	v37 =	vpop (erf)  }
0x183: {  	v6 =	vmul.f32 v37, v6  }
0x184: {  	v7 =	vmul.f32 v37, v7  }
0x185: {  	[tilespmem:s3+$0x143C0] =	vst v6;
	v6 =	vld [tilespmem:s3+$0x143E0]  }
0x186: {  	[tilespmem:s3+$0x143D0] =	vst v7;
	v7 =	vld [tilespmem:s3+$0x143F0]  }
0x187: {  	v38 =	vld [tilespmem:s19+$0x16BE0]  }
0x188: {  	v39 =	vld [tilespmem:s19+$0x16BF0];
	_ =	sdelay $0x4  }
0x189: {  	v6 =	vmul.f32 v38, v6;
	v7 =	vmul.f32 v39, v7;
	_ =	sdelay $0x1  }
0x18a: {  	v6 =	vadd.f32 v7, v6;
	_ =	sdelay $0x1  }
0x18b: {  	(xrf2) =	vadd.scan.msk.f32 $0xffff, v6;
	_ =	sdelay $0x4  }
0x18c: {  	(v2sf) =	vpush v5, $0x2;
	_ =	sdelay $0x4  }
0x18d: {  	v6, _, _ =	vpop (xrf2)  }
0x18e: {  	v6 =	vmul.f32 $1.442695020e+00, v6;
	_ =	sdelay $0x1  }
0x18f: {  	v6 =	vbroadcast v6, $0xF;
	_ =	sdelay $0x1  }
0x190: {  	(erf) = vpow2.f32 v6;
	_ =	sdelay $0x4  }
0x191: {  	s1 =	spop (v2sf);
	v6 =	vld [tilespmem:s19+$0x16FE0]  }
0x192: {  	s30 =	sand.u32 $0xC, s1;
	v7 =	vld [tilespmem:s19+$0x16FF0]  }
0x193: {  	v40 =	vmov s30  }
0x194: {  	vm1 =	veq.s32 v40, v0  }
0x195: {  	v41 =	vor.u32 $0x1, v40;
	v43 =	vor.u32 $0x2, v40;
	v44 =	vor.u32 $0x3, v40;
	v42 =	vpop (erf)  }
0x196: {  	v8 =	vnsel vm1, $0x0, v31;
	vm1 =	veq.s32 v41, v0;
	v6 =	vmul.f32 v42, v6  }
0x197: {  	v8 =	vsel vm1, v34, v8;
	vm1 =	veq.s32 v43, v0;
	v7 =	vmul.f32 v42, v7  }
0x198: {  	s1 =	sand.u32 $0x70, s1;
	v8 =	vsel vm1, v37, v8;
	vm1 =	veq.s32 v44, v0;
	[tilespmem:s3+$0x143E0] =	vst v6  }
0x199: {  	s1 =	sor.u32 s1, s3;
	[tilespmem:s3+$0x143F0] =	vst v7;
	v6 =	vsel vm1, v42, v8  }
0x19a: {  	[tilespmem:s1+$0x1BB80] =	vst v6  }
0x19b: {  	v6 =	vld [tilespmem:s3+$0x14400]  }
0x19c: {  	v7 =	vld [tilespmem:s3+$0x14410]  }
0x19d: {  	v45 =	vld [tilespmem:s19+$0x16C00]  }
0x19e: {  	v46 =	vld [tilespmem:s19+$0x16C10];
	_ =	sdelay $0x4  }
0x19f: {  	v6 =	vmul.f32 v45, v6;
	v7 =	vmul.f32 v46, v7;
	_ =	sdelay $0x1  }
0x1a0: {  	v6 =	vadd.f32 v7, v6;
	_ =	sdelay $0x1  }
0x1a1: {  	(xrf2) =	vadd.scan.msk.f32 $0xffff, v6;
	_ =	sdelay $0x9  }
0x1a2: {  	v6, _, _ =	vpop (xrf2)  }
0x1a3: {  	v6 =	vmul.f32 $1.442695020e+00, v6;
	_ =	sdelay $0x1  }
0x1a4: {  	v6 =	vbroadcast v6, $0xF;
	_ =	sdelay $0x1  }
0x1a5: {  	(erf) = vpow2.f32 v6;
	_ =	sdelay $0x4  }
0x1a6: {  	v6 =	vld [tilespmem:s19+$0x17000]  }
0x1a7: {  	v7 =	vld [tilespmem:s19+$0x17010];
	_ =	sdelay $0x2  }
0x1a8: {  	v47 =	vpop (erf)  }
0x1a9: {  	v6 =	vmul.f32 v47, v6  }
0x1aa: {  	v7 =	vmul.f32 v47, v7  }
0x1ab: {  	[tilespmem:s3+$0x14400] =	vst v6;
	v6 =	vld [tilespmem:s3+$0x14420]  }
0x1ac: {  	[tilespmem:s3+$0x14410] =	vst v7;
	v7 =	vld [tilespmem:s3+$0x14430]  }
0x1ad: {  	v48 =	vld [tilespmem:s19+$0x16C20]  }
0x1ae: {  	v49 =	vld [tilespmem:s19+$0x16C30];
	_ =	sdelay $0x4  }
0x1af: {  	v6 =	vmul.f32 v48, v6;
	v7 =	vmul.f32 v49, v7;
	_ =	sdelay $0x1  }
0x1b0: {  	v6 =	vadd.f32 v7, v6;
	_ =	sdelay $0x1  }
0x1b1: {  	(xrf2) =	vadd.scan.msk.f32 $0xffff, v6;
	_ =	sdelay $0x9  }
0x1b2: {  	v6, _, _ =	vpop (xrf2)  }
0x1b3: {  	v6 =	vmul.f32 $1.442695020e+00, v6;
	_ =	sdelay $0x1  }
0x1b4: {  	v6 =	vbroadcast v6, $0xF;
	_ =	sdelay $0x1  }
0x1b5: {  	(erf) = vpow2.f32 v6;
	_ =	sdelay $0x4  }
0x1b6: {  	v6 =	vld [tilespmem:s19+$0x17020]  }
0x1b7: {  	v7 =	vld [tilespmem:s19+$0x17030];
	_ =	sdelay $0x2  }
0x1b8: {  	v50 =	vpop (erf)  }
0x1b9: {  	v6 =	vmul.f32 v50, v6  }
0x1ba: {  	v7 =	vmul.f32 v50, v7  }
0x1bb: {  	[tilespmem:s3+$0x14420] =	vst v6;
	v6 =	vld [tilespmem:s3+$0x14440]  }
0x1bc: {  	[tilespmem:s3+$0x14430] =	vst v7;
	v7 =	vld [tilespmem:s3+$0x14450]  }
0x1bd: {  	v51 =	vld [tilespmem:s19+$0x16C40]  }
0x1be: {  	v52 =	vld [tilespmem:s19+$0x16C50];
	_ =	sdelay $0x4  }
0x1bf: {  	v6 =	vmul.f32 v51, v6;
	v7 =	vmul.f32 v52, v7;
	_ =	sdelay $0x1  }
0x1c0: {  	v6 =	vadd.f32 v7, v6;
	_ =	sdelay $0x1  }
0x1c1: {  	(xrf2) =	vadd.scan.msk.f32 $0xffff, v6;
	_ =	sdelay $0x9  }
0x1c2: {  	v6, _, _ =	vpop (xrf2)  }
0x1c3: {  	v6 =	vmul.f32 $1.442695020e+00, v6;
	_ =	sdelay $0x1  }
0x1c4: {  	v6 =	vbroadcast v6, $0xF;
	_ =	sdelay $0x1  }
0x1c5: {  	(erf) = vpow2.f32 v6;
	_ =	sdelay $0x4  }
0x1c6: {  	v6 =	vld [tilespmem:s19+$0x17040]  }
0x1c7: {  	v7 =	vld [tilespmem:s19+$0x17050];
	_ =	sdelay $0x2  }
0x1c8: {  	v53 =	vpop (erf)  }
0x1c9: {  	v6 =	vmul.f32 v53, v6  }
0x1ca: {  	v7 =	vmul.f32 v53, v7  }
0x1cb: {  	[tilespmem:s3+$0x14440] =	vst v6;
	v6 =	vld [tilespmem:s3+$0x14460]  }
0x1cc: {  	[tilespmem:s3+$0x14450] =	vst v7;
	v7 =	vld [tilespmem:s3+$0x14470]  }
0x1cd: {  	v54 =	vld [tilespmem:s19+$0x16C60]  }
0x1ce: {  	v55 =	vld [tilespmem:s19+$0x16C70];
	_ =	sdelay $0x4  }
0x1cf: {  	v6 =	vmul.f32 v54, v6;
	v7 =	vmul.f32 v55, v7;
	_ =	sdelay $0x1  }
0x1d0: {  	v6 =	vadd.f32 v7, v6;
	_ =	sdelay $0x1  }
0x1d1: {  	(xrf2) =	vadd.scan.msk.f32 $0xffff, v6;
	_ =	sdelay $0x4  }
0x1d2: {  	(v2sf) =	vpush v5, $0x3;
	_ =	sdelay $0x4  }
0x1d3: {  	v6, _, _ =	vpop (xrf2)  }
0x1d4: {  	v6 =	vmul.f32 $1.442695020e+00, v6;
	_ =	sdelay $0x1  }
0x1d5: {  	v6 =	vbroadcast v6, $0xF;
	_ =	sdelay $0x1  }
0x1d6: {  	(erf) = vpow2.f32 v6;
	_ =	sdelay $0x4  }
0x1d7: {  	s1 =	spop (v2sf);
	v6 =	vld [tilespmem:s19+$0x17060]  }
0x1d8: {  	s30 =	sand.u32 $0xC, s1;
	v7 =	vld [tilespmem:s19+$0x17070]  }
0x1d9: {  	v56 =	vmov s30  }
0x1da: {  	vm1 =	veq.s32 v56, v0  }
0x1db: {  	v57 =	vor.u32 $0x1, v56;
	v59 =	vor.u32 $0x2, v56;
	v60 =	vor.u32 $0x3, v56;
	v58 =	vpop (erf)  }
0x1dc: {  	v8 =	vnsel vm1, $0x0, v47;
	vm1 =	veq.s32 v57, v0;
	v6 =	vmul.f32 v58, v6  }
0x1dd: {  	v8 =	vsel vm1, v50, v8;
	vm1 =	veq.s32 v59, v0;
	v7 =	vmul.f32 v58, v7  }
0x1de: {  	s1 =	sand.u32 $0x70, s1;
	v8 =	vsel vm1, v53, v8;
	vm1 =	veq.s32 v60, v0;
	[tilespmem:s3+$0x14460] =	vst v6  }
0x1df: {  	s1 =	sor.u32 s1, s3;
	[tilespmem:s3+$0x14470] =	vst v7;
	v6 =	vsel vm1, v58, v8  }
0x1e0: {  	[tilespmem:s1+$0x1BC00] =	vst v6  }
0x1e1: {  	v6 =	vld [tilespmem:s3+$0x14480]  }
0x1e2: {  	v7 =	vld [tilespmem:s3+$0x14490]  }
0x1e3: {  	v61 =	vld [tilespmem:s19+$0x16C80]  }
0x1e4: {  	v62 =	vld [tilespmem:s19+$0x16C90];
	_ =	sdelay $0x4  }
0x1e5: {  	v6 =	vmul.f32 v61, v6;
	v7 =	vmul.f32 v62, v7;
	_ =	sdelay $0x1  }
0x1e6: {  	v6 =	vadd.f32 v7, v6;
	_ =	sdelay $0x1  }
0x1e7: {  	(xrf2) =	vadd.scan.msk.f32 $0xffff, v6;
	_ =	sdelay $0x9  }
0x1e8: {  	v6, _, _ =	vpop (xrf2)  }
0x1e9: {  	v6 =	vmul.f32 $1.442695020e+00, v6;
	_ =	sdelay $0x1  }
0x1ea: {  	v6 =	vbroadcast v6, $0xF;
	_ =	sdelay $0x1  }
0x1eb: {  	(erf) = vpow2.f32 v6;
	_ =	sdelay $0x4  }
0x1ec: {  	v6 =	vld [tilespmem:s19+$0x17080]  }
0x1ed: {  	v7 =	vld [tilespmem:s19+$0x17090];
	_ =	sdelay $0x2  }
0x1ee: {  	v63 =	vpop (erf)  }
0x1ef: {  	v6 =	vmul.f32 v63, v6  }
0x1f0: {  	v7 =	vmul.f32 v63, v7  }
0x1f1: {  	[tilespmem:s3+$0x14480] =	vst v6;
	v6 =	vld [tilespmem:s3+$0x144A0]  }
0x1f2: {  	[tilespmem:s3+$0x14490] =	vst v7;
	v7 =	vld [tilespmem:s3+$0x144B0]  }
0x1f3: {  	v16 =	vld [tilespmem:s19+$0x16CA0]  }
0x1f4: {  	v17 =	vld [tilespmem:s19+$0x16CB0];
	_ =	sdelay $0x4  }
0x1f5: {  	v6 =	vmul.f32 v16, v6;
	v7 =	vmul.f32 v17, v7;
	_ =	sdelay $0x1  }
0x1f6: {  	v6 =	vadd.f32 v7, v6;
	_ =	sdelay $0x1  }
0x1f7: {  	(xrf2) =	vadd.scan.msk.f32 $0xffff, v6;
	_ =	sdelay $0x9  }
0x1f8: {  	v6, _, _ =	vpop (xrf2)  }
0x1f9: {  	v6 =	vmul.f32 $1.442695020e+00, v6;
	_ =	sdelay $0x1  }
0x1fa: {  	v6 =	vbroadcast v6, $0xF;
	_ =	sdelay $0x1  }
0x1fb: {  	(erf) = vpow2.f32 v6;
	_ =	sdelay $0x4  }
0x1fc: {  	v6 =	vld [tilespmem:s19+$0x170A0]  }
0x1fd: {  	v7 =	vld [tilespmem:s19+$0x170B0];
	_ =	sdelay $0x2  }
0x1fe: {  	v18 =	vpop (erf)  }
0x1ff: {  	v6 =	vmul.f32 v18, v6  }
0x200: {  	v7 =	vmul.f32 v18, v7  }
0x201: {  	[tilespmem:s3+$0x144A0] =	vst v6;
	v6 =	vld [tilespmem:s3+$0x144C0]  }
0x202: {  	[tilespmem:s3+$0x144B0] =	vst v7;
	v7 =	vld [tilespmem:s3+$0x144D0]  }
0x203: {  	v19 =	vld [tilespmem:s19+$0x16CC0]  }
0x204: {  	v20 =	vld [tilespmem:s19+$0x16CD0];
	_ =	sdelay $0x4  }
0x205: {  	v6 =	vmul.f32 v19, v6;
	v7 =	vmul.f32 v20, v7;
	_ =	sdelay $0x1  }
0x206: {  	v6 =	vadd.f32 v7, v6;
	_ =	sdelay $0x1  }
0x207: {  	(xrf2) =	vadd.scan.msk.f32 $0xffff, v6;
	_ =	sdelay $0x9  }
0x208: {  	v6, _, _ =	vpop (xrf2)  }
0x209: {  	v6 =	vmul.f32 $1.442695020e+00, v6;
	_ =	sdelay $0x1  }
0x20a: {  	v6 =	vbroadcast v6, $0xF;
	_ =	sdelay $0x1  }
0x20b: {  	(erf) = vpow2.f32 v6;
	_ =	sdelay $0x4  }
0x20c: {  	v6 =	vld [tilespmem:s19+$0x170C0]  }
0x20d: {  	v7 =	vld [tilespmem:s19+$0x170D0];
	_ =	sdelay $0x2  }
0x20e: {  	v21 =	vpop (erf)  }
0x20f: {  	v6 =	vmul.f32 v21, v6  }
0x210: {  	v7 =	vmul.f32 v21, v7  }
0x211: {  	[tilespmem:s3+$0x144C0] =	vst v6;
	v6 =	vld [tilespmem:s3+$0x144E0]  }
0x212: {  	[tilespmem:s3+$0x144D0] =	vst v7;
	v7 =	vld [tilespmem:s3+$0x144F0]  }
0x213: {  	v22 =	vld [tilespmem:s19+$0x16CE0]  }
0x214: {  	v23 =	vld [tilespmem:s19+$0x16CF0];
	_ =	sdelay $0x4  }
0x215: {  	v6 =	vmul.f32 v22, v6;
	v7 =	vmul.f32 v23, v7;
	_ =	sdelay $0x1  }
0x216: {  	v6 =	vadd.f32 v7, v6;
	_ =	sdelay $0x1  }
0x217: {  	(xrf2) =	vadd.scan.msk.f32 $0xffff, v6;
	_ =	sdelay $0x4  }
0x218: {  	(v2sf) =	vpush v5, $0x4;
	_ =	sdelay $0x4  }
0x219: {  	v6, _, _ =	vpop (xrf2)  }
0x21a: {  	v6 =	vmul.f32 $1.442695020e+00, v6;
	_ =	sdelay $0x1  }
0x21b: {  	v6 =	vbroadcast v6, $0xF;
	_ =	sdelay $0x1  }
0x21c: {  	(erf) = vpow2.f32 v6;
	_ =	sdelay $0x4  }
0x21d: {  	s1 =	spop (v2sf);
	v6 =	vld [tilespmem:s19+$0x170E0]  }
0x21e: {  	s30 =	sand.u32 $0xC, s1;
	v7 =	vld [tilespmem:s19+$0x170F0]  }
0x21f: {  	v24 =	vmov s30  }
0x220: {  	vm1 =	veq.s32 v24, v0  }
0x221: {  	v25 =	vor.u32 $0x1, v24;
	v27 =	vor.u32 $0x2, v24;
	v28 =	vor.u32 $0x3, v24;
	v26 =	vpop (erf)  }
0x222: {  	v8 =	vnsel vm1, $0x0, v63;
	vm1 =	veq.s32 v25, v0;
	v6 =	vmul.f32 v26, v6  }
0x223: {  	v8 =	vsel vm1, v18, v8;
	vm1 =	veq.s32 v27, v0;
	v7 =	vmul.f32 v26, v7  }
0x224: {  	s1 =	sand.u32 $0x70, s1;
	v8 =	vsel vm1, v21, v8;
	vm1 =	veq.s32 v28, v0;
	[tilespmem:s3+$0x144E0] =	vst v6  }
0x225: {  	s1 =	sor.u32 s1, s3;
	[tilespmem:s3+$0x144F0] =	vst v7;
	v6 =	vsel vm1, v26, v8  }
0x226: {  	[tilespmem:s1+$0x1BC80] =	vst v6  }
0x227: {  	v6 =	vld [tilespmem:s3+$0x14500]  }
0x228: {  	v7 =	vld [tilespmem:s3+$0x14510]  }
0x229: {  	v29 =	vld [tilespmem:s19+$0x16D00]  }
0x22a: {  	v30 =	vld [tilespmem:s19+$0x16D10];
	_ =	sdelay $0x4  }
0x22b: {  	v6 =	vmul.f32 v29, v6;
	v7 =	vmul.f32 v30, v7;
	_ =	sdelay $0x1  }
0x22c: {  	v6 =	vadd.f32 v7, v6;
	_ =	sdelay $0x1  }
0x22d: {  	(xrf2) =	vadd.scan.msk.f32 $0xffff, v6;
	_ =	sdelay $0x9  }
0x22e: {  	v6, _, _ =	vpop (xrf2)  }
0x22f: {  	v6 =	vmul.f32 $1.442695020e+00, v6;
	_ =	sdelay $0x1  }
0x230: {  	v6 =	vbroadcast v6, $0xF;
	_ =	sdelay $0x1  }
0x231: {  	(erf) = vpow2.f32 v6;
	_ =	sdelay $0x4  }
0x232: {  	v6 =	vld [tilespmem:s19+$0x17100]  }
0x233: {  	v7 =	vld [tilespmem:s19+$0x17110];
	_ =	sdelay $0x2  }
0x234: {  	v31 =	vpop (erf)  }
0x235: {  	v6 =	vmul.f32 v31, v6  }
0x236: {  	v7 =	vmul.f32 v31, v7  }
0x237: {  	[tilespmem:s3+$0x14500] =	vst v6;
	v6 =	vld [tilespmem:s3+$0x14520]  }
0x238: {  	[tilespmem:s3+$0x14510] =	vst v7;
	v7 =	vld [tilespmem:s3+$0x14530]  }
0x239: {  	v32 =	vld [tilespmem:s19+$0x16D20]  }
0x23a: {  	v33 =	vld [tilespmem:s19+$0x16D30];
	_ =	sdelay $0x4  }
0x23b: {  	v6 =	vmul.f32 v32, v6;
	v7 =	vmul.f32 v33, v7;
	_ =	sdelay $0x1  }
0x23c: {  	v6 =	vadd.f32 v7, v6;
	_ =	sdelay $0x1  }
0x23d: {  	(xrf2) =	vadd.scan.msk.f32 $0xffff, v6;
	_ =	sdelay $0x9  }
0x23e: {  	v6, _, _ =	vpop (xrf2)  }
0x23f: {  	v6 =	vmul.f32 $1.442695020e+00, v6;
	_ =	sdelay $0x1  }
0x240: {  	v6 =	vbroadcast v6, $0xF;
	_ =	sdelay $0x1  }
0x241: {  	(erf) = vpow2.f32 v6;
	_ =	sdelay $0x4  }
0x242: {  	v6 =	vld [tilespmem:s19+$0x17120]  }
0x243: {  	v7 =	vld [tilespmem:s19+$0x17130];
	_ =	sdelay $0x2  }
0x244: {  	v34 =	vpop (erf)  }
0x245: {  	v6 =	vmul.f32 v34, v6  }
0x246: {  	v7 =	vmul.f32 v34, v7  }
0x247: {  	[tilespmem:s3+$0x14520] =	vst v6;
	v6 =	vld [tilespmem:s3+$0x14540]  }
0x248: {  	[tilespmem:s3+$0x14530] =	vst v7;
	v7 =	vld [tilespmem:s3+$0x14550]  }
0x249: {  	v35 =	vld [tilespmem:s19+$0x16D40]  }
0x24a: {  	v36 =	vld [tilespmem:s19+$0x16D50];
	_ =	sdelay $0x4  }
0x24b: {  	v6 =	vmul.f32 v35, v6;
	v7 =	vmul.f32 v36, v7;
	_ =	sdelay $0x1  }
0x24c: {  	v6 =	vadd.f32 v7, v6;
	_ =	sdelay $0x1  }
0x24d: {  	(xrf2) =	vadd.scan.msk.f32 $0xffff, v6;
	_ =	sdelay $0x9  }
0x24e: {  	v6, _, _ =	vpop (xrf2)  }
0x24f: {  	v6 =	vmul.f32 $1.442695020e+00, v6;
	_ =	sdelay $0x1  }
0x250: {  	v6 =	vbroadcast v6, $0xF;
	_ =	sdelay $0x1  }
0x251: {  	(erf) = vpow2.f32 v6;
	_ =	sdelay $0x4  }
0x252: {  	v6 =	vld [tilespmem:s19+$0x17140]  }
0x253: {  	v7 =	vld [tilespmem:s19+$0x17150];
	_ =	sdelay $0x2  }
0x254: {  	v37 =	vpop (erf)  }
0x255: {  	v6 =	vmul.f32 v37, v6  }
0x256: {  	v7 =	vmul.f32 v37, v7  }
0x257: {  	[tilespmem:s3+$0x14540] =	vst v6;
	v6 =	vld [tilespmem:s3+$0x14560]  }
0x258: {  	[tilespmem:s3+$0x14550] =	vst v7;
	v7 =	vld [tilespmem:s3+$0x14570]  }
0x259: {  	v38 =	vld [tilespmem:s19+$0x16D60]  }
0x25a: {  	v39 =	vld [tilespmem:s19+$0x16D70];
	_ =	sdelay $0x4  }
0x25b: {  	v6 =	vmul.f32 v38, v6;
	v7 =	vmul.f32 v39, v7;
	_ =	sdelay $0x1  }
0x25c: {  	v6 =	vadd.f32 v7, v6;
	_ =	sdelay $0x1  }
0x25d: {  	(xrf2) =	vadd.scan.msk.f32 $0xffff, v6;
	_ =	sdelay $0x4  }
0x25e: {  	(v2sf) =	vpush v5, $0x5;
	_ =	sdelay $0x4  }
0x25f: {  	v6, _, _ =	vpop (xrf2)  }
0x260: {  	v6 =	vmul.f32 $1.442695020e+00, v6;
	_ =	sdelay $0x1  }
0x261: {  	v6 =	vbroadcast v6, $0xF;
	_ =	sdelay $0x1  }
0x262: {  	(erf) = vpow2.f32 v6;
	_ =	sdelay $0x4  }
0x263: {  	s1 =	spop (v2sf);
	v6 =	vld [tilespmem:s19+$0x17160]  }
0x264: {  	s30 =	sand.u32 $0xC, s1;
	v7 =	vld [tilespmem:s19+$0x17170]  }
0x265: {  	v40 =	vmov s30  }
0x266: {  	vm1 =	veq.s32 v40, v0  }
0x267: {  	v41 =	vor.u32 $0x1, v40;
	v43 =	vor.u32 $0x2, v40;
	v44 =	vor.u32 $0x3, v40;
	v42 =	vpop (erf)  }
0x268: {  	v8 =	vnsel vm1, $0x0, v31;
	vm1 =	veq.s32 v41, v0;
	v6 =	vmul.f32 v42, v6  }
0x269: {  	v8 =	vsel vm1, v34, v8;
	vm1 =	veq.s32 v43, v0;
	v7 =	vmul.f32 v42, v7  }
0x26a: {  	s1 =	sand.u32 $0x70, s1;
	v8 =	vsel vm1, v37, v8;
	vm1 =	veq.s32 v44, v0;
	[tilespmem:s3+$0x14560] =	vst v6  }
0x26b: {  	s1 =	sor.u32 s1, s3;
	[tilespmem:s3+$0x14570] =	vst v7;
	v6 =	vsel vm1, v42, v8  }
0x26c: {  	[tilespmem:s1+$0x1BD00] =	vst v6  }
0x26d: {  	v6 =	vld [tilespmem:s3+$0x14580]  }
0x26e: {  	v7 =	vld [tilespmem:s3+$0x14590]  }
0x26f: {  	v45 =	vld [tilespmem:s19+$0x16D80]  }
0x270: {  	v46 =	vld [tilespmem:s19+$0x16D90];
	_ =	sdelay $0x4  }
0x271: {  	v6 =	vmul.f32 v45, v6;
	v7 =	vmul.f32 v46, v7;
	_ =	sdelay $0x1  }
0x272: {  	v6 =	vadd.f32 v7, v6;
	_ =	sdelay $0x1  }
0x273: {  	(xrf2) =	vadd.scan.msk.f32 $0xffff, v6;
	_ =	sdelay $0x8  }
0x274: {  	(v2sf) =	vpush v5, $0x6  }
0x275: {  	v6, _, _ =	vpop (xrf2)  }
0x276: {  	v6 =	vmul.f32 $1.442695020e+00, v6;
	_ =	sdelay $0x1  }
0x277: {  	v6 =	vbroadcast v6, $0xF;
	_ =	sdelay $0x1  }
0x278: {  	(erf) = vpow2.f32 v6;
	_ =	sdelay $0x8  }
0x279: {  	s1 =	spop (v2sf);
	v6 =	vpop (erf)  }
0x27a: {  	v7 =	vld [tilespmem:s19+$0x17180]  }
0x27b: {  	v47 =	vld [tilespmem:s19+$0x17190];
	_ =	sdelay $0x3  }
0x27c: {  	v7 =	vmul.f32 v6, v7  }
0x27d: {  	v8 =	vmul.f32 v6, v47  }
0x27e: {  	v48 =	vld [tilespmem:s3+$0x145B0];
	[tilespmem:s3+$0x14580] =	vst v7  }
0x27f: {  	v7 =	vld [tilespmem:s3+$0x145A0];
	[tilespmem:s3+$0x14590] =	vst v8  }
0x280: {  	v49 =	vld [tilespmem:s19+$0x16DA0]  }
0x281: {  	v50 =	vld [tilespmem:s19+$0x16DB0];
	_ =	sdelay $0x4  }
0x282: {  	v7 =	vmul.f32 v49, v7;
	v8 =	vmul.f32 v50, v48;
	_ =	sdelay $0x1  }
0x283: {  	v7 =	vadd.f32 v8, v7;
	_ =	sdelay $0x1  }
0x284: {  	(xrf2) =	vadd.scan.msk.f32 $0xffff, v7;
	_ =	sdelay $0x9  }
0x285: {  	v7, _, _ =	vpop (xrf2)  }
0x286: {  	v7 =	vmul.f32 $1.442695020e+00, v7;
	_ =	sdelay $0x1  }
0x287: {  	v7 =	vbroadcast v7, $0xF;
	_ =	sdelay $0x1  }
0x288: {  	(erf) = vpow2.f32 v7;
	_ =	sdelay $0x4  }
0x289: {  	v7 =	vld [tilespmem:s19+$0x171A0]  }
0x28a: {  	v51 =	vld [tilespmem:s19+$0x171B0];
	_ =	sdelay $0x2  }
0x28b: {  	v52 =	vpop (erf)  }
0x28c: {  	v7 =	vmul.f32 v52, v7  }
0x28d: {  	v8 =	vmul.f32 v52, v51  }
0x28e: {  	v53 =	vld [tilespmem:s3+$0x145D0];
	[tilespmem:s3+$0x145A0] =	vst v7  }
0x28f: {  	v7 =	vld [tilespmem:s3+$0x145C0];
	[tilespmem:s3+$0x145B0] =	vst v8  }
0x290: {  	v54 =	vld [tilespmem:s19+$0x16DC0]  }
0x291: {  	v55 =	vld [tilespmem:s19+$0x16DD0];
	_ =	sdelay $0x4  }
0x292: {  	v7 =	vmul.f32 v54, v7;
	v8 =	vmul.f32 v55, v53;
	_ =	sdelay $0x1  }
0x293: {  	v7 =	vadd.f32 v8, v7;
	_ =	sdelay $0x1  }
0x294: {  	(xrf2) =	vadd.scan.msk.f32 $0xffff, v7;
	_ =	sdelay $0x9  }
0x295: {  	v7, _, _ =	vpop (xrf2)  }
0x296: {  	v7 =	vmul.f32 $1.442695020e+00, v7;
	_ =	sdelay $0x1  }
0x297: {  	v7 =	vbroadcast v7, $0xF;
	_ =	sdelay $0x1  }
0x298: {  	(erf) = vpow2.f32 v7;
	_ =	sdelay $0x4  }
0x299: {  	v7 =	vld [tilespmem:s19+$0x171C0]  }
0x29a: {  	v56 =	vld [tilespmem:s19+$0x171D0];
	_ =	sdelay $0x2  }
0x29b: {  	v57 =	vpop (erf)  }
0x29c: {  	v7 =	vmul.f32 v57, v7  }
0x29d: {  	v8 =	vmul.f32 v57, v56  }
0x29e: {  	v58 =	vld [tilespmem:s3+$0x145F0];
	[tilespmem:s3+$0x145C0] =	vst v7  }
0x29f: {  	v7 =	vld [tilespmem:s3+$0x145E0];
	[tilespmem:s3+$0x145D0] =	vst v8  }
0x2a0: {  	v59 =	vld [tilespmem:s19+$0x16DE0]  }
0x2a1: {  	v60 =	vld [tilespmem:s19+$0x16DF0];
	_ =	sdelay $0x4  }
0x2a2: {  	v7 =	vmul.f32 v59, v7;
	v8 =	vmul.f32 v60, v58;
	_ =	sdelay $0x1  }
0x2a3: {  	v7 =	vadd.f32 v8, v7;
	_ =	sdelay $0x1  }
0x2a4: {  	(xrf2) =	vadd.scan.msk.f32 $0xffff, v7;
	_ =	sdelay $0x9  }
0x2a5: {  	v7, _, _ =	vpop (xrf2)  }
0x2a6: {  	v7 =	vmul.f32 $1.442695020e+00, v7;
	_ =	sdelay $0x1  }
0x2a7: {  	v7 =	vbroadcast v7, $0xF;
	_ =	sdelay $0x1  }
0x2a8: {  	(erf) = vpow2.f32 v7;
	_ =	sdelay $0x4  }
0x2a9: {  	v7 =	vld [tilespmem:s19+$0x171E0]  }
0x2aa: {  	s30 =	sand.u32 $0xC, s1;
	v61 =	vld [tilespmem:s19+$0x171F0]  }
0x2ab: {  	v62 =	vmov s30  }
0x2ac: {  	vm1 =	veq.s32 v62, v0  }
0x2ad: {  	v63 =	vor.u32 $0x1, v62;
	v17 =	vor.u32 $0x2, v62;
	v18 =	vor.u32 $0x3, v62;
	v16 =	vpop (erf)  }
0x2ae: {  	v6 =	vnsel vm1, $0x0, v6;
	vm1 =	veq.s32 v63, v0;
	v7 =	vmul.f32 v16, v7  }
0x2af: {  	v6 =	vsel vm1, v52, v6;
	vm1 =	veq.s32 v17, v0;
	v8 =	vmul.f32 v16, v61  }
0x2b0: {  	s1 =	sand.u32 $0x70, s1;
	v6 =	vsel vm1, v57, v6;
	vm1 =	veq.s32 v18, v0;
	[tilespmem:s3+$0x145E0] =	vst v7  }
0x2b1: {  	s1 =	sor.u32 s1, s3;
	v6 =	vsel vm1, v16, v6;
	[tilespmem:s3+$0x145F0] =	vst v8  }
0x2b2: {  	[tilespmem:s1+$0x1BD80] =	vst v6  }
0x2b3: {  	v6 =	vld [tilespmem:s3+$0x14600]  }
0x2b4: {  	v7 =	vld [tilespmem:s3+$0x14610]  }
0x2b5: {  	v8 =	vld [tilespmem:s19+$0x16E00]  }
0x2b6: {  	v19 =	vld [tilespmem:s19+$0x16E10];
	_ =	sdelay $0x4  }
0x2b7: {  	v6 =	vmul.f32 v8, v6;
	v7 =	vmul.f32 v19, v7;
	_ =	sdelay $0x1  }
0x2b8: {  	v6 =	vadd.f32 v7, v6;
	_ =	sdelay $0x1  }
0x2b9: {  	(xrf2) =	vadd.scan.msk.f32 $0xffff, v6;
	_ =	sdelay $0x9  }
0x2ba: {  	v6, _, _ =	vpop (xrf2)  }
0x2bb: {  	v6 =	vmul.f32 $1.442695020e+00, v6;
	_ =	sdelay $0x1  }
0x2bc: {  	v6 =	vbroadcast v6, $0xF;
	_ =	sdelay $0x1  }
0x2bd: {  	(erf) = vpow2.f32 v6;
	_ =	sdelay $0x4  }
0x2be: {  	v6 =	vld [tilespmem:s19+$0x17200]  }
0x2bf: {  	v7 =	vld [tilespmem:s19+$0x17210];
	_ =	sdelay $0x2  }
0x2c0: {  	v20 =	vpop (erf)  }
0x2c1: {  	v6 =	vmul.f32 v20, v6  }
0x2c2: {  	v7 =	vmul.f32 v20, v7  }
0x2c3: {  	[tilespmem:s3+$0x14600] =	vst v6;
	v6 =	vld [tilespmem:s3+$0x14620]  }
0x2c4: {  	[tilespmem:s3+$0x14610] =	vst v7;
	v7 =	vld [tilespmem:s3+$0x14630]  }
0x2c5: {  	v21 =	vld [tilespmem:s19+$0x16E20]  }
0x2c6: {  	v22 =	vld [tilespmem:s19+$0x16E30];
	_ =	sdelay $0x4  }
0x2c7: {  	v6 =	vmul.f32 v21, v6;
	v7 =	vmul.f32 v22, v7;
	_ =	sdelay $0x1  }
0x2c8: {  	v6 =	vadd.f32 v7, v6;
	_ =	sdelay $0x1  }
0x2c9: {  	(xrf2) =	vadd.scan.msk.f32 $0xffff, v6;
	_ =	sdelay $0x9  }
0x2ca: {  	v6, _, _ =	vpop (xrf2)  }
0x2cb: {  	v6 =	vmul.f32 $1.442695020e+00, v6;
	_ =	sdelay $0x1  }
0x2cc: {  	v6 =	vbroadcast v6, $0xF;
	_ =	sdelay $0x1  }
0x2cd: {  	(erf) = vpow2.f32 v6;
	_ =	sdelay $0x4  }
0x2ce: {  	v6 =	vld [tilespmem:s19+$0x17220]  }
0x2cf: {  	v7 =	vld [tilespmem:s19+$0x17230];
	_ =	sdelay $0x2  }
0x2d0: {  	v23 =	vpop (erf)  }
0x2d1: {  	v6 =	vmul.f32 v23, v6  }
0x2d2: {  	v7 =	vmul.f32 v23, v7  }
0x2d3: {  	[tilespmem:s3+$0x14620] =	vst v6;
	v6 =	vld [tilespmem:s3+$0x14640]  }
0x2d4: {  	[tilespmem:s3+$0x14630] =	vst v7;
	v7 =	vld [tilespmem:s3+$0x14650]  }
0x2d5: {  	v24 =	vld [tilespmem:s19+$0x16E40]  }
0x2d6: {  	v25 =	vld [tilespmem:s19+$0x16E50];
	_ =	sdelay $0x4  }
0x2d7: {  	v6 =	vmul.f32 v24, v6;
	v7 =	vmul.f32 v25, v7;
	_ =	sdelay $0x1  }
0x2d8: {  	v6 =	vadd.f32 v7, v6;
	_ =	sdelay $0x1  }
0x2d9: {  	(xrf2) =	vadd.scan.msk.f32 $0xffff, v6;
	_ =	sdelay $0x9  }
0x2da: {  	v6, _, _ =	vpop (xrf2)  }
0x2db: {  	v6 =	vmul.f32 $1.442695020e+00, v6;
	_ =	sdelay $0x1  }
0x2dc: {  	v6 =	vbroadcast v6, $0xF;
	_ =	sdelay $0x1  }
0x2dd: {  	(erf) = vpow2.f32 v6;
	_ =	sdelay $0x4  }
0x2de: {  	v6 =	vld [tilespmem:s19+$0x17240]  }
0x2df: {  	v7 =	vld [tilespmem:s19+$0x17250];
	_ =	sdelay $0x2  }
0x2e0: {  	v26 =	vpop (erf)  }
0x2e1: {  	v6 =	vmul.f32 v26, v6  }
0x2e2: {  	v7 =	vmul.f32 v26, v7  }
0x2e3: {  	[tilespmem:s3+$0x14640] =	vst v6;
	v6 =	vld [tilespmem:s3+$0x14660]  }
0x2e4: {  	[tilespmem:s3+$0x14650] =	vst v7;
	v7 =	vld [tilespmem:s3+$0x14670]  }
0x2e5: {  	v27 =	vld [tilespmem:s19+$0x16E60]  }
0x2e6: {  	v28 =	vld [tilespmem:s19+$0x16E70];
	_ =	sdelay $0x4  }
0x2e7: {  	v6 =	vmul.f32 v27, v6;
	v7 =	vmul.f32 v28, v7;
	_ =	sdelay $0x1  }
0x2e8: {  	v6 =	vadd.f32 v7, v6;
	_ =	sdelay $0x1  }
0x2e9: {  	(xrf2) =	vadd.scan.msk.f32 $0xffff, v6;
	_ =	sdelay $0x4  }
0x2ea: {  	(v2sf) =	vpush v5, $0x7;
	_ =	sdelay $0x4  }
0x2eb: {  	v6, _, _ =	vpop (xrf2)  }
0x2ec: {  	v6 =	vmul.f32 $1.442695020e+00, v6;
	_ =	sdelay $0x1  }
0x2ed: {  	v6 =	vbroadcast v6, $0xF;
	_ =	sdelay $0x1  }
0x2ee: {  	(erf) = vpow2.f32 v6;
	_ =	sdelay $0x4  }
0x2ef: {  	s1 =	spop (v2sf);
	v6 =	vld [tilespmem:s19+$0x17260]  }
0x2f0: {  	s30 =	sand.u32 $0xC, s1;
	v7 =	vld [tilespmem:s19+$0x17270]  }
0x2f1: {  	v29 =	vmov s30  }
0x2f2: {  	vm1 =	veq.s32 v29, v0  }
0x2f3: {  	v30 =	vor.u32 $0x1, v29;
	v32 =	vor.u32 $0x2, v29;
	v33 =	vor.u32 $0x3, v29;
	v31 =	vpop (erf)  }
0x2f4: {  	v8 =	vnsel vm1, $0x0, v20;
	vm1 =	veq.s32 v30, v0;
	v6 =	vmul.f32 v31, v6  }
0x2f5: {  	v8 =	vsel vm1, v23, v8;
	vm1 =	veq.s32 v32, v0;
	v7 =	vmul.f32 v31, v7  }
0x2f6: {  	s1 =	sand.u32 $0x70, s1;
	v8 =	vsel vm1, v26, v8;
	vm1 =	veq.s32 v33, v0;
	[tilespmem:s3+$0x14660] =	vst v6  }
0x2f7: {  	s1 =	sor.u32 s1, s3;
	s30 =	sor.u32 $0x8, s26;
	[tilespmem:s3+$0x14670] =	vst v7;
	v6 =	vsel vm1, v31, v8  }
0x2f8: {  	s3 =	sshll.u32 s30, $0x7;
	[tilespmem:s1+$0x1BE00] =	vst v6  }
0x2f9: {  	s30 =	sshll.u32 s30, $0x8;
	v6 =	vld [tilespmem:s3+$0x14280]  }
0x2fa: {  	s1 =	sand.u32 $0x3FFFF800, s30;
	v7 =	vld [tilespmem:s3+$0x14290]  }
0x2fb: {  	v34 =	vld [tilespmem:s1+$0x16A80]  }
0x2fc: {  	v35 =	vld [tilespmem:s1+$0x16A90];
	_ =	sdelay $0x4  }
0x2fd: {  	v6 =	vmul.f32 v34, v6;
	v7 =	vmul.f32 v35, v7;
	_ =	sdelay $0x1  }
0x2fe: {  	v6 =	vadd.f32 v7, v6;
	_ =	sdelay $0x1  }
0x2ff: {  	(xrf2) =	vadd.scan.msk.f32 $0xffff, v6;
	_ =	sdelay $0x9  }
0x300: {  	v6, _, _ =	vpop (xrf2)  }
0x301: {  	v6 =	vmul.f32 $1.442695020e+00, v6;
	_ =	sdelay $0x1  }
0x302: {  	v6 =	vbroadcast v6, $0xF;
	_ =	sdelay $0x1  }
0x303: {  	(erf) = vpow2.f32 v6;
	_ =	sdelay $0x4  }
0x304: {  	v6 =	vld [tilespmem:s1+$0x16E80]  }
0x305: {  	v7 =	vld [tilespmem:s1+$0x16E90];
	_ =	sdelay $0x2  }
0x306: {  	v36 =	vpop (erf)  }
0x307: {  	v6 =	vmul.f32 v36, v6  }
0x308: {  	v7 =	vmul.f32 v36, v7  }
0x309: {  	[tilespmem:s3+$0x14280] =	vst v6;
	v6 =	vld [tilespmem:s3+$0x142A0]  }
0x30a: {  	[tilespmem:s3+$0x14290] =	vst v7;
	v7 =	vld [tilespmem:s3+$0x142B0]  }
0x30b: {  	v37 =	vld [tilespmem:s1+$0x16AA0]  }
0x30c: {  	v38 =	vld [tilespmem:s1+$0x16AB0];
	_ =	sdelay $0x4  }
0x30d: {  	v6 =	vmul.f32 v37, v6;
	v7 =	vmul.f32 v38, v7;
	_ =	sdelay $0x1  }
0x30e: {  	v6 =	vadd.f32 v7, v6;
	_ =	sdelay $0x1  }
0x30f: {  	(xrf2) =	vadd.scan.msk.f32 $0xffff, v6;
	_ =	sdelay $0x9  }
0x310: {  	v6, _, _ =	vpop (xrf2)  }
0x311: {  	v6 =	vmul.f32 $1.442695020e+00, v6;
	_ =	sdelay $0x1  }
0x312: {  	v6 =	vbroadcast v6, $0xF;
	_ =	sdelay $0x1  }
0x313: {  	(erf) = vpow2.f32 v6;
	_ =	sdelay $0x4  }
0x314: {  	v6 =	vld [tilespmem:s1+$0x16EA0]  }
0x315: {  	v7 =	vld [tilespmem:s1+$0x16EB0];
	_ =	sdelay $0x2  }
0x316: {  	v39 =	vpop (erf)  }
0x317: {  	v6 =	vmul.f32 v39, v6  }
0x318: {  	v7 =	vmul.f32 v39, v7  }
0x319: {  	[tilespmem:s3+$0x142A0] =	vst v6;
	v6 =	vld [tilespmem:s3+$0x142C0]  }
0x31a: {  	[tilespmem:s3+$0x142B0] =	vst v7;
	v7 =	vld [tilespmem:s3+$0x142D0]  }
0x31b: {  	v40 =	vld [tilespmem:s1+$0x16AC0]  }
0x31c: {  	v41 =	vld [tilespmem:s1+$0x16AD0];
	_ =	sdelay $0x4  }
0x31d: {  	v6 =	vmul.f32 v40, v6;
	v7 =	vmul.f32 v41, v7;
	_ =	sdelay $0x1  }
0x31e: {  	v6 =	vadd.f32 v7, v6;
	_ =	sdelay $0x1  }
0x31f: {  	(xrf2) =	vadd.scan.msk.f32 $0xffff, v6;
	_ =	sdelay $0x9  }
0x320: {  	v6, _, _ =	vpop (xrf2)  }
0x321: {  	v6 =	vmul.f32 $1.442695020e+00, v6;
	_ =	sdelay $0x1  }
0x322: {  	v6 =	vbroadcast v6, $0xF;
	_ =	sdelay $0x1  }
0x323: {  	(erf) = vpow2.f32 v6;
	_ =	sdelay $0x4  }
0x324: {  	v6 =	vld [tilespmem:s1+$0x16EC0]  }
0x325: {  	v7 =	vld [tilespmem:s1+$0x16ED0];
	_ =	sdelay $0x2  }
0x326: {  	v42 =	vpop (erf)  }
0x327: {  	v6 =	vmul.f32 v42, v6  }
0x328: {  	v7 =	vmul.f32 v42, v7  }
0x329: {  	[tilespmem:s3+$0x142C0] =	vst v6;
	v6 =	vld [tilespmem:s3+$0x142E0]  }
0x32a: {  	[tilespmem:s3+$0x142D0] =	vst v7;
	v7 =	vld [tilespmem:s3+$0x142F0]  }
0x32b: {  	v43 =	vld [tilespmem:s1+$0x16AE0]  }
0x32c: {  	v44 =	vld [tilespmem:s1+$0x16AF0];
	_ =	sdelay $0x4  }
0x32d: {  	v6 =	vmul.f32 v43, v6;
	v7 =	vmul.f32 v44, v7;
	_ =	sdelay $0x1  }
0x32e: {  	v6 =	vadd.f32 v7, v6;
	_ =	sdelay $0x1  }
0x32f: {  	(xrf2) =	vadd.scan.msk.f32 $0xffff, v6;
	_ =	sdelay $0x4  }
0x330: {  	(v2sf) =	vpush v5, $0x8;
	_ =	sdelay $0x4  }
0x331: {  	v6, _, _ =	vpop (xrf2)  }
0x332: {  	v6 =	vmul.f32 $1.442695020e+00, v6;
	_ =	sdelay $0x1  }
0x333: {  	v6 =	vbroadcast v6, $0xF;
	_ =	sdelay $0x1  }
0x334: {  	(erf) = vpow2.f32 v6;
	_ =	sdelay $0x4  }
0x335: {  	s19 =	spop (v2sf);
	v6 =	vld [tilespmem:s1+$0x16EE0]  }
0x336: {  	s30 =	sand.u32 $0xC, s19;
	v7 =	vld [tilespmem:s1+$0x16EF0]  }
0x337: {  	v45 =	vmov s30  }
0x338: {  	vm1 =	veq.s32 v45, v0  }
0x339: {  	v46 =	vor.u32 $0x1, v45;
	v48 =	vor.u32 $0x2, v45;
	v49 =	vor.u32 $0x3, v45;
	v47 =	vpop (erf)  }
0x33a: {  	v8 =	vnsel vm1, $0x0, v36;
	vm1 =	veq.s32 v46, v0;
	v6 =	vmul.f32 v47, v6  }
0x33b: {  	v8 =	vsel vm1, v39, v8;
	vm1 =	veq.s32 v48, v0;
	v7 =	vmul.f32 v47, v7  }
0x33c: {  	s19 =	sand.u32 $0x70, s19;
	v8 =	vsel vm1, v42, v8;
	vm1 =	veq.s32 v49, v0;
	[tilespmem:s3+$0x142E0] =	vst v6  }
0x33d: {  	s30 =	sor.u32 $0x9, s26;
	s1 =	sor.u32 s19, s3;
	[tilespmem:s3+$0x142F0] =	vst v7;
	v6 =	vsel vm1, v47, v8  }
0x33e: {  	s3 =	sshll.u32 s30, $0x7;
	[tilespmem:s1+$0x1BA80] =	vst v6  }
0x33f: {  	s30 =	sshll.u32 s30, $0x8;
	v6 =	vld [tilespmem:s3+$0x14280]  }
0x340: {  	s1 =	sand.u32 $0x7800, s30;
	v7 =	vld [tilespmem:s3+$0x14290]  }
0x341: {  	v50 =	vld [tilespmem:s1+$0x16B00]  }
0x342: {  	v51 =	vld [tilespmem:s1+$0x16B10];
	_ =	sdelay $0x4  }
0x343: {  	v6 =	vmul.f32 v50, v6;
	v7 =	vmul.f32 v51, v7;
	_ =	sdelay $0x1  }
0x344: {  	v6 =	vadd.f32 v7, v6;
	_ =	sdelay $0x1  }
0x345: {  	(xrf2) =	vadd.scan.msk.f32 $0xffff, v6;
	_ =	sdelay $0x9  }
0x346: {  	v6, _, _ =	vpop (xrf2)  }
0x347: {  	v6 =	vmul.f32 $1.442695020e+00, v6;
	_ =	sdelay $0x1  }
0x348: {  	v6 =	vbroadcast v6, $0xF;
	_ =	sdelay $0x1  }
0x349: {  	(erf) = vpow2.f32 v6;
	_ =	sdelay $0x4  }
0x34a: {  	v6 =	vld [tilespmem:s1+$0x16F00]  }
0x34b: {  	v7 =	vld [tilespmem:s1+$0x16F10];
	_ =	sdelay $0x2  }
0x34c: {  	v52 =	vpop (erf)  }
0x34d: {  	v6 =	vmul.f32 v52, v6  }
0x34e: {  	v7 =	vmul.f32 v52, v7  }
0x34f: {  	[tilespmem:s3+$0x14280] =	vst v6;
	v6 =	vld [tilespmem:s3+$0x142A0]  }
0x350: {  	[tilespmem:s3+$0x14290] =	vst v7;
	v7 =	vld [tilespmem:s3+$0x142B0]  }
0x351: {  	v53 =	vld [tilespmem:s1+$0x16B20]  }
0x352: {  	v54 =	vld [tilespmem:s1+$0x16B30];
	_ =	sdelay $0x4  }
0x353: {  	v6 =	vmul.f32 v53, v6;
	v7 =	vmul.f32 v54, v7;
	_ =	sdelay $0x1  }
0x354: {  	v6 =	vadd.f32 v7, v6;
	_ =	sdelay $0x1  }
0x355: {  	(xrf2) =	vadd.scan.msk.f32 $0xffff, v6;
	_ =	sdelay $0x9  }
0x356: {  	v6, _, _ =	vpop (xrf2)  }
0x357: {  	v6 =	vmul.f32 $1.442695020e+00, v6;
	_ =	sdelay $0x1  }
0x358: {  	v6 =	vbroadcast v6, $0xF;
	_ =	sdelay $0x1  }
0x359: {  	(erf) = vpow2.f32 v6;
	_ =	sdelay $0x4  }
0x35a: {  	v6 =	vld [tilespmem:s1+$0x16F20]  }
0x35b: {  	v7 =	vld [tilespmem:s1+$0x16F30];
	_ =	sdelay $0x2  }
0x35c: {  	v55 =	vpop (erf)  }
0x35d: {  	v6 =	vmul.f32 v55, v6  }
0x35e: {  	v7 =	vmul.f32 v55, v7  }
0x35f: {  	[tilespmem:s3+$0x142A0] =	vst v6;
	v6 =	vld [tilespmem:s3+$0x142C0]  }
0x360: {  	[tilespmem:s3+$0x142B0] =	vst v7;
	v7 =	vld [tilespmem:s3+$0x142D0]  }
0x361: {  	v56 =	vld [tilespmem:s1+$0x16B40]  }
0x362: {  	v57 =	vld [tilespmem:s1+$0x16B50];
	_ =	sdelay $0x4  }
0x363: {  	v6 =	vmul.f32 v56, v6;
	v7 =	vmul.f32 v57, v7;
	_ =	sdelay $0x1  }
0x364: {  	v6 =	vadd.f32 v7, v6;
	_ =	sdelay $0x1  }
0x365: {  	(xrf2) =	vadd.scan.msk.f32 $0xffff, v6;
	_ =	sdelay $0x9  }
0x366: {  	v6, _, _ =	vpop (xrf2)  }
0x367: {  	v6 =	vmul.f32 $1.442695020e+00, v6;
	_ =	sdelay $0x1  }
0x368: {  	v6 =	vbroadcast v6, $0xF;
	_ =	sdelay $0x1  }
0x369: {  	(erf) = vpow2.f32 v6;
	_ =	sdelay $0x4  }
0x36a: {  	v6 =	vld [tilespmem:s1+$0x16F40]  }
0x36b: {  	v7 =	vld [tilespmem:s1+$0x16F50];
	_ =	sdelay $0x2  }
0x36c: {  	v58 =	vpop (erf)  }
0x36d: {  	v6 =	vmul.f32 v58, v6  }
0x36e: {  	v7 =	vmul.f32 v58, v7  }
0x36f: {  	[tilespmem:s3+$0x142C0] =	vst v6;
	v6 =	vld [tilespmem:s3+$0x142E0]  }
0x370: {  	[tilespmem:s3+$0x142D0] =	vst v7;
	v7 =	vld [tilespmem:s3+$0x142F0]  }
0x371: {  	v59 =	vld [tilespmem:s1+$0x16B60]  }
0x372: {  	v60 =	vld [tilespmem:s1+$0x16B70];
	_ =	sdelay $0x4  }
0x373: {  	v6 =	vmul.f32 v59, v6;
	v7 =	vmul.f32 v60, v7;
	_ =	sdelay $0x1  }
0x374: {  	v6 =	vadd.f32 v7, v6;
	_ =	sdelay $0x1  }
0x375: {  	(xrf2) =	vadd.scan.msk.f32 $0xffff, v6;
	_ =	sdelay $0x4  }
0x376: {  	(v2sf) =	vpush v5, $0x9;
	_ =	sdelay $0x4  }
0x377: {  	v6, _, _ =	vpop (xrf2)  }
0x378: {  	v6 =	vmul.f32 $1.442695020e+00, v6;
	_ =	sdelay $0x1  }
0x379: {  	v6 =	vbroadcast v6, $0xF;
	_ =	sdelay $0x1  }
0x37a: {  	(erf) = vpow2.f32 v6;
	_ =	sdelay $0x4  }
0x37b: {  	s19 =	spop (v2sf);
	v6 =	vld [tilespmem:s1+$0x16F60]  }
0x37c: {  	s30 =	sand.u32 $0xC, s19;
	v7 =	vld [tilespmem:s1+$0x16F70]  }
0x37d: {  	v61 =	vmov s30  }
0x37e: {  	vm1 =	veq.s32 v61, v0  }
0x37f: {  	v62 =	vor.u32 $0x1, v61;
	v16 =	vor.u32 $0x2, v61;
	v17 =	vor.u32 $0x3, v61;
	v63 =	vpop (erf)  }
0x380: {  	v8 =	vnsel vm1, $0x0, v52;
	vm1 =	veq.s32 v62, v0;
	v6 =	vmul.f32 v63, v6  }
0x381: {  	v8 =	vsel vm1, v55, v8;
	vm1 =	veq.s32 v16, v0;
	v7 =	vmul.f32 v63, v7  }
0x382: {  	s19 =	sand.u32 $0x70, s19;
	v8 =	vsel vm1, v58, v8;
	vm1 =	veq.s32 v17, v0;
	[tilespmem:s3+$0x142E0] =	vst v6  }
0x383: {  	s30 =	sor.u32 $0xA, s26;
	s1 =	sor.u32 s19, s3;
	[tilespmem:s3+$0x142F0] =	vst v7;
	v6 =	vsel vm1, v63, v8  }
0x384: {  	s3 =	sshll.u32 s30, $0x7;
	[tilespmem:s1+$0x1BA80] =	vst v6  }
0x385: {  	s30 =	sshll.u32 s30, $0x8;
	v6 =	vld [tilespmem:s3+$0x14280]  }
0x386: {  	s1 =	sand.u32 $0x7800, s30;
	v7 =	vld [tilespmem:s3+$0x14290]  }
0x387: {  	v18 =	vld [tilespmem:s1+$0x16B80]  }
0x388: {  	v19 =	vld [tilespmem:s1+$0x16B90];
	_ =	sdelay $0x4  }
0x389: {  	v6 =	vmul.f32 v18, v6;
	v7 =	vmul.f32 v19, v7;
	_ =	sdelay $0x1  }
0x38a: {  	v6 =	vadd.f32 v7, v6;
	_ =	sdelay $0x1  }
0x38b: {  	(xrf2) =	vadd.scan.msk.f32 $0xffff, v6;
	_ =	sdelay $0x9  }
0x38c: {  	v6, _, _ =	vpop (xrf2)  }
0x38d: {  	v6 =	vmul.f32 $1.442695020e+00, v6;
	_ =	sdelay $0x1  }
0x38e: {  	v6 =	vbroadcast v6, $0xF;
	_ =	sdelay $0x1  }
0x38f: {  	(erf) = vpow2.f32 v6;
	_ =	sdelay $0x4  }
0x390: {  	v6 =	vld [tilespmem:s1+$0x16F80]  }
0x391: {  	v7 =	vld [tilespmem:s1+$0x16F90];
	_ =	sdelay $0x2  }
0x392: {  	v20 =	vpop (erf)  }
0x393: {  	v6 =	vmul.f32 v20, v6  }
0x394: {  	v7 =	vmul.f32 v20, v7  }
0x395: {  	[tilespmem:s3+$0x14280] =	vst v6;
	v6 =	vld [tilespmem:s3+$0x142A0]  }
0x396: {  	[tilespmem:s3+$0x14290] =	vst v7;
	v7 =	vld [tilespmem:s3+$0x142B0]  }
0x397: {  	v21 =	vld [tilespmem:s1+$0x16BA0]  }
0x398: {  	v22 =	vld [tilespmem:s1+$0x16BB0];
	_ =	sdelay $0x4  }
0x399: {  	v6 =	vmul.f32 v21, v6;
	v7 =	vmul.f32 v22, v7;
	_ =	sdelay $0x1  }
0x39a: {  	v6 =	vadd.f32 v7, v6;
	_ =	sdelay $0x1  }
0x39b: {  	(xrf2) =	vadd.scan.msk.f32 $0xffff, v6;
	_ =	sdelay $0x9  }
0x39c: {  	v6, _, _ =	vpop (xrf2)  }
0x39d: {  	v6 =	vmul.f32 $1.442695020e+00, v6;
	_ =	sdelay $0x1  }
0x39e: {  	v6 =	vbroadcast v6, $0xF;
	_ =	sdelay $0x1  }
0x39f: {  	(erf) = vpow2.f32 v6;
	_ =	sdelay $0x4  }
0x3a0: {  	v6 =	vld [tilespmem:s1+$0x16FA0]  }
0x3a1: {  	v7 =	vld [tilespmem:s1+$0x16FB0];
	_ =	sdelay $0x2  }
0x3a2: {  	v23 =	vpop (erf)  }
0x3a3: {  	v6 =	vmul.f32 v23, v6  }
0x3a4: {  	v7 =	vmul.f32 v23, v7  }
0x3a5: {  	[tilespmem:s3+$0x142A0] =	vst v6;
	v6 =	vld [tilespmem:s3+$0x142C0]  }
0x3a6: {  	[tilespmem:s3+$0x142B0] =	vst v7;
	v7 =	vld [tilespmem:s3+$0x142D0]  }
0x3a7: {  	v24 =	vld [tilespmem:s1+$0x16BC0]  }
0x3a8: {  	v25 =	vld [tilespmem:s1+$0x16BD0];
	_ =	sdelay $0x4  }
0x3a9: {  	v6 =	vmul.f32 v24, v6;
	v7 =	vmul.f32 v25, v7;
	_ =	sdelay $0x1  }
0x3aa: {  	v6 =	vadd.f32 v7, v6;
	_ =	sdelay $0x1  }
0x3ab: {  	(xrf2) =	vadd.scan.msk.f32 $0xffff, v6;
	_ =	sdelay $0x9  }
0x3ac: {  	v6, _, _ =	vpop (xrf2)  }
0x3ad: {  	v6 =	vmul.f32 $1.442695020e+00, v6;
	_ =	sdelay $0x1  }
0x3ae: {  	v6 =	vbroadcast v6, $0xF;
	_ =	sdelay $0x1  }
0x3af: {  	(erf) = vpow2.f32 v6;
	_ =	sdelay $0x4  }
0x3b0: {  	v6 =	vld [tilespmem:s1+$0x16FC0]  }
0x3b1: {  	v7 =	vld [tilespmem:s1+$0x16FD0];
	_ =	sdelay $0x2  }
0x3b2: {  	v26 =	vpop (erf)  }
0x3b3: {  	v6 =	vmul.f32 v26, v6  }
0x3b4: {  	v7 =	vmul.f32 v26, v7  }
0x3b5: {  	[tilespmem:s3+$0x142C0] =	vst v6;
	v6 =	vld [tilespmem:s3+$0x142E0]  }
0x3b6: {  	[tilespmem:s3+$0x142D0] =	vst v7;
	v7 =	vld [tilespmem:s3+$0x142F0]  }
0x3b7: {  	v27 =	vld [tilespmem:s1+$0x16BE0]  }
0x3b8: {  	v28 =	vld [tilespmem:s1+$0x16BF0];
	_ =	sdelay $0x4  }
0x3b9: {  	v6 =	vmul.f32 v27, v6;
	v7 =	vmul.f32 v28, v7;
	_ =	sdelay $0x1  }
0x3ba: {  	v6 =	vadd.f32 v7, v6;
	_ =	sdelay $0x1  }
0x3bb: {  	(xrf2) =	vadd.scan.msk.f32 $0xffff, v6;
	_ =	sdelay $0x4  }
0x3bc: {  	(v2sf) =	vpush v5, $0xA;
	_ =	sdelay $0x4  }
0x3bd: {  	v6, _, _ =	vpop (xrf2)  }
0x3be: {  	v6 =	vmul.f32 $1.442695020e+00, v6;
	_ =	sdelay $0x1  }
0x3bf: {  	v6 =	vbroadcast v6, $0xF;
	_ =	sdelay $0x1  }
0x3c0: {  	(erf) = vpow2.f32 v6;
	_ =	sdelay $0x4  }
0x3c1: {  	s19 =	spop (v2sf);
	v6 =	vld [tilespmem:s1+$0x16FE0]  }
0x3c2: {  	s30 =	sand.u32 $0xC, s19;
	v7 =	vld [tilespmem:s1+$0x16FF0]  }
0x3c3: {  	v29 =	vmov s30  }
0x3c4: {  	vm1 =	veq.s32 v29, v0  }
0x3c5: {  	v30 =	vor.u32 $0x1, v29;
	v32 =	vor.u32 $0x2, v29;
	v33 =	vor.u32 $0x3, v29;
	v31 =	vpop (erf)  }
0x3c6: {  	v8 =	vnsel vm1, $0x0, v20;
	vm1 =	veq.s32 v30, v0;
	v6 =	vmul.f32 v31, v6  }
0x3c7: {  	v8 =	vsel vm1, v23, v8;
	vm1 =	veq.s32 v32, v0;
	v7 =	vmul.f32 v31, v7  }
0x3c8: {  	s19 =	sand.u32 $0x70, s19;
	v8 =	vsel vm1, v26, v8;
	vm1 =	veq.s32 v33, v0;
	[tilespmem:s3+$0x142E0] =	vst v6  }
0x3c9: {  	s30 =	sor.u32 $0xB, s26;
	s1 =	sor.u32 s19, s3;
	[tilespmem:s3+$0x142F0] =	vst v7;
	v6 =	vsel vm1, v31, v8  }
0x3ca: {  	s3 =	sshll.u32 s30, $0x7;
	[tilespmem:s1+$0x1BA80] =	vst v6  }
0x3cb: {  	s30 =	sshll.u32 s30, $0x8;
	v6 =	vld [tilespmem:s3+$0x14280]  }
0x3cc: {  	s1 =	sand.u32 $0x7800, s30;
	v7 =	vld [tilespmem:s3+$0x14290]  }
0x3cd: {  	v34 =	vld [tilespmem:s1+$0x16C00]  }
0x3ce: {  	v35 =	vld [tilespmem:s1+$0x16C10];
	_ =	sdelay $0x4  }
0x3cf: {  	v6 =	vmul.f32 v34, v6;
	v7 =	vmul.f32 v35, v7;
	_ =	sdelay $0x1  }
0x3d0: {  	v6 =	vadd.f32 v7, v6;
	_ =	sdelay $0x1  }
0x3d1: {  	(xrf2) =	vadd.scan.msk.f32 $0xffff, v6;
	_ =	sdelay $0x9  }
0x3d2: {  	v6, _, _ =	vpop (xrf2)  }
0x3d3: {  	v6 =	vmul.f32 $1.442695020e+00, v6;
	_ =	sdelay $0x1  }
0x3d4: {  	v6 =	vbroadcast v6, $0xF;
	_ =	sdelay $0x1  }
0x3d5: {  	(erf) = vpow2.f32 v6;
	_ =	sdelay $0x4  }
0x3d6: {  	v6 =	vld [tilespmem:s1+$0x17000]  }
0x3d7: {  	v7 =	vld [tilespmem:s1+$0x17010];
	_ =	sdelay $0x2  }
0x3d8: {  	v36 =	vpop (erf)  }
0x3d9: {  	v6 =	vmul.f32 v36, v6  }
0x3da: {  	v7 =	vmul.f32 v36, v7  }
0x3db: {  	[tilespmem:s3+$0x14280] =	vst v6;
	v6 =	vld [tilespmem:s3+$0x142A0]  }
0x3dc: {  	[tilespmem:s3+$0x14290] =	vst v7;
	v7 =	vld [tilespmem:s3+$0x142B0]  }
0x3dd: {  	v37 =	vld [tilespmem:s1+$0x16C20]  }
0x3de: {  	v38 =	vld [tilespmem:s1+$0x16C30];
	_ =	sdelay $0x4  }
0x3df: {  	v6 =	vmul.f32 v37, v6;
	v7 =	vmul.f32 v38, v7;
	_ =	sdelay $0x1  }
0x3e0: {  	v6 =	vadd.f32 v7, v6;
	_ =	sdelay $0x1  }
0x3e1: {  	(xrf2) =	vadd.scan.msk.f32 $0xffff, v6;
	_ =	sdelay $0x9  }
0x3e2: {  	v6, _, _ =	vpop (xrf2)  }
0x3e3: {  	v6 =	vmul.f32 $1.442695020e+00, v6;
	_ =	sdelay $0x1  }
0x3e4: {  	v6 =	vbroadcast v6, $0xF;
	_ =	sdelay $0x1  }
0x3e5: {  	(erf) = vpow2.f32 v6;
	_ =	sdelay $0x4  }
0x3e6: {  	v6 =	vld [tilespmem:s1+$0x17020]  }
0x3e7: {  	v7 =	vld [tilespmem:s1+$0x17030];
	_ =	sdelay $0x2  }
0x3e8: {  	v39 =	vpop (erf)  }
0x3e9: {  	v6 =	vmul.f32 v39, v6  }
0x3ea: {  	v7 =	vmul.f32 v39, v7  }
0x3eb: {  	[tilespmem:s3+$0x142A0] =	vst v6;
	v6 =	vld [tilespmem:s3+$0x142C0]  }
0x3ec: {  	[tilespmem:s3+$0x142B0] =	vst v7;
	v7 =	vld [tilespmem:s3+$0x142D0]  }
0x3ed: {  	v40 =	vld [tilespmem:s1+$0x16C40]  }
0x3ee: {  	v41 =	vld [tilespmem:s1+$0x16C50];
	_ =	sdelay $0x4  }
0x3ef: {  	v6 =	vmul.f32 v40, v6;
	v7 =	vmul.f32 v41, v7;
	_ =	sdelay $0x1  }
0x3f0: {  	v6 =	vadd.f32 v7, v6;
	_ =	sdelay $0x1  }
0x3f1: {  	(xrf2) =	vadd.scan.msk.f32 $0xffff, v6;
	_ =	sdelay $0x9  }
0x3f2: {  	v6, _, _ =	vpop (xrf2)  }
0x3f3: {  	v6 =	vmul.f32 $1.442695020e+00, v6;
	_ =	sdelay $0x1  }
0x3f4: {  	v6 =	vbroadcast v6, $0xF;
	_ =	sdelay $0x1  }
0x3f5: {  	(erf) = vpow2.f32 v6;
	_ =	sdelay $0x4  }
0x3f6: {  	v6 =	vld [tilespmem:s1+$0x17040]  }
0x3f7: {  	v7 =	vld [tilespmem:s1+$0x17050];
	_ =	sdelay $0x2  }
0x3f8: {  	v42 =	vpop (erf)  }
0x3f9: {  	v6 =	vmul.f32 v42, v6  }
0x3fa: {  	v7 =	vmul.f32 v42, v7  }
0x3fb: {  	[tilespmem:s3+$0x142C0] =	vst v6;
	v6 =	vld [tilespmem:s3+$0x142E0]  }
0x3fc: {  	[tilespmem:s3+$0x142D0] =	vst v7;
	v7 =	vld [tilespmem:s3+$0x142F0]  }
0x3fd: {  	v43 =	vld [tilespmem:s1+$0x16C60]  }
0x3fe: {  	v44 =	vld [tilespmem:s1+$0x16C70];
	_ =	sdelay $0x4  }
0x3ff: {  	v6 =	vmul.f32 v43, v6;
	v7 =	vmul.f32 v44, v7;
	_ =	sdelay $0x1  }
0x400: {  	v6 =	vadd.f32 v7, v6;
	_ =	sdelay $0x1  }
0x401: {  	(xrf2) =	vadd.scan.msk.f32 $0xffff, v6;
	_ =	sdelay $0x4  }
0x402: {  	(v2sf) =	vpush v5, $0xB;
	_ =	sdelay $0x4  }
0x403: {  	v6, _, _ =	vpop (xrf2)  }
0x404: {  	v6 =	vmul.f32 $1.442695020e+00, v6;
	_ =	sdelay $0x1  }
0x405: {  	v6 =	vbroadcast v6, $0xF;
	_ =	sdelay $0x1  }
0x406: {  	(erf) = vpow2.f32 v6;
	_ =	sdelay $0x4  }
0x407: {  	s19 =	spop (v2sf);
	v6 =	vld [tilespmem:s1+$0x17060]  }
0x408: {  	s30 =	sand.u32 $0xC, s19;
	v7 =	vld [tilespmem:s1+$0x17070]  }
0x409: {  	v45 =	vmov s30  }
0x40a: {  	vm1 =	veq.s32 v45, v0  }
0x40b: {  	v46 =	vor.u32 $0x1, v45;
	v48 =	vor.u32 $0x2, v45;
	v49 =	vor.u32 $0x3, v45;
	v47 =	vpop (erf)  }
0x40c: {  	v8 =	vnsel vm1, $0x0, v36;
	vm1 =	veq.s32 v46, v0;
	v6 =	vmul.f32 v47, v6  }
0x40d: {  	v8 =	vsel vm1, v39, v8;
	vm1 =	veq.s32 v48, v0;
	v7 =	vmul.f32 v47, v7  }
0x40e: {  	s19 =	sand.u32 $0x70, s19;
	v8 =	vsel vm1, v42, v8;
	vm1 =	veq.s32 v49, v0;
	[tilespmem:s3+$0x142E0] =	vst v6  }
0x40f: {  	s30 =	sor.u32 $0xC, s26;
	s1 =	sor.u32 s19, s3;
	[tilespmem:s3+$0x142F0] =	vst v7;
	v6 =	vsel vm1, v47, v8  }
0x410: {  	s3 =	sshll.u32 s30, $0x7;
	[tilespmem:s1+$0x1BA80] =	vst v6  }
0x411: {  	s19 =	sshll.u32 s30, $0x8;
	v6 =	vld [tilespmem:s3+$0x14280]  }
0x412: {  	s30 =	sand.u32 $0x7800, s19;
	v7 =	vld [tilespmem:s3+$0x14290]  }
0x413: {  	v50 =	vld [tilespmem:s30+$0x16C80]  }
0x414: {  	v51 =	vld [tilespmem:s30+$0x16C90];
	_ =	sdelay $0x4  }
0x415: {  	v6 =	vmul.f32 v50, v6;
	v7 =	vmul.f32 v51, v7;
	_ =	sdelay $0x1  }
0x416: {  	v6 =	vadd.f32 v7, v6;
	_ =	sdelay $0x1  }
0x417: {  	(xrf2) =	vadd.scan.msk.f32 $0xffff, v6;
	_ =	sdelay $0x9  }
0x418: {  	v6, _, _ =	vpop (xrf2)  }
0x419: {  	v6 =	vmul.f32 $1.442695020e+00, v6;
	_ =	sdelay $0x1  }
0x41a: {  	v6 =	vbroadcast v6, $0xF;
	_ =	sdelay $0x1  }
0x41b: {  	(erf) = vpow2.f32 v6;
	_ =	sdelay $0x4  }
0x41c: {  	v6 =	vld [tilespmem:s19+$0x16C80]  }
0x41d: {  	v7 =	vld [tilespmem:s19+$0x16C90];
	_ =	sdelay $0x2  }
0x41e: {  	v52 =	vpop (erf)  }
0x41f: {  	v6 =	vmul.f32 v52, v6  }
0x420: {  	v7 =	vmul.f32 v52, v7  }
0x421: {  	[tilespmem:s3+$0x14280] =	vst v6;
	v6 =	vld [tilespmem:s3+$0x142A0]  }
0x422: {  	[tilespmem:s3+$0x14290] =	vst v7;
	v7 =	vld [tilespmem:s3+$0x142B0]  }
0x423: {  	v53 =	vld [tilespmem:s30+$0x16CA0]  }
0x424: {  	v54 =	vld [tilespmem:s30+$0x16CB0];
	_ =	sdelay $0x4  }
0x425: {  	v6 =	vmul.f32 v53, v6;
	v7 =	vmul.f32 v54, v7;
	_ =	sdelay $0x1  }
0x426: {  	v6 =	vadd.f32 v7, v6;
	_ =	sdelay $0x1  }
0x427: {  	(xrf2) =	vadd.scan.msk.f32 $0xffff, v6;
	_ =	sdelay $0x9  }
0x428: {  	v6, _, _ =	vpop (xrf2)  }
0x429: {  	v6 =	vmul.f32 $1.442695020e+00, v6;
	_ =	sdelay $0x1  }
0x42a: {  	v6 =	vbroadcast v6, $0xF;
	_ =	sdelay $0x1  }
0x42b: {  	(erf) = vpow2.f32 v6;
	_ =	sdelay $0x4  }
0x42c: {  	v6 =	vld [tilespmem:s19+$0x16CA0]  }
0x42d: {  	v7 =	vld [tilespmem:s19+$0x16CB0];
	_ =	sdelay $0x2  }
0x42e: {  	v55 =	vpop (erf)  }
0x42f: {  	v6 =	vmul.f32 v55, v6  }
0x430: {  	v7 =	vmul.f32 v55, v7  }
0x431: {  	[tilespmem:s3+$0x142A0] =	vst v6;
	v6 =	vld [tilespmem:s3+$0x142C0]  }
0x432: {  	[tilespmem:s3+$0x142B0] =	vst v7;
	v7 =	vld [tilespmem:s3+$0x142D0]  }
0x433: {  	v56 =	vld [tilespmem:s30+$0x16CC0]  }
0x434: {  	v57 =	vld [tilespmem:s30+$0x16CD0];
	_ =	sdelay $0x4  }
0x435: {  	v6 =	vmul.f32 v56, v6;
	v7 =	vmul.f32 v57, v7;
	_ =	sdelay $0x1  }
0x436: {  	v6 =	vadd.f32 v7, v6;
	_ =	sdelay $0x1  }
0x437: {  	(xrf2) =	vadd.scan.msk.f32 $0xffff, v6;
	_ =	sdelay $0x9  }
0x438: {  	v6, _, _ =	vpop (xrf2)  }
0x439: {  	v6 =	vmul.f32 $1.442695020e+00, v6;
	_ =	sdelay $0x1  }
0x43a: {  	v6 =	vbroadcast v6, $0xF;
	_ =	sdelay $0x1  }
0x43b: {  	(erf) = vpow2.f32 v6;
	_ =	sdelay $0x4  }
0x43c: {  	v6 =	vld [tilespmem:s19+$0x16CC0]  }
0x43d: {  	v7 =	vld [tilespmem:s19+$0x16CD0];
	_ =	sdelay $0x2  }
0x43e: {  	v58 =	vpop (erf)  }
0x43f: {  	v6 =	vmul.f32 v58, v6  }
0x440: {  	v7 =	vmul.f32 v58, v7  }
0x441: {  	[tilespmem:s3+$0x142C0] =	vst v6;
	v6 =	vld [tilespmem:s3+$0x142E0]  }
0x442: {  	[tilespmem:s3+$0x142D0] =	vst v7;
	v7 =	vld [tilespmem:s3+$0x142F0]  }
0x443: {  	v59 =	vld [tilespmem:s30+$0x16CE0]  }
0x444: {  	v60 =	vld [tilespmem:s30+$0x16CF0];
	_ =	sdelay $0x4  }
0x445: {  	v6 =	vmul.f32 v59, v6;
	v7 =	vmul.f32 v60, v7;
	_ =	sdelay $0x1  }
0x446: {  	v6 =	vadd.f32 v7, v6;
	_ =	sdelay $0x1  }
0x447: {  	(xrf2) =	vadd.scan.msk.f32 $0xffff, v6;
	_ =	sdelay $0x4  }
0x448: {  	(v2sf) =	vpush v5, $0xC;
	_ =	sdelay $0x4  }
0x449: {  	v6, _, _ =	vpop (xrf2)  }
0x44a: {  	v6 =	vmul.f32 $1.442695020e+00, v6;
	_ =	sdelay $0x1  }
0x44b: {  	v6 =	vbroadcast v6, $0xF;
	_ =	sdelay $0x1  }
0x44c: {  	(erf) = vpow2.f32 v6;
	_ =	sdelay $0x4  }
0x44d: {  	s1 =	spop (v2sf);
	v6 =	vld [tilespmem:s19+$0x16CE0]  }
0x44e: {  	s30 =	sand.u32 $0xC, s1;
	v7 =	vld [tilespmem:s19+$0x16CF0]  }
0x44f: {  	v61 =	vmov s30  }
0x450: {  	vm1 =	veq.s32 v61, v0  }
0x451: {  	v62 =	vor.u32 $0x1, v61;
	v16 =	vor.u32 $0x2, v61;
	v17 =	vor.u32 $0x3, v61;
	v63 =	vpop (erf)  }
0x452: {  	v8 =	vnsel vm1, $0x0, v52;
	vm1 =	veq.s32 v62, v0;
	v6 =	vmul.f32 v63, v6  }
0x453: {  	v8 =	vsel vm1, v55, v8;
	vm1 =	veq.s32 v16, v0;
	v7 =	vmul.f32 v63, v7  }
0x454: {  	s1 =	sand.u32 $0x70, s1;
	v8 =	vsel vm1, v58, v8;
	vm1 =	veq.s32 v17, v0;
	[tilespmem:s3+$0x142E0] =	vst v6  }
0x455: {  	s1 =	sor.u32 s1, s3;
	s30 =	sor.u32 $0xD, s26;
	[tilespmem:s3+$0x142F0] =	vst v7;
	v6 =	vsel vm1, v63, v8  }
0x456: {  	s3 =	sshll.u32 s30, $0x7;
	[tilespmem:s1+$0x1BA80] =	vst v6  }
0x457: {  	s30 =	sshll.u32 s30, $0x8;
	v6 =	vld [tilespmem:s3+$0x14280]  }
0x458: {  	s1 =	sand.u32 $0x7800, s30;
	v7 =	vld [tilespmem:s3+$0x14290]  }
0x459: {  	v18 =	vld [tilespmem:s1+$0x16D00]  }
0x45a: {  	v19 =	vld [tilespmem:s1+$0x16D10];
	_ =	sdelay $0x4  }
0x45b: {  	v6 =	vmul.f32 v18, v6;
	v7 =	vmul.f32 v19, v7;
	_ =	sdelay $0x1  }
0x45c: {  	v6 =	vadd.f32 v7, v6;
	_ =	sdelay $0x1  }
0x45d: {  	(xrf2) =	vadd.scan.msk.f32 $0xffff, v6;
	_ =	sdelay $0x9  }
0x45e: {  	v6, _, _ =	vpop (xrf2)  }
0x45f: {  	v6 =	vmul.f32 $1.442695020e+00, v6;
	_ =	sdelay $0x1  }
0x460: {  	v6 =	vbroadcast v6, $0xF;
	_ =	sdelay $0x1  }
0x461: {  	(erf) = vpow2.f32 v6;
	_ =	sdelay $0x4  }
0x462: {  	v6 =	vld [tilespmem:s1+$0x17100]  }
0x463: {  	v7 =	vld [tilespmem:s1+$0x17110];
	_ =	sdelay $0x2  }
0x464: {  	v20 =	vpop (erf)  }
0x465: {  	v6 =	vmul.f32 v20, v6  }
0x466: {  	v7 =	vmul.f32 v20, v7  }
0x467: {  	[tilespmem:s3+$0x14280] =	vst v6;
	v6 =	vld [tilespmem:s3+$0x142A0]  }
0x468: {  	[tilespmem:s3+$0x14290] =	vst v7;
	v7 =	vld [tilespmem:s3+$0x142B0]  }
0x469: {  	v21 =	vld [tilespmem:s1+$0x16D20]  }
0x46a: {  	v22 =	vld [tilespmem:s1+$0x16D30];
	_ =	sdelay $0x4  }
0x46b: {  	v6 =	vmul.f32 v21, v6;
	v7 =	vmul.f32 v22, v7;
	_ =	sdelay $0x1  }
0x46c: {  	v6 =	vadd.f32 v7, v6;
	_ =	sdelay $0x1  }
0x46d: {  	(xrf2) =	vadd.scan.msk.f32 $0xffff, v6;
	_ =	sdelay $0x9  }
0x46e: {  	v6, _, _ =	vpop (xrf2)  }
0x46f: {  	v6 =	vmul.f32 $1.442695020e+00, v6;
	_ =	sdelay $0x1  }
0x470: {  	v6 =	vbroadcast v6, $0xF;
	_ =	sdelay $0x1  }
0x471: {  	(erf) = vpow2.f32 v6;
	_ =	sdelay $0x4  }
0x472: {  	v6 =	vld [tilespmem:s1+$0x17120]  }
0x473: {  	v7 =	vld [tilespmem:s1+$0x17130];
	_ =	sdelay $0x2  }
0x474: {  	v23 =	vpop (erf)  }
0x475: {  	v6 =	vmul.f32 v23, v6  }
0x476: {  	v7 =	vmul.f32 v23, v7  }
0x477: {  	[tilespmem:s3+$0x142A0] =	vst v6;
	v6 =	vld [tilespmem:s3+$0x142C0]  }
0x478: {  	[tilespmem:s3+$0x142B0] =	vst v7;
	v7 =	vld [tilespmem:s3+$0x142D0]  }
0x479: {  	v24 =	vld [tilespmem:s1+$0x16D40]  }
0x47a: {  	v25 =	vld [tilespmem:s1+$0x16D50];
	_ =	sdelay $0x4  }
0x47b: {  	v6 =	vmul.f32 v24, v6;
	v7 =	vmul.f32 v25, v7;
	_ =	sdelay $0x1  }
0x47c: {  	v6 =	vadd.f32 v7, v6;
	_ =	sdelay $0x1  }
0x47d: {  	(xrf2) =	vadd.scan.msk.f32 $0xffff, v6;
	_ =	sdelay $0x9  }
0x47e: {  	v6, _, _ =	vpop (xrf2)  }
0x47f: {  	v6 =	vmul.f32 $1.442695020e+00, v6;
	_ =	sdelay $0x1  }
0x480: {  	v6 =	vbroadcast v6, $0xF;
	_ =	sdelay $0x1  }
0x481: {  	(erf) = vpow2.f32 v6;
	_ =	sdelay $0x4  }
0x482: {  	v6 =	vld [tilespmem:s1+$0x17140]  }
0x483: {  	v7 =	vld [tilespmem:s1+$0x17150];
	_ =	sdelay $0x2  }
0x484: {  	v26 =	vpop (erf)  }
0x485: {  	v6 =	vmul.f32 v26, v6  }
0x486: {  	v7 =	vmul.f32 v26, v7  }
0x487: {  	[tilespmem:s3+$0x142C0] =	vst v6;
	v6 =	vld [tilespmem:s3+$0x142E0]  }
0x488: {  	[tilespmem:s3+$0x142D0] =	vst v7;
	v7 =	vld [tilespmem:s3+$0x142F0]  }
0x489: {  	v27 =	vld [tilespmem:s1+$0x16D60]  }
0x48a: {  	v28 =	vld [tilespmem:s1+$0x16D70];
	_ =	sdelay $0x4  }
0x48b: {  	v6 =	vmul.f32 v27, v6;
	v7 =	vmul.f32 v28, v7;
	_ =	sdelay $0x1  }
0x48c: {  	v6 =	vadd.f32 v7, v6;
	_ =	sdelay $0x1  }
0x48d: {  	(xrf2) =	vadd.scan.msk.f32 $0xffff, v6;
	_ =	sdelay $0x4  }
0x48e: {  	(v2sf) =	vpush v5, $0xD;
	_ =	sdelay $0x4  }
0x48f: {  	v6, _, _ =	vpop (xrf2)  }
0x490: {  	v6 =	vmul.f32 $1.442695020e+00, v6;
	_ =	sdelay $0x1  }
0x491: {  	v6 =	vbroadcast v6, $0xF;
	_ =	sdelay $0x1  }
0x492: {  	(erf) = vpow2.f32 v6;
	_ =	sdelay $0x4  }
0x493: {  	s19 =	spop (v2sf);
	v6 =	vld [tilespmem:s1+$0x17160]  }
0x494: {  	s30 =	sand.u32 $0xC, s19;
	v7 =	vld [tilespmem:s1+$0x17170]  }
0x495: {  	v29 =	vmov s30  }
0x496: {  	vm1 =	veq.s32 v29, v0  }
0x497: {  	v30 =	vor.u32 $0x1, v29;
	v32 =	vor.u32 $0x2, v29;
	v33 =	vor.u32 $0x3, v29;
	v31 =	vpop (erf)  }
0x498: {  	v8 =	vnsel vm1, $0x0, v20;
	vm1 =	veq.s32 v30, v0;
	v6 =	vmul.f32 v31, v6  }
0x499: {  	v8 =	vsel vm1, v23, v8;
	vm1 =	veq.s32 v32, v0;
	v7 =	vmul.f32 v31, v7  }
0x49a: {  	s19 =	sand.u32 $0x70, s19;
	v8 =	vsel vm1, v26, v8;
	vm1 =	veq.s32 v33, v0;
	[tilespmem:s3+$0x142E0] =	vst v6  }
0x49b: {  	s26 =	sor.u32 $0xE, s26;
	s1 =	sor.u32 s19, s3;
	[tilespmem:s3+$0x142F0] =	vst v7;
	v6 =	vsel vm1, v31, v8  }
0x49c: {  	s3 =	sshll.u32 s26, $0x7;
	[tilespmem:s1+$0x1BA80] =	vst v6  }
0x49d: {  	s19 =	sshll.u32 s26, $0x8;
	v6 =	vld [tilespmem:s3+$0x14280]  }
0x49e: {  	s1 =	sand.u32 $0x7800, s19;
	v7 =	vld [tilespmem:s3+$0x14290]  }
0x49f: {  	v34 =	vld [tilespmem:s1+$0x16D80]  }
0x4a0: {  	v35 =	vld [tilespmem:s1+$0x16D90];
	_ =	sdelay $0x4  }
0x4a1: {  	v6 =	vmul.f32 v34, v6;
	v7 =	vmul.f32 v35, v7;
	_ =	sdelay $0x1  }
0x4a2: {  	v6 =	vadd.f32 v7, v6;
	_ =	sdelay $0x1  }
0x4a3: {  	(xrf2) =	vadd.scan.msk.f32 $0xffff, v6;
	_ =	sdelay $0x9  }
0x4a4: {  	v6, _, _ =	vpop (xrf2)  }
0x4a5: {  	v6 =	vmul.f32 $1.442695020e+00, v6;
	_ =	sdelay $0x1  }
0x4a6: {  	v6 =	vbroadcast v6, $0xF;
	_ =	sdelay $0x1  }
0x4a7: {  	(erf) = vpow2.f32 v6;
	_ =	sdelay $0x3  }
0x4a8: {  	s30 =	sor.u32 $0x700, s19  }
0x4a9: {  	v6 =	vld [tilespmem:s30+$0x16A80];
	s30 =	sor.u32 $0x710, s19  }
0x4aa: {  	v7 =	vld [tilespmem:s30+$0x16A80];
	_ =	sdelay $0x2  }
0x4ab: {  	v36 =	vpop (erf)  }
0x4ac: {  	v6 =	vmul.f32 v36, v6  }
0x4ad: {  	v7 =	vmul.f32 v36, v7  }
0x4ae: {  	[tilespmem:s3+$0x14280] =	vst v6;
	v6 =	vld [tilespmem:s3+$0x142A0]  }
0x4af: {  	[tilespmem:s3+$0x14290] =	vst v7;
	v7 =	vld [tilespmem:s3+$0x142B0]  }
0x4b0: {  	v37 =	vld [tilespmem:s1+$0x16DA0]  }
0x4b1: {  	v38 =	vld [tilespmem:s1+$0x16DB0];
	_ =	sdelay $0x4  }
0x4b2: {  	v6 =	vmul.f32 v37, v6;
	v7 =	vmul.f32 v38, v7;
	_ =	sdelay $0x1  }
0x4b3: {  	v6 =	vadd.f32 v7, v6;
	_ =	sdelay $0x1  }
0x4b4: {  	(xrf2) =	vadd.scan.msk.f32 $0xffff, v6;
	_ =	sdelay $0x9  }
0x4b5: {  	v6, _, _ =	vpop (xrf2)  }
0x4b6: {  	v6 =	vmul.f32 $1.442695020e+00, v6;
	_ =	sdelay $0x1  }
0x4b7: {  	v6 =	vbroadcast v6, $0xF;
	_ =	sdelay $0x1  }
0x4b8: {  	(erf) = vpow2.f32 v6;
	_ =	sdelay $0x3  }
0x4b9: {  	s30 =	sor.u32 $0x720, s19  }
0x4ba: {  	v6 =	vld [tilespmem:s30+$0x16A80];
	s30 =	sor.u32 $0x730, s19  }
0x4bb: {  	v7 =	vld [tilespmem:s30+$0x16A80];
	_ =	sdelay $0x2  }
0x4bc: {  	v39 =	vpop (erf)  }
0x4bd: {  	v6 =	vmul.f32 v39, v6  }
0x4be: {  	v7 =	vmul.f32 v39, v7  }
0x4bf: {  	[tilespmem:s3+$0x142A0] =	vst v6;
	v6 =	vld [tilespmem:s3+$0x142C0]  }
0x4c0: {  	[tilespmem:s3+$0x142B0] =	vst v7;
	v7 =	vld [tilespmem:s3+$0x142D0]  }
0x4c1: {  	v40 =	vld [tilespmem:s1+$0x16DC0]  }
0x4c2: {  	v41 =	vld [tilespmem:s1+$0x16DD0];
	_ =	sdelay $0x4  }
0x4c3: {  	v6 =	vmul.f32 v40, v6;
	v7 =	vmul.f32 v41, v7;
	_ =	sdelay $0x1  }
0x4c4: {  	v6 =	vadd.f32 v7, v6;
	_ =	sdelay $0x1  }
0x4c5: {  	(xrf2) =	vadd.scan.msk.f32 $0xffff, v6;
	_ =	sdelay $0x9  }
0x4c6: {  	v6, _, _ =	vpop (xrf2)  }
0x4c7: {  	v6 =	vmul.f32 $1.442695020e+00, v6;
	_ =	sdelay $0x1  }
0x4c8: {  	v6 =	vbroadcast v6, $0xF;
	_ =	sdelay $0x1  }
0x4c9: {  	(erf) = vpow2.f32 v6;
	_ =	sdelay $0x3  }
0x4ca: {  	s30 =	sor.u32 $0x740, s19  }
0x4cb: {  	v6 =	vld [tilespmem:s30+$0x16A80];
	s30 =	sor.u32 $0x750, s19  }
0x4cc: {  	v7 =	vld [tilespmem:s30+$0x16A80];
	_ =	sdelay $0x2  }
0x4cd: {  	v42 =	vpop (erf)  }
0x4ce: {  	v6 =	vmul.f32 v42, v6  }
0x4cf: {  	v7 =	vmul.f32 v42, v7  }
0x4d0: {  	[tilespmem:s3+$0x142C0] =	vst v6;
	v6 =	vld [tilespmem:s3+$0x142E0]  }
0x4d1: {  	[tilespmem:s3+$0x142D0] =	vst v7;
	v7 =	vld [tilespmem:s3+$0x142F0]  }
0x4d2: {  	v43 =	vld [tilespmem:s1+$0x16DE0]  }
0x4d3: {  	v44 =	vld [tilespmem:s1+$0x16DF0];
	_ =	sdelay $0x4  }
0x4d4: {  	v6 =	vmul.f32 v43, v6;
	v7 =	vmul.f32 v44, v7;
	_ =	sdelay $0x1  }
0x4d5: {  	v6 =	vadd.f32 v7, v6;
	_ =	sdelay $0x1  }
0x4d6: {  	(xrf2) =	vadd.scan.msk.f32 $0xffff, v6;
	_ =	sdelay $0x4  }
0x4d7: {  	(v2sf) =	vpush v5, $0xE;
	_ =	sdelay $0x4  }
0x4d8: {  	v6, _, _ =	vpop (xrf2)  }
0x4d9: {  	v6 =	vmul.f32 $1.442695020e+00, v6;
	_ =	sdelay $0x1  }
0x4da: {  	v6 =	vbroadcast v6, $0xF;
	_ =	sdelay $0x1  }
0x4db: {  	(erf) = vpow2.f32 v6;
	_ =	sdelay $0x3  }
0x4dc: {  	s30 =	sor.u32 $0x760, s19  }
0x4dd: {  	s26 =	spop (v2sf);
	s19 =	sor.u32 $0x770, s19;
	v6 =	vld [tilespmem:s30+$0x16A80]  }
0x4de: {  	v7 =	vld [tilespmem:s19+$0x16A80];
	s30 =	sand.u32 $0xC, s26  }
0x4df: {  	v45 =	vmov s30  }
0x4e0: {  	vm1 =	veq.s32 v45, v0  }
0x4e1: {  	v46 =	vor.u32 $0x1, v45;
	v48 =	vor.u32 $0x2, v45;
	v49 =	vor.u32 $0x3, v45;
	v47 =	vpop (erf)  }
0x4e2: {  	v8 =	vnsel vm1, $0x0, v36;
	vm1 =	veq.s32 v46, v0;
	v6 =	vmul.f32 v47, v6  }
0x4e3: {  	v8 =	vsel vm1, v39, v8;
	vm1 =	veq.s32 v48, v0;
	v7 =	vmul.f32 v47, v7  }
0x4e4: {  	s19 =	sand.u32 $0x70, s26;
	v8 =	vsel vm1, v42, v8;
	vm1 =	veq.s32 v49, v0;
	[tilespmem:s3+$0x142E0] =	vst v6  }
0x4e5: {  	s1 =	sor.u32 s19, s3;
	s26 =	sshllo.u32 s22, $0x4;
	[tilespmem:s3+$0x142F0] =	vst v7;
	v6 =	vsel vm1, v47, v8  }
0x4e6: {  	s3 =	sshll.u32 s26, $0x7;
	[tilespmem:s1+$0x1BA80] =	vst v6  }
0x4e7: {  	s19 =	sshll.u32 s26, $0x8;
	v6 =	vld [tilespmem:s3+$0x14280]  }
0x4e8: {  	s1 =	sand.u32 $0x7800, s19;
	v7 =	vld [tilespmem:s3+$0x14290]  }
0x4e9: {  	v50 =	vld [tilespmem:s1+$0x16E00]  }
0x4ea: {  	v51 =	vld [tilespmem:s1+$0x16E10];
	_ =	sdelay $0x4  }
0x4eb: {  	v6 =	vmul.f32 v50, v6;
	v7 =	vmul.f32 v51, v7;
	_ =	sdelay $0x1  }
0x4ec: {  	v6 =	vadd.f32 v7, v6;
	_ =	sdelay $0x1  }
0x4ed: {  	(xrf2) =	vadd.scan.msk.f32 $0xffff, v6;
	_ =	sdelay $0x9  }
0x4ee: {  	v6, _, _ =	vpop (xrf2)  }
0x4ef: {  	v6 =	vmul.f32 $1.442695020e+00, v6;
	_ =	sdelay $0x1  }
0x4f0: {  	v6 =	vbroadcast v6, $0xF;
	_ =	sdelay $0x1  }
0x4f1: {  	(erf) = vpow2.f32 v6;
	_ =	sdelay $0x3  }
0x4f2: {  	s30 =	sor.u32 $0x780, s19  }
0x4f3: {  	v6 =	vld [tilespmem:s30+$0x16A80];
	s30 =	sor.u32 $0x790, s19  }
0x4f4: {  	v7 =	vld [tilespmem:s30+$0x16A80];
	_ =	sdelay $0x2  }
0x4f5: {  	v52 =	vpop (erf)  }
0x4f6: {  	v6 =	vmul.f32 v52, v6  }
0x4f7: {  	v7 =	vmul.f32 v52, v7  }
0x4f8: {  	[tilespmem:s3+$0x14280] =	vst v6;
	v6 =	vld [tilespmem:s3+$0x142A0]  }
0x4f9: {  	[tilespmem:s3+$0x14290] =	vst v7;
	v7 =	vld [tilespmem:s3+$0x142B0]  }
0x4fa: {  	v53 =	vld [tilespmem:s1+$0x16E20]  }
0x4fb: {  	v54 =	vld [tilespmem:s1+$0x16E30];
	_ =	sdelay $0x4  }
0x4fc: {  	v6 =	vmul.f32 v53, v6;
	v7 =	vmul.f32 v54, v7;
	_ =	sdelay $0x1  }
0x4fd: {  	v6 =	vadd.f32 v7, v6;
	_ =	sdelay $0x1  }
0x4fe: {  	(xrf2) =	vadd.scan.msk.f32 $0xffff, v6;
	_ =	sdelay $0x9  }
0x4ff: {  	v6, _, _ =	vpop (xrf2)  }
0x500: {  	v6 =	vmul.f32 $1.442695020e+00, v6;
	_ =	sdelay $0x1  }
0x501: {  	v6 =	vbroadcast v6, $0xF;
	_ =	sdelay $0x1  }
0x502: {  	(erf) = vpow2.f32 v6;
	_ =	sdelay $0x3  }
0x503: {  	s30 =	sor.u32 $0x7A0, s19  }
0x504: {  	v6 =	vld [tilespmem:s30+$0x16A80];
	s30 =	sor.u32 $0x7B0, s19  }
0x505: {  	v7 =	vld [tilespmem:s30+$0x16A80];
	_ =	sdelay $0x2  }
0x506: {  	v55 =	vpop (erf)  }
0x507: {  	v6 =	vmul.f32 v55, v6  }
0x508: {  	v7 =	vmul.f32 v55, v7  }
0x509: {  	[tilespmem:s3+$0x142A0] =	vst v6;
	v6 =	vld [tilespmem:s3+$0x142C0]  }
0x50a: {  	[tilespmem:s3+$0x142B0] =	vst v7;
	v7 =	vld [tilespmem:s3+$0x142D0]  }
0x50b: {  	v56 =	vld [tilespmem:s1+$0x16E40]  }
0x50c: {  	v57 =	vld [tilespmem:s1+$0x16E50];
	_ =	sdelay $0x4  }
0x50d: {  	v6 =	vmul.f32 v56, v6;
	v7 =	vmul.f32 v57, v7;
	_ =	sdelay $0x1  }
0x50e: {  	v6 =	vadd.f32 v7, v6;
	_ =	sdelay $0x1  }
0x50f: {  	(xrf2) =	vadd.scan.msk.f32 $0xffff, v6;
	_ =	sdelay $0x9  }
0x510: {  	v6, _, _ =	vpop (xrf2)  }
0x511: {  	v6 =	vmul.f32 $1.442695020e+00, v6;
	_ =	sdelay $0x1  }
0x512: {  	v6 =	vbroadcast v6, $0xF;
	_ =	sdelay $0x1  }
0x513: {  	(erf) = vpow2.f32 v6;
	_ =	sdelay $0x3  }
0x514: {  	s30 =	sor.u32 $0x7C0, s19  }
0x515: {  	v6 =	vld [tilespmem:s30+$0x16A80];
	s30 =	sor.u32 $0x7D0, s19  }
0x516: {  	v7 =	vld [tilespmem:s30+$0x16A80];
	_ =	sdelay $0x2  }
0x517: {  	v58 =	vpop (erf)  }
0x518: {  	v6 =	vmul.f32 v58, v6  }
0x519: {  	v7 =	vmul.f32 v58, v7  }
0x51a: {  	[tilespmem:s3+$0x142C0] =	vst v6;
	v6 =	vld [tilespmem:s3+$0x142E0]  }
0x51b: {  	[tilespmem:s3+$0x142D0] =	vst v7;
	v7 =	vld [tilespmem:s3+$0x142F0]  }
0x51c: {  	v59 =	vld [tilespmem:s1+$0x16E60]  }
0x51d: {  	v60 =	vld [tilespmem:s1+$0x16E70];
	_ =	sdelay $0x4  }
0x51e: {  	v6 =	vmul.f32 v59, v6;
	v7 =	vmul.f32 v60, v7;
	_ =	sdelay $0x1  }
0x51f: {  	v6 =	vadd.f32 v7, v6;
	_ =	sdelay $0x1  }
0x520: {  	(xrf2) =	vadd.scan.msk.f32 $0xffff, v6;
	_ =	sdelay $0x4  }
0x521: {  	(v2sf) =	vpush v5, $0xF;
	_ =	sdelay $0x4  }
0x522: {  	v5, _, _ =	vpop (xrf2)  }
0x523: {  	v5 =	vmul.f32 $1.442695020e+00, v5;
	_ =	sdelay $0x1  }
0x524: {  	v5 =	vbroadcast v5, $0xF;
	_ =	sdelay $0x1  }
0x525: {  	(erf) = vpow2.f32 v5;
	_ =	sdelay $0x3  }
0x526: {  	s30 =	sor.u32 $0x7E0, s19  }
0x527: {  	s26 =	spop (v2sf);
	s19 =	sor.u32 $0x7F0, s19;
	v5 =	vld [tilespmem:s30+$0x16A80]  }
0x528: {  	v6 =	vld [tilespmem:s19+$0x16A80];
	s30 =	sand.u32 $0xC, s26  }
0x529: {  	v7 =	vmov s30  }
0x52a: {  	vm1 =	veq.s32 v7, v0  }
0x52b: {  	p1 =	sne.s32 s22, $0x4;
	v61 =	vor.u32 $0x1, v7;
	v63 =	vor.u32 $0x2, v7;
	v7 =	vor.u32 $0x3, v7;
	v62 =	vpop (erf)  }
.Ltmp2:
0x52c: {  	v8 =	vnsel vm1, $0x0, v52;
	vm1 =	veq.s32 v61, v0;
	v5 =	vmul.f32 v62, v5;
	(pc) =	sbr.rel @p1 .LBB2_7-.Ltmp2, $4  }
0x52d: {  	v8 =	vsel vm1, v55, v8;
	vm1 =	veq.s32 v63, v0;
	v6 =	vmul.f32 v62, v6  }
0x52e: {  	s30 =	sand.u32 $0x70, s26;
	v8 =	vsel vm1, v58, v8;
	vm1 =	veq.s32 v7, v0;
	[tilespmem:s3+$0x142E0] =	vst v5  }
0x52f: {  	s1 =	sor.u32 s30, s3;
	[tilespmem:s3+$0x142F0] =	vst v6;
	v5 =	vsel vm1, v62, v8  }
0x530: {  	s22 =	sadd.s32 $0x1, s22;
	[tilespmem:s1+$0x1BA80] =	vst v5  }
0x531: {  	[spmem:s2] =	stream.indirect.scatter.add.f32 [tilespmem:s28], [sflag:$0x3], $0x80, s31, s0, $0xb8;
	[tilespmem:$0x1E400] =	vst v63  }
0x532: {  	s21 =	sadd.s32 $0x1, s21;
	_ =	swait.ge [sflag:s29], $0x2800  }
0x533: {  	p1 =	sne.s32 s21, $0x7D;
	[sflag:s29] =	ssyncset.done $0x0  }
.Ltmp3:
0x534: {  	[sflag:s29] =	ssyncadd.s32 $0xFFFFD800;
	(pc) =	sbr.rel @p1 .LBB2_4-.Ltmp3, $4  }
0x535: {  	[spmem:s2] =	stream.indirect.scatter.add.f32 [tilespmem:s18], [sflag:$0x3], $0x80, s17, s0, $0xb8;
	[tilespmem:$0x1E400] =	vst v63  }
0x536: {  	_ =	swait.ge [sflag:s29], $0x2800  }
0x537: {  	[sflag:s29] =	ssyncset.done $0x0  }
0x538: {  	[sflag:s29] =	ssyncadd.s32 $0xFFFFD800  }
0x539: {  	[bflag:$0x0] =	sbarrier.arrive $0xFFFF  }
0x53a: {  	s20 =	rddreg [dreg:$0xc]  }
0x53b: {  	[tilespmem:s28], [sflag:$0x3] =	stream.linear.gather [spmem:s20], $0x2800, $0x38;
	[tilespmem:$0x1E400] =	vst v63  }
0x53c: {  	_ =	swait.ge [sflag:s29], $0x2800  }
0x53d: {  	[sflag:s29] =	ssyncset.done $0x0  }
0x53e: {  	s1 =	simm.s32 $0x0;
	s3 =	rddreg [dreg:$0x4];
	[sflag:s29] =	ssyncadd.s32 $0xFFFFD800  }
0x53f: {  	[hbm4b:s3+s1] =	stream.linear.scatter [tilespmem:s28], [sflag:$0x3], $0x2800, $0x38;
	[tilespmem:$0x1E400] =	vst v63  }
0x540: {  	_ =	swait.ge [sflag:s29], $0x2800  }
0x541: {  	[sflag:s29] =	ssyncset.done $0x0  }
0x542: {  	s21 =	rddreg [dreg:$0xd];
	[sflag:s29] =	ssyncadd.s32 $0xFFFFD800  }
0x543: {  	[tilespmem:s28], [sflag:$0x3] =	stream.linear.gather [spmem:s21], $0x2800, $0x38;
	[tilespmem:$0x1E400] =	vst v63  }
0x544: {  	_ =	swait.ge [sflag:s29], $0x2800  }
0x545: {  	[sflag:s29] =	ssyncset.done $0x0  }
0x546: {  	s22 =	rddreg [dreg:$0x5];
	[sflag:s29] =	ssyncadd.s32 $0xFFFFD800  }
0x547: {  	[hbm4b:s22+s1] =	stream.linear.scatter [tilespmem:s28], [sflag:$0x3], $0x2800, $0x38;
	[tilespmem:$0x1E400] =	vst v63  }
0x548: {  	_ =	swait.ge [sflag:s29], $0x2800  }
0x549: {  	[sflag:s29] =	ssyncset.done $0x0  }
0x54a: {  	s22 =	rddreg [dreg:$0xe];
	[sflag:s29] =	ssyncadd.s32 $0xFFFFD800  }
0x54b: {  	[tilespmem:s28], [sflag:$0x3] =	stream.linear.gather [spmem:s22], $0x2800, $0x38;
	[tilespmem:$0x1E400] =	vst v63  }
0x54c: {  	_ =	swait.ge [sflag:s29], $0x2800  }
0x54d: {  	[sflag:s29] =	ssyncset.done $0x0  }
0x54e: {  	s26 =	rddreg [dreg:$0x6];
	[sflag:s29] =	ssyncadd.s32 $0xFFFFD800  }
0x54f: {  	[hbm4b:s26+s1] =	stream.linear.scatter [tilespmem:s28], [sflag:$0x3], $0x2800, $0x38;
	[tilespmem:$0x1E400] =	vst v63  }
0x550: {  	_ =	swait.ge [sflag:s29], $0x2800  }
0x551: {  	[sflag:s29] =	ssyncset.done $0x0  }
0x552: {  	s26 =	rddreg [dreg:$0xf];
	[sflag:s29] =	ssyncadd.s32 $0xFFFFD800  }
0x553: {  	[tilespmem:s28], [sflag:$0x3] =	stream.linear.gather [spmem:s26], $0x2800, $0x38;
	[tilespmem:$0x1E400] =	vst v63  }
0x554: {  	_ =	swait.ge [sflag:s29], $0x2800  }
0x555: {  	[sflag:s29] =	ssyncset.done $0x0  }
0x556: {  	s4 =	rddreg [dreg:$0x7];
	[sflag:s29] =	ssyncadd.s32 $0xFFFFD800  }
0x557: {  	[hbm4b:s4+s1] =	stream.linear.scatter [tilespmem:s28], [sflag:$0x3], $0x2800, $0x38;
	[tilespmem:$0x1E400] =	vst v63  }
0x558: {  	_ =	swait.ge [sflag:s29], $0x2800  }
0x559: {  	[sflag:s29] =	ssyncset.done $0x0  }
0x55a: {  	s30 =	rddreg [dreg:$0x10];
	[sflag:s29] =	ssyncadd.s32 $0xFFFFD800  }
0x55b: {  	[tilespmem:s28], [sflag:$0x3] =	stream.linear.gather [spmem:s30], $0x2800, $0x38;
	[tilespmem:$0x1E400] =	vst v63  }
0x55c: {  	_ =	swait.ge [sflag:s29], $0x2800  }
0x55d: {  	[sflag:s29] =	ssyncset.done $0x0  }
0x55e: {  	s19 =	rddreg [dreg:$0x8];
	[sflag:s29] =	ssyncadd.s32 $0xFFFFD800  }
0x55f: {  	[hbm4b:s19+s1] =	stream.linear.scatter [tilespmem:s28], [sflag:$0x3], $0x2800, $0x38;
	[tilespmem:$0x1E400] =	vst v63  }
0x560: {  	_ =	swait.ge [sflag:s29], $0x2800  }
0x561: {  	[sflag:s29] =	ssyncset.done $0x0  }
0x562: {  	s4 =	rddreg [dreg:$0x11];
	[sflag:s29] =	ssyncadd.s32 $0xFFFFD800  }
0x563: {  	[tilespmem:s28], [sflag:$0x3] =	stream.linear.gather [spmem:s4], $0x2800, $0x38;
	[tilespmem:$0x1E400] =	vst v63  }
0x564: {  	_ =	swait.ge [sflag:s29], $0x2800  }
0x565: {  	[sflag:s29] =	ssyncset.done $0x0  }
0x566: {  	s19 =	rddreg [dreg:$0x9];
	[sflag:s29] =	ssyncadd.s32 $0xFFFFD800  }
0x567: {  	[hbm4b:s19+s1] =	stream.linear.scatter [tilespmem:s28], [sflag:$0x3], $0x2800, $0x38;
	[tilespmem:$0x1E400] =	vst v63  }
0x568: {  	_ =	swait.ge [sflag:s29], $0x2800  }
0x569: {  	[sflag:s29] =	ssyncset.done $0x0  }
0x56a: {  	s4 =	rddreg [dreg:$0x12];
	[sflag:s29] =	ssyncadd.s32 $0xFFFFD800  }
0x56b: {  	[tilespmem:s28], [sflag:$0x3] =	stream.linear.gather [spmem:s4], $0x2800, $0x38;
	[tilespmem:$0x1E400] =	vst v63  }
0x56c: {  	_ =	swait.ge [sflag:s29], $0x2800  }
0x56d: {  	[sflag:s29] =	ssyncset.done $0x0  }
0x56e: {  	s19 =	rddreg [dreg:$0xa];
	[sflag:s29] =	ssyncadd.s32 $0xFFFFD800  }
0x56f: {  	[hbm4b:s19+s1] =	stream.linear.scatter [tilespmem:s28], [sflag:$0x3], $0x2800, $0x38;
	[tilespmem:$0x1E400] =	vst v63  }
0x570: {  	_ =	swait.ge [sflag:s29], $0x2800  }
0x571: {  	[sflag:s29] =	ssyncset.done $0x0  }
0x572: {  	s4 =	rddreg [dreg:$0x13];
	[sflag:s29] =	ssyncadd.s32 $0xFFFFD800  }
0x573: {  	[tilespmem:s28], [sflag:$0x3] =	stream.linear.gather [spmem:s4], $0x2800, $0x38;
	[tilespmem:$0x1E400] =	vst v63  }
0x574: {  	_ =	swait.ge [sflag:s29], $0x2800  }
0x575: {  	[sflag:s29] =	ssyncset.done $0x0  }
0x576: {  	s19 =	rddreg [dreg:$0xb];
	[sflag:s29] =	ssyncadd.s32 $0xFFFFD800  }
0x577: {  	[hbm4b:s19+s1] =	stream.linear.scatter [tilespmem:s28], [sflag:$0x3], $0x2800, $0x38;
	[tilespmem:$0x1E400] =	vst v63  }
0x578: {  	_ =	swait.ge [sflag:s29], $0x2800  }
0x579: {  	[sflag:s29] =	ssyncset.done $0x0  }
0x57a: {  	s1 =	simm.s32 @!p0 $0x14280;
	s3 =	rddreg [dreg:$0x16];
	[sflag:s29] =	ssyncadd.s32 $0xFFFFD800  }
0x57b: {  	[tilespmem:s1], [sflag:$0x3] =	stream.linear.gather @!p0 [spmem:s3], $0x2800, $0x38;
	[tilespmem:$0x1E400] =	vst v63  }
0x57c: {  	s3 =	simm.s32 @!p0 $0x3  }
0x57d: {  	_ =	swait.ge @!p0 [sflag:s3], $0x2800  }
0x57e: {  	[sflag:s3] =	ssyncset.done @!p0 $0x0  }
0x57f: {  	s19 =	simm.s32 @!p0 $0x0;
	s4 =	rddreg [dreg:$0x14];
	[sflag:s3] =	ssyncadd.s32 @!p0 $0xFFFFD800  }
0x580: {  	[hbm4b:s4+s19] =	stream.linear.scatter @!p0 [tilespmem:s1], [sflag:$0x3], $0x2800, $0x38;
	[tilespmem:$0x1E400] =	vst v63  }
0x581: {  	_ =	swait.ge @!p0 [sflag:s3], $0x2800  }
0x582: {  	s1 =	rddreg [dreg:$0x17]  }
0x583: {  	s19 =	sadd.s32 $0x1, s1;
	s1 =	rddreg [dreg:$0x15]  }
0x584: {  	p1 =	sne.s32 s19, s1  }
.Ltmp4:
0x585: {  	_ = 	snop;
	(pc) =	sbr.rel @p1 .LBB2_1-.Ltmp4, $3  }
0x586: {  	_ =	sdelay $0x1  }
0x587: {  	[sflag:s3] =	ssyncset.done @!p0 $0x0  }
0x588: {  	s4 =	simm.s32 $0x1E280;
	[sflag:s3] =	ssyncadd.s32 @!p0 $0xFFFFD800  }
0x589: {  	_ =	sfence.sel $0x180000  }
0x58a: {  	[bflag:$0x0] =	sbarrier.arrive $0xFFFF  }
0x58b: {  	_ =	strace $0x90000047  }
0x58c: {  	[bflag:$0x2] =	sbarrier.arrive $0xFFFF  }
0x58d: {  	s0 =	rddreg [dreg:$0x3]  }
0x58e: {  	s0 =	sadd.s32 @!p0 $0x100000, s0  }
0x58f: {  	[sflag:s0] =	ssyncadd.tile.s32 @!p0 $0x1;
	_ =	shalt  }
.Lfunc_end2:
_tile_overlayer_lowered:
.L_overlay_start_2:
0x590: {  	(tag) =	ssettag $0x2  }
0x591: {  	s0 =	rddreg [dreg:$0x0];
	s2 =	stileid.u32  }
0x592: {  	s1 =	rddreg [dreg:$0x1];
	p0 =	sne.s32 s2, $0x0  }
0x593: {  	s3 =	rddreg [dreg:$0x2];
	[bflag:$0x3] =	sbarrier.arrive $0xFFFF;
	s2 =	simm.s32 @!p0 $0x1C03  }
0x594: {  	[timem:s3], [sflag:s2] =	dma.local @!p0 [hbm:s0], s1  }
0x595: {  	s0 =	simm.s32 @!p0 $0x3  }
0x596: {  	_ =	swait.ge @!p0 [sflag:s0], s1  }
0x597: {  	s1 =	ssub.s32 @!p0 $0x0, s1;
	[sflag:s0] =	ssyncset.done @!p0 $0x0  }
0x598: {  	[sflag:s0] =	ssyncadd.s32 @!p0 s1  }
0x599: {  	[bflag:$0x3] =	sbarrier.arrive $0xFFFF  }
0x59a: {  	_ =	shalt  }

</sc_bundles>
